<compile_context>
chip_gen: v7x
topology: tpu7x:2x2x1
jax: 0.10.2.dev20260603
libtpu: 0.0.44.dev20260713+nightly
codegen_flags: <defaults>
</compile_context>

<pallas_src>
import functools

import jax
import jax.numpy as jnp
from jax import lax
from jax.experimental import pallas as pl
from jax.experimental.pallas import tpu as pltpu
from jax.experimental.pallas import tpu_sc as plsc

N = 10000
E = 160000
C = 16
SH = 9
NB = 8
RCUT = 5.0
D144 = C * SH

NC = 2
NS = 16
NW = NC * NS
KCH = 80
EP = 163840
RW = EP // NW
NCH = RW // KCH
EPR = EP // KCH
NPS = N // NS
IR = 4
NSUP = NCH // IR


def _mesh():
    return plsc.VectorSubcoreMesh(core_axis_name="c", subcore_axis_name="s")



def _sc_layer(table, eb, idx_il, zeros_nd, layer):
    D = C if layer == 0 else D144
    ECOL = 0 if layer == 0 else C

    def compute_chunk(g_b, e_b, m_b):
        def edge(e, _):
            if layer == 0:
                arow = e_b[e, pl.ds(0, C)] * g_b[e]
                srow = e_b[e, pl.ds(C, C)]
            else:
                srow = e_b[e, pl.ds(0, C)]
                s1 = g_b[e, pl.ds(0, C)] * srow[0]
                for d in range(1, SH):
                    s1 = s1 + g_b[e, pl.ds(d * C, C)] * srow[d]
                arow = e_b[e, pl.ds(C, C)] * s1
            for d in range(SH):
                m_b[e, pl.ds(d * C, C)] = arow * srow[d]
            return _

        lax.fori_loop(0, KCH, edge, None)

    @functools.partial(
        pl.kernel,
        mesh=_mesh(),
        out_type=jax.ShapeDtypeStruct((NC, N, D144), jnp.float32),
        scratch_types=[
            pltpu.VMEM((2, 2 * IR, KCH), jnp.int32),
            pltpu.VMEM((2, KCH, D), jnp.float32),
            pltpu.VMEM((2, KCH, 2 * C), jnp.float32),
            pltpu.VMEM((KCH, D144), jnp.float32),
            pltpu.VMEM_SHARED((N, D144), jnp.float32),
            pltpu.SemaphoreType.DMA,
            pltpu.SemaphoreType.DMA,
            pltpu.SemaphoreType.DMA,
        ],
        name=f"sc_layer{layer}",
        compiler_params=pltpu.CompilerParams(use_tc_tiling_on_sc=False),
    )
    def k(table_hbm, eb_hbm, idx_hbm, zeros_hbm, out_hbm,
          iring, gbuf, ebuf, mbuf, acc_sh, isem, gsem, lsem):
        c = lax.axis_index("c")
        s = lax.axis_index("s")
        wid = s * NC + c
        base = wid * RW
        irow0 = wid * NCH * 2
        pltpu.sync_copy(zeros_hbm.at[pl.ds(s * NPS, NPS)],
                        acc_sh.at[pl.ds(s * NPS, NPS)])
        plsc.subcore_barrier()

        def start(jj, b, src_row):
            pltpu.async_copy(table_hbm.at[src_row], gbuf.at[b], gsem)
            pltpu.async_copy(
                eb_hbm.at[pl.ds(base + jj * KCH, KCH), pl.ds(ECOL, 2 * C)],
                ebuf.at[b], lsem)

        def wait(b):
            pltpu.make_async_copy(table_hbm.at[pl.ds(0, KCH)], gbuf.at[b],
                                  gsem).wait()
            pltpu.make_async_copy(
                eb_hbm.at[pl.ds(0, KCH), pl.ds(ECOL, 2 * C)], ebuf.at[b],
                lsem).wait()

        pltpu.sync_copy(idx_hbm.at[pl.ds(irow0, 2 * IR)], iring.at[0])
        pltpu.async_copy(idx_hbm.at[pl.ds(irow0 + 2 * IR, 2 * IR)],
                         iring.at[1], isem)
        start(0, 0, iring.at[0, 0])
        start(1, 1, iring.at[0, 2])

        def super_step(u, _):
            slot = u % 2
            nslot = (u + 1) % 2

            @pl.when(u > 0)
            def _():
                pltpu.make_async_copy(idx_hbm.at[pl.ds(0, 2 * IR)],
                                      iring.at[0], isem).wait()

            for kk in range(IR):
                b = kk % 2
                jj = u * IR + kk
                wait(b)
                compute_chunk(gbuf.at[b], ebuf.at[b], mbuf)

                @pl.when(jj + 2 < NCH)
                def _():
                    if kk < IR - 2:
                        src_row = iring.at[slot, 2 * (kk + 2)]
                    else:
                        src_row = iring.at[nslot, 2 * (kk + 2 - IR)]
                    start(jj + 2, b, src_row)

                pltpu.sync_copy(mbuf, acc_sh.at[iring.at[slot, 2 * kk + 1]],
                                add=True)

            @pl.when(u + 2 < NSUP)
            def _():
                pltpu.async_copy(
                    idx_hbm.at[pl.ds(irow0 + (u + 2) * 2 * IR, 2 * IR)],
                    iring.at[slot], isem)
            return _

        lax.fori_loop(0, NSUP, super_step, None)
        plsc.subcore_barrier()
        pltpu.sync_copy(acc_sh.at[pl.ds(s * NPS, NPS)],
                        out_hbm.at[c, pl.ds(s * NPS, NPS)])

    return k(table, eb, idx_il, zeros_nd)



_EBLK = 2048


def _edge_dense_kernel(r2, sh16, w0, w1):
    def body(r_ref, sh_ref, w0_ref, w1_ref, eb_ref):
        rr = jnp.broadcast_to(r_ref[0], (NB, _EBLK))
        n = lax.broadcasted_iota(jnp.int32, (NB, 1), 0).astype(jnp.float32) + 1.0
        safe = jnp.where(rr > 0.0, rr, 1.0)
        rbT = jnp.sqrt(2.0 / RCUT) * jnp.sin(n * (jnp.pi / RCUT) * safe) / safe
        rbT = jnp.where(rr > 0.0, rbT, 0.0)
        rbT16 = rbT.astype(jnp.bfloat16).astype(jnp.float32)
        w016 = w0_ref[...].astype(jnp.bfloat16).astype(jnp.float32)
        w116 = w1_ref[...].astype(jnp.bfloat16).astype(jnp.float32)
        dn = (((0,), (0,)), ((), ()))
        rad0 = lax.dot_general(rbT16, w016, dn,
                               preferred_element_type=jnp.float32,
                               precision=lax.Precision.HIGHEST)
        rad1 = lax.dot_general(rbT16, w116, dn,
                               preferred_element_type=jnp.float32,
                               precision=lax.Precision.HIGHEST)
        eb_ref[...] = jnp.concatenate(
            [rad0, sh_ref[...], rad1, jnp.zeros((_EBLK, 128 - 3 * C),
                                                jnp.float32)], axis=1)

    return pl.pallas_call(
        body,
        grid=(EP // _EBLK,),
        in_specs=[
            pl.BlockSpec((1, 1, _EBLK), lambda i: (i, 0, 0)),
            pl.BlockSpec((_EBLK, C), lambda i: (i, 0)),
            pl.BlockSpec((NB, C), lambda i: (0, 0)),
            pl.BlockSpec((NB, C), lambda i: (0, 0)),
        ],
        out_specs=pl.BlockSpec((_EBLK, 128), lambda i: (i, 0)),
        out_shape=jax.ShapeDtypeStruct((EP, 128), jnp.float32),
    )(r2, sh16, w0, w1)


def _node_embed_kernel(na, W_embed, W_sc0, W_sc1):
    def body(na_ref, we_ref, w0_ref, w1_ref, hs_ref, nsc0_ref, nsc1_ref):
        na = na_ref[...]
        def onehot_mm(w_raw):
            w = w_raw.astype(jnp.bfloat16).astype(jnp.float32)
            acc = na[:, 0:1] * w[0:1, :]
            for z in range(1, na.shape[1]):
                acc = acc + na[:, z:z + 1] * w[z:z + 1, :]
            return acc
        hs_ref[...] = onehot_mm(we_ref[...])
        nsc0_ref[...] = onehot_mm(w0_ref[...])
        nsc1_ref[...] = onehot_mm(w1_ref[...])

    return pl.pallas_call(
        body,
        out_shape=[
            jax.ShapeDtypeStruct((N, C), jnp.float32),
            jax.ShapeDtypeStruct((N, C), jnp.float32),
            jax.ShapeDtypeStruct((N, C), jnp.float32),
        ],
    )(na, W_embed, W_sc0, W_sc1)


def _combine_kernel(agg2, sc_a, sc_b, consts, want_h):
    S, S0, P, R, w0b, w1b, w2b = consts
    NBLK = 1000
    sca_wide = sc_a.shape[1] == D144

    def body(agg_ref, sca_ref, scb_ref, s_ref, s0_ref, p_ref, r_ref, w0_ref,
             w1_ref, w2_ref, *outs):
        agg = agg_ref[0] + agg_ref[1]
        nrmb = jnp.dot(agg * agg, s_ref[...], preferred_element_type=jnp.float32, precision=lax.Precision.HIGHEST)
        a0b = jnp.dot(agg, s0_ref[...], preferred_element_type=jnp.float32, precision=lax.Precision.HIGHEST)
        sca = sca_ref[...][:, 0:C] if sca_wide else sca_ref[...]
        scb = jnp.dot(sca * scb_ref[...], p_ref[...],
                      preferred_element_type=jnp.float32, precision=lax.Precision.HIGHEST)
        h = (w0_ref[...] * agg + w1_ref[...] * agg * a0b
             + w2_ref[...] * agg * nrmb + scb)
        h16 = h.astype(jnp.bfloat16).astype(jnp.float32)
        pr = jnp.sum(jnp.dot(h16, r_ref[...], preferred_element_type=jnp.float32, precision=lax.Precision.HIGHEST),
                     axis=0, keepdims=True)
        pr_ref = outs[-1]
        i = pl.program_id(0)

        @pl.when(i == 0)
        def _():
            pr_ref[...] = jnp.zeros((1, 8), jnp.float32)

        pr_ref[...] += pr
        if want_h:
            outs[0][...] = h

    out_shape = [jax.ShapeDtypeStruct((1, 8), jnp.float32)]
    out_specs = [pl.BlockSpec((1, 8), lambda i: (0, 0))]
    if want_h:
        out_shape = [jax.ShapeDtypeStruct((N, D144), jnp.float32)] + out_shape
        out_specs = [pl.BlockSpec((NBLK, D144), lambda i: (i, 0))] + out_specs
    return pl.pallas_call(
        body,
        grid=(N // NBLK,),
        in_specs=[
            pl.BlockSpec((2, NBLK, D144), lambda i: (0, i, 0)),
            pl.BlockSpec((NBLK, D144 if sca_wide else C), lambda i: (i, 0)),
            pl.BlockSpec((NBLK, C), lambda i: (i, 0)),
            pl.BlockSpec((D144, D144), lambda i: (0, 0)),
            pl.BlockSpec((D144, D144), lambda i: (0, 0)),
            pl.BlockSpec((C, D144), lambda i: (0, 0)),
            pl.BlockSpec((D144, 8), lambda i: (0, 0)),
            pl.BlockSpec((1, D144), lambda i: (0, 0)),
            pl.BlockSpec((1, D144), lambda i: (0, 0)),
            pl.BlockSpec((1, D144), lambda i: (0, 0)),
        ],
        out_specs=out_specs,
        out_shape=out_shape,
    )(agg2, sc_a, sc_b, S, S0, P, R, w0b, w1b, w2b)



def _layer_consts(W_prod_l, W_rs_l, W_rl2_l):
    P = jnp.tile(jnp.eye(C, dtype=jnp.float32), (1, SH))
    S = P.T @ P
    S0 = jnp.concatenate([P, jnp.zeros((D144 - C, D144), jnp.float32)], axis=0)
    P0 = jnp.concatenate([jnp.eye(C, dtype=jnp.float32),
                          jnp.zeros((C, D144 - C), jnp.float32)], axis=1)
    R = jnp.zeros((D144, 8), jnp.float32)
    R = R.at[0:C, 0].set(W_rs_l)
    for j in range(5):
        R = R.at[(4 + j) * C:(5 + j) * C, 1 + j].set(W_rl2_l)
    R = R.astype(jnp.bfloat16).astype(jnp.float32)
    w0b = jnp.tile(W_prod_l[0][None, :], (1, SH))
    w1b = jnp.tile(W_prod_l[1][None, :], (1, SH))
    w2b = jnp.tile(W_prod_l[2][None, :], (1, SH))
    return S, S0, P0, R, w0b, w1b, w2b


def _forward(r, sh, na, src, dst, W_embed, W_rad, W_sc, W_prod, W_rs, W_rl2):
    pad = EP - E
    r2 = jnp.pad(r, (0, pad)).reshape(EP // _EBLK, 1, _EBLK)
    sh16 = jnp.pad(sh, ((0, pad), (0, C - SH)))
    src2d = jnp.pad(src, (0, pad)).reshape(EPR, KCH)
    dst2d = jnp.pad(dst, (0, pad)).reshape(EPR, KCH)
    idx_il = jnp.stack([src2d, dst2d], axis=1).reshape(2 * EPR, KCH)
    zeros_nd = jnp.zeros((N, D144), jnp.float32)

    eb = _edge_dense_kernel(r2, sh16, W_rad[0], W_rad[1])
    h_scalar, nsc0, nsc1 = _node_embed_kernel(na, W_embed, W_sc[0], W_sc[1])

    agg0_2 = _sc_layer(h_scalar, eb, idx_il, zeros_nd, 0)
    c0 = _layer_consts(W_prod[0], W_rs[0], W_rl2[0])
    h0, pr0 = _combine_kernel(agg0_2, h_scalar, nsc0, c0, True)

    agg1_2 = _sc_layer(h0, eb, idx_il, zeros_nd, 1)
    c1 = _layer_consts(W_prod[1], W_rs[1], W_rl2[1])
    (pr1,) = _combine_kernel(agg1_2, h0, nsc1, c1, False)

    return (pr0 + pr1)[0, :6]


def kernel(x, x_v, node_attr, edge_index, W_embed, W_rad, W_sc, W_prod, W_rs, W_rl2):
    outs = []
    for b in range(x.shape[0]):
        outs.append(_forward(x[b], x_v[b], node_attr[b],
                             edge_index[b, 0], edge_index[b, 1],
                             W_embed, W_rad, W_sc, W_prod, W_rs, W_rl2))
    return jnp.stack(outs, axis=0)

# --- scband reference (transcript-rebuilt; emitter-appended) ---
"""Pipeline reference for scband-symmetric-matrix-regressor-6992206758466 (READ-ONLY COPY).

The authoritative reference and input builder live on the scoring server;
editing this copy changes nothing except your own understanding.
"""

import jax, jax.numpy as jnp
import numpy as np

B = 1
N = 10000
E = 160000
Z = 4
C = 16
SH = 9
NB = 8
RCUT = 5.0

def bessel_basis(r):
    n = jnp.arange(1, NB + 1, dtype=jnp.float32)
    return jnp.sqrt(2.0 / RCUT) * jnp.sin(n[None, :] * jnp.pi * r[:, None] / RCUT) / r[:, None]

def setup_inputs(seed: int = 0):
    key = jax.random.key(seed)
    ks = jax.random.split(key, 10)
    x = 0.5 + 4.5 * jax.random.uniform(ks[0], (B, E), dtype=jnp.float32)
    x_v = jax.random.normal(ks[1], (B, E, SH), dtype=jnp.float32)
    z = jax.random.randint(ks[2], (B, N), 0, Z)
    node_attr = jax.nn.one_hot(z, Z, dtype=jnp.float32)
    edge_index = jax.random.randint(ks[3], (B, 2, E), 0, N)
    W_embed = 0.1 * jax.random.normal(ks[4], (Z, C), dtype=jnp.float32)
    W_rad = 0.1 * jax.random.normal(ks[5], (2, NB, C), dtype=jnp.float32)
    W_sc = 0.1 * jax.random.normal(ks[6], (2, Z, C), dtype=jnp.float32)
    W_prod = 0.1 * jax.random.normal(ks[7], (2, 3, C), dtype=jnp.float32)
    W_rs = 0.1 * jax.random.normal(ks[8], (2, C), dtype=jnp.float32)
    W_rl2 = 0.1 * jax.random.normal(ks[9], (2, C), dtype=jnp.float32)
    return {'x': x, 'x_v': x_v, 'node_attr': node_attr, 'edge_index': edge_index,
            'W_embed': W_embed, 'W_rad': W_rad, 'W_sc': W_sc, 'W_prod': W_prod,
            'W_rs': W_rs, 'W_rl2': W_rl2}

def _graph_forward(lengths, sh, na, src, dst, W_embed, W_rad, W_sc, W_prod, W_rs, W_rl2):
    n_nodes = na.shape[0]
    h_scalar = na @ W_embed
    rb = bessel_basis(lengths)
    total = jnp.zeros((6,), dtype=jnp.float32)
    # ---- interaction layer 0 (RadialAngularEmbedding + Product3body + ReadoutL2) ----
    radial = rb @ W_rad[0]
    s = h_scalar[src]
    msg = (radial * s)[:, :, None] * sh[:, None, :]
    agg = jax.ops.segment_sum(msg, dst, num_segments=n_nodes)
    sc = jnp.zeros_like(agg).at[:, :, 0].set(h_scalar * (na @ W_sc[0]))
    nrm = jnp.sum(agg * agg, axis=-1, keepdims=True)
    h = (W_prod[0, 0][None, :, None] * agg
         + W_prod[0, 1][None, :, None] * agg * agg[:, :, 0:1]
         + W_prod[0, 2][None, :, None] * agg * nrm
         + sc)
    r_scalar = (h[:, :, 0] @ W_rs[0]).sum()
    r_l2 = jnp.einsum('ncd,c->nd', h[:, :, 4:9], W_rl2[0]).sum(axis=0)
    total = total + jnp.concatenate([r_scalar[None], r_l2])
    # ---- interaction layer 1 ----
    radial = rb @ W_rad[1]
    s = jnp.einsum('ecd,ed->ec', h[src], sh)
    msg = (radial * s)[:, :, None] * sh[:, None, :]
    agg = jax.ops.segment_sum(msg, dst, num_segments=n_nodes)
    sc = jnp.zeros_like(agg).at[:, :, 0].set(h[:, :, 0] * (na @ W_sc[1]))
    nrm = jnp.sum(agg * agg, axis=-1, keepdims=True)
    h = (W_prod[1, 0][None, :, None] * agg
         + W_prod[1, 1][None, :, None] * agg * agg[:, :, 0:1]
         + W_prod[1, 2][None, :, None] * agg * nrm
         + sc)
    r_scalar = (h[:, :, 0] @ W_rs[1]).sum()
    r_l2 = jnp.einsum('ncd,c->nd', h[:, :, 4:9], W_rl2[1]).sum(axis=0)
    total = total + jnp.concatenate([r_scalar[None], r_l2])
    return total

def reference(x, x_v, node_attr, edge_index, W_embed, W_rad, W_sc, W_prod, W_rs, W_rl2):
    outs = []
    for b in range(x.shape[0]):
        outs.append(_graph_forward(x[b], x_v[b], node_attr[b], edge_index[b, 0], edge_index[b, 1],
                                   W_embed, W_rad, W_sc, W_prod, W_rs, W_rl2))
    return jnp.stack(outs, axis=0)

if __name__ == "__main__":
    import jax
    _d = setup_inputs()
    print(jax.jit(kernel)(*tuple(_d.values())))

</pallas_src>

<mosaic_0001>
#map = affine_map<(d0, d1) -> (0, 0)>
#map1 = affine_map<(d0, d1) -> (0, 0, 0)>
module attributes {stable_mosaic.version = 14 : i64} {
  func.func @sc_layer1(%arg0: i32, %arg1: i32, %arg2: memref<10000x144xf32, #tpu.memory_space<hbm>>, %arg3: memref<163840x128xf32, #tpu.memory_space<hbm>>, %arg4: memref<4096x80xi32, #tpu.memory_space<hbm>>, %arg5: memref<10000x144xf32, #tpu.memory_space<hbm>>, %arg6: memref<2x10000x144xf32, #tpu.memory_space<hbm>>, %arg7: memref<2x8x80xi32, #tpu.memory_space<vmem>>, %arg8: memref<2x80x144xf32, #tpu.memory_space<vmem>>, %arg9: memref<2x80x32xf32, #tpu.memory_space<vmem>>, %arg10: memref<80x144xf32, #tpu.memory_space<vmem>>, %arg11: memref<10000x144xf32, #tpu.memory_space<vmem_shared>>, %arg12: memref<!tpu.dma_semaphore, #tpu.memory_space<semaphore_mem>>, %arg13: memref<!tpu.dma_semaphore, #tpu.memory_space<semaphore_mem>>, %arg14: memref<!tpu.dma_semaphore, #tpu.memory_space<semaphore_mem>>) attributes {dimension_semantics = [#tpu.dimension_semantics<core_parallel>, #tpu.dimension_semantics<subcore_parallel>], iteration_bounds = array<i64: 2, 16>, scalar_prefetch = 0 : i64, scratch_operands = 8 : i64, tpu.core_type = #tpu.core_type<sc_vector_subcore>, window_params = [{transform_indices = #map}, {transform_indices = #map}, {transform_indices = #map}, {transform_indices = #map}, {transform_indices = #map1}]} {
    %mul3A = arith.constant 2 : i32
    %mul3A_0 = arith.muli %arg1, %mul3A : i32
    %add3A = arith.addi %mul3A_0, %arg0 : i32
    %mul3A_1 = arith.constant 5120 : i32
    %mul3A_2 = arith.muli %add3A, %mul3A_1 : i32
    %mul3A_3 = arith.constant 64 : i32
    %mul3A_4 = arith.muli %add3A, %mul3A_3 : i32
    %mul3A_5 = arith.constant 2 : i32
    %mul3A_6 = arith.muli %mul3A_4, %mul3A_5 : i32
    %mul3A_7 = arith.constant 625 : i32
    %mul3A_8 = arith.muli %arg1, %mul3A_7 : i32
    %mul3A_9 = arith.constant 625 : i32
    %mul3A_10 = arith.muli %arg1, %mul3A_9 : i32
    "tpu.region"() ({
      %run_scoped3A_90 = tpu.sem_alloc : memref<!tpu.dma_semaphore, #tpu.memory_space<semaphore_mem>>
      %dma_start3A_91 = arith.constant 0 : i32
      %dma_start3A_92 = tpu.memref_slice %arg11[%mul3A_10, %dma_start3A_91] : memref<10000x144xf32, #tpu.memory_space<vmem_shared>> -> memref<625x144xf32, #tpu.memory_space<vmem_shared>>
      %dma_start3A_93 = arith.constant 0 : i32
      %dma_start3A_94 = tpu.memref_slice %arg5[%mul3A_8, %dma_start3A_93] : memref<10000x144xf32, #tpu.memory_space<hbm>> -> memref<625x144xf32, #tpu.memory_space<hbm>>
      tpu.enqueue_dma source(%dma_start3A_94 : memref<625x144xf32, #tpu.memory_space<hbm>>) target(%dma_start3A_92 : memref<625x144xf32, #tpu.memory_space<vmem_shared>>) target_semaphore(%run_scoped3A_90 : memref<!tpu.dma_semaphore, #tpu.memory_space<semaphore_mem>>)
      %dma_wait3A = arith.constant 0 : i32
      %dma_wait3A_95 = tpu.memref_slice %arg11[%mul3A_10, %dma_wait3A] : memref<10000x144xf32, #tpu.memory_space<vmem_shared>> -> memref<625x144xf32, #tpu.memory_space<vmem_shared>>
      %dma_wait3A_96 = arith.constant 0 : i32
      %dma_wait3A_97 = tpu.memref_slice %arg5[%mul3A_8, %dma_wait3A_96] : memref<10000x144xf32, #tpu.memory_space<hbm>> -> memref<625x144xf32, #tpu.memory_space<hbm>>
      tpu.wait_dma2 semaphore(%run_scoped3A_90 : memref<!tpu.dma_semaphore, #tpu.memory_space<semaphore_mem>>) src(%dma_wait3A_97 : memref<625x144xf32, #tpu.memory_space<hbm>>) dst(%dma_wait3A_95 : memref<625x144xf32, #tpu.memory_space<vmem_shared>>)
      tpu.yield
    }) : () -> ()
    %barrier3A = arith.constant 0 : index
    tpu.barrier barrier_id(%barrier3A)
    %run_scoped3A = arith.constant 0 : i32
    "tpu.region"() ({
      %run_scoped3A_90 = tpu.sem_alloc : memref<!tpu.dma_semaphore, #tpu.memory_space<semaphore_mem>>
      %dma_start3A_91 = arith.constant 0 : i32
      %dma_start3A_92 = arith.constant 0 : i32
      %dma_start3A_93 = tpu.memref_slice %arg7[%run_scoped3A, %dma_start3A_91, %dma_start3A_92] : memref<2x8x80xi32, #tpu.memory_space<vmem>> -> memref<1x8x80xi32, #tpu.memory_space<vmem>>
      %dma_start3A_94 = tpu.memref_squeeze %dma_start3A_93 : memref<1x8x80xi32, #tpu.memory_space<vmem>> -> memref<8x80xi32, #tpu.memory_space<vmem>>
      %dma_start3A_95 = arith.constant 0 : i32
      %dma_start3A_96 = tpu.memref_slice %arg4[%mul3A_6, %dma_start3A_95] : memref<4096x80xi32, #tpu.memory_space<hbm>> -> memref<8x80xi32, #tpu.memory_space<hbm>>
      %dma_start3A_97 = arith.constant 0 : i32
      %dma_start3A_98 = arith.constant 0 : i32
      %dma_start3A_99 = tpu.memref_slice %arg7[%run_scoped3A, %dma_start3A_97, %dma_start3A_98] : memref<2x8x80xi32, #tpu.memory_space<vmem>> -> memref<1x8x80xi32, #tpu.memory_space<vmem>>
      %dma_start3A_100 = tpu.memref_squeeze %dma_start3A_99 : memref<1x8x80xi32, #tpu.memory_space<vmem>> -> memref<8x80xi32, #tpu.memory_space<vmem>>
      %dma_start3A_101 = arith.constant 0 : i32
      %dma_start3A_102 = tpu.memref_slice %arg4[%mul3A_6, %dma_start3A_101] : memref<4096x80xi32, #tpu.memory_space<hbm>> -> memref<8x80xi32, #tpu.memory_space<hbm>>
      tpu.enqueue_dma source(%dma_start3A_102 : memref<8x80xi32, #tpu.memory_space<hbm>>) target(%dma_start3A_100 : memref<8x80xi32, #tpu.memory_space<vmem>>) target_semaphore(%run_scoped3A_90 : memref<!tpu.dma_semaphore, #tpu.memory_space<semaphore_mem>>)
      %dma_wait3A = arith.constant 0 : i32
      %dma_wait3A_103 = arith.constant 0 : i32
      %dma_wait3A_104 = tpu.memref_slice %arg7[%run_scoped3A, %dma_wait3A, %dma_wait3A_103] : memref<2x8x80xi32, #tpu.memory_space<vmem>> -> memref<1x8x80xi32, #tpu.memory_space<vmem>>
      %dma_wait3A_105 = tpu.memref_squeeze %dma_wait3A_104 : memref<1x8x80xi32, #tpu.memory_space<vmem>> -> memref<8x80xi32, #tpu.memory_space<vmem>>
      %dma_wait3A_106 = arith.constant 0 : i32
      %dma_wait3A_107 = tpu.memref_slice %arg4[%mul3A_6, %dma_wait3A_106] : memref<4096x80xi32, #tpu.memory_space<hbm>> -> memref<8x80xi32, #tpu.memory_space<hbm>>
      %dma_wait3A_108 = arith.constant 0 : i32
      %dma_wait3A_109 = arith.constant 0 : i32
      %dma_wait3A_110 = tpu.memref_slice %arg7[%run_scoped3A, %dma_wait3A_108, %dma_wait3A_109] : memref<2x8x80xi32, #tpu.memory_space<vmem>> -> memref<1x8x80xi32, #tpu.memory_space<vmem>>
      %dma_wait3A_111 = tpu.memref_squeeze %dma_wait3A_110 : memref<1x8x80xi32, #tpu.memory_space<vmem>> -> memref<8x80xi32, #tpu.memory_space<vmem>>
      %dma_wait3A_112 = arith.constant 0 : i32
      %dma_wait3A_113 = tpu.memref_slice %arg4[%mul3A_6, %dma_wait3A_112] : memref<4096x80xi32, #tpu.memory_space<hbm>> -> memref<8x80xi32, #tpu.memory_space<hbm>>
      tpu.wait_dma2 semaphore(%run_scoped3A_90 : memref<!tpu.dma_semaphore, #tpu.memory_space<semaphore_mem>>) src(%dma_wait3A_113 : memref<8x80xi32, #tpu.memory_space<hbm>>) dst(%dma_wait3A_111 : memref<8x80xi32, #tpu.memory_space<vmem>>)
      tpu.yield
    }) : () -> ()
    %add3A_11 = arith.constant 8 : i32
    %add3A_12 = arith.addi %mul3A_6, %add3A_11 : i32
    %dma_start3A = arith.constant 1 : i32
    %dma_start3A_13 = arith.constant 0 : i32
    %dma_start3A_14 = arith.constant 0 : i32
    %dma_start3A_15 = tpu.memref_slice %arg7[%dma_start3A, %dma_start3A_13, %dma_start3A_14] : memref<2x8x80xi32, #tpu.memory_space<vmem>> -> memref<1x8x80xi32, #tpu.memory_space<vmem>>
    %dma_start3A_16 = tpu.memref_squeeze %dma_start3A_15 : memref<1x8x80xi32, #tpu.memory_space<vmem>> -> memref<8x80xi32, #tpu.memory_space<vmem>>
    %dma_start3A_17 = arith.constant 0 : i32
    %dma_start3A_18 = tpu.memref_slice %arg4[%add3A_12, %dma_start3A_17] : memref<4096x80xi32, #tpu.memory_space<hbm>> -> memref<8x80xi32, #tpu.memory_space<hbm>>
    %dma_start3A_19 = arith.constant 0 : i32
    %dma_start3A_20 = arith.constant 0 : i32
    %dma_start3A_21 = tpu.memref_slice %arg7[%dma_start3A, %dma_start3A_19, %dma_start3A_20] : memref<2x8x80xi32, #tpu.memory_space<vmem>> -> memref<1x8x80xi32, #tpu.memory_space<vmem>>
    %dma_start3A_22 = tpu.memref_squeeze %dma_start3A_21 : memref<1x8x80xi32, #tpu.memory_space<vmem>> -> memref<8x80xi32, #tpu.memory_space<vmem>>
    %dma_start3A_23 = arith.constant 0 : i32
    %dma_start3A_24 = tpu.memref_slice %arg4[%add3A_12, %dma_start3A_23] : memref<4096x80xi32, #tpu.memory_space<hbm>> -> memref<8x80xi32, #tpu.memory_space<hbm>>
    tpu.enqueue_dma source(%dma_start3A_24 : memref<8x80xi32, #tpu.memory_space<hbm>>) target(%dma_start3A_22 : memref<8x80xi32, #tpu.memory_space<vmem>>) target_semaphore(%arg12 : memref<!tpu.dma_semaphore, #tpu.memory_space<semaphore_mem>>)
    %dma_start3A_25 = arith.constant 0 : i32
    %dma_start3A_26 = arith.constant 0 : i32
    %dma_start3A_27 = arith.constant 0 : i32
    %dma_start3A_28 = arith.constant 0 : i32
    %dma_start3A_29 = arith.constant 0 : i32
    %dma_start3A_30 = tpu.memref_slice %arg8[%dma_start3A_27, %dma_start3A_28, %dma_start3A_29] : memref<2x80x144xf32, #tpu.memory_space<vmem>> -> memref<1x80x144xf32, #tpu.memory_space<vmem>>
    %dma_start3A_31 = tpu.memref_squeeze %dma_start3A_30 : memref<1x80x144xf32, #tpu.memory_space<vmem>> -> memref<80x144xf32, #tpu.memory_space<vmem>>
    %dma_start3A_32 = arith.constant 0 : i32
    %dma_start3A_33 = tpu.memref_slice %arg7[%dma_start3A_25, %dma_start3A_26, %dma_start3A_32] : memref<2x8x80xi32, #tpu.memory_space<vmem>> -> memref<1x1x80xi32, #tpu.memory_space<vmem>>
    %dma_start3A_34 = tpu.memref_squeeze %dma_start3A_33 : memref<1x1x80xi32, #tpu.memory_space<vmem>> -> memref<80xi32, #tpu.memory_space<vmem>>
    %dma_start3A_35 = arith.constant 0 : i32
    %dma_start3A_36 = arith.constant 0 : i32
    %dma_start3A_37 = tpu.memref_slice %arg2[%dma_start3A_35, %dma_start3A_36] : memref<10000x144xf32, #tpu.memory_space<hbm>> -> memref<10000x144xf32, #tpu.memory_space<hbm>>
    tpu.enqueue_indirect_dma source(%dma_start3A_37 : memref<10000x144xf32, #tpu.memory_space<hbm>>) target(%dma_start3A_31 : memref<80x144xf32, #tpu.memory_space<vmem>>) offsets(%dma_start3A_34 : memref<80xi32, #tpu.memory_space<vmem>>) semaphore(%arg13 : memref<!tpu.dma_semaphore, #tpu.memory_space<semaphore_mem>>)
    %add3A_38 = arith.constant 0 : i32
    %add3A_39 = arith.addi %mul3A_2, %add3A_38 : i32
    %dma_start3A_40 = arith.constant 0 : i32
    %dma_start3A_41 = arith.constant 0 : i32
    %dma_start3A_42 = arith.constant 0 : i32
    %dma_start3A_43 = tpu.memref_slice %arg9[%dma_start3A_40, %dma_start3A_41, %dma_start3A_42] : memref<2x80x32xf32, #tpu.memory_space<vmem>> -> memref<1x80x32xf32, #tpu.memory_space<vmem>>
    %dma_start3A_44 = tpu.memref_squeeze %dma_start3A_43 : memref<1x80x32xf32, #tpu.memory_space<vmem>> -> memref<80x32xf32, #tpu.memory_space<vmem>>
    %dma_start3A_45 = arith.constant 16 : i32
    %dma_start3A_46 = tpu.memref_slice %arg3[%add3A_39, %dma_start3A_45] : memref<163840x128xf32, #tpu.memory_space<hbm>> -> memref<80x32xf32, #tpu.memory_space<hbm>>
    %dma_start3A_47 = arith.constant 0 : i32
    %dma_start3A_48 = arith.constant 0 : i32
    %dma_start3A_49 = tpu.memref_slice %arg9[%dma_start3A_40, %dma_start3A_47, %dma_start3A_48] : memref<2x80x32xf32, #tpu.memory_space<vmem>> -> memref<1x80x32xf32, #tpu.memory_space<vmem>>
    %dma_start3A_50 = tpu.memref_squeeze %dma_start3A_49 : memref<1x80x32xf32, #tpu.memory_space<vmem>> -> memref<80x32xf32, #tpu.memory_space<vmem>>
    %dma_start3A_51 = arith.constant 16 : i32
    %dma_start3A_52 = tpu.memref_slice %arg3[%add3A_39, %dma_start3A_51] : memref<163840x128xf32, #tpu.memory_space<hbm>> -> memref<80x32xf32, #tpu.memory_space<hbm>>
    tpu.enqueue_dma source(%dma_start3A_52 : memref<80x32xf32, #tpu.memory_space<hbm>>) target(%dma_start3A_50 : memref<80x32xf32, #tpu.memory_space<vmem>>) target_semaphore(%arg14 : memref<!tpu.dma_semaphore, #tpu.memory_space<semaphore_mem>>)
    %dma_start3A_53 = arith.constant 0 : i32
    %dma_start3A_54 = arith.constant 2 : i32
    %dma_start3A_55 = arith.constant 1 : i32
    %dma_start3A_56 = arith.constant 0 : i32
    %dma_start3A_57 = arith.constant 0 : i32
    %dma_start3A_58 = tpu.memref_slice %arg8[%dma_start3A_55, %dma_start3A_56, %dma_start3A_57] : memref<2x80x144xf32, #tpu.memory_space<vmem>> -> memref<1x80x144xf32, #tpu.memory_space<vmem>>
    %dma_start3A_59 = tpu.memref_squeeze %dma_start3A_58 : memref<1x80x144xf32, #tpu.memory_space<vmem>> -> memref<80x144xf32, #tpu.memory_space<vmem>>
    %dma_start3A_60 = arith.constant 0 : i32
    %dma_start3A_61 = tpu.memref_slice %arg7[%dma_start3A_53, %dma_start3A_54, %dma_start3A_60] : memref<2x8x80xi32, #tpu.memory_space<vmem>> -> memref<1x1x80xi32, #tpu.memory_space<vmem>>
    %dma_start3A_62 = tpu.memref_squeeze %dma_start3A_61 : memref<1x1x80xi32, #tpu.memory_space<vmem>> -> memref<80xi32, #tpu.memory_space<vmem>>
    %dma_start3A_63 = arith.constant 0 : i32
    %dma_start3A_64 = arith.constant 0 : i32
    %dma_start3A_65 = tpu.memref_slice %arg2[%dma_start3A_63, %dma_start3A_64] : memref<10000x144xf32, #tpu.memory_space<hbm>> -> memref<10000x144xf32, #tpu.memory_space<hbm>>
    tpu.enqueue_indirect_dma source(%dma_start3A_65 : memref<10000x144xf32, #tpu.memory_space<hbm>>) target(%dma_start3A_59 : memref<80x144xf32, #tpu.memory_space<vmem>>) offsets(%dma_start3A_62 : memref<80xi32, #tpu.memory_space<vmem>>) semaphore(%arg13 : memref<!tpu.dma_semaphore, #tpu.memory_space<semaphore_mem>>)
    %add3A_66 = arith.constant 80 : i32
    %add3A_67 = arith.addi %mul3A_2, %add3A_66 : i32
    %dma_start3A_68 = arith.constant 1 : i32
    %dma_start3A_69 = arith.constant 0 : i32
    %dma_start3A_70 = arith.constant 0 : i32
    %dma_start3A_71 = tpu.memref_slice %arg9[%dma_start3A_68, %dma_start3A_69, %dma_start3A_70] : memref<2x80x32xf32, #tpu.memory_space<vmem>> -> memref<1x80x32xf32, #tpu.memory_space<vmem>>
    %dma_start3A_72 = tpu.memref_squeeze %dma_start3A_71 : memref<1x80x32xf32, #tpu.memory_space<vmem>> -> memref<80x32xf32, #tpu.memory_space<vmem>>
    %dma_start3A_73 = arith.constant 16 : i32
    %dma_start3A_74 = tpu.memref_slice %arg3[%add3A_67, %dma_start3A_73] : memref<163840x128xf32, #tpu.memory_space<hbm>> -> memref<80x32xf32, #tpu.memory_space<hbm>>
    %dma_start3A_75 = arith.constant 0 : i32
    %dma_start3A_76 = arith.constant 0 : i32
    %dma_start3A_77 = tpu.memref_slice %arg9[%dma_start3A_68, %dma_start3A_75, %dma_start3A_76] : memref<2x80x32xf32, #tpu.memory_space<vmem>> -> memref<1x80x32xf32, #tpu.memory_space<vmem>>
    %dma_start3A_78 = tpu.memref_squeeze %dma_start3A_77 : memref<1x80x32xf32, #tpu.memory_space<vmem>> -> memref<80x32xf32, #tpu.memory_space<vmem>>
    %dma_start3A_79 = arith.constant 16 : i32
    %dma_start3A_80 = tpu.memref_slice %arg3[%add3A_67, %dma_start3A_79] : memref<163840x128xf32, #tpu.memory_space<hbm>> -> memref<80x32xf32, #tpu.memory_space<hbm>>
    tpu.enqueue_dma source(%dma_start3A_80 : memref<80x32xf32, #tpu.memory_space<hbm>>) target(%dma_start3A_78 : memref<80x32xf32, #tpu.memory_space<vmem>>) target_semaphore(%arg14 : memref<!tpu.dma_semaphore, #tpu.memory_space<semaphore_mem>>)
    %scan3A = arith.constant 0 : i32
    %scan3A_81 = arith.constant 16 : i32
    %scan3A_82 = arith.addi %scan3A, %scan3A_81 : i32
    %scan3A_83 = arith.constant 1 : i32
    scf.for %scan3A_90 = %scan3A to %scan3A_82 step %scan3A_83  : i32 {
      %jit3A = arith.constant 2 : i32
      %eq3A = arith.constant 0 : i32
      %eq3A_91 = arith.cmpi eq, %jit3A, %eq3A : i32
      %jit3A_92 = arith.constant 1 : i32
      %select_n3A = arith.select %eq3A_91, %jit3A_92, %jit3A : i32
      %rem3A = arith.remsi %scan3A_90, %select_n3A : i32
      %ne3A = arith.constant 0 : i32
      %ne3A_93 = arith.cmpi ne, %rem3A, %ne3A : i32
      %lt3A = arith.constant 0 : i32
      %lt3A_94 = arith.cmpi slt, %rem3A, %lt3A : i32
      %lt3A_95 = arith.constant 0 : i32
      %lt3A_96 = arith.cmpi slt, %select_n3A, %lt3A_95 : i32
      %ne3A_97 = arith.xori %lt3A_94, %lt3A_96 : i1
      %and3A = arith.andi %ne3A_97, %ne3A_93 : i1
      %add3A_98 = arith.addi %rem3A, %select_n3A : i32
      %select_n3A_99 = arith.select %and3A, %add3A_98, %rem3A : i32
      %add3A_100 = arith.constant 1 : i32
      %add3A_101 = arith.addi %scan3A_90, %add3A_100 : i32
      %jit3A_102 = arith.constant 2 : i32
      %eq3A_103 = arith.constant 0 : i32
      %eq3A_104 = arith.cmpi eq, %jit3A_102, %eq3A_103 : i32
      %jit3A_105 = arith.constant 1 : i32
      %select_n3A_106 = arith.select %eq3A_104, %jit3A_105, %jit3A_102 : i32
      %rem3A_107 = arith.remsi %add3A_101, %select_n3A_106 : i32
      %ne3A_108 = arith.constant 0 : i32
      %ne3A_109 = arith.cmpi ne, %rem3A_107, %ne3A_108 : i32
      %lt3A_110 = arith.constant 0 : i32
      %lt3A_111 = arith.cmpi slt, %rem3A_107, %lt3A_110 : i32
      %lt3A_112 = arith.constant 0 : i32
      %lt3A_113 = arith.cmpi slt, %select_n3A_106, %lt3A_112 : i32
      %ne3A_114 = arith.xori %lt3A_111, %lt3A_113 : i1
      %and3A_115 = arith.andi %ne3A_114, %ne3A_109 : i1
      %add3A_116 = arith.addi %rem3A_107, %select_n3A_106 : i32
      %select_n3A_117 = arith.select %and3A_115, %add3A_116, %rem3A_107 : i32
      %gt3A = arith.constant 0 : i32
      %gt3A_118 = arith.cmpi sgt, %scan3A_90, %gt3A : i32
      %convert_element_type3A = arith.extui %gt3A_118 : i1 to i32
      %cond3A = arith.constant 0 : i32
      %cond3A_119 = arith.cmpi ne, %convert_element_type3A, %cond3A : i32
      scf.if %cond3A_119 {
        %dma_wait3A_322 = arith.constant 0 : i32
        %dma_wait3A_323 = arith.constant 0 : i32
        %dma_wait3A_324 = arith.constant 0 : i32
        %dma_wait3A_325 = tpu.memref_slice %arg7[%dma_wait3A_322, %dma_wait3A_323, %dma_wait3A_324] : memref<2x8x80xi32, #tpu.memory_space<vmem>> -> memref<1x8x80xi32, #tpu.memory_space<vmem>>
        %dma_wait3A_326 = tpu.memref_squeeze %dma_wait3A_325 : memref<1x8x80xi32, #tpu.memory_space<vmem>> -> memref<8x80xi32, #tpu.memory_space<vmem>>
        %dma_wait3A_327 = arith.constant 0 : i32
        %dma_wait3A_328 = arith.constant 0 : i32
        %dma_wait3A_329 = tpu.memref_slice %arg4[%dma_wait3A_327, %dma_wait3A_328] : memref<4096x80xi32, #tpu.memory_space<hbm>> -> memref<8x80xi32, #tpu.memory_space<hbm>>
        %dma_wait3A_330 = arith.constant 0 : i32
        %dma_wait3A_331 = arith.constant 0 : i32
        %dma_wait3A_332 = tpu.memref_slice %arg7[%dma_wait3A_322, %dma_wait3A_330, %dma_wait3A_331] : memref<2x8x80xi32, #tpu.memory_space<vmem>> -> memref<1x8x80xi32, #tpu.memory_space<vmem>>
        %dma_wait3A_333 = tpu.memref_squeeze %dma_wait3A_332 : memref<1x8x80xi32, #tpu.memory_space<vmem>> -> memref<8x80xi32, #tpu.memory_space<vmem>>
        %dma_wait3A_334 = arith.constant 0 : i32
        %dma_wait3A_335 = arith.constant 0 : i32
        %dma_wait3A_336 = tpu.memref_slice %arg4[%dma_wait3A_334, %dma_wait3A_335] : memref<4096x80xi32, #tpu.memory_space<hbm>> -> memref<8x80xi32, #tpu.memory_space<hbm>>
        tpu.wait_dma2 semaphore(%arg12 : memref<!tpu.dma_semaphore, #tpu.memory_space<semaphore_mem>>) src(%dma_wait3A_336 : memref<8x80xi32, #tpu.memory_space<hbm>>) dst(%dma_wait3A_333 : memref<8x80xi32, #tpu.memory_space<vmem>>)
      } else {
      }
      %mul3A_120 = arith.constant 4 : i32
      %mul3A_121 = arith.muli %scan3A_90, %mul3A_120 : i32
      %add3A_122 = arith.constant 0 : i32
      %add3A_123 = arith.addi %mul3A_121, %add3A_122 : i32
      %dma_wait3A = arith.constant 0 : i32
      %dma_wait3A_124 = arith.constant 0 : i32
      %dma_wait3A_125 = arith.constant 0 : i32
      %dma_wait3A_126 = tpu.memref_slice %arg8[%dma_wait3A, %dma_wait3A_124, %dma_wait3A_125] : memref<2x80x144xf32, #tpu.memory_space<vmem>> -> memref<1x80x144xf32, #tpu.memory_space<vmem>>
      %dma_wait3A_127 = tpu.memref_squeeze %dma_wait3A_126 : memref<1x80x144xf32, #tpu.memory_space<vmem>> -> memref<80x144xf32, #tpu.memory_space<vmem>>
      %dma_wait3A_128 = arith.constant 0 : i32
      %dma_wait3A_129 = arith.constant 0 : i32
      %dma_wait3A_130 = tpu.memref_slice %arg2[%dma_wait3A_128, %dma_wait3A_129] : memref<10000x144xf32, #tpu.memory_space<hbm>> -> memref<80x144xf32, #tpu.memory_space<hbm>>
      %dma_wait3A_131 = arith.constant 0 : i32
      %dma_wait3A_132 = arith.constant 0 : i32
      %dma_wait3A_133 = tpu.memref_slice %arg8[%dma_wait3A, %dma_wait3A_131, %dma_wait3A_132] : memref<2x80x144xf32, #tpu.memory_space<vmem>> -> memref<1x80x144xf32, #tpu.memory_space<vmem>>
      %dma_wait3A_134 = tpu.memref_squeeze %dma_wait3A_133 : memref<1x80x144xf32, #tpu.memory_space<vmem>> -> memref<80x144xf32, #tpu.memory_space<vmem>>
      %dma_wait3A_135 = arith.constant 0 : i32
      %dma_wait3A_136 = arith.constant 0 : i32
      %dma_wait3A_137 = tpu.memref_slice %arg2[%dma_wait3A_135, %dma_wait3A_136] : memref<10000x144xf32, #tpu.memory_space<hbm>> -> memref<80x144xf32, #tpu.memory_space<hbm>>
      tpu.wait_dma2 semaphore(%arg13 : memref<!tpu.dma_semaphore, #tpu.memory_space<semaphore_mem>>) src(%dma_wait3A_137 : memref<80x144xf32, #tpu.memory_space<hbm>>) dst(%dma_wait3A_134 : memref<80x144xf32, #tpu.memory_space<vmem>>)
      %dma_wait3A_138 = arith.constant 0 : i32
      %dma_wait3A_139 = arith.constant 0 : i32
      %dma_wait3A_140 = arith.constant 0 : i32
      %dma_wait3A_141 = tpu.memref_slice %arg9[%dma_wait3A_138, %dma_wait3A_139, %dma_wait3A_140] : memref<2x80x32xf32, #tpu.memory_space<vmem>> -> memref<1x80x32xf32, #tpu.memory_space<vmem>>
      %dma_wait3A_142 = tpu.memref_squeeze %dma_wait3A_141 : memref<1x80x32xf32, #tpu.memory_space<vmem>> -> memref<80x32xf32, #tpu.memory_space<vmem>>
      %dma_wait3A_143 = arith.constant 0 : i32
      %dma_wait3A_144 = arith.constant 16 : i32
      %dma_wait3A_145 = tpu.memref_slice %arg3[%dma_wait3A_143, %dma_wait3A_144] : memref<163840x128xf32, #tpu.memory_space<hbm>> -> memref<80x32xf32, #tpu.memory_space<hbm>>
      %dma_wait3A_146 = arith.constant 0 : i32
      %dma_wait3A_147 = arith.constant 0 : i32
      %dma_wait3A_148 = tpu.memref_slice %arg9[%dma_wait3A_138, %dma_wait3A_146, %dma_wait3A_147] : memref<2x80x32xf32, #tpu.memory_space<vmem>> -> memref<1x80x32xf32, #tpu.memory_space<vmem>>
      %dma_wait3A_149 = tpu.memref_squeeze %dma_wait3A_148 : memref<1x80x32xf32, #tpu.memory_space<vmem>> -> memref<80x32xf32, #tpu.memory_space<vmem>>
      %dma_wait3A_150 = arith.constant 0 : i32
      %dma_wait3A_151 = arith.constant 16 : i32
      %dma_wait3A_152 = tpu.memref_slice %arg3[%dma_wait3A_150, %dma_wait3A_151] : memref<163840x128xf32, #tpu.memory_space<hbm>> -> memref<80x32xf32, #tpu.memory_space<hbm>>
      tpu.wait_dma2 semaphore(%arg14 : memref<!tpu.dma_semaphore, #tpu.memory_space<semaphore_mem>>) src(%dma_wait3A_152 : memref<80x32xf32, #tpu.memory_space<hbm>>) dst(%dma_wait3A_149 : memref<80x32xf32, #tpu.memory_space<vmem>>)
      %scan3A_153 = arith.constant 0 : i32
      %scan3A_154 = arith.constant 0 : i32
      %scan3A_155 = arith.constant 0 : i32
      %scan3A_156 = arith.constant 80 : i32
      %scan3A_157 = arith.addi %scan3A_155, %scan3A_156 : i32
      %scan3A_158 = arith.constant 1 : i32
      scf.for %scan3A_322 = %scan3A_155 to %scan3A_157 step %scan3A_158  : i32 {
        %get3A = arith.constant 0 : i32
        %get3A_323 = arith.constant 0 : i32
        %get3A_324 = tpu.memref_slice %arg9[%scan3A_153, %get3A, %get3A_323] : memref<2x80x32xf32, #tpu.memory_space<vmem>> -> memref<1x80x32xf32, #tpu.memory_space<vmem>>
        %get3A_325 = tpu.memref_squeeze %get3A_324 : memref<1x80x32xf32, #tpu.memory_space<vmem>> -> memref<80x32xf32, #tpu.memory_space<vmem>>
        %get3A_326 = arith.index_cast %scan3A_322 : i32 to index
        %get3A_327 = arith.constant 0 : index
        %get3A_328 = tpu.vector_load %get3A_325[%get3A_326, %get3A_327] {strides = array<i32>} : memref<80x32xf32, #tpu.memory_space<vmem>>, vector<1x16xf32>,
        %get3A_329 = vector.shape_cast %get3A_328 : vector<1x16xf32> to vector<16xf32>
        %get3A_330 = arith.constant 0 : i32
        %get3A_331 = arith.constant 0 : i32
        %get3A_332 = tpu.memref_slice %arg8[%scan3A_154, %get3A_330, %get3A_331] : memref<2x80x144xf32, #tpu.memory_space<vmem>> -> memref<1x80x144xf32, #tpu.memory_space<vmem>>
        %get3A_333 = tpu.memref_squeeze %get3A_332 : memref<1x80x144xf32, #tpu.memory_space<vmem>> -> memref<80x144xf32, #tpu.memory_space<vmem>>
        %get3A_334 = arith.index_cast %scan3A_322 : i32 to index
        %get3A_335 = arith.constant 0 : index
        %get3A_336 = tpu.vector_load %get3A_333[%get3A_334, %get3A_335] {strides = array<i32>} : memref<80x144xf32, #tpu.memory_space<vmem>>, vector<1x16xf32>,
        %get3A_337 = vector.shape_cast %get3A_336 : vector<1x16xf32> to vector<16xf32>
        %slice3A = vector.extract_strided_slice %get3A_329 {offsets = [0], sizes = [1], strides = [1]} : vector<16xf32> to vector<1xf32>
        %squeeze3A = vector.extract %slice3A[0] : f32 from vector<1xf32>
        %mul3A_338 = vector.broadcast %squeeze3A : f32 to vector<16xf32>
        %mul3A_339 = arith.mulf %get3A_337, %mul3A_338 : vector<16xf32>
        %get3A_340 = arith.constant 0 : i32
        %get3A_341 = arith.constant 0 : i32
        %get3A_342 = tpu.memref_slice %arg8[%scan3A_154, %get3A_340, %get3A_341] : memref<2x80x144xf32, #tpu.memory_space<vmem>> -> memref<1x80x144xf32, #tpu.memory_space<vmem>>
        %get3A_343 = tpu.memref_squeeze %get3A_342 : memref<1x80x144xf32, #tpu.memory_space<vmem>> -> memref<80x144xf32, #tpu.memory_space<vmem>>
        %get3A_344 = arith.index_cast %scan3A_322 : i32 to index
        %get3A_345 = arith.constant 16 : index
        %get3A_346 = tpu.vector_load %get3A_343[%get3A_344, %get3A_345] {strides = array<i32>} : memref<80x144xf32, #tpu.memory_space<vmem>>, vector<1x16xf32>,
        %get3A_347 = vector.shape_cast %get3A_346 : vector<1x16xf32> to vector<16xf32>
        %slice3A_348 = vector.extract_strided_slice %get3A_329 {offsets = [1], sizes = [1], strides = [1]} : vector<16xf32> to vector<1xf32>
        %squeeze3A_349 = vector.extract %slice3A_348[0] : f32 from vector<1xf32>
        %mul3A_350 = vector.broadcast %squeeze3A_349 : f32 to vector<16xf32>
        %mul3A_351 = arith.mulf %get3A_347, %mul3A_350 : vector<16xf32>
        %add3A_352 = arith.addf %mul3A_339, %mul3A_351 : vector<16xf32>
        %get3A_353 = arith.constant 0 : i32
        %get3A_354 = arith.constant 0 : i32
        %get3A_355 = tpu.memref_slice %arg8[%scan3A_154, %get3A_353, %get3A_354] : memref<2x80x144xf32, #tpu.memory_space<vmem>> -> memref<1x80x144xf32, #tpu.memory_space<vmem>>
        %get3A_356 = tpu.memref_squeeze %get3A_355 : memref<1x80x144xf32, #tpu.memory_space<vmem>> -> memref<80x144xf32, #tpu.memory_space<vmem>>
        %get3A_357 = arith.index_cast %scan3A_322 : i32 to index
        %get3A_358 = arith.constant 32 : index
        %get3A_359 = tpu.vector_load %get3A_356[%get3A_357, %get3A_358] {strides = array<i32>} : memref<80x144xf32, #tpu.memory_space<vmem>>, vector<1x16xf32>,
        %get3A_360 = vector.shape_cast %get3A_359 : vector<1x16xf32> to vector<16xf32>
        %slice3A_361 = vector.extract_strided_slice %get3A_329 {offsets = [2], sizes = [1], strides = [1]} : vector<16xf32> to vector<1xf32>
        %squeeze3A_362 = vector.extract %slice3A_361[0] : f32 from vector<1xf32>
        %mul3A_363 = vector.broadcast %squeeze3A_362 : f32 to vector<16xf32>
        %mul3A_364 = arith.mulf %get3A_360, %mul3A_363 : vector<16xf32>
        %add3A_365 = arith.addf %add3A_352, %mul3A_364 : vector<16xf32>
        %get3A_366 = arith.constant 0 : i32
        %get3A_367 = arith.constant 0 : i32
        %get3A_368 = tpu.memref_slice %arg8[%scan3A_154, %get3A_366, %get3A_367] : memref<2x80x144xf32, #tpu.memory_space<vmem>> -> memref<1x80x144xf32, #tpu.memory_space<vmem>>
        %get3A_369 = tpu.memref_squeeze %get3A_368 : memref<1x80x144xf32, #tpu.memory_space<vmem>> -> memref<80x144xf32, #tpu.memory_space<vmem>>
        %get3A_370 = arith.index_cast %scan3A_322 : i32 to index
        %get3A_371 = arith.constant 48 : index
        %get3A_372 = tpu.vector_load %get3A_369[%get3A_370, %get3A_371] {strides = array<i32>} : memref<80x144xf32, #tpu.memory_space<vmem>>, vector<1x16xf32>,
        %get3A_373 = vector.shape_cast %get3A_372 : vector<1x16xf32> to vector<16xf32>
        %slice3A_374 = vector.extract_strided_slice %get3A_329 {offsets = [3], sizes = [1], strides = [1]} : vector<16xf32> to vector<1xf32>
        %squeeze3A_375 = vector.extract %slice3A_374[0] : f32 from vector<1xf32>
        %mul3A_376 = vector.broadcast %squeeze3A_375 : f32 to vector<16xf32>
        %mul3A_377 = arith.mulf %get3A_373, %mul3A_376 : vector<16xf32>
        %add3A_378 = arith.addf %add3A_365, %mul3A_377 : vector<16xf32>
        %get3A_379 = arith.constant 0 : i32
        %get3A_380 = arith.constant 0 : i32
        %get3A_381 = tpu.memref_slice %arg8[%scan3A_154, %get3A_379, %get3A_380] : memref<2x80x144xf32, #tpu.memory_space<vmem>> -> memref<1x80x144xf32, #tpu.memory_space<vmem>>
        %get3A_382 = tpu.memref_squeeze %get3A_381 : memref<1x80x144xf32, #tpu.memory_space<vmem>> -> memref<80x144xf32, #tpu.memory_space<vmem>>
        %get3A_383 = arith.index_cast %scan3A_322 : i32 to index
        %get3A_384 = arith.constant 64 : index
        %get3A_385 = tpu.vector_load %get3A_382[%get3A_383, %get3A_384] {strides = array<i32>} : memref<80x144xf32, #tpu.memory_space<vmem>>, vector<1x16xf32>,
        %get3A_386 = vector.shape_cast %get3A_385 : vector<1x16xf32> to vector<16xf32>
        %slice3A_387 = vector.extract_strided_slice %get3A_329 {offsets = [4], sizes = [1], strides = [1]} : vector<16xf32> to vector<1xf32>
        %squeeze3A_388 = vector.extract %slice3A_387[0] : f32 from vector<1xf32>
        %mul3A_389 = vector.broadcast %squeeze3A_388 : f32 to vector<16xf32>
        %mul3A_390 = arith.mulf %get3A_386, %mul3A_389 : vector<16xf32>
        %add3A_391 = arith.addf %add3A_378, %mul3A_390 : vector<16xf32>
        %get3A_392 = arith.constant 0 : i32
        %get3A_393 = arith.constant 0 : i32
        %get3A_394 = tpu.memref_slice %arg8[%scan3A_154, %get3A_392, %get3A_393] : memref<2x80x144xf32, #tpu.memory_space<vmem>> -> memref<1x80x144xf32, #tpu.memory_space<vmem>>
        %get3A_395 = tpu.memref_squeeze %get3A_394 : memref<1x80x144xf32, #tpu.memory_space<vmem>> -> memref<80x144xf32, #tpu.memory_space<vmem>>
        %get3A_396 = arith.index_cast %scan3A_322 : i32 to index
        %get3A_397 = arith.constant 80 : index
        %get3A_398 = tpu.vector_load %get3A_395[%get3A_396, %get3A_397] {strides = array<i32>} : memref<80x144xf32, #tpu.memory_space<vmem>>, vector<1x16xf32>,
        %get3A_399 = vector.shape_cast %get3A_398 : vector<1x16xf32> to vector<16xf32>
        %slice3A_400 = vector.extract_strided_slice %get3A_329 {offsets = [5], sizes = [1], strides = [1]} : vector<16xf32> to vector<1xf32>
        %squeeze3A_401 = vector.extract %slice3A_400[0] : f32 from vector<1xf32>
        %mul3A_402 = vector.broadcast %squeeze3A_401 : f32 to vector<16xf32>
        %mul3A_403 = arith.mulf %get3A_399, %mul3A_402 : vector<16xf32>
        %add3A_404 = arith.addf %add3A_391, %mul3A_403 : vector<16xf32>
        %get3A_405 = arith.constant 0 : i32
        %get3A_406 = arith.constant 0 : i32
        %get3A_407 = tpu.memref_slice %arg8[%scan3A_154, %get3A_405, %get3A_406] : memref<2x80x144xf32, #tpu.memory_space<vmem>> -> memref<1x80x144xf32, #tpu.memory_space<vmem>>
        %get3A_408 = tpu.memref_squeeze %get3A_407 : memref<1x80x144xf32, #tpu.memory_space<vmem>> -> memref<80x144xf32, #tpu.memory_space<vmem>>
        %get3A_409 = arith.index_cast %scan3A_322 : i32 to index
        %get3A_410 = arith.constant 96 : index
        %get3A_411 = tpu.vector_load %get3A_408[%get3A_409, %get3A_410] {strides = array<i32>} : memref<80x144xf32, #tpu.memory_space<vmem>>, vector<1x16xf32>,
        %get3A_412 = vector.shape_cast %get3A_411 : vector<1x16xf32> to vector<16xf32>
        %slice3A_413 = vector.extract_strided_slice %get3A_329 {offsets = [6], sizes = [1], strides = [1]} : vector<16xf32> to vector<1xf32>
        %squeeze3A_414 = vector.extract %slice3A_413[0] : f32 from vector<1xf32>
        %mul3A_415 = vector.broadcast %squeeze3A_414 : f32 to vector<16xf32>
        %mul3A_416 = arith.mulf %get3A_412, %mul3A_415 : vector<16xf32>
        %add3A_417 = arith.addf %add3A_404, %mul3A_416 : vector<16xf32>
        %get3A_418 = arith.constant 0 : i32
        %get3A_419 = arith.constant 0 : i32
        %get3A_420 = tpu.memref_slice %arg8[%scan3A_154, %get3A_418, %get3A_419] : memref<2x80x144xf32, #tpu.memory_space<vmem>> -> memref<1x80x144xf32, #tpu.memory_space<vmem>>
        %get3A_421 = tpu.memref_squeeze %get3A_420 : memref<1x80x144xf32, #tpu.memory_space<vmem>> -> memref<80x144xf32, #tpu.memory_space<vmem>>
        %get3A_422 = arith.index_cast %scan3A_322 : i32 to index
        %get3A_423 = arith.constant 112 : index
        %get3A_424 = tpu.vector_load %get3A_421[%get3A_422, %get3A_423] {strides = array<i32>} : memref<80x144xf32, #tpu.memory_space<vmem>>, vector<1x16xf32>,
        %get3A_425 = vector.shape_cast %get3A_424 : vector<1x16xf32> to vector<16xf32>
        %slice3A_426 = vector.extract_strided_slice %get3A_329 {offsets = [7], sizes = [1], strides = [1]} : vector<16xf32> to vector<1xf32>
        %squeeze3A_427 = vector.extract %slice3A_426[0] : f32 from vector<1xf32>
        %mul3A_428 = vector.broadcast %squeeze3A_427 : f32 to vector<16xf32>
        %mul3A_429 = arith.mulf %get3A_425, %mul3A_428 : vector<16xf32>
        %add3A_430 = arith.addf %add3A_417, %mul3A_429 : vector<16xf32>
        %get3A_431 = arith.constant 0 : i32
        %get3A_432 = arith.constant 0 : i32
        %get3A_433 = tpu.memref_slice %arg8[%scan3A_154, %get3A_431, %get3A_432] : memref<2x80x144xf32, #tpu.memory_space<vmem>> -> memref<1x80x144xf32, #tpu.memory_space<vmem>>
        %get3A_434 = tpu.memref_squeeze %get3A_433 : memref<1x80x144xf32, #tpu.memory_space<vmem>> -> memref<80x144xf32, #tpu.memory_space<vmem>>
        %get3A_435 = arith.index_cast %scan3A_322 : i32 to index
        %get3A_436 = arith.constant 128 : index
        %get3A_437 = tpu.vector_load %get3A_434[%get3A_435, %get3A_436] {strides = array<i32>} : memref<80x144xf32, #tpu.memory_space<vmem>>, vector<1x16xf32>,
        %get3A_438 = vector.shape_cast %get3A_437 : vector<1x16xf32> to vector<16xf32>
        %slice3A_439 = vector.extract_strided_slice %get3A_329 {offsets = [8], sizes = [1], strides = [1]} : vector<16xf32> to vector<1xf32>
        %squeeze3A_440 = vector.extract %slice3A_439[0] : f32 from vector<1xf32>
        %mul3A_441 = vector.broadcast %squeeze3A_440 : f32 to vector<16xf32>
        %mul3A_442 = arith.mulf %get3A_438, %mul3A_441 : vector<16xf32>
        %add3A_443 = arith.addf %add3A_430, %mul3A_442 : vector<16xf32>
        %get3A_444 = arith.constant 0 : i32
        %get3A_445 = arith.constant 0 : i32
        %get3A_446 = tpu.memref_slice %arg9[%scan3A_153, %get3A_444, %get3A_445] : memref<2x80x32xf32, #tpu.memory_space<vmem>> -> memref<1x80x32xf32, #tpu.memory_space<vmem>>
        %get3A_447 = tpu.memref_squeeze %get3A_446 : memref<1x80x32xf32, #tpu.memory_space<vmem>> -> memref<80x32xf32, #tpu.memory_space<vmem>>
        %get3A_448 = arith.index_cast %scan3A_322 : i32 to index
        %get3A_449 = arith.constant 16 : index
        %get3A_450 = tpu.vector_load %get3A_447[%get3A_448, %get3A_449] {strides = array<i32>} : memref<80x32xf32, #tpu.memory_space<vmem>>, vector<1x16xf32>,
        %get3A_451 = vector.shape_cast %get3A_450 : vector<1x16xf32> to vector<16xf32>
        %mul3A_452 = arith.mulf %get3A_451, %add3A_443 : vector<16xf32>
        %slice3A_453 = vector.extract_strided_slice %get3A_329 {offsets = [0], sizes = [1], strides = [1]} : vector<16xf32> to vector<1xf32>
        %squeeze3A_454 = vector.extract %slice3A_453[0] : f32 from vector<1xf32>
        %mul3A_455 = vector.broadcast %squeeze3A_454 : f32 to vector<16xf32>
        %mul3A_456 = arith.mulf %mul3A_452, %mul3A_455 : vector<16xf32>
        %swap3A = arith.index_cast %scan3A_322 : i32 to index
        %swap3A_457 = arith.constant 0 : index
        %swap3A_458 = tpu.vector_load %arg10[%swap3A, %swap3A_457] {strides = array<i32>} : memref<80x144xf32, #tpu.memory_space<vmem>>, vector<1x16xf32>,
        %swap3A_459 = vector.shape_cast %swap3A_458 : vector<1x16xf32> to vector<16xf32>
        %swap3A_460 = vector.shape_cast %mul3A_456 : vector<16xf32> to vector<1x16xf32>
        tpu.vector_store %arg10[%swap3A, %swap3A_457], %swap3A_460 {strides = array<i32>} : memref<80x144xf32, #tpu.memory_space<vmem>>, vector<1x16xf32>,
        %slice3A_461 = vector.extract_strided_slice %get3A_329 {offsets = [1], sizes = [1], strides = [1]} : vector<16xf32> to vector<1xf32>
        %squeeze3A_462 = vector.extract %slice3A_461[0] : f32 from vector<1xf32>
        %mul3A_463 = vector.broadcast %squeeze3A_462 : f32 to vector<16xf32>
        %mul3A_464 = arith.mulf %mul3A_452, %mul3A_463 : vector<16xf32>
        %swap3A_465 = arith.index_cast %scan3A_322 : i32 to index
        %swap3A_466 = arith.constant 16 : index
        %swap3A_467 = tpu.vector_load %arg10[%swap3A_465, %swap3A_466] {strides = array<i32>} : memref<80x144xf32, #tpu.memory_space<vmem>>, vector<1x16xf32>,
        %swap3A_468 = vector.shape_cast %swap3A_467 : vector<1x16xf32> to vector<16xf32>
        %swap3A_469 = vector.shape_cast %mul3A_464 : vector<16xf32> to vector<1x16xf32>
        tpu.vector_store %arg10[%swap3A_465, %swap3A_466], %swap3A_469 {strides = array<i32>} : memref<80x144xf32, #tpu.memory_space<vmem>>, vector<1x16xf32>,
        %slice3A_470 = vector.extract_strided_slice %get3A_329 {offsets = [2], sizes = [1], strides = [1]} : vector<16xf32> to vector<1xf32>
        %squeeze3A_471 = vector.extract %slice3A_470[0] : f32 from vector<1xf32>
        %mul3A_472 = vector.broadcast %squeeze3A_471 : f32 to vector<16xf32>
        %mul3A_473 = arith.mulf %mul3A_452, %mul3A_472 : vector<16xf32>
        %swap3A_474 = arith.index_cast %scan3A_322 : i32 to index
        %swap3A_475 = arith.constant 32 : index
        %swap3A_476 = tpu.vector_load %arg10[%swap3A_474, %swap3A_475] {strides = array<i32>} : memref<80x144xf32, #tpu.memory_space<vmem>>, vector<1x16xf32>,
        %swap3A_477 = vector.shape_cast %swap3A_476 : vector<1x16xf32> to vector<16xf32>
        %swap3A_478 = vector.shape_cast %mul3A_473 : vector<16xf32> to vector<1x16xf32>
        tpu.vector_store %arg10[%swap3A_474, %swap3A_475], %swap3A_478 {strides = array<i32>} : memref<80x144xf32, #tpu.memory_space<vmem>>, vector<1x16xf32>,
        %slice3A_479 = vector.extract_strided_slice %get3A_329 {offsets = [3], sizes = [1], strides = [1]} : vector<16xf32> to vector<1xf32>
        %squeeze3A_480 = vector.extract %slice3A_479[0] : f32 from vector<1xf32>
        %mul3A_481 = vector.broadcast %squeeze3A_480 : f32 to vector<16xf32>
        %mul3A_482 = arith.mulf %mul3A_452, %mul3A_481 : vector<16xf32>
        %swap3A_483 = arith.index_cast %scan3A_322 : i32 to index
        %swap3A_484 = arith.constant 48 : index
        %swap3A_485 = tpu.vector_load %arg10[%swap3A_483, %swap3A_484] {strides = array<i32>} : memref<80x144xf32, #tpu.memory_space<vmem>>, vector<1x16xf32>,
        %swap3A_486 = vector.shape_cast %swap3A_485 : vector<1x16xf32> to vector<16xf32>
        %swap3A_487 = vector.shape_cast %mul3A_482 : vector<16xf32> to vector<1x16xf32>
        tpu.vector_store %arg10[%swap3A_483, %swap3A_484], %swap3A_487 {strides = array<i32>} : memref<80x144xf32, #tpu.memory_space<vmem>>, vector<1x16xf32>,
        %slice3A_488 = vector.extract_strided_slice %get3A_329 {offsets = [4], sizes = [1], strides = [1]} : vector<16xf32> to vector<1xf32>
        %squeeze3A_489 = vector.extract %slice3A_488[0] : f32 from vector<1xf32>
        %mul3A_490 = vector.broadcast %squeeze3A_489 : f32 to vector<16xf32>
        %mul3A_491 = arith.mulf %mul3A_452, %mul3A_490 : vector<16xf32>
        %swap3A_492 = arith.index_cast %scan3A_322 : i32 to index
        %swap3A_493 = arith.constant 64 : index
        %swap3A_494 = tpu.vector_load %arg10[%swap3A_492, %swap3A_493] {strides = array<i32>} : memref<80x144xf32, #tpu.memory_space<vmem>>, vector<1x16xf32>,
        %swap3A_495 = vector.shape_cast %swap3A_494 : vector<1x16xf32> to vector<16xf32>
        %swap3A_496 = vector.shape_cast %mul3A_491 : vector<16xf32> to vector<1x16xf32>
        tpu.vector_store %arg10[%swap3A_492, %swap3A_493], %swap3A_496 {strides = array<i32>} : memref<80x144xf32, #tpu.memory_space<vmem>>, vector<1x16xf32>,
        %slice3A_497 = vector.extract_strided_slice %get3A_329 {offsets = [5], sizes = [1], strides = [1]} : vector<16xf32> to vector<1xf32>
        %squeeze3A_498 = vector.extract %slice3A_497[0] : f32 from vector<1xf32>
        %mul3A_499 = vector.broadcast %squeeze3A_498 : f32 to vector<16xf32>
        %mul3A_500 = arith.mulf %mul3A_452, %mul3A_499 : vector<16xf32>
        %swap3A_501 = arith.index_cast %scan3A_322 : i32 to index
        %swap3A_502 = arith.constant 80 : index
        %swap3A_503 = tpu.vector_load %arg10[%swap3A_501, %swap3A_502] {strides = array<i32>} : memref<80x144xf32, #tpu.memory_space<vmem>>, vector<1x16xf32>,
        %swap3A_504 = vector.shape_cast %swap3A_503 : vector<1x16xf32> to vector<16xf32>
        %swap3A_505 = vector.shape_cast %mul3A_500 : vector<16xf32> to vector<1x16xf32>
        tpu.vector_store %arg10[%swap3A_501, %swap3A_502], %swap3A_505 {strides = array<i32>} : memref<80x144xf32, #tpu.memory_space<vmem>>, vector<1x16xf32>,
        %slice3A_506 = vector.extract_strided_slice %get3A_329 {offsets = [6], sizes = [1], strides = [1]} : vector<16xf32> to vector<1xf32>
        %squeeze3A_507 = vector.extract %slice3A_506[0] : f32 from vector<1xf32>
        %mul3A_508 = vector.broadcast %squeeze3A_507 : f32 to vector<16xf32>
        %mul3A_509 = arith.mulf %mul3A_452, %mul3A_508 : vector<16xf32>
        %swap3A_510 = arith.index_cast %scan3A_322 : i32 to index
        %swap3A_511 = arith.constant 96 : index
        %swap3A_512 = tpu.vector_load %arg10[%swap3A_510, %swap3A_511] {strides = array<i32>} : memref<80x144xf32, #tpu.memory_space<vmem>>, vector<1x16xf32>,
        %swap3A_513 = vector.shape_cast %swap3A_512 : vector<1x16xf32> to vector<16xf32>
        %swap3A_514 = vector.shape_cast %mul3A_509 : vector<16xf32> to vector<1x16xf32>
        tpu.vector_store %arg10[%swap3A_510, %swap3A_511], %swap3A_514 {strides = array<i32>} : memref<80x144xf32, #tpu.memory_space<vmem>>, vector<1x16xf32>,
        %slice3A_515 = vector.extract_strided_slice %get3A_329 {offsets = [7], sizes = [1], strides = [1]} : vector<16xf32> to vector<1xf32>
        %squeeze3A_516 = vector.extract %slice3A_515[0] : f32 from vector<1xf32>
        %mul3A_517 = vector.broadcast %squeeze3A_516 : f32 to vector<16xf32>
        %mul3A_518 = arith.mulf %mul3A_452, %mul3A_517 : vector<16xf32>
        %swap3A_519 = arith.index_cast %scan3A_322 : i32 to index
        %swap3A_520 = arith.constant 112 : index
        %swap3A_521 = tpu.vector_load %arg10[%swap3A_519, %swap3A_520] {strides = array<i32>} : memref<80x144xf32, #tpu.memory_space<vmem>>, vector<1x16xf32>,
        %swap3A_522 = vector.shape_cast %swap3A_521 : vector<1x16xf32> to vector<16xf32>
        %swap3A_523 = vector.shape_cast %mul3A_518 : vector<16xf32> to vector<1x16xf32>
        tpu.vector_store %arg10[%swap3A_519, %swap3A_520], %swap3A_523 {strides = array<i32>} : memref<80x144xf32, #tpu.memory_space<vmem>>, vector<1x16xf32>,
        %slice3A_524 = vector.extract_strided_slice %get3A_329 {offsets = [8], sizes = [1], strides = [1]} : vector<16xf32> to vector<1xf32>
        %squeeze3A_525 = vector.extract %slice3A_524[0] : f32 from vector<1xf32>
        %mul3A_526 = vector.broadcast %squeeze3A_525 : f32 to vector<16xf32>
        %mul3A_527 = arith.mulf %mul3A_452, %mul3A_526 : vector<16xf32>
        %swap3A_528 = arith.index_cast %scan3A_322 : i32 to index
        %swap3A_529 = arith.constant 128 : index
        %swap3A_530 = tpu.vector_load %arg10[%swap3A_528, %swap3A_529] {strides = array<i32>} : memref<80x144xf32, #tpu.memory_space<vmem>>, vector<1x16xf32>,
        %swap3A_531 = vector.shape_cast %swap3A_530 : vector<1x16xf32> to vector<16xf32>
        %swap3A_532 = vector.shape_cast %mul3A_527 : vector<16xf32> to vector<1x16xf32>
        tpu.vector_store %arg10[%swap3A_528, %swap3A_529], %swap3A_532 {strides = array<i32>} : memref<80x144xf32, #tpu.memory_space<vmem>>, vector<1x16xf32>,
      }
      %scan3A_159 = arith.constant 80 : i32
      %add3A_160 = arith.constant 2 : i32
      %add3A_161 = arith.addi %add3A_123, %add3A_160 : i32
      %lt3A_162 = arith.constant 64 : i32
      %lt3A_163 = arith.cmpi slt, %add3A_161, %lt3A_162 : i32
      %convert_element_type3A_164 = arith.extui %lt3A_163 : i1 to i32
      %cond3A_165 = arith.constant 0 : i32
      %cond3A_166 = arith.cmpi ne, %convert_element_type3A_164, %cond3A_165 : i32
      scf.if %cond3A_166 {
        %add3A_322 = arith.constant 2 : i32
        %add3A_323 = arith.addi %add3A_123, %add3A_322 : i32
        %dma_start3A_324 = arith.constant 4 : i32
        %dma_start3A_325 = arith.constant 0 : i32
        %dma_start3A_326 = arith.constant 0 : i32
        %dma_start3A_327 = arith.constant 0 : i32
        %dma_start3A_328 = tpu.memref_slice %arg8[%dma_start3A_325, %dma_start3A_326, %dma_start3A_327] : memref<2x80x144xf32, #tpu.memory_space<vmem>> -> memref<1x80x144xf32, #tpu.memory_space<vmem>>
        %dma_start3A_329 = tpu.memref_squeeze %dma_start3A_328 : memref<1x80x144xf32, #tpu.memory_space<vmem>> -> memref<80x144xf32, #tpu.memory_space<vmem>>
        %dma_start3A_330 = arith.constant 0 : i32
        %dma_start3A_331 = tpu.memref_slice %arg7[%select_n3A_99, %dma_start3A_324, %dma_start3A_330] : memref<2x8x80xi32, #tpu.memory_space<vmem>> -> memref<1x1x80xi32, #tpu.memory_space<vmem>>
        %dma_start3A_332 = tpu.memref_squeeze %dma_start3A_331 : memref<1x1x80xi32, #tpu.memory_space<vmem>> -> memref<80xi32, #tpu.memory_space<vmem>>
        %dma_start3A_333 = arith.constant 0 : i32
        %dma_start3A_334 = arith.constant 0 : i32
        %dma_start3A_335 = tpu.memref_slice %arg2[%dma_start3A_333, %dma_start3A_334] : memref<10000x144xf32, #tpu.memory_space<hbm>> -> memref<10000x144xf32, #tpu.memory_space<hbm>>
        tpu.enqueue_indirect_dma source(%dma_start3A_335 : memref<10000x144xf32, #tpu.memory_space<hbm>>) target(%dma_start3A_329 : memref<80x144xf32, #tpu.memory_space<vmem>>) offsets(%dma_start3A_332 : memref<80xi32, #tpu.memory_space<vmem>>) semaphore(%arg13 : memref<!tpu.dma_semaphore, #tpu.memory_space<semaphore_mem>>)
        %mul3A_336 = arith.constant 80 : i32
        %mul3A_337 = arith.muli %add3A_323, %mul3A_336 : i32
        %add3A_338 = arith.addi %mul3A_2, %mul3A_337 : i32
        %dma_start3A_339 = arith.constant 0 : i32
        %dma_start3A_340 = arith.constant 0 : i32
        %dma_start3A_341 = arith.constant 0 : i32
        %dma_start3A_342 = tpu.memref_slice %arg9[%dma_start3A_339, %dma_start3A_340, %dma_start3A_341] : memref<2x80x32xf32, #tpu.memory_space<vmem>> -> memref<1x80x32xf32, #tpu.memory_space<vmem>>
        %dma_start3A_343 = tpu.memref_squeeze %dma_start3A_342 : memref<1x80x32xf32, #tpu.memory_space<vmem>> -> memref<80x32xf32, #tpu.memory_space<vmem>>
        %dma_start3A_344 = arith.constant 16 : i32
        %dma_start3A_345 = tpu.memref_slice %arg3[%add3A_338, %dma_start3A_344] : memref<163840x128xf32, #tpu.memory_space<hbm>> -> memref<80x32xf32, #tpu.memory_space<hbm>>
        %dma_start3A_346 = arith.constant 0 : i32
        %dma_start3A_347 = arith.constant 0 : i32
        %dma_start3A_348 = tpu.memref_slice %arg9[%dma_start3A_339, %dma_start3A_346, %dma_start3A_347] : memref<2x80x32xf32, #tpu.memory_space<vmem>> -> memref<1x80x32xf32, #tpu.memory_space<vmem>>
        %dma_start3A_349 = tpu.memref_squeeze %dma_start3A_348 : memref<1x80x32xf32, #tpu.memory_space<vmem>> -> memref<80x32xf32, #tpu.memory_space<vmem>>
        %dma_start3A_350 = arith.constant 16 : i32
        %dma_start3A_351 = tpu.memref_slice %arg3[%add3A_338, %dma_start3A_350] : memref<163840x128xf32, #tpu.memory_space<hbm>> -> memref<80x32xf32, #tpu.memory_space<hbm>>
        tpu.enqueue_dma source(%dma_start3A_351 : memref<80x32xf32, #tpu.memory_space<hbm>>) target(%dma_start3A_349 : memref<80x32xf32, #tpu.memory_space<vmem>>) target_semaphore(%arg14 : memref<!tpu.dma_semaphore, #tpu.memory_space<semaphore_mem>>)
      } else {
      }
      %run_scoped3A_167 = arith.constant 1 : i32
      "tpu.region"() ({
        %run_scoped3A_322 = tpu.sem_alloc : memref<!tpu.dma_semaphore, #tpu.memory_space<semaphore_mem>>
        %dma_start3A_323 = arith.constant 0 : i32
        %dma_start3A_324 = tpu.memref_slice %arg7[%select_n3A_99, %run_scoped3A_167, %dma_start3A_323] : memref<2x8x80xi32, #tpu.memory_space<vmem>> -> memref<1x1x80xi32, #tpu.memory_space<vmem>>
        %dma_start3A_325 = tpu.memref_squeeze %dma_start3A_324 : memref<1x1x80xi32, #tpu.memory_space<vmem>> -> memref<80xi32, #tpu.memory_space<vmem>>
        %dma_start3A_326 = arith.constant 0 : i32
        %dma_start3A_327 = arith.constant 0 : i32
        %dma_start3A_328 = tpu.memref_slice %arg11[%dma_start3A_326, %dma_start3A_327] : memref<10000x144xf32, #tpu.memory_space<vmem_shared>> -> memref<10000x144xf32, #tpu.memory_space<vmem_shared>>
        tpu.enqueue_indirect_dma source(%arg10 : memref<80x144xf32, #tpu.memory_space<vmem>>) target(%dma_start3A_328 : memref<10000x144xf32, #tpu.memory_space<vmem_shared>>) offsets(%dma_start3A_325 : memref<80xi32, #tpu.memory_space<vmem>>) semaphore(%run_scoped3A_322 : memref<!tpu.dma_semaphore, #tpu.memory_space<semaphore_mem>>) {add = true}
        %dma_wait3A_329 = arith.constant 0 : i32
        %dma_wait3A_330 = tpu.memref_slice %arg7[%select_n3A_99, %run_scoped3A_167, %dma_wait3A_329] : memref<2x8x80xi32, #tpu.memory_space<vmem>> -> memref<1x1x80xi32, #tpu.memory_space<vmem>>
        %dma_wait3A_331 = tpu.memref_squeeze %dma_wait3A_330 : memref<1x1x80xi32, #tpu.memory_space<vmem>> -> memref<80xi32, #tpu.memory_space<vmem>>
        %dma_wait3A_332 = arith.constant 0 : i32
        %dma_wait3A_333 = arith.constant 0 : i32
        %dma_wait3A_334 = tpu.memref_slice %arg11[%dma_wait3A_332, %dma_wait3A_333] : memref<10000x144xf32, #tpu.memory_space<vmem_shared>> -> memref<10000x144xf32, #tpu.memory_space<vmem_shared>>
        tpu.wait_indirect_dma semaphore(%run_scoped3A_322 : memref<!tpu.dma_semaphore, #tpu.memory_space<semaphore_mem>>) src(%arg10 : memref<80x144xf32, #tpu.memory_space<vmem>>) dst(%dma_wait3A_334 : memref<10000x144xf32, #tpu.memory_space<vmem_shared>>)
        tpu.yield
      }) : () -> ()
      %mul3A_168 = arith.constant 4 : i32
      %mul3A_169 = arith.muli %scan3A_90, %mul3A_168 : i32
      %add3A_170 = arith.constant 1 : i32
      %add3A_171 = arith.addi %mul3A_169, %add3A_170 : i32
      %dma_wait3A_172 = arith.constant 1 : i32
      %dma_wait3A_173 = arith.constant 0 : i32
      %dma_wait3A_174 = arith.constant 0 : i32
      %dma_wait3A_175 = tpu.memref_slice %arg8[%dma_wait3A_172, %dma_wait3A_173, %dma_wait3A_174] : memref<2x80x144xf32, #tpu.memory_space<vmem>> -> memref<1x80x144xf32, #tpu.memory_space<vmem>>
      %dma_wait3A_176 = tpu.memref_squeeze %dma_wait3A_175 : memref<1x80x144xf32, #tpu.memory_space<vmem>> -> memref<80x144xf32, #tpu.memory_space<vmem>>
      %dma_wait3A_177 = arith.constant 0 : i32
      %dma_wait3A_178 = arith.constant 0 : i32
      %dma_wait3A_179 = tpu.memref_slice %arg2[%dma_wait3A_177, %dma_wait3A_178] : memref<10000x144xf32, #tpu.memory_space<hbm>> -> memref<80x144xf32, #tpu.memory_space<hbm>>
      %dma_wait3A_180 = arith.constant 0 : i32
      %dma_wait3A_181 = arith.constant 0 : i32
      %dma_wait3A_182 = tpu.memref_slice %arg8[%dma_wait3A_172, %dma_wait3A_180, %dma_wait3A_181] : memref<2x80x144xf32, #tpu.memory_space<vmem>> -> memref<1x80x144xf32, #tpu.memory_space<vmem>>
      %dma_wait3A_183 = tpu.memref_squeeze %dma_wait3A_182 : memref<1x80x144xf32, #tpu.memory_space<vmem>> -> memref<80x144xf32, #tpu.memory_space<vmem>>
      %dma_wait3A_184 = arith.constant 0 : i32
      %dma_wait3A_185 = arith.constant 0 : i32
      %dma_wait3A_186 = tpu.memref_slice %arg2[%dma_wait3A_184, %dma_wait3A_185] : memref<10000x144xf32, #tpu.memory_space<hbm>> -> memref<80x144xf32, #tpu.memory_space<hbm>>
      tpu.wait_dma2 semaphore(%arg13 : memref<!tpu.dma_semaphore, #tpu.memory_space<semaphore_mem>>) src(%dma_wait3A_186 : memref<80x144xf32, #tpu.memory_space<hbm>>) dst(%dma_wait3A_183 : memref<80x144xf32, #tpu.memory_space<vmem>>)
      %dma_wait3A_187 = arith.constant 1 : i32
      %dma_wait3A_188 = arith.constant 0 : i32
      %dma_wait3A_189 = arith.constant 0 : i32
      %dma_wait3A_190 = tpu.memref_slice %arg9[%dma_wait3A_187, %dma_wait3A_188, %dma_wait3A_189] : memref<2x80x32xf32, #tpu.memory_space<vmem>> -> memref<1x80x32xf32, #tpu.memory_space<vmem>>
      %dma_wait3A_191 = tpu.memref_squeeze %dma_wait3A_190 : memref<1x80x32xf32, #tpu.memory_space<vmem>> -> memref<80x32xf32, #tpu.memory_space<vmem>>
      %dma_wait3A_192 = arith.constant 0 : i32
      %dma_wait3A_193 = arith.constant 16 : i32
      %dma_wait3A_194 = tpu.memref_slice %arg3[%dma_wait3A_192, %dma_wait3A_193] : memref<163840x128xf32, #tpu.memory_space<hbm>> -> memref<80x32xf32, #tpu.memory_space<hbm>>
      %dma_wait3A_195 = arith.constant 0 : i32
      %dma_wait3A_196 = arith.constant 0 : i32
      %dma_wait3A_197 = tpu.memref_slice %arg9[%dma_wait3A_187, %dma_wait3A_195, %dma_wait3A_196] : memref<2x80x32xf32, #tpu.memory_space<vmem>> -> memref<1x80x32xf32, #tpu.memory_space<vmem>>
      %dma_wait3A_198 = tpu.memref_squeeze %dma_wait3A_197 : memref<1x80x32xf32, #tpu.memory_space<vmem>> -> memref<80x32xf32, #tpu.memory_space<vmem>>
      %dma_wait3A_199 = arith.constant 0 : i32
      %dma_wait3A_200 = arith.constant 16 : i32
      %dma_wait3A_201 = tpu.memref_slice %arg3[%dma_wait3A_199, %dma_wait3A_200] : memref<163840x128xf32, #tpu.memory_space<hbm>> -> memref<80x32xf32, #tpu.memory_space<hbm>>
      tpu.wait_dma2 semaphore(%arg14 : memref<!tpu.dma_semaphore, #tpu.memory_space<semaphore_mem>>) src(%dma_wait3A_201 : memref<80x32xf32, #tpu.memory_space<hbm>>) dst(%dma_wait3A_198 : memref<80x32xf32, #tpu.memory_space<vmem>>)
      %scan3A_202 = arith.constant 1 : i32
      %scan3A_203 = arith.constant 1 : i32
      %scan3A_204 = arith.constant 0 : i32
      %scan3A_205 = arith.constant 80 : i32
      %scan3A_206 = arith.addi %scan3A_204, %scan3A_205 : i32
      %scan3A_207 = arith.constant 1 : i32
      scf.for %scan3A_322 = %scan3A_204 to %scan3A_206 step %scan3A_207  : i32 {
        %get3A = arith.constant 0 : i32
        %get3A_323 = arith.constant 0 : i32
        %get3A_324 = tpu.memref_slice %arg9[%scan3A_202, %get3A, %get3A_323] : memref<2x80x32xf32, #tpu.memory_space<vmem>> -> memref<1x80x32xf32, #tpu.memory_space<vmem>>
        %get3A_325 = tpu.memref_squeeze %get3A_324 : memref<1x80x32xf32, #tpu.memory_space<vmem>> -> memref<80x32xf32, #tpu.memory_space<vmem>>
        %get3A_326 = arith.index_cast %scan3A_322 : i32 to index
        %get3A_327 = arith.constant 0 : index
        %get3A_328 = tpu.vector_load %get3A_325[%get3A_326, %get3A_327] {strides = array<i32>} : memref<80x32xf32, #tpu.memory_space<vmem>>, vector<1x16xf32>,
        %get3A_329 = vector.shape_cast %get3A_328 : vector<1x16xf32> to vector<16xf32>
        %get3A_330 = arith.constant 0 : i32
        %get3A_331 = arith.constant 0 : i32
        %get3A_332 = tpu.memref_slice %arg8[%scan3A_203, %get3A_330, %get3A_331] : memref<2x80x144xf32, #tpu.memory_space<vmem>> -> memref<1x80x144xf32, #tpu.memory_space<vmem>>
        %get3A_333 = tpu.memref_squeeze %get3A_332 : memref<1x80x144xf32, #tpu.memory_space<vmem>> -> memref<80x144xf32, #tpu.memory_space<vmem>>
        %get3A_334 = arith.index_cast %scan3A_322 : i32 to index
        %get3A_335 = arith.constant 0 : index
        %get3A_336 = tpu.vector_load %get3A_333[%get3A_334, %get3A_335] {strides = array<i32>} : memref<80x144xf32, #tpu.memory_space<vmem>>, vector<1x16xf32>,
        %get3A_337 = vector.shape_cast %get3A_336 : vector<1x16xf32> to vector<16xf32>
        %slice3A = vector.extract_strided_slice %get3A_329 {offsets = [0], sizes = [1], strides = [1]} : vector<16xf32> to vector<1xf32>
        %squeeze3A = vector.extract %slice3A[0] : f32 from vector<1xf32>
        %mul3A_338 = vector.broadcast %squeeze3A : f32 to vector<16xf32>
        %mul3A_339 = arith.mulf %get3A_337, %mul3A_338 : vector<16xf32>
        %get3A_340 = arith.constant 0 : i32
        %get3A_341 = arith.constant 0 : i32
        %get3A_342 = tpu.memref_slice %arg8[%scan3A_203, %get3A_340, %get3A_341] : memref<2x80x144xf32, #tpu.memory_space<vmem>> -> memref<1x80x144xf32, #tpu.memory_space<vmem>>
        %get3A_343 = tpu.memref_squeeze %get3A_342 : memref<1x80x144xf32, #tpu.memory_space<vmem>> -> memref<80x144xf32, #tpu.memory_space<vmem>>
        %get3A_344 = arith.index_cast %scan3A_322 : i32 to index
        %get3A_345 = arith.constant 16 : index
        %get3A_346 = tpu.vector_load %get3A_343[%get3A_344, %get3A_345] {strides = array<i32>} : memref<80x144xf32, #tpu.memory_space<vmem>>, vector<1x16xf32>,
        %get3A_347 = vector.shape_cast %get3A_346 : vector<1x16xf32> to vector<16xf32>
        %slice3A_348 = vector.extract_strided_slice %get3A_329 {offsets = [1], sizes = [1], strides = [1]} : vector<16xf32> to vector<1xf32>
        %squeeze3A_349 = vector.extract %slice3A_348[0] : f32 from vector<1xf32>
        %mul3A_350 = vector.broadcast %squeeze3A_349 : f32 to vector<16xf32>
        %mul3A_351 = arith.mulf %get3A_347, %mul3A_350 : vector<16xf32>
        %add3A_352 = arith.addf %mul3A_339, %mul3A_351 : vector<16xf32>
        %get3A_353 = arith.constant 0 : i32
        %get3A_354 = arith.constant 0 : i32
        %get3A_355 = tpu.memref_slice %arg8[%scan3A_203, %get3A_353, %get3A_354] : memref<2x80x144xf32, #tpu.memory_space<vmem>> -> memref<1x80x144xf32, #tpu.memory_space<vmem>>
        %get3A_356 = tpu.memref_squeeze %get3A_355 : memref<1x80x144xf32, #tpu.memory_space<vmem>> -> memref<80x144xf32, #tpu.memory_space<vmem>>
        %get3A_357 = arith.index_cast %scan3A_322 : i32 to index
        %get3A_358 = arith.constant 32 : index
        %get3A_359 = tpu.vector_load %get3A_356[%get3A_357, %get3A_358] {strides = array<i32>} : memref<80x144xf32, #tpu.memory_space<vmem>>, vector<1x16xf32>,
        %get3A_360 = vector.shape_cast %get3A_359 : vector<1x16xf32> to vector<16xf32>
        %slice3A_361 = vector.extract_strided_slice %get3A_329 {offsets = [2], sizes = [1], strides = [1]} : vector<16xf32> to vector<1xf32>
        %squeeze3A_362 = vector.extract %slice3A_361[0] : f32 from vector<1xf32>
        %mul3A_363 = vector.broadcast %squeeze3A_362 : f32 to vector<16xf32>
        %mul3A_364 = arith.mulf %get3A_360, %mul3A_363 : vector<16xf32>
        %add3A_365 = arith.addf %add3A_352, %mul3A_364 : vector<16xf32>
        %get3A_366 = arith.constant 0 : i32
        %get3A_367 = arith.constant 0 : i32
        %get3A_368 = tpu.memref_slice %arg8[%scan3A_203, %get3A_366, %get3A_367] : memref<2x80x144xf32, #tpu.memory_space<vmem>> -> memref<1x80x144xf32, #tpu.memory_space<vmem>>
        %get3A_369 = tpu.memref_squeeze %get3A_368 : memref<1x80x144xf32, #tpu.memory_space<vmem>> -> memref<80x144xf32, #tpu.memory_space<vmem>>
        %get3A_370 = arith.index_cast %scan3A_322 : i32 to index
        %get3A_371 = arith.constant 48 : index
        %get3A_372 = tpu.vector_load %get3A_369[%get3A_370, %get3A_371] {strides = array<i32>} : memref<80x144xf32, #tpu.memory_space<vmem>>, vector<1x16xf32>,
        %get3A_373 = vector.shape_cast %get3A_372 : vector<1x16xf32> to vector<16xf32>
        %slice3A_374 = vector.extract_strided_slice %get3A_329 {offsets = [3], sizes = [1], strides = [1]} : vector<16xf32> to vector<1xf32>
        %squeeze3A_375 = vector.extract %slice3A_374[0] : f32 from vector<1xf32>
        %mul3A_376 = vector.broadcast %squeeze3A_375 : f32 to vector<16xf32>
        %mul3A_377 = arith.mulf %get3A_373, %mul3A_376 : vector<16xf32>
        %add3A_378 = arith.addf %add3A_365, %mul3A_377 : vector<16xf32>
        %get3A_379 = arith.constant 0 : i32
        %get3A_380 = arith.constant 0 : i32
        %get3A_381 = tpu.memref_slice %arg8[%scan3A_203, %get3A_379, %get3A_380] : memref<2x80x144xf32, #tpu.memory_space<vmem>> -> memref<1x80x144xf32, #tpu.memory_space<vmem>>
        %get3A_382 = tpu.memref_squeeze %get3A_381 : memref<1x80x144xf32, #tpu.memory_space<vmem>> -> memref<80x144xf32, #tpu.memory_space<vmem>>
        %get3A_383 = arith.index_cast %scan3A_322 : i32 to index
        %get3A_384 = arith.constant 64 : index
        %get3A_385 = tpu.vector_load %get3A_382[%get3A_383, %get3A_384] {strides = array<i32>} : memref<80x144xf32, #tpu.memory_space<vmem>>, vector<1x16xf32>,
        %get3A_386 = vector.shape_cast %get3A_385 : vector<1x16xf32> to vector<16xf32>
        %slice3A_387 = vector.extract_strided_slice %get3A_329 {offsets = [4], sizes = [1], strides = [1]} : vector<16xf32> to vector<1xf32>
        %squeeze3A_388 = vector.extract %slice3A_387[0] : f32 from vector<1xf32>
        %mul3A_389 = vector.broadcast %squeeze3A_388 : f32 to vector<16xf32>
        %mul3A_390 = arith.mulf %get3A_386, %mul3A_389 : vector<16xf32>
        %add3A_391 = arith.addf %add3A_378, %mul3A_390 : vector<16xf32>
        %get3A_392 = arith.constant 0 : i32
        %get3A_393 = arith.constant 0 : i32
        %get3A_394 = tpu.memref_slice %arg8[%scan3A_203, %get3A_392, %get3A_393] : memref<2x80x144xf32, #tpu.memory_space<vmem>> -> memref<1x80x144xf32, #tpu.memory_space<vmem>>
        %get3A_395 = tpu.memref_squeeze %get3A_394 : memref<1x80x144xf32, #tpu.memory_space<vmem>> -> memref<80x144xf32, #tpu.memory_space<vmem>>
        %get3A_396 = arith.index_cast %scan3A_322 : i32 to index
        %get3A_397 = arith.constant 80 : index
        %get3A_398 = tpu.vector_load %get3A_395[%get3A_396, %get3A_397] {strides = array<i32>} : memref<80x144xf32, #tpu.memory_space<vmem>>, vector<1x16xf32>,
        %get3A_399 = vector.shape_cast %get3A_398 : vector<1x16xf32> to vector<16xf32>
        %slice3A_400 = vector.extract_strided_slice %get3A_329 {offsets = [5], sizes = [1], strides = [1]} : vector<16xf32> to vector<1xf32>
        %squeeze3A_401 = vector.extract %slice3A_400[0] : f32 from vector<1xf32>
        %mul3A_402 = vector.broadcast %squeeze3A_401 : f32 to vector<16xf32>
        %mul3A_403 = arith.mulf %get3A_399, %mul3A_402 : vector<16xf32>
        %add3A_404 = arith.addf %add3A_391, %mul3A_403 : vector<16xf32>
        %get3A_405 = arith.constant 0 : i32
        %get3A_406 = arith.constant 0 : i32
        %get3A_407 = tpu.memref_slice %arg8[%scan3A_203, %get3A_405, %get3A_406] : memref<2x80x144xf32, #tpu.memory_space<vmem>> -> memref<1x80x144xf32, #tpu.memory_space<vmem>>
        %get3A_408 = tpu.memref_squeeze %get3A_407 : memref<1x80x144xf32, #tpu.memory_space<vmem>> -> memref<80x144xf32, #tpu.memory_space<vmem>>
        %get3A_409 = arith.index_cast %scan3A_322 : i32 to index
        %get3A_410 = arith.constant 96 : index
        %get3A_411 = tpu.vector_load %get3A_408[%get3A_409, %get3A_410] {strides = array<i32>} : memref<80x144xf32, #tpu.memory_space<vmem>>, vector<1x16xf32>,
        %get3A_412 = vector.shape_cast %get3A_411 : vector<1x16xf32> to vector<16xf32>
        %slice3A_413 = vector.extract_strided_slice %get3A_329 {offsets = [6], sizes = [1], strides = [1]} : vector<16xf32> to vector<1xf32>
        %squeeze3A_414 = vector.extract %slice3A_413[0] : f32 from vector<1xf32>
        %mul3A_415 = vector.broadcast %squeeze3A_414 : f32 to vector<16xf32>
        %mul3A_416 = arith.mulf %get3A_412, %mul3A_415 : vector<16xf32>
        %add3A_417 = arith.addf %add3A_404, %mul3A_416 : vector<16xf32>
        %get3A_418 = arith.constant 0 : i32
        %get3A_419 = arith.constant 0 : i32
        %get3A_420 = tpu.memref_slice %arg8[%scan3A_203, %get3A_418, %get3A_419] : memref<2x80x144xf32, #tpu.memory_space<vmem>> -> memref<1x80x144xf32, #tpu.memory_space<vmem>>
        %get3A_421 = tpu.memref_squeeze %get3A_420 : memref<1x80x144xf32, #tpu.memory_space<vmem>> -> memref<80x144xf32, #tpu.memory_space<vmem>>
        %get3A_422 = arith.index_cast %scan3A_322 : i32 to index
        %get3A_423 = arith.constant 112 : index
        %get3A_424 = tpu.vector_load %get3A_421[%get3A_422, %get3A_423] {strides = array<i32>} : memref<80x144xf32, #tpu.memory_space<vmem>>, vector<1x16xf32>,
        %get3A_425 = vector.shape_cast %get3A_424 : vector<1x16xf32> to vector<16xf32>
        %slice3A_426 = vector.extract_strided_slice %get3A_329 {offsets = [7], sizes = [1], strides = [1]} : vector<16xf32> to vector<1xf32>
        %squeeze3A_427 = vector.extract %slice3A_426[0] : f32 from vector<1xf32>
        %mul3A_428 = vector.broadcast %squeeze3A_427 : f32 to vector<16xf32>
        %mul3A_429 = arith.mulf %get3A_425, %mul3A_428 : vector<16xf32>
        %add3A_430 = arith.addf %add3A_417, %mul3A_429 : vector<16xf32>
        %get3A_431 = arith.constant 0 : i32
        %get3A_432 = arith.constant 0 : i32
        %get3A_433 = tpu.memref_slice %arg8[%scan3A_203, %get3A_431, %get3A_432] : memref<2x80x144xf32, #tpu.memory_space<vmem>> -> memref<1x80x144xf32, #tpu.memory_space<vmem>>
        %get3A_434 = tpu.memref_squeeze %get3A_433 : memref<1x80x144xf32, #tpu.memory_space<vmem>> -> memref<80x144xf32, #tpu.memory_space<vmem>>
        %get3A_435 = arith.index_cast %scan3A_322 : i32 to index
        %get3A_436 = arith.constant 128 : index
        %get3A_437 = tpu.vector_load %get3A_434[%get3A_435, %get3A_436] {strides = array<i32>} : memref<80x144xf32, #tpu.memory_space<vmem>>, vector<1x16xf32>,
        %get3A_438 = vector.shape_cast %get3A_437 : vector<1x16xf32> to vector<16xf32>
        %slice3A_439 = vector.extract_strided_slice %get3A_329 {offsets = [8], sizes = [1], strides = [1]} : vector<16xf32> to vector<1xf32>
        %squeeze3A_440 = vector.extract %slice3A_439[0] : f32 from vector<1xf32>
        %mul3A_441 = vector.broadcast %squeeze3A_440 : f32 to vector<16xf32>
        %mul3A_442 = arith.mulf %get3A_438, %mul3A_441 : vector<16xf32>
        %add3A_443 = arith.addf %add3A_430, %mul3A_442 : vector<16xf32>
        %get3A_444 = arith.constant 0 : i32
        %get3A_445 = arith.constant 0 : i32
        %get3A_446 = tpu.memref_slice %arg9[%scan3A_202, %get3A_444, %get3A_445] : memref<2x80x32xf32, #tpu.memory_space<vmem>> -> memref<1x80x32xf32, #tpu.memory_space<vmem>>
        %get3A_447 = tpu.memref_squeeze %get3A_446 : memref<1x80x32xf32, #tpu.memory_space<vmem>> -> memref<80x32xf32, #tpu.memory_space<vmem>>
        %get3A_448 = arith.index_cast %scan3A_322 : i32 to index
        %get3A_449 = arith.constant 16 : index
        %get3A_450 = tpu.vector_load %get3A_447[%get3A_448, %get3A_449] {strides = array<i32>} : memref<80x32xf32, #tpu.memory_space<vmem>>, vector<1x16xf32>,
        %get3A_451 = vector.shape_cast %get3A_450 : vector<1x16xf32> to vector<16xf32>
        %mul3A_452 = arith.mulf %get3A_451, %add3A_443 : vector<16xf32>
        %slice3A_453 = vector.extract_strided_slice %get3A_329 {offsets = [0], sizes = [1], strides = [1]} : vector<16xf32> to vector<1xf32>
        %squeeze3A_454 = vector.extract %slice3A_453[0] : f32 from vector<1xf32>
        %mul3A_455 = vector.broadcast %squeeze3A_454 : f32 to vector<16xf32>
        %mul3A_456 = arith.mulf %mul3A_452, %mul3A_455 : vector<16xf32>
        %swap3A = arith.index_cast %scan3A_322 : i32 to index
        %swap3A_457 = arith.constant 0 : index
        %swap3A_458 = tpu.vector_load %arg10[%swap3A, %swap3A_457] {strides = array<i32>} : memref<80x144xf32, #tpu.memory_space<vmem>>, vector<1x16xf32>,
        %swap3A_459 = vector.shape_cast %swap3A_458 : vector<1x16xf32> to vector<16xf32>
        %swap3A_460 = vector.shape_cast %mul3A_456 : vector<16xf32> to vector<1x16xf32>
        tpu.vector_store %arg10[%swap3A, %swap3A_457], %swap3A_460 {strides = array<i32>} : memref<80x144xf32, #tpu.memory_space<vmem>>, vector<1x16xf32>,
        %slice3A_461 = vector.extract_strided_slice %get3A_329 {offsets = [1], sizes = [1], strides = [1]} : vector<16xf32> to vector<1xf32>
        %squeeze3A_462 = vector.extract %slice3A_461[0] : f32 from vector<1xf32>
        %mul3A_463 = vector.broadcast %squeeze3A_462 : f32 to vector<16xf32>
        %mul3A_464 = arith.mulf %mul3A_452, %mul3A_463 : vector<16xf32>
        %swap3A_465 = arith.index_cast %scan3A_322 : i32 to index
        %swap3A_466 = arith.constant 16 : index
        %swap3A_467 = tpu.vector_load %arg10[%swap3A_465, %swap3A_466] {strides = array<i32>} : memref<80x144xf32, #tpu.memory_space<vmem>>, vector<1x16xf32>,
        %swap3A_468 = vector.shape_cast %swap3A_467 : vector<1x16xf32> to vector<16xf32>
        %swap3A_469 = vector.shape_cast %mul3A_464 : vector<16xf32> to vector<1x16xf32>
        tpu.vector_store %arg10[%swap3A_465, %swap3A_466], %swap3A_469 {strides = array<i32>} : memref<80x144xf32, #tpu.memory_space<vmem>>, vector<1x16xf32>,
        %slice3A_470 = vector.extract_strided_slice %get3A_329 {offsets = [2], sizes = [1], strides = [1]} : vector<16xf32> to vector<1xf32>
        %squeeze3A_471 = vector.extract %slice3A_470[0] : f32 from vector<1xf32>
        %mul3A_472 = vector.broadcast %squeeze3A_471 : f32 to vector<16xf32>
        %mul3A_473 = arith.mulf %mul3A_452, %mul3A_472 : vector<16xf32>
        %swap3A_474 = arith.index_cast %scan3A_322 : i32 to index
        %swap3A_475 = arith.constant 32 : index
        %swap3A_476 = tpu.vector_load %arg10[%swap3A_474, %swap3A_475] {strides = array<i32>} : memref<80x144xf32, #tpu.memory_space<vmem>>, vector<1x16xf32>,
        %swap3A_477 = vector.shape_cast %swap3A_476 : vector<1x16xf32> to vector<16xf32>
        %swap3A_478 = vector.shape_cast %mul3A_473 : vector<16xf32> to vector<1x16xf32>
        tpu.vector_store %arg10[%swap3A_474, %swap3A_475], %swap3A_478 {strides = array<i32>} : memref<80x144xf32, #tpu.memory_space<vmem>>, vector<1x16xf32>,
        %slice3A_479 = vector.extract_strided_slice %get3A_329 {offsets = [3], sizes = [1], strides = [1]} : vector<16xf32> to vector<1xf32>
        %squeeze3A_480 = vector.extract %slice3A_479[0] : f32 from vector<1xf32>
        %mul3A_481 = vector.broadcast %squeeze3A_480 : f32 to vector<16xf32>
        %mul3A_482 = arith.mulf %mul3A_452, %mul3A_481 : vector<16xf32>
        %swap3A_483 = arith.index_cast %scan3A_322 : i32 to index
        %swap3A_484 = arith.constant 48 : index
        %swap3A_485 = tpu.vector_load %arg10[%swap3A_483, %swap3A_484] {strides = array<i32>} : memref<80x144xf32, #tpu.memory_space<vmem>>, vector<1x16xf32>,
        %swap3A_486 = vector.shape_cast %swap3A_485 : vector<1x16xf32> to vector<16xf32>
        %swap3A_487 = vector.shape_cast %mul3A_482 : vector<16xf32> to vector<1x16xf32>
        tpu.vector_store %arg10[%swap3A_483, %swap3A_484], %swap3A_487 {strides = array<i32>} : memref<80x144xf32, #tpu.memory_space<vmem>>, vector<1x16xf32>,
        %slice3A_488 = vector.extract_strided_slice %get3A_329 {offsets = [4], sizes = [1], strides = [1]} : vector<16xf32> to vector<1xf32>
        %squeeze3A_489 = vector.extract %slice3A_488[0] : f32 from vector<1xf32>
        %mul3A_490 = vector.broadcast %squeeze3A_489 : f32 to vector<16xf32>
        %mul3A_491 = arith.mulf %mul3A_452, %mul3A_490 : vector<16xf32>
        %swap3A_492 = arith.index_cast %scan3A_322 : i32 to index
        %swap3A_493 = arith.constant 64 : index
        %swap3A_494 = tpu.vector_load %arg10[%swap3A_492, %swap3A_493] {strides = array<i32>} : memref<80x144xf32, #tpu.memory_space<vmem>>, vector<1x16xf32>,
        %swap3A_495 = vector.shape_cast %swap3A_494 : vector<1x16xf32> to vector<16xf32>
        %swap3A_496 = vector.shape_cast %mul3A_491 : vector<16xf32> to vector<1x16xf32>
        tpu.vector_store %arg10[%swap3A_492, %swap3A_493], %swap3A_496 {strides = array<i32>} : memref<80x144xf32, #tpu.memory_space<vmem>>, vector<1x16xf32>,
        %slice3A_497 = vector.extract_strided_slice %get3A_329 {offsets = [5], sizes = [1], strides = [1]} : vector<16xf32> to vector<1xf32>
        %squeeze3A_498 = vector.extract %slice3A_497[0] : f32 from vector<1xf32>
        %mul3A_499 = vector.broadcast %squeeze3A_498 : f32 to vector<16xf32>
        %mul3A_500 = arith.mulf %mul3A_452, %mul3A_499 : vector<16xf32>
        %swap3A_501 = arith.index_cast %scan3A_322 : i32 to index
        %swap3A_502 = arith.constant 80 : index
        %swap3A_503 = tpu.vector_load %arg10[%swap3A_501, %swap3A_502] {strides = array<i32>} : memref<80x144xf32, #tpu.memory_space<vmem>>, vector<1x16xf32>,
        %swap3A_504 = vector.shape_cast %swap3A_503 : vector<1x16xf32> to vector<16xf32>
        %swap3A_505 = vector.shape_cast %mul3A_500 : vector<16xf32> to vector<1x16xf32>
        tpu.vector_store %arg10[%swap3A_501, %swap3A_502], %swap3A_505 {strides = array<i32>} : memref<80x144xf32, #tpu.memory_space<vmem>>, vector<1x16xf32>,
        %slice3A_506 = vector.extract_strided_slice %get3A_329 {offsets = [6], sizes = [1], strides = [1]} : vector<16xf32> to vector<1xf32>
        %squeeze3A_507 = vector.extract %slice3A_506[0] : f32 from vector<1xf32>
        %mul3A_508 = vector.broadcast %squeeze3A_507 : f32 to vector<16xf32>
        %mul3A_509 = arith.mulf %mul3A_452, %mul3A_508 : vector<16xf32>
        %swap3A_510 = arith.index_cast %scan3A_322 : i32 to index
        %swap3A_511 = arith.constant 96 : index
        %swap3A_512 = tpu.vector_load %arg10[%swap3A_510, %swap3A_511] {strides = array<i32>} : memref<80x144xf32, #tpu.memory_space<vmem>>, vector<1x16xf32>,
        %swap3A_513 = vector.shape_cast %swap3A_512 : vector<1x16xf32> to vector<16xf32>
        %swap3A_514 = vector.shape_cast %mul3A_509 : vector<16xf32> to vector<1x16xf32>
        tpu.vector_store %arg10[%swap3A_510, %swap3A_511], %swap3A_514 {strides = array<i32>} : memref<80x144xf32, #tpu.memory_space<vmem>>, vector<1x16xf32>,
        %slice3A_515 = vector.extract_strided_slice %get3A_329 {offsets = [7], sizes = [1], strides = [1]} : vector<16xf32> to vector<1xf32>
        %squeeze3A_516 = vector.extract %slice3A_515[0] : f32 from vector<1xf32>
        %mul3A_517 = vector.broadcast %squeeze3A_516 : f32 to vector<16xf32>
        %mul3A_518 = arith.mulf %mul3A_452, %mul3A_517 : vector<16xf32>
        %swap3A_519 = arith.index_cast %scan3A_322 : i32 to index
        %swap3A_520 = arith.constant 112 : index
        %swap3A_521 = tpu.vector_load %arg10[%swap3A_519, %swap3A_520] {strides = array<i32>} : memref<80x144xf32, #tpu.memory_space<vmem>>, vector<1x16xf32>,
        %swap3A_522 = vector.shape_cast %swap3A_521 : vector<1x16xf32> to vector<16xf32>
        %swap3A_523 = vector.shape_cast %mul3A_518 : vector<16xf32> to vector<1x16xf32>
        tpu.vector_store %arg10[%swap3A_519, %swap3A_520], %swap3A_523 {strides = array<i32>} : memref<80x144xf32, #tpu.memory_space<vmem>>, vector<1x16xf32>,
        %slice3A_524 = vector.extract_strided_slice %get3A_329 {offsets = [8], sizes = [1], strides = [1]} : vector<16xf32> to vector<1xf32>
        %squeeze3A_525 = vector.extract %slice3A_524[0] : f32 from vector<1xf32>
        %mul3A_526 = vector.broadcast %squeeze3A_525 : f32 to vector<16xf32>
        %mul3A_527 = arith.mulf %mul3A_452, %mul3A_526 : vector<16xf32>
        %swap3A_528 = arith.index_cast %scan3A_322 : i32 to index
        %swap3A_529 = arith.constant 128 : index
        %swap3A_530 = tpu.vector_load %arg10[%swap3A_528, %swap3A_529] {strides = array<i32>} : memref<80x144xf32, #tpu.memory_space<vmem>>, vector<1x16xf32>,
        %swap3A_531 = vector.shape_cast %swap3A_530 : vector<1x16xf32> to vector<16xf32>
        %swap3A_532 = vector.shape_cast %mul3A_527 : vector<16xf32> to vector<1x16xf32>
        tpu.vector_store %arg10[%swap3A_528, %swap3A_529], %swap3A_532 {strides = array<i32>} : memref<80x144xf32, #tpu.memory_space<vmem>>, vector<1x16xf32>,
      }
      %scan3A_208 = arith.constant 80 : i32
      %add3A_209 = arith.constant 2 : i32
      %add3A_210 = arith.addi %add3A_171, %add3A_209 : i32
      %lt3A_211 = arith.constant 64 : i32
      %lt3A_212 = arith.cmpi slt, %add3A_210, %lt3A_211 : i32
      %convert_element_type3A_213 = arith.extui %lt3A_212 : i1 to i32
      %cond3A_214 = arith.constant 0 : i32
      %cond3A_215 = arith.cmpi ne, %convert_element_type3A_213, %cond3A_214 : i32
      scf.if %cond3A_215 {
        %add3A_322 = arith.constant 2 : i32
        %add3A_323 = arith.addi %add3A_171, %add3A_322 : i32
        %dma_start3A_324 = arith.constant 6 : i32
        %dma_start3A_325 = arith.constant 1 : i32
        %dma_start3A_326 = arith.constant 0 : i32
        %dma_start3A_327 = arith.constant 0 : i32
        %dma_start3A_328 = tpu.memref_slice %arg8[%dma_start3A_325, %dma_start3A_326, %dma_start3A_327] : memref<2x80x144xf32, #tpu.memory_space<vmem>> -> memref<1x80x144xf32, #tpu.memory_space<vmem>>
        %dma_start3A_329 = tpu.memref_squeeze %dma_start3A_328 : memref<1x80x144xf32, #tpu.memory_space<vmem>> -> memref<80x144xf32, #tpu.memory_space<vmem>>
        %dma_start3A_330 = arith.constant 0 : i32
        %dma_start3A_331 = tpu.memref_slice %arg7[%select_n3A_99, %dma_start3A_324, %dma_start3A_330] : memref<2x8x80xi32, #tpu.memory_space<vmem>> -> memref<1x1x80xi32, #tpu.memory_space<vmem>>
        %dma_start3A_332 = tpu.memref_squeeze %dma_start3A_331 : memref<1x1x80xi32, #tpu.memory_space<vmem>> -> memref<80xi32, #tpu.memory_space<vmem>>
        %dma_start3A_333 = arith.constant 0 : i32
        %dma_start3A_334 = arith.constant 0 : i32
        %dma_start3A_335 = tpu.memref_slice %arg2[%dma_start3A_333, %dma_start3A_334] : memref<10000x144xf32, #tpu.memory_space<hbm>> -> memref<10000x144xf32, #tpu.memory_space<hbm>>
        tpu.enqueue_indirect_dma source(%dma_start3A_335 : memref<10000x144xf32, #tpu.memory_space<hbm>>) target(%dma_start3A_329 : memref<80x144xf32, #tpu.memory_space<vmem>>) offsets(%dma_start3A_332 : memref<80xi32, #tpu.memory_space<vmem>>) semaphore(%arg13 : memref<!tpu.dma_semaphore, #tpu.memory_space<semaphore_mem>>)
        %mul3A_336 = arith.constant 80 : i32
        %mul3A_337 = arith.muli %add3A_323, %mul3A_336 : i32
        %add3A_338 = arith.addi %mul3A_2, %mul3A_337 : i32
        %dma_start3A_339 = arith.constant 1 : i32
        %dma_start3A_340 = arith.constant 0 : i32
        %dma_start3A_341 = arith.constant 0 : i32
        %dma_start3A_342 = tpu.memref_slice %arg9[%dma_start3A_339, %dma_start3A_340, %dma_start3A_341] : memref<2x80x32xf32, #tpu.memory_space<vmem>> -> memref<1x80x32xf32, #tpu.memory_space<vmem>>
        %dma_start3A_343 = tpu.memref_squeeze %dma_start3A_342 : memref<1x80x32xf32, #tpu.memory_space<vmem>> -> memref<80x32xf32, #tpu.memory_space<vmem>>
        %dma_start3A_344 = arith.constant 16 : i32
        %dma_start3A_345 = tpu.memref_slice %arg3[%add3A_338, %dma_start3A_344] : memref<163840x128xf32, #tpu.memory_space<hbm>> -> memref<80x32xf32, #tpu.memory_space<hbm>>
        %dma_start3A_346 = arith.constant 0 : i32
        %dma_start3A_347 = arith.constant 0 : i32
        %dma_start3A_348 = tpu.memref_slice %arg9[%dma_start3A_339, %dma_start3A_346, %dma_start3A_347] : memref<2x80x32xf32, #tpu.memory_space<vmem>> -> memref<1x80x32xf32, #tpu.memory_space<vmem>>
        %dma_start3A_349 = tpu.memref_squeeze %dma_start3A_348 : memref<1x80x32xf32, #tpu.memory_space<vmem>> -> memref<80x32xf32, #tpu.memory_space<vmem>>
        %dma_start3A_350 = arith.constant 16 : i32
        %dma_start3A_351 = tpu.memref_slice %arg3[%add3A_338, %dma_start3A_350] : memref<163840x128xf32, #tpu.memory_space<hbm>> -> memref<80x32xf32, #tpu.memory_space<hbm>>
        tpu.enqueue_dma source(%dma_start3A_351 : memref<80x32xf32, #tpu.memory_space<hbm>>) target(%dma_start3A_349 : memref<80x32xf32, #tpu.memory_space<vmem>>) target_semaphore(%arg14 : memref<!tpu.dma_semaphore, #tpu.memory_space<semaphore_mem>>)
      } else {
      }
      %run_scoped3A_216 = arith.constant 3 : i32
      "tpu.region"() ({
        %run_scoped3A_322 = tpu.sem_alloc : memref<!tpu.dma_semaphore, #tpu.memory_space<semaphore_mem>>
        %dma_start3A_323 = arith.constant 0 : i32
        %dma_start3A_324 = tpu.memref_slice %arg7[%select_n3A_99, %run_scoped3A_216, %dma_start3A_323] : memref<2x8x80xi32, #tpu.memory_space<vmem>> -> memref<1x1x80xi32, #tpu.memory_space<vmem>>
        %dma_start3A_325 = tpu.memref_squeeze %dma_start3A_324 : memref<1x1x80xi32, #tpu.memory_space<vmem>> -> memref<80xi32, #tpu.memory_space<vmem>>
        %dma_start3A_326 = arith.constant 0 : i32
        %dma_start3A_327 = arith.constant 0 : i32
        %dma_start3A_328 = tpu.memref_slice %arg11[%dma_start3A_326, %dma_start3A_327] : memref<10000x144xf32, #tpu.memory_space<vmem_shared>> -> memref<10000x144xf32, #tpu.memory_space<vmem_shared>>
        tpu.enqueue_indirect_dma source(%arg10 : memref<80x144xf32, #tpu.memory_space<vmem>>) target(%dma_start3A_328 : memref<10000x144xf32, #tpu.memory_space<vmem_shared>>) offsets(%dma_start3A_325 : memref<80xi32, #tpu.memory_space<vmem>>) semaphore(%run_scoped3A_322 : memref<!tpu.dma_semaphore, #tpu.memory_space<semaphore_mem>>) {add = true}
        %dma_wait3A_329 = arith.constant 0 : i32
        %dma_wait3A_330 = tpu.memref_slice %arg7[%select_n3A_99, %run_scoped3A_216, %dma_wait3A_329] : memref<2x8x80xi32, #tpu.memory_space<vmem>> -> memref<1x1x80xi32, #tpu.memory_space<vmem>>
        %dma_wait3A_331 = tpu.memref_squeeze %dma_wait3A_330 : memref<1x1x80xi32, #tpu.memory_space<vmem>> -> memref<80xi32, #tpu.memory_space<vmem>>
        %dma_wait3A_332 = arith.constant 0 : i32
        %dma_wait3A_333 = arith.constant 0 : i32
        %dma_wait3A_334 = tpu.memref_slice %arg11[%dma_wait3A_332, %dma_wait3A_333] : memref<10000x144xf32, #tpu.memory_space<vmem_shared>> -> memref<10000x144xf32, #tpu.memory_space<vmem_shared>>
        tpu.wait_indirect_dma semaphore(%run_scoped3A_322 : memref<!tpu.dma_semaphore, #tpu.memory_space<semaphore_mem>>) src(%arg10 : memref<80x144xf32, #tpu.memory_space<vmem>>) dst(%dma_wait3A_334 : memref<10000x144xf32, #tpu.memory_space<vmem_shared>>)
        tpu.yield
      }) : () -> ()
      %mul3A_217 = arith.constant 4 : i32
      %mul3A_218 = arith.muli %scan3A_90, %mul3A_217 : i32
      %add3A_219 = arith.constant 2 : i32
      %add3A_220 = arith.addi %mul3A_218, %add3A_219 : i32
      %dma_wait3A_221 = arith.constant 0 : i32
      %dma_wait3A_222 = arith.constant 0 : i32
      %dma_wait3A_223 = arith.constant 0 : i32
      %dma_wait3A_224 = tpu.memref_slice %arg8[%dma_wait3A_221, %dma_wait3A_222, %dma_wait3A_223] : memref<2x80x144xf32, #tpu.memory_space<vmem>> -> memref<1x80x144xf32, #tpu.memory_space<vmem>>
      %dma_wait3A_225 = tpu.memref_squeeze %dma_wait3A_224 : memref<1x80x144xf32, #tpu.memory_space<vmem>> -> memref<80x144xf32, #tpu.memory_space<vmem>>
      %dma_wait3A_226 = arith.constant 0 : i32
      %dma_wait3A_227 = arith.constant 0 : i32
      %dma_wait3A_228 = tpu.memref_slice %arg2[%dma_wait3A_226, %dma_wait3A_227] : memref<10000x144xf32, #tpu.memory_space<hbm>> -> memref<80x144xf32, #tpu.memory_space<hbm>>
      %dma_wait3A_229 = arith.constant 0 : i32
      %dma_wait3A_230 = arith.constant 0 : i32
      %dma_wait3A_231 = tpu.memref_slice %arg8[%dma_wait3A_221, %dma_wait3A_229, %dma_wait3A_230] : memref<2x80x144xf32, #tpu.memory_space<vmem>> -> memref<1x80x144xf32, #tpu.memory_space<vmem>>
      %dma_wait3A_232 = tpu.memref_squeeze %dma_wait3A_231 : memref<1x80x144xf32, #tpu.memory_space<vmem>> -> memref<80x144xf32, #tpu.memory_space<vmem>>
      %dma_wait3A_233 = arith.constant 0 : i32
      %dma_wait3A_234 = arith.constant 0 : i32
      %dma_wait3A_235 = tpu.memref_slice %arg2[%dma_wait3A_233, %dma_wait3A_234] : memref<10000x144xf32, #tpu.memory_space<hbm>> -> memref<80x144xf32, #tpu.memory_space<hbm>>
      tpu.wait_dma2 semaphore(%arg13 : memref<!tpu.dma_semaphore, #tpu.memory_space<semaphore_mem>>) src(%dma_wait3A_235 : memref<80x144xf32, #tpu.memory_space<hbm>>) dst(%dma_wait3A_232 : memref<80x144xf32, #tpu.memory_space<vmem>>)
      %dma_wait3A_236 = arith.constant 0 : i32
      %dma_wait3A_237 = arith.constant 0 : i32
      %dma_wait3A_238 = arith.constant 0 : i32
      %dma_wait3A_239 = tpu.memref_slice %arg9[%dma_wait3A_236, %dma_wait3A_237, %dma_wait3A_238] : memref<2x80x32xf32, #tpu.memory_space<vmem>> -> memref<1x80x32xf32, #tpu.memory_space<vmem>>
      %dma_wait3A_240 = tpu.memref_squeeze %dma_wait3A_239 : memref<1x80x32xf32, #tpu.memory_space<vmem>> -> memref<80x32xf32, #tpu.memory_space<vmem>>
      %dma_wait3A_241 = arith.constant 0 : i32
      %dma_wait3A_242 = arith.constant 16 : i32
      %dma_wait3A_243 = tpu.memref_slice %arg3[%dma_wait3A_241, %dma_wait3A_242] : memref<163840x128xf32, #tpu.memory_space<hbm>> -> memref<80x32xf32, #tpu.memory_space<hbm>>
      %dma_wait3A_244 = arith.constant 0 : i32
      %dma_wait3A_245 = arith.constant 0 : i32
      %dma_wait3A_246 = tpu.memref_slice %arg9[%dma_wait3A_236, %dma_wait3A_244, %dma_wait3A_245] : memref<2x80x32xf32, #tpu.memory_space<vmem>> -> memref<1x80x32xf32, #tpu.memory_space<vmem>>
      %dma_wait3A_247 = tpu.memref_squeeze %dma_wait3A_246 : memref<1x80x32xf32, #tpu.memory_space<vmem>> -> memref<80x32xf32, #tpu.memory_space<vmem>>
      %dma_wait3A_248 = arith.constant 0 : i32
      %dma_wait3A_249 = arith.constant 16 : i32
      %dma_wait3A_250 = tpu.memref_slice %arg3[%dma_wait3A_248, %dma_wait3A_249] : memref<163840x128xf32, #tpu.memory_space<hbm>> -> memref<80x32xf32, #tpu.memory_space<hbm>>
      tpu.wait_dma2 semaphore(%arg14 : memref<!tpu.dma_semaphore, #tpu.memory_space<semaphore_mem>>) src(%dma_wait3A_250 : memref<80x32xf32, #tpu.memory_space<hbm>>) dst(%dma_wait3A_247 : memref<80x32xf32, #tpu.memory_space<vmem>>)
      %scan3A_251 = arith.constant 0 : i32
      %scan3A_252 = arith.constant 0 : i32
      %scan3A_253 = arith.constant 0 : i32
      %scan3A_254 = arith.constant 80 : i32
      %scan3A_255 = arith.addi %scan3A_253, %scan3A_254 : i32
      %scan3A_256 = arith.constant 1 : i32
      scf.for %scan3A_322 = %scan3A_253 to %scan3A_255 step %scan3A_256  : i32 {
        %get3A = arith.constant 0 : i32
        %get3A_323 = arith.constant 0 : i32
        %get3A_324 = tpu.memref_slice %arg9[%scan3A_251, %get3A, %get3A_323] : memref<2x80x32xf32, #tpu.memory_space<vmem>> -> memref<1x80x32xf32, #tpu.memory_space<vmem>>
        %get3A_325 = tpu.memref_squeeze %get3A_324 : memref<1x80x32xf32, #tpu.memory_space<vmem>> -> memref<80x32xf32, #tpu.memory_space<vmem>>
        %get3A_326 = arith.index_cast %scan3A_322 : i32 to index
        %get3A_327 = arith.constant 0 : index
        %get3A_328 = tpu.vector_load %get3A_325[%get3A_326, %get3A_327] {strides = array<i32>} : memref<80x32xf32, #tpu.memory_space<vmem>>, vector<1x16xf32>,
        %get3A_329 = vector.shape_cast %get3A_328 : vector<1x16xf32> to vector<16xf32>
        %get3A_330 = arith.constant 0 : i32
        %get3A_331 = arith.constant 0 : i32
        %get3A_332 = tpu.memref_slice %arg8[%scan3A_252, %get3A_330, %get3A_331] : memref<2x80x144xf32, #tpu.memory_space<vmem>> -> memref<1x80x144xf32, #tpu.memory_space<vmem>>
        %get3A_333 = tpu.memref_squeeze %get3A_332 : memref<1x80x144xf32, #tpu.memory_space<vmem>> -> memref<80x144xf32, #tpu.memory_space<vmem>>
        %get3A_334 = arith.index_cast %scan3A_322 : i32 to index
        %get3A_335 = arith.constant 0 : index
        %get3A_336 = tpu.vector_load %get3A_333[%get3A_334, %get3A_335] {strides = array<i32>} : memref<80x144xf32, #tpu.memory_space<vmem>>, vector<1x16xf32>,
        %get3A_337 = vector.shape_cast %get3A_336 : vector<1x16xf32> to vector<16xf32>
        %slice3A = vector.extract_strided_slice %get3A_329 {offsets = [0], sizes = [1], strides = [1]} : vector<16xf32> to vector<1xf32>
        %squeeze3A = vector.extract %slice3A[0] : f32 from vector<1xf32>
        %mul3A_338 = vector.broadcast %squeeze3A : f32 to vector<16xf32>
        %mul3A_339 = arith.mulf %get3A_337, %mul3A_338 : vector<16xf32>
        %get3A_340 = arith.constant 0 : i32
        %get3A_341 = arith.constant 0 : i32
        %get3A_342 = tpu.memref_slice %arg8[%scan3A_252, %get3A_340, %get3A_341] : memref<2x80x144xf32, #tpu.memory_space<vmem>> -> memref<1x80x144xf32, #tpu.memory_space<vmem>>
        %get3A_343 = tpu.memref_squeeze %get3A_342 : memref<1x80x144xf32, #tpu.memory_space<vmem>> -> memref<80x144xf32, #tpu.memory_space<vmem>>
        %get3A_344 = arith.index_cast %scan3A_322 : i32 to index
        %get3A_345 = arith.constant 16 : index
        %get3A_346 = tpu.vector_load %get3A_343[%get3A_344, %get3A_345] {strides = array<i32>} : memref<80x144xf32, #tpu.memory_space<vmem>>, vector<1x16xf32>,
        %get3A_347 = vector.shape_cast %get3A_346 : vector<1x16xf32> to vector<16xf32>
        %slice3A_348 = vector.extract_strided_slice %get3A_329 {offsets = [1], sizes = [1], strides = [1]} : vector<16xf32> to vector<1xf32>
        %squeeze3A_349 = vector.extract %slice3A_348[0] : f32 from vector<1xf32>
        %mul3A_350 = vector.broadcast %squeeze3A_349 : f32 to vector<16xf32>
        %mul3A_351 = arith.mulf %get3A_347, %mul3A_350 : vector<16xf32>
        %add3A_352 = arith.addf %mul3A_339, %mul3A_351 : vector<16xf32>
        %get3A_353 = arith.constant 0 : i32
        %get3A_354 = arith.constant 0 : i32
        %get3A_355 = tpu.memref_slice %arg8[%scan3A_252, %get3A_353, %get3A_354] : memref<2x80x144xf32, #tpu.memory_space<vmem>> -> memref<1x80x144xf32, #tpu.memory_space<vmem>>
        %get3A_356 = tpu.memref_squeeze %get3A_355 : memref<1x80x144xf32, #tpu.memory_space<vmem>> -> memref<80x144xf32, #tpu.memory_space<vmem>>
        %get3A_357 = arith.index_cast %scan3A_322 : i32 to index
        %get3A_358 = arith.constant 32 : index
        %get3A_359 = tpu.vector_load %get3A_356[%get3A_357, %get3A_358] {strides = array<i32>} : memref<80x144xf32, #tpu.memory_space<vmem>>, vector<1x16xf32>,
        %get3A_360 = vector.shape_cast %get3A_359 : vector<1x16xf32> to vector<16xf32>
        %slice3A_361 = vector.extract_strided_slice %get3A_329 {offsets = [2], sizes = [1], strides = [1]} : vector<16xf32> to vector<1xf32>
        %squeeze3A_362 = vector.extract %slice3A_361[0] : f32 from vector<1xf32>
        %mul3A_363 = vector.broadcast %squeeze3A_362 : f32 to vector<16xf32>
        %mul3A_364 = arith.mulf %get3A_360, %mul3A_363 : vector<16xf32>
        %add3A_365 = arith.addf %add3A_352, %mul3A_364 : vector<16xf32>
        %get3A_366 = arith.constant 0 : i32
        %get3A_367 = arith.constant 0 : i32
        %get3A_368 = tpu.memref_slice %arg8[%scan3A_252, %get3A_366, %get3A_367] : memref<2x80x144xf32, #tpu.memory_space<vmem>> -> memref<1x80x144xf32, #tpu.memory_space<vmem>>
        %get3A_369 = tpu.memref_squeeze %get3A_368 : memref<1x80x144xf32, #tpu.memory_space<vmem>> -> memref<80x144xf32, #tpu.memory_space<vmem>>
        %get3A_370 = arith.index_cast %scan3A_322 : i32 to index
        %get3A_371 = arith.constant 48 : index
        %get3A_372 = tpu.vector_load %get3A_369[%get3A_370, %get3A_371] {strides = array<i32>} : memref<80x144xf32, #tpu.memory_space<vmem>>, vector<1x16xf32>,
        %get3A_373 = vector.shape_cast %get3A_372 : vector<1x16xf32> to vector<16xf32>
        %slice3A_374 = vector.extract_strided_slice %get3A_329 {offsets = [3], sizes = [1], strides = [1]} : vector<16xf32> to vector<1xf32>
        %squeeze3A_375 = vector.extract %slice3A_374[0] : f32 from vector<1xf32>
        %mul3A_376 = vector.broadcast %squeeze3A_375 : f32 to vector<16xf32>
        %mul3A_377 = arith.mulf %get3A_373, %mul3A_376 : vector<16xf32>
        %add3A_378 = arith.addf %add3A_365, %mul3A_377 : vector<16xf32>
        %get3A_379 = arith.constant 0 : i32
        %get3A_380 = arith.constant 0 : i32
        %get3A_381 = tpu.memref_slice %arg8[%scan3A_252, %get3A_379, %get3A_380] : memref<2x80x144xf32, #tpu.memory_space<vmem>> -> memref<1x80x144xf32, #tpu.memory_space<vmem>>
        %get3A_382 = tpu.memref_squeeze %get3A_381 : memref<1x80x144xf32, #tpu.memory_space<vmem>> -> memref<80x144xf32, #tpu.memory_space<vmem>>
        %get3A_383 = arith.index_cast %scan3A_322 : i32 to index
        %get3A_384 = arith.constant 64 : index
        %get3A_385 = tpu.vector_load %get3A_382[%get3A_383, %get3A_384] {strides = array<i32>} : memref<80x144xf32, #tpu.memory_space<vmem>>, vector<1x16xf32>,
        %get3A_386 = vector.shape_cast %get3A_385 : vector<1x16xf32> to vector<16xf32>
        %slice3A_387 = vector.extract_strided_slice %get3A_329 {offsets = [4], sizes = [1], strides = [1]} : vector<16xf32> to vector<1xf32>
        %squeeze3A_388 = vector.extract %slice3A_387[0] : f32 from vector<1xf32>
        %mul3A_389 = vector.broadcast %squeeze3A_388 : f32 to vector<16xf32>
        %mul3A_390 = arith.mulf %get3A_386, %mul3A_389 : vector<16xf32>
        %add3A_391 = arith.addf %add3A_378, %mul3A_390 : vector<16xf32>
        %get3A_392 = arith.constant 0 : i32
        %get3A_393 = arith.constant 0 : i32
        %get3A_394 = tpu.memref_slice %arg8[%scan3A_252, %get3A_392, %get3A_393] : memref<2x80x144xf32, #tpu.memory_space<vmem>> -> memref<1x80x144xf32, #tpu.memory_space<vmem>>
        %get3A_395 = tpu.memref_squeeze %get3A_394 : memref<1x80x144xf32, #tpu.memory_space<vmem>> -> memref<80x144xf32, #tpu.memory_space<vmem>>
        %get3A_396 = arith.index_cast %scan3A_322 : i32 to index
        %get3A_397 = arith.constant 80 : index
        %get3A_398 = tpu.vector_load %get3A_395[%get3A_396, %get3A_397] {strides = array<i32>} : memref<80x144xf32, #tpu.memory_space<vmem>>, vector<1x16xf32>,
        %get3A_399 = vector.shape_cast %get3A_398 : vector<1x16xf32> to vector<16xf32>
        %slice3A_400 = vector.extract_strided_slice %get3A_329 {offsets = [5], sizes = [1], strides = [1]} : vector<16xf32> to vector<1xf32>
        %squeeze3A_401 = vector.extract %slice3A_400[0] : f32 from vector<1xf32>
        %mul3A_402 = vector.broadcast %squeeze3A_401 : f32 to vector<16xf32>
        %mul3A_403 = arith.mulf %get3A_399, %mul3A_402 : vector<16xf32>
        %add3A_404 = arith.addf %add3A_391, %mul3A_403 : vector<16xf32>
        %get3A_405 = arith.constant 0 : i32
        %get3A_406 = arith.constant 0 : i32
        %get3A_407 = tpu.memref_slice %arg8[%scan3A_252, %get3A_405, %get3A_406] : memref<2x80x144xf32, #tpu.memory_space<vmem>> -> memref<1x80x144xf32, #tpu.memory_space<vmem>>
        %get3A_408 = tpu.memref_squeeze %get3A_407 : memref<1x80x144xf32, #tpu.memory_space<vmem>> -> memref<80x144xf32, #tpu.memory_space<vmem>>
        %get3A_409 = arith.index_cast %scan3A_322 : i32 to index
        %get3A_410 = arith.constant 96 : index
        %get3A_411 = tpu.vector_load %get3A_408[%get3A_409, %get3A_410] {strides = array<i32>} : memref<80x144xf32, #tpu.memory_space<vmem>>, vector<1x16xf32>,
        %get3A_412 = vector.shape_cast %get3A_411 : vector<1x16xf32> to vector<16xf32>
        %slice3A_413 = vector.extract_strided_slice %get3A_329 {offsets = [6], sizes = [1], strides = [1]} : vector<16xf32> to vector<1xf32>
        %squeeze3A_414 = vector.extract %slice3A_413[0] : f32 from vector<1xf32>
        %mul3A_415 = vector.broadcast %squeeze3A_414 : f32 to vector<16xf32>
        %mul3A_416 = arith.mulf %get3A_412, %mul3A_415 : vector<16xf32>
        %add3A_417 = arith.addf %add3A_404, %mul3A_416 : vector<16xf32>
        %get3A_418 = arith.constant 0 : i32
        %get3A_419 = arith.constant 0 : i32
        %get3A_420 = tpu.memref_slice %arg8[%scan3A_252, %get3A_418, %get3A_419] : memref<2x80x144xf32, #tpu.memory_space<vmem>> -> memref<1x80x144xf32, #tpu.memory_space<vmem>>
        %get3A_421 = tpu.memref_squeeze %get3A_420 : memref<1x80x144xf32, #tpu.memory_space<vmem>> -> memref<80x144xf32, #tpu.memory_space<vmem>>
        %get3A_422 = arith.index_cast %scan3A_322 : i32 to index
        %get3A_423 = arith.constant 112 : index
        %get3A_424 = tpu.vector_load %get3A_421[%get3A_422, %get3A_423] {strides = array<i32>} : memref<80x144xf32, #tpu.memory_space<vmem>>, vector<1x16xf32>,
        %get3A_425 = vector.shape_cast %get3A_424 : vector<1x16xf32> to vector<16xf32>
        %slice3A_426 = vector.extract_strided_slice %get3A_329 {offsets = [7], sizes = [1], strides = [1]} : vector<16xf32> to vector<1xf32>
        %squeeze3A_427 = vector.extract %slice3A_426[0] : f32 from vector<1xf32>
        %mul3A_428 = vector.broadcast %squeeze3A_427 : f32 to vector<16xf32>
        %mul3A_429 = arith.mulf %get3A_425, %mul3A_428 : vector<16xf32>
        %add3A_430 = arith.addf %add3A_417, %mul3A_429 : vector<16xf32>
        %get3A_431 = arith.constant 0 : i32
        %get3A_432 = arith.constant 0 : i32
        %get3A_433 = tpu.memref_slice %arg8[%scan3A_252, %get3A_431, %get3A_432] : memref<2x80x144xf32, #tpu.memory_space<vmem>> -> memref<1x80x144xf32, #tpu.memory_space<vmem>>
        %get3A_434 = tpu.memref_squeeze %get3A_433 : memref<1x80x144xf32, #tpu.memory_space<vmem>> -> memref<80x144xf32, #tpu.memory_space<vmem>>
        %get3A_435 = arith.index_cast %scan3A_322 : i32 to index
        %get3A_436 = arith.constant 128 : index
        %get3A_437 = tpu.vector_load %get3A_434[%get3A_435, %get3A_436] {strides = array<i32>} : memref<80x144xf32, #tpu.memory_space<vmem>>, vector<1x16xf32>,
        %get3A_438 = vector.shape_cast %get3A_437 : vector<1x16xf32> to vector<16xf32>
        %slice3A_439 = vector.extract_strided_slice %get3A_329 {offsets = [8], sizes = [1], strides = [1]} : vector<16xf32> to vector<1xf32>
        %squeeze3A_440 = vector.extract %slice3A_439[0] : f32 from vector<1xf32>
        %mul3A_441 = vector.broadcast %squeeze3A_440 : f32 to vector<16xf32>
        %mul3A_442 = arith.mulf %get3A_438, %mul3A_441 : vector<16xf32>
        %add3A_443 = arith.addf %add3A_430, %mul3A_442 : vector<16xf32>
        %get3A_444 = arith.constant 0 : i32
        %get3A_445 = arith.constant 0 : i32
        %get3A_446 = tpu.memref_slice %arg9[%scan3A_251, %get3A_444, %get3A_445] : memref<2x80x32xf32, #tpu.memory_space<vmem>> -> memref<1x80x32xf32, #tpu.memory_space<vmem>>
        %get3A_447 = tpu.memref_squeeze %get3A_446 : memref<1x80x32xf32, #tpu.memory_space<vmem>> -> memref<80x32xf32, #tpu.memory_space<vmem>>
        %get3A_448 = arith.index_cast %scan3A_322 : i32 to index
        %get3A_449 = arith.constant 16 : index
        %get3A_450 = tpu.vector_load %get3A_447[%get3A_448, %get3A_449] {strides = array<i32>} : memref<80x32xf32, #tpu.memory_space<vmem>>, vector<1x16xf32>,
        %get3A_451 = vector.shape_cast %get3A_450 : vector<1x16xf32> to vector<16xf32>
        %mul3A_452 = arith.mulf %get3A_451, %add3A_443 : vector<16xf32>
        %slice3A_453 = vector.extract_strided_slice %get3A_329 {offsets = [0], sizes = [1], strides = [1]} : vector<16xf32> to vector<1xf32>
        %squeeze3A_454 = vector.extract %slice3A_453[0] : f32 from vector<1xf32>
        %mul3A_455 = vector.broadcast %squeeze3A_454 : f32 to vector<16xf32>
        %mul3A_456 = arith.mulf %mul3A_452, %mul3A_455 : vector<16xf32>
        %swap3A = arith.index_cast %scan3A_322 : i32 to index
        %swap3A_457 = arith.constant 0 : index
        %swap3A_458 = tpu.vector_load %arg10[%swap3A, %swap3A_457] {strides = array<i32>} : memref<80x144xf32, #tpu.memory_space<vmem>>, vector<1x16xf32>,
        %swap3A_459 = vector.shape_cast %swap3A_458 : vector<1x16xf32> to vector<16xf32>
        %swap3A_460 = vector.shape_cast %mul3A_456 : vector<16xf32> to vector<1x16xf32>
        tpu.vector_store %arg10[%swap3A, %swap3A_457], %swap3A_460 {strides = array<i32>} : memref<80x144xf32, #tpu.memory_space<vmem>>, vector<1x16xf32>,
        %slice3A_461 = vector.extract_strided_slice %get3A_329 {offsets = [1], sizes = [1], strides = [1]} : vector<16xf32> to vector<1xf32>
        %squeeze3A_462 = vector.extract %slice3A_461[0] : f32 from vector<1xf32>
        %mul3A_463 = vector.broadcast %squeeze3A_462 : f32 to vector<16xf32>
        %mul3A_464 = arith.mulf %mul3A_452, %mul3A_463 : vector<16xf32>
        %swap3A_465 = arith.index_cast %scan3A_322 : i32 to index
        %swap3A_466 = arith.constant 16 : index
        %swap3A_467 = tpu.vector_load %arg10[%swap3A_465, %swap3A_466] {strides = array<i32>} : memref<80x144xf32, #tpu.memory_space<vmem>>, vector<1x16xf32>,
        %swap3A_468 = vector.shape_cast %swap3A_467 : vector<1x16xf32> to vector<16xf32>
        %swap3A_469 = vector.shape_cast %mul3A_464 : vector<16xf32> to vector<1x16xf32>
        tpu.vector_store %arg10[%swap3A_465, %swap3A_466], %swap3A_469 {strides = array<i32>} : memref<80x144xf32, #tpu.memory_space<vmem>>, vector<1x16xf32>,
        %slice3A_470 = vector.extract_strided_slice %get3A_329 {offsets = [2], sizes = [1], strides = [1]} : vector<16xf32> to vector<1xf32>
        %squeeze3A_471 = vector.extract %slice3A_470[0] : f32 from vector<1xf32>
        %mul3A_472 = vector.broadcast %squeeze3A_471 : f32 to vector<16xf32>
        %mul3A_473 = arith.mulf %mul3A_452, %mul3A_472 : vector<16xf32>
        %swap3A_474 = arith.index_cast %scan3A_322 : i32 to index
        %swap3A_475 = arith.constant 32 : index
        %swap3A_476 = tpu.vector_load %arg10[%swap3A_474, %swap3A_475] {strides = array<i32>} : memref<80x144xf32, #tpu.memory_space<vmem>>, vector<1x16xf32>,
        %swap3A_477 = vector.shape_cast %swap3A_476 : vector<1x16xf32> to vector<16xf32>
        %swap3A_478 = vector.shape_cast %mul3A_473 : vector<16xf32> to vector<1x16xf32>
        tpu.vector_store %arg10[%swap3A_474, %swap3A_475], %swap3A_478 {strides = array<i32>} : memref<80x144xf32, #tpu.memory_space<vmem>>, vector<1x16xf32>,
        %slice3A_479 = vector.extract_strided_slice %get3A_329 {offsets = [3], sizes = [1], strides = [1]} : vector<16xf32> to vector<1xf32>
        %squeeze3A_480 = vector.extract %slice3A_479[0] : f32 from vector<1xf32>
        %mul3A_481 = vector.broadcast %squeeze3A_480 : f32 to vector<16xf32>
        %mul3A_482 = arith.mulf %mul3A_452, %mul3A_481 : vector<16xf32>
        %swap3A_483 = arith.index_cast %scan3A_322 : i32 to index
        %swap3A_484 = arith.constant 48 : index
        %swap3A_485 = tpu.vector_load %arg10[%swap3A_483, %swap3A_484] {strides = array<i32>} : memref<80x144xf32, #tpu.memory_space<vmem>>, vector<1x16xf32>,
        %swap3A_486 = vector.shape_cast %swap3A_485 : vector<1x16xf32> to vector<16xf32>
        %swap3A_487 = vector.shape_cast %mul3A_482 : vector<16xf32> to vector<1x16xf32>
        tpu.vector_store %arg10[%swap3A_483, %swap3A_484], %swap3A_487 {strides = array<i32>} : memref<80x144xf32, #tpu.memory_space<vmem>>, vector<1x16xf32>,
        %slice3A_488 = vector.extract_strided_slice %get3A_329 {offsets = [4], sizes = [1], strides = [1]} : vector<16xf32> to vector<1xf32>
        %squeeze3A_489 = vector.extract %slice3A_488[0] : f32 from vector<1xf32>
        %mul3A_490 = vector.broadcast %squeeze3A_489 : f32 to vector<16xf32>
        %mul3A_491 = arith.mulf %mul3A_452, %mul3A_490 : vector<16xf32>
        %swap3A_492 = arith.index_cast %scan3A_322 : i32 to index
        %swap3A_493 = arith.constant 64 : index
        %swap3A_494 = tpu.vector_load %arg10[%swap3A_492, %swap3A_493] {strides = array<i32>} : memref<80x144xf32, #tpu.memory_space<vmem>>, vector<1x16xf32>,
        %swap3A_495 = vector.shape_cast %swap3A_494 : vector<1x16xf32> to vector<16xf32>
        %swap3A_496 = vector.shape_cast %mul3A_491 : vector<16xf32> to vector<1x16xf32>
        tpu.vector_store %arg10[%swap3A_492, %swap3A_493], %swap3A_496 {strides = array<i32>} : memref<80x144xf32, #tpu.memory_space<vmem>>, vector<1x16xf32>,
        %slice3A_497 = vector.extract_strided_slice %get3A_329 {offsets = [5], sizes = [1], strides = [1]} : vector<16xf32> to vector<1xf32>
        %squeeze3A_498 = vector.extract %slice3A_497[0] : f32 from vector<1xf32>
        %mul3A_499 = vector.broadcast %squeeze3A_498 : f32 to vector<16xf32>
        %mul3A_500 = arith.mulf %mul3A_452, %mul3A_499 : vector<16xf32>
        %swap3A_501 = arith.index_cast %scan3A_322 : i32 to index
        %swap3A_502 = arith.constant 80 : index
        %swap3A_503 = tpu.vector_load %arg10[%swap3A_501, %swap3A_502] {strides = array<i32>} : memref<80x144xf32, #tpu.memory_space<vmem>>, vector<1x16xf32>,
        %swap3A_504 = vector.shape_cast %swap3A_503 : vector<1x16xf32> to vector<16xf32>
        %swap3A_505 = vector.shape_cast %mul3A_500 : vector<16xf32> to vector<1x16xf32>
        tpu.vector_store %arg10[%swap3A_501, %swap3A_502], %swap3A_505 {strides = array<i32>} : memref<80x144xf32, #tpu.memory_space<vmem>>, vector<1x16xf32>,
        %slice3A_506 = vector.extract_strided_slice %get3A_329 {offsets = [6], sizes = [1], strides = [1]} : vector<16xf32> to vector<1xf32>
        %squeeze3A_507 = vector.extract %slice3A_506[0] : f32 from vector<1xf32>
        %mul3A_508 = vector.broadcast %squeeze3A_507 : f32 to vector<16xf32>
        %mul3A_509 = arith.mulf %mul3A_452, %mul3A_508 : vector<16xf32>
        %swap3A_510 = arith.index_cast %scan3A_322 : i32 to index
        %swap3A_511 = arith.constant 96 : index
        %swap3A_512 = tpu.vector_load %arg10[%swap3A_510, %swap3A_511] {strides = array<i32>} : memref<80x144xf32, #tpu.memory_space<vmem>>, vector<1x16xf32>,
        %swap3A_513 = vector.shape_cast %swap3A_512 : vector<1x16xf32> to vector<16xf32>
        %swap3A_514 = vector.shape_cast %mul3A_509 : vector<16xf32> to vector<1x16xf32>
        tpu.vector_store %arg10[%swap3A_510, %swap3A_511], %swap3A_514 {strides = array<i32>} : memref<80x144xf32, #tpu.memory_space<vmem>>, vector<1x16xf32>,
        %slice3A_515 = vector.extract_strided_slice %get3A_329 {offsets = [7], sizes = [1], strides = [1]} : vector<16xf32> to vector<1xf32>
        %squeeze3A_516 = vector.extract %slice3A_515[0] : f32 from vector<1xf32>
        %mul3A_517 = vector.broadcast %squeeze3A_516 : f32 to vector<16xf32>
        %mul3A_518 = arith.mulf %mul3A_452, %mul3A_517 : vector<16xf32>
        %swap3A_519 = arith.index_cast %scan3A_322 : i32 to index
        %swap3A_520 = arith.constant 112 : index
        %swap3A_521 = tpu.vector_load %arg10[%swap3A_519, %swap3A_520] {strides = array<i32>} : memref<80x144xf32, #tpu.memory_space<vmem>>, vector<1x16xf32>,
        %swap3A_522 = vector.shape_cast %swap3A_521 : vector<1x16xf32> to vector<16xf32>
        %swap3A_523 = vector.shape_cast %mul3A_518 : vector<16xf32> to vector<1x16xf32>
        tpu.vector_store %arg10[%swap3A_519, %swap3A_520], %swap3A_523 {strides = array<i32>} : memref<80x144xf32, #tpu.memory_space<vmem>>, vector<1x16xf32>,
        %slice3A_524 = vector.extract_strided_slice %get3A_329 {offsets = [8], sizes = [1], strides = [1]} : vector<16xf32> to vector<1xf32>
        %squeeze3A_525 = vector.extract %slice3A_524[0] : f32 from vector<1xf32>
        %mul3A_526 = vector.broadcast %squeeze3A_525 : f32 to vector<16xf32>
        %mul3A_527 = arith.mulf %mul3A_452, %mul3A_526 : vector<16xf32>
        %swap3A_528 = arith.index_cast %scan3A_322 : i32 to index
        %swap3A_529 = arith.constant 128 : index
        %swap3A_530 = tpu.vector_load %arg10[%swap3A_528, %swap3A_529] {strides = array<i32>} : memref<80x144xf32, #tpu.memory_space<vmem>>, vector<1x16xf32>,
        %swap3A_531 = vector.shape_cast %swap3A_530 : vector<1x16xf32> to vector<16xf32>
        %swap3A_532 = vector.shape_cast %mul3A_527 : vector<16xf32> to vector<1x16xf32>
        tpu.vector_store %arg10[%swap3A_528, %swap3A_529], %swap3A_532 {strides = array<i32>} : memref<80x144xf32, #tpu.memory_space<vmem>>, vector<1x16xf32>,
      }
      %scan3A_257 = arith.constant 80 : i32
      %add3A_258 = arith.constant 2 : i32
      %add3A_259 = arith.addi %add3A_220, %add3A_258 : i32
      %lt3A_260 = arith.constant 64 : i32
      %lt3A_261 = arith.cmpi slt, %add3A_259, %lt3A_260 : i32
      %convert_element_type3A_262 = arith.extui %lt3A_261 : i1 to i32
      %cond3A_263 = arith.constant 0 : i32
      %cond3A_264 = arith.cmpi ne, %convert_element_type3A_262, %cond3A_263 : i32
      scf.if %cond3A_264 {
        %add3A_322 = arith.constant 2 : i32
        %add3A_323 = arith.addi %add3A_220, %add3A_322 : i32
        %dma_start3A_324 = arith.constant 0 : i32
        %dma_start3A_325 = arith.constant 0 : i32
        %dma_start3A_326 = arith.constant 0 : i32
        %dma_start3A_327 = arith.constant 0 : i32
        %dma_start3A_328 = tpu.memref_slice %arg8[%dma_start3A_325, %dma_start3A_326, %dma_start3A_327] : memref<2x80x144xf32, #tpu.memory_space<vmem>> -> memref<1x80x144xf32, #tpu.memory_space<vmem>>
        %dma_start3A_329 = tpu.memref_squeeze %dma_start3A_328 : memref<1x80x144xf32, #tpu.memory_space<vmem>> -> memref<80x144xf32, #tpu.memory_space<vmem>>
        %dma_start3A_330 = arith.constant 0 : i32
        %dma_start3A_331 = tpu.memref_slice %arg7[%select_n3A_117, %dma_start3A_324, %dma_start3A_330] : memref<2x8x80xi32, #tpu.memory_space<vmem>> -> memref<1x1x80xi32, #tpu.memory_space<vmem>>
        %dma_start3A_332 = tpu.memref_squeeze %dma_start3A_331 : memref<1x1x80xi32, #tpu.memory_space<vmem>> -> memref<80xi32, #tpu.memory_space<vmem>>
        %dma_start3A_333 = arith.constant 0 : i32
        %dma_start3A_334 = arith.constant 0 : i32
        %dma_start3A_335 = tpu.memref_slice %arg2[%dma_start3A_333, %dma_start3A_334] : memref<10000x144xf32, #tpu.memory_space<hbm>> -> memref<10000x144xf32, #tpu.memory_space<hbm>>
        tpu.enqueue_indirect_dma source(%dma_start3A_335 : memref<10000x144xf32, #tpu.memory_space<hbm>>) target(%dma_start3A_329 : memref<80x144xf32, #tpu.memory_space<vmem>>) offsets(%dma_start3A_332 : memref<80xi32, #tpu.memory_space<vmem>>) semaphore(%arg13 : memref<!tpu.dma_semaphore, #tpu.memory_space<semaphore_mem>>)
        %mul3A_336 = arith.constant 80 : i32
        %mul3A_337 = arith.muli %add3A_323, %mul3A_336 : i32
        %add3A_338 = arith.addi %mul3A_2, %mul3A_337 : i32
        %dma_start3A_339 = arith.constant 0 : i32
        %dma_start3A_340 = arith.constant 0 : i32
        %dma_start3A_341 = arith.constant 0 : i32
        %dma_start3A_342 = tpu.memref_slice %arg9[%dma_start3A_339, %dma_start3A_340, %dma_start3A_341] : memref<2x80x32xf32, #tpu.memory_space<vmem>> -> memref<1x80x32xf32, #tpu.memory_space<vmem>>
        %dma_start3A_343 = tpu.memref_squeeze %dma_start3A_342 : memref<1x80x32xf32, #tpu.memory_space<vmem>> -> memref<80x32xf32, #tpu.memory_space<vmem>>
        %dma_start3A_344 = arith.constant 16 : i32
        %dma_start3A_345 = tpu.memref_slice %arg3[%add3A_338, %dma_start3A_344] : memref<163840x128xf32, #tpu.memory_space<hbm>> -> memref<80x32xf32, #tpu.memory_space<hbm>>
        %dma_start3A_346 = arith.constant 0 : i32
        %dma_start3A_347 = arith.constant 0 : i32
        %dma_start3A_348 = tpu.memref_slice %arg9[%dma_start3A_339, %dma_start3A_346, %dma_start3A_347] : memref<2x80x32xf32, #tpu.memory_space<vmem>> -> memref<1x80x32xf32, #tpu.memory_space<vmem>>
        %dma_start3A_349 = tpu.memref_squeeze %dma_start3A_348 : memref<1x80x32xf32, #tpu.memory_space<vmem>> -> memref<80x32xf32, #tpu.memory_space<vmem>>
        %dma_start3A_350 = arith.constant 16 : i32
        %dma_start3A_351 = tpu.memref_slice %arg3[%add3A_338, %dma_start3A_350] : memref<163840x128xf32, #tpu.memory_space<hbm>> -> memref<80x32xf32, #tpu.memory_space<hbm>>
        tpu.enqueue_dma source(%dma_start3A_351 : memref<80x32xf32, #tpu.memory_space<hbm>>) target(%dma_start3A_349 : memref<80x32xf32, #tpu.memory_space<vmem>>) target_semaphore(%arg14 : memref<!tpu.dma_semaphore, #tpu.memory_space<semaphore_mem>>)
      } else {
      }
      %run_scoped3A_265 = arith.constant 5 : i32
      "tpu.region"() ({
        %run_scoped3A_322 = tpu.sem_alloc : memref<!tpu.dma_semaphore, #tpu.memory_space<semaphore_mem>>
        %dma_start3A_323 = arith.constant 0 : i32
        %dma_start3A_324 = tpu.memref_slice %arg7[%select_n3A_99, %run_scoped3A_265, %dma_start3A_323] : memref<2x8x80xi32, #tpu.memory_space<vmem>> -> memref<1x1x80xi32, #tpu.memory_space<vmem>>
        %dma_start3A_325 = tpu.memref_squeeze %dma_start3A_324 : memref<1x1x80xi32, #tpu.memory_space<vmem>> -> memref<80xi32, #tpu.memory_space<vmem>>
        %dma_start3A_326 = arith.constant 0 : i32
        %dma_start3A_327 = arith.constant 0 : i32
        %dma_start3A_328 = tpu.memref_slice %arg11[%dma_start3A_326, %dma_start3A_327] : memref<10000x144xf32, #tpu.memory_space<vmem_shared>> -> memref<10000x144xf32, #tpu.memory_space<vmem_shared>>
        tpu.enqueue_indirect_dma source(%arg10 : memref<80x144xf32, #tpu.memory_space<vmem>>) target(%dma_start3A_328 : memref<10000x144xf32, #tpu.memory_space<vmem_shared>>) offsets(%dma_start3A_325 : memref<80xi32, #tpu.memory_space<vmem>>) semaphore(%run_scoped3A_322 : memref<!tpu.dma_semaphore, #tpu.memory_space<semaphore_mem>>) {add = true}
        %dma_wait3A_329 = arith.constant 0 : i32
        %dma_wait3A_330 = tpu.memref_slice %arg7[%select_n3A_99, %run_scoped3A_265, %dma_wait3A_329] : memref<2x8x80xi32, #tpu.memory_space<vmem>> -> memref<1x1x80xi32, #tpu.memory_space<vmem>>
        %dma_wait3A_331 = tpu.memref_squeeze %dma_wait3A_330 : memref<1x1x80xi32, #tpu.memory_space<vmem>> -> memref<80xi32, #tpu.memory_space<vmem>>
        %dma_wait3A_332 = arith.constant 0 : i32
        %dma_wait3A_333 = arith.constant 0 : i32
        %dma_wait3A_334 = tpu.memref_slice %arg11[%dma_wait3A_332, %dma_wait3A_333] : memref<10000x144xf32, #tpu.memory_space<vmem_shared>> -> memref<10000x144xf32, #tpu.memory_space<vmem_shared>>
        tpu.wait_indirect_dma semaphore(%run_scoped3A_322 : memref<!tpu.dma_semaphore, #tpu.memory_space<semaphore_mem>>) src(%arg10 : memref<80x144xf32, #tpu.memory_space<vmem>>) dst(%dma_wait3A_334 : memref<10000x144xf32, #tpu.memory_space<vmem_shared>>)
        tpu.yield
      }) : () -> ()
      %mul3A_266 = arith.constant 4 : i32
      %mul3A_267 = arith.muli %scan3A_90, %mul3A_266 : i32
      %add3A_268 = arith.constant 3 : i32
      %add3A_269 = arith.addi %mul3A_267, %add3A_268 : i32
      %dma_wait3A_270 = arith.constant 1 : i32
      %dma_wait3A_271 = arith.constant 0 : i32
      %dma_wait3A_272 = arith.constant 0 : i32
      %dma_wait3A_273 = tpu.memref_slice %arg8[%dma_wait3A_270, %dma_wait3A_271, %dma_wait3A_272] : memref<2x80x144xf32, #tpu.memory_space<vmem>> -> memref<1x80x144xf32, #tpu.memory_space<vmem>>
      %dma_wait3A_274 = tpu.memref_squeeze %dma_wait3A_273 : memref<1x80x144xf32, #tpu.memory_space<vmem>> -> memref<80x144xf32, #tpu.memory_space<vmem>>
      %dma_wait3A_275 = arith.constant 0 : i32
      %dma_wait3A_276 = arith.constant 0 : i32
      %dma_wait3A_277 = tpu.memref_slice %arg2[%dma_wait3A_275, %dma_wait3A_276] : memref<10000x144xf32, #tpu.memory_space<hbm>> -> memref<80x144xf32, #tpu.memory_space<hbm>>
      %dma_wait3A_278 = arith.constant 0 : i32
      %dma_wait3A_279 = arith.constant 0 : i32
      %dma_wait3A_280 = tpu.memref_slice %arg8[%dma_wait3A_270, %dma_wait3A_278, %dma_wait3A_279] : memref<2x80x144xf32, #tpu.memory_space<vmem>> -> memref<1x80x144xf32, #tpu.memory_space<vmem>>
      %dma_wait3A_281 = tpu.memref_squeeze %dma_wait3A_280 : memref<1x80x144xf32, #tpu.memory_space<vmem>> -> memref<80x144xf32, #tpu.memory_space<vmem>>
      %dma_wait3A_282 = arith.constant 0 : i32
      %dma_wait3A_283 = arith.constant 0 : i32
      %dma_wait3A_284 = tpu.memref_slice %arg2[%dma_wait3A_282, %dma_wait3A_283] : memref<10000x144xf32, #tpu.memory_space<hbm>> -> memref<80x144xf32, #tpu.memory_space<hbm>>
      tpu.wait_dma2 semaphore(%arg13 : memref<!tpu.dma_semaphore, #tpu.memory_space<semaphore_mem>>) src(%dma_wait3A_284 : memref<80x144xf32, #tpu.memory_space<hbm>>) dst(%dma_wait3A_281 : memref<80x144xf32, #tpu.memory_space<vmem>>)
      %dma_wait3A_285 = arith.constant 1 : i32
      %dma_wait3A_286 = arith.constant 0 : i32
      %dma_wait3A_287 = arith.constant 0 : i32
      %dma_wait3A_288 = tpu.memref_slice %arg9[%dma_wait3A_285, %dma_wait3A_286, %dma_wait3A_287] : memref<2x80x32xf32, #tpu.memory_space<vmem>> -> memref<1x80x32xf32, #tpu.memory_space<vmem>>
      %dma_wait3A_289 = tpu.memref_squeeze %dma_wait3A_288 : memref<1x80x32xf32, #tpu.memory_space<vmem>> -> memref<80x32xf32, #tpu.memory_space<vmem>>
      %dma_wait3A_290 = arith.constant 0 : i32
      %dma_wait3A_291 = arith.constant 16 : i32
      %dma_wait3A_292 = tpu.memref_slice %arg3[%dma_wait3A_290, %dma_wait3A_291] : memref<163840x128xf32, #tpu.memory_space<hbm>> -> memref<80x32xf32, #tpu.memory_space<hbm>>
      %dma_wait3A_293 = arith.constant 0 : i32
      %dma_wait3A_294 = arith.constant 0 : i32
      %dma_wait3A_295 = tpu.memref_slice %arg9[%dma_wait3A_285, %dma_wait3A_293, %dma_wait3A_294] : memref<2x80x32xf32, #tpu.memory_space<vmem>> -> memref<1x80x32xf32, #tpu.memory_space<vmem>>
      %dma_wait3A_296 = tpu.memref_squeeze %dma_wait3A_295 : memref<1x80x32xf32, #tpu.memory_space<vmem>> -> memref<80x32xf32, #tpu.memory_space<vmem>>
      %dma_wait3A_297 = arith.constant 0 : i32
      %dma_wait3A_298 = arith.constant 16 : i32
      %dma_wait3A_299 = tpu.memref_slice %arg3[%dma_wait3A_297, %dma_wait3A_298] : memref<163840x128xf32, #tpu.memory_space<hbm>> -> memref<80x32xf32, #tpu.memory_space<hbm>>
      tpu.wait_dma2 semaphore(%arg14 : memref<!tpu.dma_semaphore, #tpu.memory_space<semaphore_mem>>) src(%dma_wait3A_299 : memref<80x32xf32, #tpu.memory_space<hbm>>) dst(%dma_wait3A_296 : memref<80x32xf32, #tpu.memory_space<vmem>>)
      %scan3A_300 = arith.constant 1 : i32
      %scan3A_301 = arith.constant 1 : i32
      %scan3A_302 = arith.constant 0 : i32
      %scan3A_303 = arith.constant 80 : i32
      %scan3A_304 = arith.addi %scan3A_302, %scan3A_303 : i32
      %scan3A_305 = arith.constant 1 : i32
      scf.for %scan3A_322 = %scan3A_302 to %scan3A_304 step %scan3A_305  : i32 {
        %get3A = arith.constant 0 : i32
        %get3A_323 = arith.constant 0 : i32
        %get3A_324 = tpu.memref_slice %arg9[%scan3A_300, %get3A, %get3A_323] : memref<2x80x32xf32, #tpu.memory_space<vmem>> -> memref<1x80x32xf32, #tpu.memory_space<vmem>>
        %get3A_325 = tpu.memref_squeeze %get3A_324 : memref<1x80x32xf32, #tpu.memory_space<vmem>> -> memref<80x32xf32, #tpu.memory_space<vmem>>
        %get3A_326 = arith.index_cast %scan3A_322 : i32 to index
        %get3A_327 = arith.constant 0 : index
        %get3A_328 = tpu.vector_load %get3A_325[%get3A_326, %get3A_327] {strides = array<i32>} : memref<80x32xf32, #tpu.memory_space<vmem>>, vector<1x16xf32>,
        %get3A_329 = vector.shape_cast %get3A_328 : vector<1x16xf32> to vector<16xf32>
        %get3A_330 = arith.constant 0 : i32
        %get3A_331 = arith.constant 0 : i32
        %get3A_332 = tpu.memref_slice %arg8[%scan3A_301, %get3A_330, %get3A_331] : memref<2x80x144xf32, #tpu.memory_space<vmem>> -> memref<1x80x144xf32, #tpu.memory_space<vmem>>
        %get3A_333 = tpu.memref_squeeze %get3A_332 : memref<1x80x144xf32, #tpu.memory_space<vmem>> -> memref<80x144xf32, #tpu.memory_space<vmem>>
        %get3A_334 = arith.index_cast %scan3A_322 : i32 to index
        %get3A_335 = arith.constant 0 : index
        %get3A_336 = tpu.vector_load %get3A_333[%get3A_334, %get3A_335] {strides = array<i32>} : memref<80x144xf32, #tpu.memory_space<vmem>>, vector<1x16xf32>,
        %get3A_337 = vector.shape_cast %get3A_336 : vector<1x16xf32> to vector<16xf32>
        %slice3A = vector.extract_strided_slice %get3A_329 {offsets = [0], sizes = [1], strides = [1]} : vector<16xf32> to vector<1xf32>
        %squeeze3A = vector.extract %slice3A[0] : f32 from vector<1xf32>
        %mul3A_338 = vector.broadcast %squeeze3A : f32 to vector<16xf32>
        %mul3A_339 = arith.mulf %get3A_337, %mul3A_338 : vector<16xf32>
        %get3A_340 = arith.constant 0 : i32
        %get3A_341 = arith.constant 0 : i32
        %get3A_342 = tpu.memref_slice %arg8[%scan3A_301, %get3A_340, %get3A_341] : memref<2x80x144xf32, #tpu.memory_space<vmem>> -> memref<1x80x144xf32, #tpu.memory_space<vmem>>
        %get3A_343 = tpu.memref_squeeze %get3A_342 : memref<1x80x144xf32, #tpu.memory_space<vmem>> -> memref<80x144xf32, #tpu.memory_space<vmem>>
        %get3A_344 = arith.index_cast %scan3A_322 : i32 to index
        %get3A_345 = arith.constant 16 : index
        %get3A_346 = tpu.vector_load %get3A_343[%get3A_344, %get3A_345] {strides = array<i32>} : memref<80x144xf32, #tpu.memory_space<vmem>>, vector<1x16xf32>,
        %get3A_347 = vector.shape_cast %get3A_346 : vector<1x16xf32> to vector<16xf32>
        %slice3A_348 = vector.extract_strided_slice %get3A_329 {offsets = [1], sizes = [1], strides = [1]} : vector<16xf32> to vector<1xf32>
        %squeeze3A_349 = vector.extract %slice3A_348[0] : f32 from vector<1xf32>
        %mul3A_350 = vector.broadcast %squeeze3A_349 : f32 to vector<16xf32>
        %mul3A_351 = arith.mulf %get3A_347, %mul3A_350 : vector<16xf32>
        %add3A_352 = arith.addf %mul3A_339, %mul3A_351 : vector<16xf32>
        %get3A_353 = arith.constant 0 : i32
        %get3A_354 = arith.constant 0 : i32
        %get3A_355 = tpu.memref_slice %arg8[%scan3A_301, %get3A_353, %get3A_354] : memref<2x80x144xf32, #tpu.memory_space<vmem>> -> memref<1x80x144xf32, #tpu.memory_space<vmem>>
        %get3A_356 = tpu.memref_squeeze %get3A_355 : memref<1x80x144xf32, #tpu.memory_space<vmem>> -> memref<80x144xf32, #tpu.memory_space<vmem>>
        %get3A_357 = arith.index_cast %scan3A_322 : i32 to index
        %get3A_358 = arith.constant 32 : index
        %get3A_359 = tpu.vector_load %get3A_356[%get3A_357, %get3A_358] {strides = array<i32>} : memref<80x144xf32, #tpu.memory_space<vmem>>, vector<1x16xf32>,
        %get3A_360 = vector.shape_cast %get3A_359 : vector<1x16xf32> to vector<16xf32>
        %slice3A_361 = vector.extract_strided_slice %get3A_329 {offsets = [2], sizes = [1], strides = [1]} : vector<16xf32> to vector<1xf32>
        %squeeze3A_362 = vector.extract %slice3A_361[0] : f32 from vector<1xf32>
        %mul3A_363 = vector.broadcast %squeeze3A_362 : f32 to vector<16xf32>
        %mul3A_364 = arith.mulf %get3A_360, %mul3A_363 : vector<16xf32>
        %add3A_365 = arith.addf %add3A_352, %mul3A_364 : vector<16xf32>
        %get3A_366 = arith.constant 0 : i32
        %get3A_367 = arith.constant 0 : i32
        %get3A_368 = tpu.memref_slice %arg8[%scan3A_301, %get3A_366, %get3A_367] : memref<2x80x144xf32, #tpu.memory_space<vmem>> -> memref<1x80x144xf32, #tpu.memory_space<vmem>>
        %get3A_369 = tpu.memref_squeeze %get3A_368 : memref<1x80x144xf32, #tpu.memory_space<vmem>> -> memref<80x144xf32, #tpu.memory_space<vmem>>
        %get3A_370 = arith.index_cast %scan3A_322 : i32 to index
        %get3A_371 = arith.constant 48 : index
        %get3A_372 = tpu.vector_load %get3A_369[%get3A_370, %get3A_371] {strides = array<i32>} : memref<80x144xf32, #tpu.memory_space<vmem>>, vector<1x16xf32>,
        %get3A_373 = vector.shape_cast %get3A_372 : vector<1x16xf32> to vector<16xf32>
        %slice3A_374 = vector.extract_strided_slice %get3A_329 {offsets = [3], sizes = [1], strides = [1]} : vector<16xf32> to vector<1xf32>
        %squeeze3A_375 = vector.extract %slice3A_374[0] : f32 from vector<1xf32>
        %mul3A_376 = vector.broadcast %squeeze3A_375 : f32 to vector<16xf32>
        %mul3A_377 = arith.mulf %get3A_373, %mul3A_376 : vector<16xf32>
        %add3A_378 = arith.addf %add3A_365, %mul3A_377 : vector<16xf32>
        %get3A_379 = arith.constant 0 : i32
        %get3A_380 = arith.constant 0 : i32
        %get3A_381 = tpu.memref_slice %arg8[%scan3A_301, %get3A_379, %get3A_380] : memref<2x80x144xf32, #tpu.memory_space<vmem>> -> memref<1x80x144xf32, #tpu.memory_space<vmem>>
        %get3A_382 = tpu.memref_squeeze %get3A_381 : memref<1x80x144xf32, #tpu.memory_space<vmem>> -> memref<80x144xf32, #tpu.memory_space<vmem>>
        %get3A_383 = arith.index_cast %scan3A_322 : i32 to index
        %get3A_384 = arith.constant 64 : index
        %get3A_385 = tpu.vector_load %get3A_382[%get3A_383, %get3A_384] {strides = array<i32>} : memref<80x144xf32, #tpu.memory_space<vmem>>, vector<1x16xf32>,
        %get3A_386 = vector.shape_cast %get3A_385 : vector<1x16xf32> to vector<16xf32>
        %slice3A_387 = vector.extract_strided_slice %get3A_329 {offsets = [4], sizes = [1], strides = [1]} : vector<16xf32> to vector<1xf32>
        %squeeze3A_388 = vector.extract %slice3A_387[0] : f32 from vector<1xf32>
        %mul3A_389 = vector.broadcast %squeeze3A_388 : f32 to vector<16xf32>
        %mul3A_390 = arith.mulf %get3A_386, %mul3A_389 : vector<16xf32>
        %add3A_391 = arith.addf %add3A_378, %mul3A_390 : vector<16xf32>
        %get3A_392 = arith.constant 0 : i32
        %get3A_393 = arith.constant 0 : i32
        %get3A_394 = tpu.memref_slice %arg8[%scan3A_301, %get3A_392, %get3A_393] : memref<2x80x144xf32, #tpu.memory_space<vmem>> -> memref<1x80x144xf32, #tpu.memory_space<vmem>>
        %get3A_395 = tpu.memref_squeeze %get3A_394 : memref<1x80x144xf32, #tpu.memory_space<vmem>> -> memref<80x144xf32, #tpu.memory_space<vmem>>
        %get3A_396 = arith.index_cast %scan3A_322 : i32 to index
        %get3A_397 = arith.constant 80 : index
        %get3A_398 = tpu.vector_load %get3A_395[%get3A_396, %get3A_397] {strides = array<i32>} : memref<80x144xf32, #tpu.memory_space<vmem>>, vector<1x16xf32>,
        %get3A_399 = vector.shape_cast %get3A_398 : vector<1x16xf32> to vector<16xf32>
        %slice3A_400 = vector.extract_strided_slice %get3A_329 {offsets = [5], sizes = [1], strides = [1]} : vector<16xf32> to vector<1xf32>
        %squeeze3A_401 = vector.extract %slice3A_400[0] : f32 from vector<1xf32>
        %mul3A_402 = vector.broadcast %squeeze3A_401 : f32 to vector<16xf32>
        %mul3A_403 = arith.mulf %get3A_399, %mul3A_402 : vector<16xf32>
        %add3A_404 = arith.addf %add3A_391, %mul3A_403 : vector<16xf32>
        %get3A_405 = arith.constant 0 : i32
        %get3A_406 = arith.constant 0 : i32
        %get3A_407 = tpu.memref_slice %arg8[%scan3A_301, %get3A_405, %get3A_406] : memref<2x80x144xf32, #tpu.memory_space<vmem>> -> memref<1x80x144xf32, #tpu.memory_space<vmem>>
        %get3A_408 = tpu.memref_squeeze %get3A_407 : memref<1x80x144xf32, #tpu.memory_space<vmem>> -> memref<80x144xf32, #tpu.memory_space<vmem>>
        %get3A_409 = arith.index_cast %scan3A_322 : i32 to index
        %get3A_410 = arith.constant 96 : index
        %get3A_411 = tpu.vector_load %get3A_408[%get3A_409, %get3A_410] {strides = array<i32>} : memref<80x144xf32, #tpu.memory_space<vmem>>, vector<1x16xf32>,
        %get3A_412 = vector.shape_cast %get3A_411 : vector<1x16xf32> to vector<16xf32>
        %slice3A_413 = vector.extract_strided_slice %get3A_329 {offsets = [6], sizes = [1], strides = [1]} : vector<16xf32> to vector<1xf32>
        %squeeze3A_414 = vector.extract %slice3A_413[0] : f32 from vector<1xf32>
        %mul3A_415 = vector.broadcast %squeeze3A_414 : f32 to vector<16xf32>
        %mul3A_416 = arith.mulf %get3A_412, %mul3A_415 : vector<16xf32>
        %add3A_417 = arith.addf %add3A_404, %mul3A_416 : vector<16xf32>
        %get3A_418 = arith.constant 0 : i32
        %get3A_419 = arith.constant 0 : i32
        %get3A_420 = tpu.memref_slice %arg8[%scan3A_301, %get3A_418, %get3A_419] : memref<2x80x144xf32, #tpu.memory_space<vmem>> -> memref<1x80x144xf32, #tpu.memory_space<vmem>>
        %get3A_421 = tpu.memref_squeeze %get3A_420 : memref<1x80x144xf32, #tpu.memory_space<vmem>> -> memref<80x144xf32, #tpu.memory_space<vmem>>
        %get3A_422 = arith.index_cast %scan3A_322 : i32 to index
        %get3A_423 = arith.constant 112 : index
        %get3A_424 = tpu.vector_load %get3A_421[%get3A_422, %get3A_423] {strides = array<i32>} : memref<80x144xf32, #tpu.memory_space<vmem>>, vector<1x16xf32>,
        %get3A_425 = vector.shape_cast %get3A_424 : vector<1x16xf32> to vector<16xf32>
        %slice3A_426 = vector.extract_strided_slice %get3A_329 {offsets = [7], sizes = [1], strides = [1]} : vector<16xf32> to vector<1xf32>
        %squeeze3A_427 = vector.extract %slice3A_426[0] : f32 from vector<1xf32>
        %mul3A_428 = vector.broadcast %squeeze3A_427 : f32 to vector<16xf32>
        %mul3A_429 = arith.mulf %get3A_425, %mul3A_428 : vector<16xf32>
        %add3A_430 = arith.addf %add3A_417, %mul3A_429 : vector<16xf32>
        %get3A_431 = arith.constant 0 : i32
        %get3A_432 = arith.constant 0 : i32
        %get3A_433 = tpu.memref_slice %arg8[%scan3A_301, %get3A_431, %get3A_432] : memref<2x80x144xf32, #tpu.memory_space<vmem>> -> memref<1x80x144xf32, #tpu.memory_space<vmem>>
        %get3A_434 = tpu.memref_squeeze %get3A_433 : memref<1x80x144xf32, #tpu.memory_space<vmem>> -> memref<80x144xf32, #tpu.memory_space<vmem>>
        %get3A_435 = arith.index_cast %scan3A_322 : i32 to index
        %get3A_436 = arith.constant 128 : index
        %get3A_437 = tpu.vector_load %get3A_434[%get3A_435, %get3A_436] {strides = array<i32>} : memref<80x144xf32, #tpu.memory_space<vmem>>, vector<1x16xf32>,
        %get3A_438 = vector.shape_cast %get3A_437 : vector<1x16xf32> to vector<16xf32>
        %slice3A_439 = vector.extract_strided_slice %get3A_329 {offsets = [8], sizes = [1], strides = [1]} : vector<16xf32> to vector<1xf32>
        %squeeze3A_440 = vector.extract %slice3A_439[0] : f32 from vector<1xf32>
        %mul3A_441 = vector.broadcast %squeeze3A_440 : f32 to vector<16xf32>
        %mul3A_442 = arith.mulf %get3A_438, %mul3A_441 : vector<16xf32>
        %add3A_443 = arith.addf %add3A_430, %mul3A_442 : vector<16xf32>
        %get3A_444 = arith.constant 0 : i32
        %get3A_445 = arith.constant 0 : i32
        %get3A_446 = tpu.memref_slice %arg9[%scan3A_300, %get3A_444, %get3A_445] : memref<2x80x32xf32, #tpu.memory_space<vmem>> -> memref<1x80x32xf32, #tpu.memory_space<vmem>>
        %get3A_447 = tpu.memref_squeeze %get3A_446 : memref<1x80x32xf32, #tpu.memory_space<vmem>> -> memref<80x32xf32, #tpu.memory_space<vmem>>
        %get3A_448 = arith.index_cast %scan3A_322 : i32 to index
        %get3A_449 = arith.constant 16 : index
        %get3A_450 = tpu.vector_load %get3A_447[%get3A_448, %get3A_449] {strides = array<i32>} : memref<80x32xf32, #tpu.memory_space<vmem>>, vector<1x16xf32>,
        %get3A_451 = vector.shape_cast %get3A_450 : vector<1x16xf32> to vector<16xf32>
        %mul3A_452 = arith.mulf %get3A_451, %add3A_443 : vector<16xf32>
        %slice3A_453 = vector.extract_strided_slice %get3A_329 {offsets = [0], sizes = [1], strides = [1]} : vector<16xf32> to vector<1xf32>
        %squeeze3A_454 = vector.extract %slice3A_453[0] : f32 from vector<1xf32>
        %mul3A_455 = vector.broadcast %squeeze3A_454 : f32 to vector<16xf32>
        %mul3A_456 = arith.mulf %mul3A_452, %mul3A_455 : vector<16xf32>
        %swap3A = arith.index_cast %scan3A_322 : i32 to index
        %swap3A_457 = arith.constant 0 : index
        %swap3A_458 = tpu.vector_load %arg10[%swap3A, %swap3A_457] {strides = array<i32>} : memref<80x144xf32, #tpu.memory_space<vmem>>, vector<1x16xf32>,
        %swap3A_459 = vector.shape_cast %swap3A_458 : vector<1x16xf32> to vector<16xf32>
        %swap3A_460 = vector.shape_cast %mul3A_456 : vector<16xf32> to vector<1x16xf32>
        tpu.vector_store %arg10[%swap3A, %swap3A_457], %swap3A_460 {strides = array<i32>} : memref<80x144xf32, #tpu.memory_space<vmem>>, vector<1x16xf32>,
        %slice3A_461 = vector.extract_strided_slice %get3A_329 {offsets = [1], sizes = [1], strides = [1]} : vector<16xf32> to vector<1xf32>
        %squeeze3A_462 = vector.extract %slice3A_461[0] : f32 from vector<1xf32>
        %mul3A_463 = vector.broadcast %squeeze3A_462 : f32 to vector<16xf32>
        %mul3A_464 = arith.mulf %mul3A_452, %mul3A_463 : vector<16xf32>
        %swap3A_465 = arith.index_cast %scan3A_322 : i32 to index
        %swap3A_466 = arith.constant 16 : index
        %swap3A_467 = tpu.vector_load %arg10[%swap3A_465, %swap3A_466] {strides = array<i32>} : memref<80x144xf32, #tpu.memory_space<vmem>>, vector<1x16xf32>,
        %swap3A_468 = vector.shape_cast %swap3A_467 : vector<1x16xf32> to vector<16xf32>
        %swap3A_469 = vector.shape_cast %mul3A_464 : vector<16xf32> to vector<1x16xf32>
        tpu.vector_store %arg10[%swap3A_465, %swap3A_466], %swap3A_469 {strides = array<i32>} : memref<80x144xf32, #tpu.memory_space<vmem>>, vector<1x16xf32>,
        %slice3A_470 = vector.extract_strided_slice %get3A_329 {offsets = [2], sizes = [1], strides = [1]} : vector<16xf32> to vector<1xf32>
        %squeeze3A_471 = vector.extract %slice3A_470[0] : f32 from vector<1xf32>
        %mul3A_472 = vector.broadcast %squeeze3A_471 : f32 to vector<16xf32>
        %mul3A_473 = arith.mulf %mul3A_452, %mul3A_472 : vector<16xf32>
        %swap3A_474 = arith.index_cast %scan3A_322 : i32 to index
        %swap3A_475 = arith.constant 32 : index
        %swap3A_476 = tpu.vector_load %arg10[%swap3A_474, %swap3A_475] {strides = array<i32>} : memref<80x144xf32, #tpu.memory_space<vmem>>, vector<1x16xf32>,
        %swap3A_477 = vector.shape_cast %swap3A_476 : vector<1x16xf32> to vector<16xf32>
        %swap3A_478 = vector.shape_cast %mul3A_473 : vector<16xf32> to vector<1x16xf32>
        tpu.vector_store %arg10[%swap3A_474, %swap3A_475], %swap3A_478 {strides = array<i32>} : memref<80x144xf32, #tpu.memory_space<vmem>>, vector<1x16xf32>,
        %slice3A_479 = vector.extract_strided_slice %get3A_329 {offsets = [3], sizes = [1], strides = [1]} : vector<16xf32> to vector<1xf32>
        %squeeze3A_480 = vector.extract %slice3A_479[0] : f32 from vector<1xf32>
        %mul3A_481 = vector.broadcast %squeeze3A_480 : f32 to vector<16xf32>
        %mul3A_482 = arith.mulf %mul3A_452, %mul3A_481 : vector<16xf32>
        %swap3A_483 = arith.index_cast %scan3A_322 : i32 to index
        %swap3A_484 = arith.constant 48 : index
        %swap3A_485 = tpu.vector_load %arg10[%swap3A_483, %swap3A_484] {strides = array<i32>} : memref<80x144xf32, #tpu.memory_space<vmem>>, vector<1x16xf32>,
        %swap3A_486 = vector.shape_cast %swap3A_485 : vector<1x16xf32> to vector<16xf32>
        %swap3A_487 = vector.shape_cast %mul3A_482 : vector<16xf32> to vector<1x16xf32>
        tpu.vector_store %arg10[%swap3A_483, %swap3A_484], %swap3A_487 {strides = array<i32>} : memref<80x144xf32, #tpu.memory_space<vmem>>, vector<1x16xf32>,
        %slice3A_488 = vector.extract_strided_slice %get3A_329 {offsets = [4], sizes = [1], strides = [1]} : vector<16xf32> to vector<1xf32>
        %squeeze3A_489 = vector.extract %slice3A_488[0] : f32 from vector<1xf32>
        %mul3A_490 = vector.broadcast %squeeze3A_489 : f32 to vector<16xf32>
        %mul3A_491 = arith.mulf %mul3A_452, %mul3A_490 : vector<16xf32>
        %swap3A_492 = arith.index_cast %scan3A_322 : i32 to index
        %swap3A_493 = arith.constant 64 : index
        %swap3A_494 = tpu.vector_load %arg10[%swap3A_492, %swap3A_493] {strides = array<i32>} : memref<80x144xf32, #tpu.memory_space<vmem>>, vector<1x16xf32>,
        %swap3A_495 = vector.shape_cast %swap3A_494 : vector<1x16xf32> to vector<16xf32>
        %swap3A_496 = vector.shape_cast %mul3A_491 : vector<16xf32> to vector<1x16xf32>
        tpu.vector_store %arg10[%swap3A_492, %swap3A_493], %swap3A_496 {strides = array<i32>} : memref<80x144xf32, #tpu.memory_space<vmem>>, vector<1x16xf32>,
        %slice3A_497 = vector.extract_strided_slice %get3A_329 {offsets = [5], sizes = [1], strides = [1]} : vector<16xf32> to vector<1xf32>
        %squeeze3A_498 = vector.extract %slice3A_497[0] : f32 from vector<1xf32>
        %mul3A_499 = vector.broadcast %squeeze3A_498 : f32 to vector<16xf32>
        %mul3A_500 = arith.mulf %mul3A_452, %mul3A_499 : vector<16xf32>
        %swap3A_501 = arith.index_cast %scan3A_322 : i32 to index
        %swap3A_502 = arith.constant 80 : index
        %swap3A_503 = tpu.vector_load %arg10[%swap3A_501, %swap3A_502] {strides = array<i32>} : memref<80x144xf32, #tpu.memory_space<vmem>>, vector<1x16xf32>,
        %swap3A_504 = vector.shape_cast %swap3A_503 : vector<1x16xf32> to vector<16xf32>
        %swap3A_505 = vector.shape_cast %mul3A_500 : vector<16xf32> to vector<1x16xf32>
        tpu.vector_store %arg10[%swap3A_501, %swap3A_502], %swap3A_505 {strides = array<i32>} : memref<80x144xf32, #tpu.memory_space<vmem>>, vector<1x16xf32>,
        %slice3A_506 = vector.extract_strided_slice %get3A_329 {offsets = [6], sizes = [1], strides = [1]} : vector<16xf32> to vector<1xf32>
        %squeeze3A_507 = vector.extract %slice3A_506[0] : f32 from vector<1xf32>
        %mul3A_508 = vector.broadcast %squeeze3A_507 : f32 to vector<16xf32>
        %mul3A_509 = arith.mulf %mul3A_452, %mul3A_508 : vector<16xf32>
        %swap3A_510 = arith.index_cast %scan3A_322 : i32 to index
        %swap3A_511 = arith.constant 96 : index
        %swap3A_512 = tpu.vector_load %arg10[%swap3A_510, %swap3A_511] {strides = array<i32>} : memref<80x144xf32, #tpu.memory_space<vmem>>, vector<1x16xf32>,
        %swap3A_513 = vector.shape_cast %swap3A_512 : vector<1x16xf32> to vector<16xf32>
        %swap3A_514 = vector.shape_cast %mul3A_509 : vector<16xf32> to vector<1x16xf32>
        tpu.vector_store %arg10[%swap3A_510, %swap3A_511], %swap3A_514 {strides = array<i32>} : memref<80x144xf32, #tpu.memory_space<vmem>>, vector<1x16xf32>,
        %slice3A_515 = vector.extract_strided_slice %get3A_329 {offsets = [7], sizes = [1], strides = [1]} : vector<16xf32> to vector<1xf32>
        %squeeze3A_516 = vector.extract %slice3A_515[0] : f32 from vector<1xf32>
        %mul3A_517 = vector.broadcast %squeeze3A_516 : f32 to vector<16xf32>
        %mul3A_518 = arith.mulf %mul3A_452, %mul3A_517 : vector<16xf32>
        %swap3A_519 = arith.index_cast %scan3A_322 : i32 to index
        %swap3A_520 = arith.constant 112 : index
        %swap3A_521 = tpu.vector_load %arg10[%swap3A_519, %swap3A_520] {strides = array<i32>} : memref<80x144xf32, #tpu.memory_space<vmem>>, vector<1x16xf32>,
        %swap3A_522 = vector.shape_cast %swap3A_521 : vector<1x16xf32> to vector<16xf32>
        %swap3A_523 = vector.shape_cast %mul3A_518 : vector<16xf32> to vector<1x16xf32>
        tpu.vector_store %arg10[%swap3A_519, %swap3A_520], %swap3A_523 {strides = array<i32>} : memref<80x144xf32, #tpu.memory_space<vmem>>, vector<1x16xf32>,
        %slice3A_524 = vector.extract_strided_slice %get3A_329 {offsets = [8], sizes = [1], strides = [1]} : vector<16xf32> to vector<1xf32>
        %squeeze3A_525 = vector.extract %slice3A_524[0] : f32 from vector<1xf32>
        %mul3A_526 = vector.broadcast %squeeze3A_525 : f32 to vector<16xf32>
        %mul3A_527 = arith.mulf %mul3A_452, %mul3A_526 : vector<16xf32>
        %swap3A_528 = arith.index_cast %scan3A_322 : i32 to index
        %swap3A_529 = arith.constant 128 : index
        %swap3A_530 = tpu.vector_load %arg10[%swap3A_528, %swap3A_529] {strides = array<i32>} : memref<80x144xf32, #tpu.memory_space<vmem>>, vector<1x16xf32>,
        %swap3A_531 = vector.shape_cast %swap3A_530 : vector<1x16xf32> to vector<16xf32>
        %swap3A_532 = vector.shape_cast %mul3A_527 : vector<16xf32> to vector<1x16xf32>
        tpu.vector_store %arg10[%swap3A_528, %swap3A_529], %swap3A_532 {strides = array<i32>} : memref<80x144xf32, #tpu.memory_space<vmem>>, vector<1x16xf32>,
      }
      %scan3A_306 = arith.constant 80 : i32
      %add3A_307 = arith.constant 2 : i32
      %add3A_308 = arith.addi %add3A_269, %add3A_307 : i32
      %lt3A_309 = arith.constant 64 : i32
      %lt3A_310 = arith.cmpi slt, %add3A_308, %lt3A_309 : i32
      %convert_element_type3A_311 = arith.extui %lt3A_310 : i1 to i32
      %cond3A_312 = arith.constant 0 : i32
      %cond3A_313 = arith.cmpi ne, %convert_element_type3A_311, %cond3A_312 : i32
      scf.if %cond3A_313 {
        %add3A_322 = arith.constant 2 : i32
        %add3A_323 = arith.addi %add3A_269, %add3A_322 : i32
        %dma_start3A_324 = arith.constant 2 : i32
        %dma_start3A_325 = arith.constant 1 : i32
        %dma_start3A_326 = arith.constant 0 : i32
        %dma_start3A_327 = arith.constant 0 : i32
        %dma_start3A_328 = tpu.memref_slice %arg8[%dma_start3A_325, %dma_start3A_326, %dma_start3A_327] : memref<2x80x144xf32, #tpu.memory_space<vmem>> -> memref<1x80x144xf32, #tpu.memory_space<vmem>>
        %dma_start3A_329 = tpu.memref_squeeze %dma_start3A_328 : memref<1x80x144xf32, #tpu.memory_space<vmem>> -> memref<80x144xf32, #tpu.memory_space<vmem>>
        %dma_start3A_330 = arith.constant 0 : i32
        %dma_start3A_331 = tpu.memref_slice %arg7[%select_n3A_117, %dma_start3A_324, %dma_start3A_330] : memref<2x8x80xi32, #tpu.memory_space<vmem>> -> memref<1x1x80xi32, #tpu.memory_space<vmem>>
        %dma_start3A_332 = tpu.memref_squeeze %dma_start3A_331 : memref<1x1x80xi32, #tpu.memory_space<vmem>> -> memref<80xi32, #tpu.memory_space<vmem>>
        %dma_start3A_333 = arith.constant 0 : i32
        %dma_start3A_334 = arith.constant 0 : i32
        %dma_start3A_335 = tpu.memref_slice %arg2[%dma_start3A_333, %dma_start3A_334] : memref<10000x144xf32, #tpu.memory_space<hbm>> -> memref<10000x144xf32, #tpu.memory_space<hbm>>
        tpu.enqueue_indirect_dma source(%dma_start3A_335 : memref<10000x144xf32, #tpu.memory_space<hbm>>) target(%dma_start3A_329 : memref<80x144xf32, #tpu.memory_space<vmem>>) offsets(%dma_start3A_332 : memref<80xi32, #tpu.memory_space<vmem>>) semaphore(%arg13 : memref<!tpu.dma_semaphore, #tpu.memory_space<semaphore_mem>>)
        %mul3A_336 = arith.constant 80 : i32
        %mul3A_337 = arith.muli %add3A_323, %mul3A_336 : i32
        %add3A_338 = arith.addi %mul3A_2, %mul3A_337 : i32
        %dma_start3A_339 = arith.constant 1 : i32
        %dma_start3A_340 = arith.constant 0 : i32
        %dma_start3A_341 = arith.constant 0 : i32
        %dma_start3A_342 = tpu.memref_slice %arg9[%dma_start3A_339, %dma_start3A_340, %dma_start3A_341] : memref<2x80x32xf32, #tpu.memory_space<vmem>> -> memref<1x80x32xf32, #tpu.memory_space<vmem>>
        %dma_start3A_343 = tpu.memref_squeeze %dma_start3A_342 : memref<1x80x32xf32, #tpu.memory_space<vmem>> -> memref<80x32xf32, #tpu.memory_space<vmem>>
        %dma_start3A_344 = arith.constant 16 : i32
        %dma_start3A_345 = tpu.memref_slice %arg3[%add3A_338, %dma_start3A_344] : memref<163840x128xf32, #tpu.memory_space<hbm>> -> memref<80x32xf32, #tpu.memory_space<hbm>>
        %dma_start3A_346 = arith.constant 0 : i32
        %dma_start3A_347 = arith.constant 0 : i32
        %dma_start3A_348 = tpu.memref_slice %arg9[%dma_start3A_339, %dma_start3A_346, %dma_start3A_347] : memref<2x80x32xf32, #tpu.memory_space<vmem>> -> memref<1x80x32xf32, #tpu.memory_space<vmem>>
        %dma_start3A_349 = tpu.memref_squeeze %dma_start3A_348 : memref<1x80x32xf32, #tpu.memory_space<vmem>> -> memref<80x32xf32, #tpu.memory_space<vmem>>
        %dma_start3A_350 = arith.constant 16 : i32
        %dma_start3A_351 = tpu.memref_slice %arg3[%add3A_338, %dma_start3A_350] : memref<163840x128xf32, #tpu.memory_space<hbm>> -> memref<80x32xf32, #tpu.memory_space<hbm>>
        tpu.enqueue_dma source(%dma_start3A_351 : memref<80x32xf32, #tpu.memory_space<hbm>>) target(%dma_start3A_349 : memref<80x32xf32, #tpu.memory_space<vmem>>) target_semaphore(%arg14 : memref<!tpu.dma_semaphore, #tpu.memory_space<semaphore_mem>>)
      } else {
      }
      %run_scoped3A_314 = arith.constant 7 : i32
      "tpu.region"() ({
        %run_scoped3A_322 = tpu.sem_alloc : memref<!tpu.dma_semaphore, #tpu.memory_space<semaphore_mem>>
        %dma_start3A_323 = arith.constant 0 : i32
        %dma_start3A_324 = tpu.memref_slice %arg7[%select_n3A_99, %run_scoped3A_314, %dma_start3A_323] : memref<2x8x80xi32, #tpu.memory_space<vmem>> -> memref<1x1x80xi32, #tpu.memory_space<vmem>>
        %dma_start3A_325 = tpu.memref_squeeze %dma_start3A_324 : memref<1x1x80xi32, #tpu.memory_space<vmem>> -> memref<80xi32, #tpu.memory_space<vmem>>
        %dma_start3A_326 = arith.constant 0 : i32
        %dma_start3A_327 = arith.constant 0 : i32
        %dma_start3A_328 = tpu.memref_slice %arg11[%dma_start3A_326, %dma_start3A_327] : memref<10000x144xf32, #tpu.memory_space<vmem_shared>> -> memref<10000x144xf32, #tpu.memory_space<vmem_shared>>
        tpu.enqueue_indirect_dma source(%arg10 : memref<80x144xf32, #tpu.memory_space<vmem>>) target(%dma_start3A_328 : memref<10000x144xf32, #tpu.memory_space<vmem_shared>>) offsets(%dma_start3A_325 : memref<80xi32, #tpu.memory_space<vmem>>) semaphore(%run_scoped3A_322 : memref<!tpu.dma_semaphore, #tpu.memory_space<semaphore_mem>>) {add = true}
        %dma_wait3A_329 = arith.constant 0 : i32
        %dma_wait3A_330 = tpu.memref_slice %arg7[%select_n3A_99, %run_scoped3A_314, %dma_wait3A_329] : memref<2x8x80xi32, #tpu.memory_space<vmem>> -> memref<1x1x80xi32, #tpu.memory_space<vmem>>
        %dma_wait3A_331 = tpu.memref_squeeze %dma_wait3A_330 : memref<1x1x80xi32, #tpu.memory_space<vmem>> -> memref<80xi32, #tpu.memory_space<vmem>>
        %dma_wait3A_332 = arith.constant 0 : i32
        %dma_wait3A_333 = arith.constant 0 : i32
        %dma_wait3A_334 = tpu.memref_slice %arg11[%dma_wait3A_332, %dma_wait3A_333] : memref<10000x144xf32, #tpu.memory_space<vmem_shared>> -> memref<10000x144xf32, #tpu.memory_space<vmem_shared>>
        tpu.wait_indirect_dma semaphore(%run_scoped3A_322 : memref<!tpu.dma_semaphore, #tpu.memory_space<semaphore_mem>>) src(%arg10 : memref<80x144xf32, #tpu.memory_space<vmem>>) dst(%dma_wait3A_334 : memref<10000x144xf32, #tpu.memory_space<vmem_shared>>)
        tpu.yield
      }) : () -> ()
      %add3A_315 = arith.constant 2 : i32
      %add3A_316 = arith.addi %scan3A_90, %add3A_315 : i32
      %lt3A_317 = arith.constant 16 : i32
      %lt3A_318 = arith.cmpi slt, %add3A_316, %lt3A_317 : i32
      %convert_element_type3A_319 = arith.extui %lt3A_318 : i1 to i32
      %cond3A_320 = arith.constant 0 : i32
      %cond3A_321 = arith.cmpi ne, %convert_element_type3A_319, %cond3A_320 : i32
      scf.if %cond3A_321 {
        %add3A_322 = arith.constant 2 : i32
        %add3A_323 = arith.addi %scan3A_90, %add3A_322 : i32
        %mul3A_324 = arith.constant 2 : i32
        %mul3A_325 = arith.muli %add3A_323, %mul3A_324 : i32
        %mul3A_326 = arith.constant 4 : i32
        %mul3A_327 = arith.muli %mul3A_325, %mul3A_326 : i32
        %add3A_328 = arith.addi %mul3A_6, %mul3A_327 : i32
        %dma_start3A_329 = arith.constant 0 : i32
        %dma_start3A_330 = arith.constant 0 : i32
        %dma_start3A_331 = tpu.memref_slice %arg7[%select_n3A_99, %dma_start3A_329, %dma_start3A_330] : memref<2x8x80xi32, #tpu.memory_space<vmem>> -> memref<1x8x80xi32, #tpu.memory_space<vmem>>
        %dma_start3A_332 = tpu.memref_squeeze %dma_start3A_331 : memref<1x8x80xi32, #tpu.memory_space<vmem>> -> memref<8x80xi32, #tpu.memory_space<vmem>>
        %dma_start3A_333 = arith.constant 0 : i32
        %dma_start3A_334 = tpu.memref_slice %arg4[%add3A_328, %dma_start3A_333] : memref<4096x80xi32, #tpu.memory_space<hbm>> -> memref<8x80xi32, #tpu.memory_space<hbm>>
        %dma_start3A_335 = arith.constant 0 : i32
        %dma_start3A_336 = arith.constant 0 : i32
        %dma_start3A_337 = tpu.memref_slice %arg7[%select_n3A_99, %dma_start3A_335, %dma_start3A_336] : memref<2x8x80xi32, #tpu.memory_space<vmem>> -> memref<1x8x80xi32, #tpu.memory_space<vmem>>
        %dma_start3A_338 = tpu.memref_squeeze %dma_start3A_337 : memref<1x8x80xi32, #tpu.memory_space<vmem>> -> memref<8x80xi32, #tpu.memory_space<vmem>>
        %dma_start3A_339 = arith.constant 0 : i32
        %dma_start3A_340 = tpu.memref_slice %arg4[%add3A_328, %dma_start3A_339] : memref<4096x80xi32, #tpu.memory_space<hbm>> -> memref<8x80xi32, #tpu.memory_space<hbm>>
        tpu.enqueue_dma source(%dma_start3A_340 : memref<8x80xi32, #tpu.memory_space<hbm>>) target(%dma_start3A_338 : memref<8x80xi32, #tpu.memory_space<vmem>>) target_semaphore(%arg12 : memref<!tpu.dma_semaphore, #tpu.memory_space<semaphore_mem>>)
      } else {
      }
    }
    %scan3A_84 = arith.constant 16 : i32
    %barrier3A_85 = arith.constant 0 : index
    tpu.barrier barrier_id(%barrier3A_85)
    %mul3A_86 = arith.constant 625 : i32
    %mul3A_87 = arith.muli %arg1, %mul3A_86 : i32
    %mul3A_88 = arith.constant 625 : i32
    %mul3A_89 = arith.muli %arg1, %mul3A_88 : i32
    "tpu.region"() ({
      %run_scoped3A_90 = tpu.sem_alloc : memref<!tpu.dma_semaphore, #tpu.memory_space<semaphore_mem>>
      %dma_start3A_91 = arith.constant 0 : i32
      %dma_start3A_92 = tpu.memref_slice %arg6[%arg0, %mul3A_89, %dma_start3A_91] : memref<2x10000x144xf32, #tpu.memory_space<hbm>> -> memref<1x625x144xf32, #tpu.memory_space<hbm>>
      %dma_start3A_93 = tpu.memref_squeeze %dma_start3A_92 : memref<1x625x144xf32, #tpu.memory_space<hbm>> -> memref<625x144xf32, #tpu.memory_space<hbm>>
      %dma_start3A_94 = arith.constant 0 : i32
      %dma_start3A_95 = tpu.memref_slice %arg11[%mul3A_87, %dma_start3A_94] : memref<10000x144xf32, #tpu.memory_space<vmem_shared>> -> memref<625x144xf32, #tpu.memory_space<vmem_shared>>
      tpu.enqueue_dma source(%dma_start3A_95 : memref<625x144xf32, #tpu.memory_space<vmem_shared>>) target(%dma_start3A_93 : memref<625x144xf32, #tpu.memory_space<hbm>>) target_semaphore(%run_scoped3A_90 : memref<!tpu.dma_semaphore, #tpu.memory_space<semaphore_mem>>)
      %dma_wait3A = arith.constant 0 : i32
      %dma_wait3A_96 = tpu.memref_slice %arg6[%arg0, %mul3A_89, %dma_wait3A] : memref<2x10000x144xf32, #tpu.memory_space<hbm>> -> memref<1x625x144xf32, #tpu.memory_space<hbm>>
      %dma_wait3A_97 = tpu.memref_squeeze %dma_wait3A_96 : memref<1x625x144xf32, #tpu.memory_space<hbm>> -> memref<625x144xf32, #tpu.memory_space<hbm>>
      %dma_wait3A_98 = arith.constant 0 : i32
      %dma_wait3A_99 = tpu.memref_slice %arg11[%mul3A_87, %dma_wait3A_98] : memref<10000x144xf32, #tpu.memory_space<vmem_shared>> -> memref<625x144xf32, #tpu.memory_space<vmem_shared>>
      tpu.wait_dma2 semaphore(%run_scoped3A_90 : memref<!tpu.dma_semaphore, #tpu.memory_space<semaphore_mem>>) src(%dma_wait3A_99 : memref<625x144xf32, #tpu.memory_space<vmem_shared>>) dst(%dma_wait3A_97 : memref<625x144xf32, #tpu.memory_space<hbm>>)
      tpu.yield
    }) : () -> ()
    return
  }
}

#map = affine_map<(d0, d1) -> (0, 0)>
#map1 = affine_map<(d0, d1) -> (0, 0, 0)>
module attributes {stable_mosaic.version = 14 : i64} {
  func.func @sc_layer0(%arg0: i32, %arg1: i32, %arg2: memref<10000x16xf32, #tpu.memory_space<hbm>>, %arg3: memref<163840x128xf32, #tpu.memory_space<hbm>>, %arg4: memref<4096x80xi32, #tpu.memory_space<hbm>>, %arg5: memref<10000x144xf32, #tpu.memory_space<hbm>>, %arg6: memref<2x10000x144xf32, #tpu.memory_space<hbm>>, %arg7: memref<2x8x80xi32, #tpu.memory_space<vmem>>, %arg8: memref<2x80x16xf32, #tpu.memory_space<vmem>>, %arg9: memref<2x80x32xf32, #tpu.memory_space<vmem>>, %arg10: memref<80x144xf32, #tpu.memory_space<vmem>>, %arg11: memref<10000x144xf32, #tpu.memory_space<vmem_shared>>, %arg12: memref<!tpu.dma_semaphore, #tpu.memory_space<semaphore_mem>>, %arg13: memref<!tpu.dma_semaphore, #tpu.memory_space<semaphore_mem>>, %arg14: memref<!tpu.dma_semaphore, #tpu.memory_space<semaphore_mem>>) attributes {dimension_semantics = [#tpu.dimension_semantics<core_parallel>, #tpu.dimension_semantics<subcore_parallel>], iteration_bounds = array<i64: 2, 16>, scalar_prefetch = 0 : i64, scratch_operands = 8 : i64, tpu.core_type = #tpu.core_type<sc_vector_subcore>, window_params = [{transform_indices = #map}, {transform_indices = #map}, {transform_indices = #map}, {transform_indices = #map}, {transform_indices = #map1}]} {
    %mul3A = arith.constant 2 : i32
    %mul3A_0 = arith.muli %arg1, %mul3A : i32
    %add3A = arith.addi %mul3A_0, %arg0 : i32
    %mul3A_1 = arith.constant 5120 : i32
    %mul3A_2 = arith.muli %add3A, %mul3A_1 : i32
    %mul3A_3 = arith.constant 64 : i32
    %mul3A_4 = arith.muli %add3A, %mul3A_3 : i32
    %mul3A_5 = arith.constant 2 : i32
    %mul3A_6 = arith.muli %mul3A_4, %mul3A_5 : i32
    %mul3A_7 = arith.constant 625 : i32
    %mul3A_8 = arith.muli %arg1, %mul3A_7 : i32
    %mul3A_9 = arith.constant 625 : i32
    %mul3A_10 = arith.muli %arg1, %mul3A_9 : i32
    "tpu.region"() ({
      %run_scoped3A_90 = tpu.sem_alloc : memref<!tpu.dma_semaphore, #tpu.memory_space<semaphore_mem>>
      %dma_start3A_91 = arith.constant 0 : i32
      %dma_start3A_92 = tpu.memref_slice %arg11[%mul3A_10, %dma_start3A_91] : memref<10000x144xf32, #tpu.memory_space<vmem_shared>> -> memref<625x144xf32, #tpu.memory_space<vmem_shared>>
      %dma_start3A_93 = arith.constant 0 : i32
      %dma_start3A_94 = tpu.memref_slice %arg5[%mul3A_8, %dma_start3A_93] : memref<10000x144xf32, #tpu.memory_space<hbm>> -> memref<625x144xf32, #tpu.memory_space<hbm>>
      tpu.enqueue_dma source(%dma_start3A_94 : memref<625x144xf32, #tpu.memory_space<hbm>>) target(%dma_start3A_92 : memref<625x144xf32, #tpu.memory_space<vmem_shared>>) target_semaphore(%run_scoped3A_90 : memref<!tpu.dma_semaphore, #tpu.memory_space<semaphore_mem>>)
      %dma_wait3A = arith.constant 0 : i32
      %dma_wait3A_95 = tpu.memref_slice %arg11[%mul3A_10, %dma_wait3A] : memref<10000x144xf32, #tpu.memory_space<vmem_shared>> -> memref<625x144xf32, #tpu.memory_space<vmem_shared>>
      %dma_wait3A_96 = arith.constant 0 : i32
      %dma_wait3A_97 = tpu.memref_slice %arg5[%mul3A_8, %dma_wait3A_96] : memref<10000x144xf32, #tpu.memory_space<hbm>> -> memref<625x144xf32, #tpu.memory_space<hbm>>
      tpu.wait_dma2 semaphore(%run_scoped3A_90 : memref<!tpu.dma_semaphore, #tpu.memory_space<semaphore_mem>>) src(%dma_wait3A_97 : memref<625x144xf32, #tpu.memory_space<hbm>>) dst(%dma_wait3A_95 : memref<625x144xf32, #tpu.memory_space<vmem_shared>>)
      tpu.yield
    }) : () -> ()
    %barrier3A = arith.constant 0 : index
    tpu.barrier barrier_id(%barrier3A)
    %run_scoped3A = arith.constant 0 : i32
    "tpu.region"() ({
      %run_scoped3A_90 = tpu.sem_alloc : memref<!tpu.dma_semaphore, #tpu.memory_space<semaphore_mem>>
      %dma_start3A_91 = arith.constant 0 : i32
      %dma_start3A_92 = arith.constant 0 : i32
      %dma_start3A_93 = tpu.memref_slice %arg7[%run_scoped3A, %dma_start3A_91, %dma_start3A_92] : memref<2x8x80xi32, #tpu.memory_space<vmem>> -> memref<1x8x80xi32, #tpu.memory_space<vmem>>
      %dma_start3A_94 = tpu.memref_squeeze %dma_start3A_93 : memref<1x8x80xi32, #tpu.memory_space<vmem>> -> memref<8x80xi32, #tpu.memory_space<vmem>>
      %dma_start3A_95 = arith.constant 0 : i32
      %dma_start3A_96 = tpu.memref_slice %arg4[%mul3A_6, %dma_start3A_95] : memref<4096x80xi32, #tpu.memory_space<hbm>> -> memref<8x80xi32, #tpu.memory_space<hbm>>
      %dma_start3A_97 = arith.constant 0 : i32
      %dma_start3A_98 = arith.constant 0 : i32
      %dma_start3A_99 = tpu.memref_slice %arg7[%run_scoped3A, %dma_start3A_97, %dma_start3A_98] : memref<2x8x80xi32, #tpu.memory_space<vmem>> -> memref<1x8x80xi32, #tpu.memory_space<vmem>>
      %dma_start3A_100 = tpu.memref_squeeze %dma_start3A_99 : memref<1x8x80xi32, #tpu.memory_space<vmem>> -> memref<8x80xi32, #tpu.memory_space<vmem>>
      %dma_start3A_101 = arith.constant 0 : i32
      %dma_start3A_102 = tpu.memref_slice %arg4[%mul3A_6, %dma_start3A_101] : memref<4096x80xi32, #tpu.memory_space<hbm>> -> memref<8x80xi32, #tpu.memory_space<hbm>>
      tpu.enqueue_dma source(%dma_start3A_102 : memref<8x80xi32, #tpu.memory_space<hbm>>) target(%dma_start3A_100 : memref<8x80xi32, #tpu.memory_space<vmem>>) target_semaphore(%run_scoped3A_90 : memref<!tpu.dma_semaphore, #tpu.memory_space<semaphore_mem>>)
      %dma_wait3A = arith.constant 0 : i32
      %dma_wait3A_103 = arith.constant 0 : i32
      %dma_wait3A_104 = tpu.memref_slice %arg7[%run_scoped3A, %dma_wait3A, %dma_wait3A_103] : memref<2x8x80xi32, #tpu.memory_space<vmem>> -> memref<1x8x80xi32, #tpu.memory_space<vmem>>
      %dma_wait3A_105 = tpu.memref_squeeze %dma_wait3A_104 : memref<1x8x80xi32, #tpu.memory_space<vmem>> -> memref<8x80xi32, #tpu.memory_space<vmem>>
      %dma_wait3A_106 = arith.constant 0 : i32
      %dma_wait3A_107 = tpu.memref_slice %arg4[%mul3A_6, %dma_wait3A_106] : memref<4096x80xi32, #tpu.memory_space<hbm>> -> memref<8x80xi32, #tpu.memory_space<hbm>>
      %dma_wait3A_108 = arith.constant 0 : i32
      %dma_wait3A_109 = arith.constant 0 : i32
      %dma_wait3A_110 = tpu.memref_slice %arg7[%run_scoped3A, %dma_wait3A_108, %dma_wait3A_109] : memref<2x8x80xi32, #tpu.memory_space<vmem>> -> memref<1x8x80xi32, #tpu.memory_space<vmem>>
      %dma_wait3A_111 = tpu.memref_squeeze %dma_wait3A_110 : memref<1x8x80xi32, #tpu.memory_space<vmem>> -> memref<8x80xi32, #tpu.memory_space<vmem>>
      %dma_wait3A_112 = arith.constant 0 : i32
      %dma_wait3A_113 = tpu.memref_slice %arg4[%mul3A_6, %dma_wait3A_112] : memref<4096x80xi32, #tpu.memory_space<hbm>> -> memref<8x80xi32, #tpu.memory_space<hbm>>
      tpu.wait_dma2 semaphore(%run_scoped3A_90 : memref<!tpu.dma_semaphore, #tpu.memory_space<semaphore_mem>>) src(%dma_wait3A_113 : memref<8x80xi32, #tpu.memory_space<hbm>>) dst(%dma_wait3A_111 : memref<8x80xi32, #tpu.memory_space<vmem>>)
      tpu.yield
    }) : () -> ()
    %add3A_11 = arith.constant 8 : i32
    %add3A_12 = arith.addi %mul3A_6, %add3A_11 : i32
    %dma_start3A = arith.constant 1 : i32
    %dma_start3A_13 = arith.constant 0 : i32
    %dma_start3A_14 = arith.constant 0 : i32
    %dma_start3A_15 = tpu.memref_slice %arg7[%dma_start3A, %dma_start3A_13, %dma_start3A_14] : memref<2x8x80xi32, #tpu.memory_space<vmem>> -> memref<1x8x80xi32, #tpu.memory_space<vmem>>
    %dma_start3A_16 = tpu.memref_squeeze %dma_start3A_15 : memref<1x8x80xi32, #tpu.memory_space<vmem>> -> memref<8x80xi32, #tpu.memory_space<vmem>>
    %dma_start3A_17 = arith.constant 0 : i32
    %dma_start3A_18 = tpu.memref_slice %arg4[%add3A_12, %dma_start3A_17] : memref<4096x80xi32, #tpu.memory_space<hbm>> -> memref<8x80xi32, #tpu.memory_space<hbm>>
    %dma_start3A_19 = arith.constant 0 : i32
    %dma_start3A_20 = arith.constant 0 : i32
    %dma_start3A_21 = tpu.memref_slice %arg7[%dma_start3A, %dma_start3A_19, %dma_start3A_20] : memref<2x8x80xi32, #tpu.memory_space<vmem>> -> memref<1x8x80xi32, #tpu.memory_space<vmem>>
    %dma_start3A_22 = tpu.memref_squeeze %dma_start3A_21 : memref<1x8x80xi32, #tpu.memory_space<vmem>> -> memref<8x80xi32, #tpu.memory_space<vmem>>
    %dma_start3A_23 = arith.constant 0 : i32
    %dma_start3A_24 = tpu.memref_slice %arg4[%add3A_12, %dma_start3A_23] : memref<4096x80xi32, #tpu.memory_space<hbm>> -> memref<8x80xi32, #tpu.memory_space<hbm>>
    tpu.enqueue_dma source(%dma_start3A_24 : memref<8x80xi32, #tpu.memory_space<hbm>>) target(%dma_start3A_22 : memref<8x80xi32, #tpu.memory_space<vmem>>) target_semaphore(%arg12 : memref<!tpu.dma_semaphore, #tpu.memory_space<semaphore_mem>>)
    %dma_start3A_25 = arith.constant 0 : i32
    %dma_start3A_26 = arith.constant 0 : i32
    %dma_start3A_27 = arith.constant 0 : i32
    %dma_start3A_28 = arith.constant 0 : i32
    %dma_start3A_29 = arith.constant 0 : i32
    %dma_start3A_30 = tpu.memref_slice %arg8[%dma_start3A_27, %dma_start3A_28, %dma_start3A_29] : memref<2x80x16xf32, #tpu.memory_space<vmem>> -> memref<1x80x16xf32, #tpu.memory_space<vmem>>
    %dma_start3A_31 = tpu.memref_squeeze %dma_start3A_30 : memref<1x80x16xf32, #tpu.memory_space<vmem>> -> memref<80x16xf32, #tpu.memory_space<vmem>>
    %dma_start3A_32 = arith.constant 0 : i32
    %dma_start3A_33 = tpu.memref_slice %arg7[%dma_start3A_25, %dma_start3A_26, %dma_start3A_32] : memref<2x8x80xi32, #tpu.memory_space<vmem>> -> memref<1x1x80xi32, #tpu.memory_space<vmem>>
    %dma_start3A_34 = tpu.memref_squeeze %dma_start3A_33 : memref<1x1x80xi32, #tpu.memory_space<vmem>> -> memref<80xi32, #tpu.memory_space<vmem>>
    %dma_start3A_35 = arith.constant 0 : i32
    %dma_start3A_36 = arith.constant 0 : i32
    %dma_start3A_37 = tpu.memref_slice %arg2[%dma_start3A_35, %dma_start3A_36] : memref<10000x16xf32, #tpu.memory_space<hbm>> -> memref<10000x16xf32, #tpu.memory_space<hbm>>
    tpu.enqueue_indirect_dma source(%dma_start3A_37 : memref<10000x16xf32, #tpu.memory_space<hbm>>) target(%dma_start3A_31 : memref<80x16xf32, #tpu.memory_space<vmem>>) offsets(%dma_start3A_34 : memref<80xi32, #tpu.memory_space<vmem>>) semaphore(%arg13 : memref<!tpu.dma_semaphore, #tpu.memory_space<semaphore_mem>>)
    %add3A_38 = arith.constant 0 : i32
    %add3A_39 = arith.addi %mul3A_2, %add3A_38 : i32
    %dma_start3A_40 = arith.constant 0 : i32
    %dma_start3A_41 = arith.constant 0 : i32
    %dma_start3A_42 = arith.constant 0 : i32
    %dma_start3A_43 = tpu.memref_slice %arg9[%dma_start3A_40, %dma_start3A_41, %dma_start3A_42] : memref<2x80x32xf32, #tpu.memory_space<vmem>> -> memref<1x80x32xf32, #tpu.memory_space<vmem>>
    %dma_start3A_44 = tpu.memref_squeeze %dma_start3A_43 : memref<1x80x32xf32, #tpu.memory_space<vmem>> -> memref<80x32xf32, #tpu.memory_space<vmem>>
    %dma_start3A_45 = arith.constant 0 : i32
    %dma_start3A_46 = tpu.memref_slice %arg3[%add3A_39, %dma_start3A_45] : memref<163840x128xf32, #tpu.memory_space<hbm>> -> memref<80x32xf32, #tpu.memory_space<hbm>>
    %dma_start3A_47 = arith.constant 0 : i32
    %dma_start3A_48 = arith.constant 0 : i32
    %dma_start3A_49 = tpu.memref_slice %arg9[%dma_start3A_40, %dma_start3A_47, %dma_start3A_48] : memref<2x80x32xf32, #tpu.memory_space<vmem>> -> memref<1x80x32xf32, #tpu.memory_space<vmem>>
    %dma_start3A_50 = tpu.memref_squeeze %dma_start3A_49 : memref<1x80x32xf32, #tpu.memory_space<vmem>> -> memref<80x32xf32, #tpu.memory_space<vmem>>
    %dma_start3A_51 = arith.constant 0 : i32
    %dma_start3A_52 = tpu.memref_slice %arg3[%add3A_39, %dma_start3A_51] : memref<163840x128xf32, #tpu.memory_space<hbm>> -> memref<80x32xf32, #tpu.memory_space<hbm>>
    tpu.enqueue_dma source(%dma_start3A_52 : memref<80x32xf32, #tpu.memory_space<hbm>>) target(%dma_start3A_50 : memref<80x32xf32, #tpu.memory_space<vmem>>) target_semaphore(%arg14 : memref<!tpu.dma_semaphore, #tpu.memory_space<semaphore_mem>>)
    %dma_start3A_53 = arith.constant 0 : i32
    %dma_start3A_54 = arith.constant 2 : i32
    %dma_start3A_55 = arith.constant 1 : i32
    %dma_start3A_56 = arith.constant 0 : i32
    %dma_start3A_57 = arith.constant 0 : i32
    %dma_start3A_58 = tpu.memref_slice %arg8[%dma_start3A_55, %dma_start3A_56, %dma_start3A_57] : memref<2x80x16xf32, #tpu.memory_space<vmem>> -> memref<1x80x16xf32, #tpu.memory_space<vmem>>
    %dma_start3A_59 = tpu.memref_squeeze %dma_start3A_58 : memref<1x80x16xf32, #tpu.memory_space<vmem>> -> memref<80x16xf32, #tpu.memory_space<vmem>>
    %dma_start3A_60 = arith.constant 0 : i32
    %dma_start3A_61 = tpu.memref_slice %arg7[%dma_start3A_53, %dma_start3A_54, %dma_start3A_60] : memref<2x8x80xi32, #tpu.memory_space<vmem>> -> memref<1x1x80xi32, #tpu.memory_space<vmem>>
    %dma_start3A_62 = tpu.memref_squeeze %dma_start3A_61 : memref<1x1x80xi32, #tpu.memory_space<vmem>> -> memref<80xi32, #tpu.memory_space<vmem>>
    %dma_start3A_63 = arith.constant 0 : i32
    %dma_start3A_64 = arith.constant 0 : i32
    %dma_start3A_65 = tpu.memref_slice %arg2[%dma_start3A_63, %dma_start3A_64] : memref<10000x16xf32, #tpu.memory_space<hbm>> -> memref<10000x16xf32, #tpu.memory_space<hbm>>
    tpu.enqueue_indirect_dma source(%dma_start3A_65 : memref<10000x16xf32, #tpu.memory_space<hbm>>) target(%dma_start3A_59 : memref<80x16xf32, #tpu.memory_space<vmem>>) offsets(%dma_start3A_62 : memref<80xi32, #tpu.memory_space<vmem>>) semaphore(%arg13 : memref<!tpu.dma_semaphore, #tpu.memory_space<semaphore_mem>>)
    %add3A_66 = arith.constant 80 : i32
    %add3A_67 = arith.addi %mul3A_2, %add3A_66 : i32
    %dma_start3A_68 = arith.constant 1 : i32
    %dma_start3A_69 = arith.constant 0 : i32
    %dma_start3A_70 = arith.constant 0 : i32
    %dma_start3A_71 = tpu.memref_slice %arg9[%dma_start3A_68, %dma_start3A_69, %dma_start3A_70] : memref<2x80x32xf32, #tpu.memory_space<vmem>> -> memref<1x80x32xf32, #tpu.memory_space<vmem>>
    %dma_start3A_72 = tpu.memref_squeeze %dma_start3A_71 : memref<1x80x32xf32, #tpu.memory_space<vmem>> -> memref<80x32xf32, #tpu.memory_space<vmem>>
    %dma_start3A_73 = arith.constant 0 : i32
    %dma_start3A_74 = tpu.memref_slice %arg3[%add3A_67, %dma_start3A_73] : memref<163840x128xf32, #tpu.memory_space<hbm>> -> memref<80x32xf32, #tpu.memory_space<hbm>>
    %dma_start3A_75 = arith.constant 0 : i32
    %dma_start3A_76 = arith.constant 0 : i32
    %dma_start3A_77 = tpu.memref_slice %arg9[%dma_start3A_68, %dma_start3A_75, %dma_start3A_76] : memref<2x80x32xf32, #tpu.memory_space<vmem>> -> memref<1x80x32xf32, #tpu.memory_space<vmem>>
    %dma_start3A_78 = tpu.memref_squeeze %dma_start3A_77 : memref<1x80x32xf32, #tpu.memory_space<vmem>> -> memref<80x32xf32, #tpu.memory_space<vmem>>
    %dma_start3A_79 = arith.constant 0 : i32
    %dma_start3A_80 = tpu.memref_slice %arg3[%add3A_67, %dma_start3A_79] : memref<163840x128xf32, #tpu.memory_space<hbm>> -> memref<80x32xf32, #tpu.memory_space<hbm>>
    tpu.enqueue_dma source(%dma_start3A_80 : memref<80x32xf32, #tpu.memory_space<hbm>>) target(%dma_start3A_78 : memref<80x32xf32, #tpu.memory_space<vmem>>) target_semaphore(%arg14 : memref<!tpu.dma_semaphore, #tpu.memory_space<semaphore_mem>>)
    %scan3A = arith.constant 0 : i32
    %scan3A_81 = arith.constant 16 : i32
    %scan3A_82 = arith.addi %scan3A, %scan3A_81 : i32
    %scan3A_83 = arith.constant 1 : i32
    scf.for %scan3A_90 = %scan3A to %scan3A_82 step %scan3A_83  : i32 {
      %jit3A = arith.constant 2 : i32
      %eq3A = arith.constant 0 : i32
      %eq3A_91 = arith.cmpi eq, %jit3A, %eq3A : i32
      %jit3A_92 = arith.constant 1 : i32
      %select_n3A = arith.select %eq3A_91, %jit3A_92, %jit3A : i32
      %rem3A = arith.remsi %scan3A_90, %select_n3A : i32
      %ne3A = arith.constant 0 : i32
      %ne3A_93 = arith.cmpi ne, %rem3A, %ne3A : i32
      %lt3A = arith.constant 0 : i32
      %lt3A_94 = arith.cmpi slt, %rem3A, %lt3A : i32
      %lt3A_95 = arith.constant 0 : i32
      %lt3A_96 = arith.cmpi slt, %select_n3A, %lt3A_95 : i32
      %ne3A_97 = arith.xori %lt3A_94, %lt3A_96 : i1
      %and3A = arith.andi %ne3A_97, %ne3A_93 : i1
      %add3A_98 = arith.addi %rem3A, %select_n3A : i32
      %select_n3A_99 = arith.select %and3A, %add3A_98, %rem3A : i32
      %add3A_100 = arith.constant 1 : i32
      %add3A_101 = arith.addi %scan3A_90, %add3A_100 : i32
      %jit3A_102 = arith.constant 2 : i32
      %eq3A_103 = arith.constant 0 : i32
      %eq3A_104 = arith.cmpi eq, %jit3A_102, %eq3A_103 : i32
      %jit3A_105 = arith.constant 1 : i32
      %select_n3A_106 = arith.select %eq3A_104, %jit3A_105, %jit3A_102 : i32
      %rem3A_107 = arith.remsi %add3A_101, %select_n3A_106 : i32
      %ne3A_108 = arith.constant 0 : i32
      %ne3A_109 = arith.cmpi ne, %rem3A_107, %ne3A_108 : i32
      %lt3A_110 = arith.constant 0 : i32
      %lt3A_111 = arith.cmpi slt, %rem3A_107, %lt3A_110 : i32
      %lt3A_112 = arith.constant 0 : i32
      %lt3A_113 = arith.cmpi slt, %select_n3A_106, %lt3A_112 : i32
      %ne3A_114 = arith.xori %lt3A_111, %lt3A_113 : i1
      %and3A_115 = arith.andi %ne3A_114, %ne3A_109 : i1
      %add3A_116 = arith.addi %rem3A_107, %select_n3A_106 : i32
      %select_n3A_117 = arith.select %and3A_115, %add3A_116, %rem3A_107 : i32
      %gt3A = arith.constant 0 : i32
      %gt3A_118 = arith.cmpi sgt, %scan3A_90, %gt3A : i32
      %convert_element_type3A = arith.extui %gt3A_118 : i1 to i32
      %cond3A = arith.constant 0 : i32
      %cond3A_119 = arith.cmpi ne, %convert_element_type3A, %cond3A : i32
      scf.if %cond3A_119 {
        %dma_wait3A_322 = arith.constant 0 : i32
        %dma_wait3A_323 = arith.constant 0 : i32
        %dma_wait3A_324 = arith.constant 0 : i32
        %dma_wait3A_325 = tpu.memref_slice %arg7[%dma_wait3A_322, %dma_wait3A_323, %dma_wait3A_324] : memref<2x8x80xi32, #tpu.memory_space<vmem>> -> memref<1x8x80xi32, #tpu.memory_space<vmem>>
        %dma_wait3A_326 = tpu.memref_squeeze %dma_wait3A_325 : memref<1x8x80xi32, #tpu.memory_space<vmem>> -> memref<8x80xi32, #tpu.memory_space<vmem>>
        %dma_wait3A_327 = arith.constant 0 : i32
        %dma_wait3A_328 = arith.constant 0 : i32
        %dma_wait3A_329 = tpu.memref_slice %arg4[%dma_wait3A_327, %dma_wait3A_328] : memref<4096x80xi32, #tpu.memory_space<hbm>> -> memref<8x80xi32, #tpu.memory_space<hbm>>
        %dma_wait3A_330 = arith.constant 0 : i32
        %dma_wait3A_331 = arith.constant 0 : i32
        %dma_wait3A_332 = tpu.memref_slice %arg7[%dma_wait3A_322, %dma_wait3A_330, %dma_wait3A_331] : memref<2x8x80xi32, #tpu.memory_space<vmem>> -> memref<1x8x80xi32, #tpu.memory_space<vmem>>
        %dma_wait3A_333 = tpu.memref_squeeze %dma_wait3A_332 : memref<1x8x80xi32, #tpu.memory_space<vmem>> -> memref<8x80xi32, #tpu.memory_space<vmem>>
        %dma_wait3A_334 = arith.constant 0 : i32
        %dma_wait3A_335 = arith.constant 0 : i32
        %dma_wait3A_336 = tpu.memref_slice %arg4[%dma_wait3A_334, %dma_wait3A_335] : memref<4096x80xi32, #tpu.memory_space<hbm>> -> memref<8x80xi32, #tpu.memory_space<hbm>>
        tpu.wait_dma2 semaphore(%arg12 : memref<!tpu.dma_semaphore, #tpu.memory_space<semaphore_mem>>) src(%dma_wait3A_336 : memref<8x80xi32, #tpu.memory_space<hbm>>) dst(%dma_wait3A_333 : memref<8x80xi32, #tpu.memory_space<vmem>>)
      } else {
      }
      %mul3A_120 = arith.constant 4 : i32
      %mul3A_121 = arith.muli %scan3A_90, %mul3A_120 : i32
      %add3A_122 = arith.constant 0 : i32
      %add3A_123 = arith.addi %mul3A_121, %add3A_122 : i32
      %dma_wait3A = arith.constant 0 : i32
      %dma_wait3A_124 = arith.constant 0 : i32
      %dma_wait3A_125 = arith.constant 0 : i32
      %dma_wait3A_126 = tpu.memref_slice %arg8[%dma_wait3A, %dma_wait3A_124, %dma_wait3A_125] : memref<2x80x16xf32, #tpu.memory_space<vmem>> -> memref<1x80x16xf32, #tpu.memory_space<vmem>>
      %dma_wait3A_127 = tpu.memref_squeeze %dma_wait3A_126 : memref<1x80x16xf32, #tpu.memory_space<vmem>> -> memref<80x16xf32, #tpu.memory_space<vmem>>
      %dma_wait3A_128 = arith.constant 0 : i32
      %dma_wait3A_129 = arith.constant 0 : i32
      %dma_wait3A_130 = tpu.memref_slice %arg2[%dma_wait3A_128, %dma_wait3A_129] : memref<10000x16xf32, #tpu.memory_space<hbm>> -> memref<80x16xf32, #tpu.memory_space<hbm>>
      %dma_wait3A_131 = arith.constant 0 : i32
      %dma_wait3A_132 = arith.constant 0 : i32
      %dma_wait3A_133 = tpu.memref_slice %arg8[%dma_wait3A, %dma_wait3A_131, %dma_wait3A_132] : memref<2x80x16xf32, #tpu.memory_space<vmem>> -> memref<1x80x16xf32, #tpu.memory_space<vmem>>
      %dma_wait3A_134 = tpu.memref_squeeze %dma_wait3A_133 : memref<1x80x16xf32, #tpu.memory_space<vmem>> -> memref<80x16xf32, #tpu.memory_space<vmem>>
      %dma_wait3A_135 = arith.constant 0 : i32
      %dma_wait3A_136 = arith.constant 0 : i32
      %dma_wait3A_137 = tpu.memref_slice %arg2[%dma_wait3A_135, %dma_wait3A_136] : memref<10000x16xf32, #tpu.memory_space<hbm>> -> memref<80x16xf32, #tpu.memory_space<hbm>>
      tpu.wait_dma2 semaphore(%arg13 : memref<!tpu.dma_semaphore, #tpu.memory_space<semaphore_mem>>) src(%dma_wait3A_137 : memref<80x16xf32, #tpu.memory_space<hbm>>) dst(%dma_wait3A_134 : memref<80x16xf32, #tpu.memory_space<vmem>>)
      %dma_wait3A_138 = arith.constant 0 : i32
      %dma_wait3A_139 = arith.constant 0 : i32
      %dma_wait3A_140 = arith.constant 0 : i32
      %dma_wait3A_141 = tpu.memref_slice %arg9[%dma_wait3A_138, %dma_wait3A_139, %dma_wait3A_140] : memref<2x80x32xf32, #tpu.memory_space<vmem>> -> memref<1x80x32xf32, #tpu.memory_space<vmem>>
      %dma_wait3A_142 = tpu.memref_squeeze %dma_wait3A_141 : memref<1x80x32xf32, #tpu.memory_space<vmem>> -> memref<80x32xf32, #tpu.memory_space<vmem>>
      %dma_wait3A_143 = arith.constant 0 : i32
      %dma_wait3A_144 = arith.constant 0 : i32
      %dma_wait3A_145 = tpu.memref_slice %arg3[%dma_wait3A_143, %dma_wait3A_144] : memref<163840x128xf32, #tpu.memory_space<hbm>> -> memref<80x32xf32, #tpu.memory_space<hbm>>
      %dma_wait3A_146 = arith.constant 0 : i32
      %dma_wait3A_147 = arith.constant 0 : i32
      %dma_wait3A_148 = tpu.memref_slice %arg9[%dma_wait3A_138, %dma_wait3A_146, %dma_wait3A_147] : memref<2x80x32xf32, #tpu.memory_space<vmem>> -> memref<1x80x32xf32, #tpu.memory_space<vmem>>
      %dma_wait3A_149 = tpu.memref_squeeze %dma_wait3A_148 : memref<1x80x32xf32, #tpu.memory_space<vmem>> -> memref<80x32xf32, #tpu.memory_space<vmem>>
      %dma_wait3A_150 = arith.constant 0 : i32
      %dma_wait3A_151 = arith.constant 0 : i32
      %dma_wait3A_152 = tpu.memref_slice %arg3[%dma_wait3A_150, %dma_wait3A_151] : memref<163840x128xf32, #tpu.memory_space<hbm>> -> memref<80x32xf32, #tpu.memory_space<hbm>>
      tpu.wait_dma2 semaphore(%arg14 : memref<!tpu.dma_semaphore, #tpu.memory_space<semaphore_mem>>) src(%dma_wait3A_152 : memref<80x32xf32, #tpu.memory_space<hbm>>) dst(%dma_wait3A_149 : memref<80x32xf32, #tpu.memory_space<vmem>>)
      %scan3A_153 = arith.constant 0 : i32
      %scan3A_154 = arith.constant 0 : i32
      %scan3A_155 = arith.constant 0 : i32
      %scan3A_156 = arith.constant 80 : i32
      %scan3A_157 = arith.addi %scan3A_155, %scan3A_156 : i32
      %scan3A_158 = arith.constant 1 : i32
      scf.for %scan3A_322 = %scan3A_155 to %scan3A_157 step %scan3A_158  : i32 {
        %get3A = arith.constant 0 : i32
        %get3A_323 = arith.constant 0 : i32
        %get3A_324 = tpu.memref_slice %arg9[%scan3A_153, %get3A, %get3A_323] : memref<2x80x32xf32, #tpu.memory_space<vmem>> -> memref<1x80x32xf32, #tpu.memory_space<vmem>>
        %get3A_325 = tpu.memref_squeeze %get3A_324 : memref<1x80x32xf32, #tpu.memory_space<vmem>> -> memref<80x32xf32, #tpu.memory_space<vmem>>
        %get3A_326 = arith.index_cast %scan3A_322 : i32 to index
        %get3A_327 = arith.constant 0 : index
        %get3A_328 = tpu.vector_load %get3A_325[%get3A_326, %get3A_327] {strides = array<i32>} : memref<80x32xf32, #tpu.memory_space<vmem>>, vector<1x16xf32>,
        %get3A_329 = vector.shape_cast %get3A_328 : vector<1x16xf32> to vector<16xf32>
        %get3A_330 = arith.constant 0 : i32
        %get3A_331 = arith.constant 0 : i32
        %get3A_332 = tpu.memref_slice %arg8[%scan3A_154, %get3A_330, %get3A_331] : memref<2x80x16xf32, #tpu.memory_space<vmem>> -> memref<1x80x16xf32, #tpu.memory_space<vmem>>
        %get3A_333 = tpu.memref_squeeze %get3A_332 : memref<1x80x16xf32, #tpu.memory_space<vmem>> -> memref<80x16xf32, #tpu.memory_space<vmem>>
        %get3A_334 = arith.index_cast %scan3A_322 : i32 to index
        %get3A_335 = arith.constant 0 : index
        %get3A_336 = tpu.vector_load %get3A_333[%get3A_334, %get3A_335] {strides = array<i32>} : memref<80x16xf32, #tpu.memory_space<vmem>>, vector<1x16xf32>,
        %get3A_337 = vector.shape_cast %get3A_336 : vector<1x16xf32> to vector<16xf32>
        %mul3A_338 = arith.mulf %get3A_329, %get3A_337 : vector<16xf32>
        %get3A_339 = arith.constant 0 : i32
        %get3A_340 = arith.constant 0 : i32
        %get3A_341 = tpu.memref_slice %arg9[%scan3A_153, %get3A_339, %get3A_340] : memref<2x80x32xf32, #tpu.memory_space<vmem>> -> memref<1x80x32xf32, #tpu.memory_space<vmem>>
        %get3A_342 = tpu.memref_squeeze %get3A_341 : memref<1x80x32xf32, #tpu.memory_space<vmem>> -> memref<80x32xf32, #tpu.memory_space<vmem>>
        %get3A_343 = arith.index_cast %scan3A_322 : i32 to index
        %get3A_344 = arith.constant 16 : index
        %get3A_345 = tpu.vector_load %get3A_342[%get3A_343, %get3A_344] {strides = array<i32>} : memref<80x32xf32, #tpu.memory_space<vmem>>, vector<1x16xf32>,
        %get3A_346 = vector.shape_cast %get3A_345 : vector<1x16xf32> to vector<16xf32>
        %slice3A = vector.extract_strided_slice %get3A_346 {offsets = [0], sizes = [1], strides = [1]} : vector<16xf32> to vector<1xf32>
        %squeeze3A = vector.extract %slice3A[0] : f32 from vector<1xf32>
        %mul3A_347 = vector.broadcast %squeeze3A : f32 to vector<16xf32>
        %mul3A_348 = arith.mulf %mul3A_338, %mul3A_347 : vector<16xf32>
        %swap3A = arith.index_cast %scan3A_322 : i32 to index
        %swap3A_349 = arith.constant 0 : index
        %swap3A_350 = tpu.vector_load %arg10[%swap3A, %swap3A_349] {strides = array<i32>} : memref<80x144xf32, #tpu.memory_space<vmem>>, vector<1x16xf32>,
        %swap3A_351 = vector.shape_cast %swap3A_350 : vector<1x16xf32> to vector<16xf32>
        %swap3A_352 = vector.shape_cast %mul3A_348 : vector<16xf32> to vector<1x16xf32>
        tpu.vector_store %arg10[%swap3A, %swap3A_349], %swap3A_352 {strides = array<i32>} : memref<80x144xf32, #tpu.memory_space<vmem>>, vector<1x16xf32>,
        %slice3A_353 = vector.extract_strided_slice %get3A_346 {offsets = [1], sizes = [1], strides = [1]} : vector<16xf32> to vector<1xf32>
        %squeeze3A_354 = vector.extract %slice3A_353[0] : f32 from vector<1xf32>
        %mul3A_355 = vector.broadcast %squeeze3A_354 : f32 to vector<16xf32>
        %mul3A_356 = arith.mulf %mul3A_338, %mul3A_355 : vector<16xf32>
        %swap3A_357 = arith.index_cast %scan3A_322 : i32 to index
        %swap3A_358 = arith.constant 16 : index
        %swap3A_359 = tpu.vector_load %arg10[%swap3A_357, %swap3A_358] {strides = array<i32>} : memref<80x144xf32, #tpu.memory_space<vmem>>, vector<1x16xf32>,
        %swap3A_360 = vector.shape_cast %swap3A_359 : vector<1x16xf32> to vector<16xf32>
        %swap3A_361 = vector.shape_cast %mul3A_356 : vector<16xf32> to vector<1x16xf32>
        tpu.vector_store %arg10[%swap3A_357, %swap3A_358], %swap3A_361 {strides = array<i32>} : memref<80x144xf32, #tpu.memory_space<vmem>>, vector<1x16xf32>,
        %slice3A_362 = vector.extract_strided_slice %get3A_346 {offsets = [2], sizes = [1], strides = [1]} : vector<16xf32> to vector<1xf32>
        %squeeze3A_363 = vector.extract %slice3A_362[0] : f32 from vector<1xf32>
        %mul3A_364 = vector.broadcast %squeeze3A_363 : f32 to vector<16xf32>
        %mul3A_365 = arith.mulf %mul3A_338, %mul3A_364 : vector<16xf32>
        %swap3A_366 = arith.index_cast %scan3A_322 : i32 to index
        %swap3A_367 = arith.constant 32 : index
        %swap3A_368 = tpu.vector_load %arg10[%swap3A_366, %swap3A_367] {strides = array<i32>} : memref<80x144xf32, #tpu.memory_space<vmem>>, vector<1x16xf32>,
        %swap3A_369 = vector.shape_cast %swap3A_368 : vector<1x16xf32> to vector<16xf32>
        %swap3A_370 = vector.shape_cast %mul3A_365 : vector<16xf32> to vector<1x16xf32>
        tpu.vector_store %arg10[%swap3A_366, %swap3A_367], %swap3A_370 {strides = array<i32>} : memref<80x144xf32, #tpu.memory_space<vmem>>, vector<1x16xf32>,
        %slice3A_371 = vector.extract_strided_slice %get3A_346 {offsets = [3], sizes = [1], strides = [1]} : vector<16xf32> to vector<1xf32>
        %squeeze3A_372 = vector.extract %slice3A_371[0] : f32 from vector<1xf32>
        %mul3A_373 = vector.broadcast %squeeze3A_372 : f32 to vector<16xf32>
        %mul3A_374 = arith.mulf %mul3A_338, %mul3A_373 : vector<16xf32>
        %swap3A_375 = arith.index_cast %scan3A_322 : i32 to index
        %swap3A_376 = arith.constant 48 : index
        %swap3A_377 = tpu.vector_load %arg10[%swap3A_375, %swap3A_376] {strides = array<i32>} : memref<80x144xf32, #tpu.memory_space<vmem>>, vector<1x16xf32>,
        %swap3A_378 = vector.shape_cast %swap3A_377 : vector<1x16xf32> to vector<16xf32>
        %swap3A_379 = vector.shape_cast %mul3A_374 : vector<16xf32> to vector<1x16xf32>
        tpu.vector_store %arg10[%swap3A_375, %swap3A_376], %swap3A_379 {strides = array<i32>} : memref<80x144xf32, #tpu.memory_space<vmem>>, vector<1x16xf32>,
        %slice3A_380 = vector.extract_strided_slice %get3A_346 {offsets = [4], sizes = [1], strides = [1]} : vector<16xf32> to vector<1xf32>
        %squeeze3A_381 = vector.extract %slice3A_380[0] : f32 from vector<1xf32>
        %mul3A_382 = vector.broadcast %squeeze3A_381 : f32 to vector<16xf32>
        %mul3A_383 = arith.mulf %mul3A_338, %mul3A_382 : vector<16xf32>
        %swap3A_384 = arith.index_cast %scan3A_322 : i32 to index
        %swap3A_385 = arith.constant 64 : index
        %swap3A_386 = tpu.vector_load %arg10[%swap3A_384, %swap3A_385] {strides = array<i32>} : memref<80x144xf32, #tpu.memory_space<vmem>>, vector<1x16xf32>,
        %swap3A_387 = vector.shape_cast %swap3A_386 : vector<1x16xf32> to vector<16xf32>
        %swap3A_388 = vector.shape_cast %mul3A_383 : vector<16xf32> to vector<1x16xf32>
        tpu.vector_store %arg10[%swap3A_384, %swap3A_385], %swap3A_388 {strides = array<i32>} : memref<80x144xf32, #tpu.memory_space<vmem>>, vector<1x16xf32>,
        %slice3A_389 = vector.extract_strided_slice %get3A_346 {offsets = [5], sizes = [1], strides = [1]} : vector<16xf32> to vector<1xf32>
        %squeeze3A_390 = vector.extract %slice3A_389[0] : f32 from vector<1xf32>
        %mul3A_391 = vector.broadcast %squeeze3A_390 : f32 to vector<16xf32>
        %mul3A_392 = arith.mulf %mul3A_338, %mul3A_391 : vector<16xf32>
        %swap3A_393 = arith.index_cast %scan3A_322 : i32 to index
        %swap3A_394 = arith.constant 80 : index
        %swap3A_395 = tpu.vector_load %arg10[%swap3A_393, %swap3A_394] {strides = array<i32>} : memref<80x144xf32, #tpu.memory_space<vmem>>, vector<1x16xf32>,
        %swap3A_396 = vector.shape_cast %swap3A_395 : vector<1x16xf32> to vector<16xf32>
        %swap3A_397 = vector.shape_cast %mul3A_392 : vector<16xf32> to vector<1x16xf32>
        tpu.vector_store %arg10[%swap3A_393, %swap3A_394], %swap3A_397 {strides = array<i32>} : memref<80x144xf32, #tpu.memory_space<vmem>>, vector<1x16xf32>,
        %slice3A_398 = vector.extract_strided_slice %get3A_346 {offsets = [6], sizes = [1], strides = [1]} : vector<16xf32> to vector<1xf32>
        %squeeze3A_399 = vector.extract %slice3A_398[0] : f32 from vector<1xf32>
        %mul3A_400 = vector.broadcast %squeeze3A_399 : f32 to vector<16xf32>
        %mul3A_401 = arith.mulf %mul3A_338, %mul3A_400 : vector<16xf32>
        %swap3A_402 = arith.index_cast %scan3A_322 : i32 to index
        %swap3A_403 = arith.constant 96 : index
        %swap3A_404 = tpu.vector_load %arg10[%swap3A_402, %swap3A_403] {strides = array<i32>} : memref<80x144xf32, #tpu.memory_space<vmem>>, vector<1x16xf32>,
        %swap3A_405 = vector.shape_cast %swap3A_404 : vector<1x16xf32> to vector<16xf32>
        %swap3A_406 = vector.shape_cast %mul3A_401 : vector<16xf32> to vector<1x16xf32>
        tpu.vector_store %arg10[%swap3A_402, %swap3A_403], %swap3A_406 {strides = array<i32>} : memref<80x144xf32, #tpu.memory_space<vmem>>, vector<1x16xf32>,
        %slice3A_407 = vector.extract_strided_slice %get3A_346 {offsets = [7], sizes = [1], strides = [1]} : vector<16xf32> to vector<1xf32>
        %squeeze3A_408 = vector.extract %slice3A_407[0] : f32 from vector<1xf32>
        %mul3A_409 = vector.broadcast %squeeze3A_408 : f32 to vector<16xf32>
        %mul3A_410 = arith.mulf %mul3A_338, %mul3A_409 : vector<16xf32>
        %swap3A_411 = arith.index_cast %scan3A_322 : i32 to index
        %swap3A_412 = arith.constant 112 : index
        %swap3A_413 = tpu.vector_load %arg10[%swap3A_411, %swap3A_412] {strides = array<i32>} : memref<80x144xf32, #tpu.memory_space<vmem>>, vector<1x16xf32>,
        %swap3A_414 = vector.shape_cast %swap3A_413 : vector<1x16xf32> to vector<16xf32>
        %swap3A_415 = vector.shape_cast %mul3A_410 : vector<16xf32> to vector<1x16xf32>
        tpu.vector_store %arg10[%swap3A_411, %swap3A_412], %swap3A_415 {strides = array<i32>} : memref<80x144xf32, #tpu.memory_space<vmem>>, vector<1x16xf32>,
        %slice3A_416 = vector.extract_strided_slice %get3A_346 {offsets = [8], sizes = [1], strides = [1]} : vector<16xf32> to vector<1xf32>
        %squeeze3A_417 = vector.extract %slice3A_416[0] : f32 from vector<1xf32>
        %mul3A_418 = vector.broadcast %squeeze3A_417 : f32 to vector<16xf32>
        %mul3A_419 = arith.mulf %mul3A_338, %mul3A_418 : vector<16xf32>
        %swap3A_420 = arith.index_cast %scan3A_322 : i32 to index
        %swap3A_421 = arith.constant 128 : index
        %swap3A_422 = tpu.vector_load %arg10[%swap3A_420, %swap3A_421] {strides = array<i32>} : memref<80x144xf32, #tpu.memory_space<vmem>>, vector<1x16xf32>,
        %swap3A_423 = vector.shape_cast %swap3A_422 : vector<1x16xf32> to vector<16xf32>
        %swap3A_424 = vector.shape_cast %mul3A_419 : vector<16xf32> to vector<1x16xf32>
        tpu.vector_store %arg10[%swap3A_420, %swap3A_421], %swap3A_424 {strides = array<i32>} : memref<80x144xf32, #tpu.memory_space<vmem>>, vector<1x16xf32>,
      }
      %scan3A_159 = arith.constant 80 : i32
      %add3A_160 = arith.constant 2 : i32
      %add3A_161 = arith.addi %add3A_123, %add3A_160 : i32
      %lt3A_162 = arith.constant 64 : i32
      %lt3A_163 = arith.cmpi slt, %add3A_161, %lt3A_162 : i32
      %convert_element_type3A_164 = arith.extui %lt3A_163 : i1 to i32
      %cond3A_165 = arith.constant 0 : i32
      %cond3A_166 = arith.cmpi ne, %convert_element_type3A_164, %cond3A_165 : i32
      scf.if %cond3A_166 {
        %add3A_322 = arith.constant 2 : i32
        %add3A_323 = arith.addi %add3A_123, %add3A_322 : i32
        %dma_start3A_324 = arith.constant 4 : i32
        %dma_start3A_325 = arith.constant 0 : i32
        %dma_start3A_326 = arith.constant 0 : i32
        %dma_start3A_327 = arith.constant 0 : i32
        %dma_start3A_328 = tpu.memref_slice %arg8[%dma_start3A_325, %dma_start3A_326, %dma_start3A_327] : memref<2x80x16xf32, #tpu.memory_space<vmem>> -> memref<1x80x16xf32, #tpu.memory_space<vmem>>
        %dma_start3A_329 = tpu.memref_squeeze %dma_start3A_328 : memref<1x80x16xf32, #tpu.memory_space<vmem>> -> memref<80x16xf32, #tpu.memory_space<vmem>>
        %dma_start3A_330 = arith.constant 0 : i32
        %dma_start3A_331 = tpu.memref_slice %arg7[%select_n3A_99, %dma_start3A_324, %dma_start3A_330] : memref<2x8x80xi32, #tpu.memory_space<vmem>> -> memref<1x1x80xi32, #tpu.memory_space<vmem>>
        %dma_start3A_332 = tpu.memref_squeeze %dma_start3A_331 : memref<1x1x80xi32, #tpu.memory_space<vmem>> -> memref<80xi32, #tpu.memory_space<vmem>>
        %dma_start3A_333 = arith.constant 0 : i32
        %dma_start3A_334 = arith.constant 0 : i32
        %dma_start3A_335 = tpu.memref_slice %arg2[%dma_start3A_333, %dma_start3A_334] : memref<10000x16xf32, #tpu.memory_space<hbm>> -> memref<10000x16xf32, #tpu.memory_space<hbm>>
        tpu.enqueue_indirect_dma source(%dma_start3A_335 : memref<10000x16xf32, #tpu.memory_space<hbm>>) target(%dma_start3A_329 : memref<80x16xf32, #tpu.memory_space<vmem>>) offsets(%dma_start3A_332 : memref<80xi32, #tpu.memory_space<vmem>>) semaphore(%arg13 : memref<!tpu.dma_semaphore, #tpu.memory_space<semaphore_mem>>)
        %mul3A_336 = arith.constant 80 : i32
        %mul3A_337 = arith.muli %add3A_323, %mul3A_336 : i32
        %add3A_338 = arith.addi %mul3A_2, %mul3A_337 : i32
        %dma_start3A_339 = arith.constant 0 : i32
        %dma_start3A_340 = arith.constant 0 : i32
        %dma_start3A_341 = arith.constant 0 : i32
        %dma_start3A_342 = tpu.memref_slice %arg9[%dma_start3A_339, %dma_start3A_340, %dma_start3A_341] : memref<2x80x32xf32, #tpu.memory_space<vmem>> -> memref<1x80x32xf32, #tpu.memory_space<vmem>>
        %dma_start3A_343 = tpu.memref_squeeze %dma_start3A_342 : memref<1x80x32xf32, #tpu.memory_space<vmem>> -> memref<80x32xf32, #tpu.memory_space<vmem>>
        %dma_start3A_344 = arith.constant 0 : i32
        %dma_start3A_345 = tpu.memref_slice %arg3[%add3A_338, %dma_start3A_344] : memref<163840x128xf32, #tpu.memory_space<hbm>> -> memref<80x32xf32, #tpu.memory_space<hbm>>
        %dma_start3A_346 = arith.constant 0 : i32
        %dma_start3A_347 = arith.constant 0 : i32
        %dma_start3A_348 = tpu.memref_slice %arg9[%dma_start3A_339, %dma_start3A_346, %dma_start3A_347] : memref<2x80x32xf32, #tpu.memory_space<vmem>> -> memref<1x80x32xf32, #tpu.memory_space<vmem>>
        %dma_start3A_349 = tpu.memref_squeeze %dma_start3A_348 : memref<1x80x32xf32, #tpu.memory_space<vmem>> -> memref<80x32xf32, #tpu.memory_space<vmem>>
        %dma_start3A_350 = arith.constant 0 : i32
        %dma_start3A_351 = tpu.memref_slice %arg3[%add3A_338, %dma_start3A_350] : memref<163840x128xf32, #tpu.memory_space<hbm>> -> memref<80x32xf32, #tpu.memory_space<hbm>>
        tpu.enqueue_dma source(%dma_start3A_351 : memref<80x32xf32, #tpu.memory_space<hbm>>) target(%dma_start3A_349 : memref<80x32xf32, #tpu.memory_space<vmem>>) target_semaphore(%arg14 : memref<!tpu.dma_semaphore, #tpu.memory_space<semaphore_mem>>)
      } else {
      }
      %run_scoped3A_167 = arith.constant 1 : i32
      "tpu.region"() ({
        %run_scoped3A_322 = tpu.sem_alloc : memref<!tpu.dma_semaphore, #tpu.memory_space<semaphore_mem>>
        %dma_start3A_323 = arith.constant 0 : i32
        %dma_start3A_324 = tpu.memref_slice %arg7[%select_n3A_99, %run_scoped3A_167, %dma_start3A_323] : memref<2x8x80xi32, #tpu.memory_space<vmem>> -> memref<1x1x80xi32, #tpu.memory_space<vmem>>
        %dma_start3A_325 = tpu.memref_squeeze %dma_start3A_324 : memref<1x1x80xi32, #tpu.memory_space<vmem>> -> memref<80xi32, #tpu.memory_space<vmem>>
        %dma_start3A_326 = arith.constant 0 : i32
        %dma_start3A_327 = arith.constant 0 : i32
        %dma_start3A_328 = tpu.memref_slice %arg11[%dma_start3A_326, %dma_start3A_327] : memref<10000x144xf32, #tpu.memory_space<vmem_shared>> -> memref<10000x144xf32, #tpu.memory_space<vmem_shared>>
        tpu.enqueue_indirect_dma source(%arg10 : memref<80x144xf32, #tpu.memory_space<vmem>>) target(%dma_start3A_328 : memref<10000x144xf32, #tpu.memory_space<vmem_shared>>) offsets(%dma_start3A_325 : memref<80xi32, #tpu.memory_space<vmem>>) semaphore(%run_scoped3A_322 : memref<!tpu.dma_semaphore, #tpu.memory_space<semaphore_mem>>) {add = true}
        %dma_wait3A_329 = arith.constant 0 : i32
        %dma_wait3A_330 = tpu.memref_slice %arg7[%select_n3A_99, %run_scoped3A_167, %dma_wait3A_329] : memref<2x8x80xi32, #tpu.memory_space<vmem>> -> memref<1x1x80xi32, #tpu.memory_space<vmem>>
        %dma_wait3A_331 = tpu.memref_squeeze %dma_wait3A_330 : memref<1x1x80xi32, #tpu.memory_space<vmem>> -> memref<80xi32, #tpu.memory_space<vmem>>
        %dma_wait3A_332 = arith.constant 0 : i32
        %dma_wait3A_333 = arith.constant 0 : i32
        %dma_wait3A_334 = tpu.memref_slice %arg11[%dma_wait3A_332, %dma_wait3A_333] : memref<10000x144xf32, #tpu.memory_space<vmem_shared>> -> memref<10000x144xf32, #tpu.memory_space<vmem_shared>>
        tpu.wait_indirect_dma semaphore(%run_scoped3A_322 : memref<!tpu.dma_semaphore, #tpu.memory_space<semaphore_mem>>) src(%arg10 : memref<80x144xf32, #tpu.memory_space<vmem>>) dst(%dma_wait3A_334 : memref<10000x144xf32, #tpu.memory_space<vmem_shared>>)
        tpu.yield
      }) : () -> ()
      %mul3A_168 = arith.constant 4 : i32
      %mul3A_169 = arith.muli %scan3A_90, %mul3A_168 : i32
      %add3A_170 = arith.constant 1 : i32
      %add3A_171 = arith.addi %mul3A_169, %add3A_170 : i32
      %dma_wait3A_172 = arith.constant 1 : i32
      %dma_wait3A_173 = arith.constant 0 : i32
      %dma_wait3A_174 = arith.constant 0 : i32
      %dma_wait3A_175 = tpu.memref_slice %arg8[%dma_wait3A_172, %dma_wait3A_173, %dma_wait3A_174] : memref<2x80x16xf32, #tpu.memory_space<vmem>> -> memref<1x80x16xf32, #tpu.memory_space<vmem>>
      %dma_wait3A_176 = tpu.memref_squeeze %dma_wait3A_175 : memref<1x80x16xf32, #tpu.memory_space<vmem>> -> memref<80x16xf32, #tpu.memory_space<vmem>>
      %dma_wait3A_177 = arith.constant 0 : i32
      %dma_wait3A_178 = arith.constant 0 : i32
      %dma_wait3A_179 = tpu.memref_slice %arg2[%dma_wait3A_177, %dma_wait3A_178] : memref<10000x16xf32, #tpu.memory_space<hbm>> -> memref<80x16xf32, #tpu.memory_space<hbm>>
      %dma_wait3A_180 = arith.constant 0 : i32
      %dma_wait3A_181 = arith.constant 0 : i32
      %dma_wait3A_182 = tpu.memref_slice %arg8[%dma_wait3A_172, %dma_wait3A_180, %dma_wait3A_181] : memref<2x80x16xf32, #tpu.memory_space<vmem>> -> memref<1x80x16xf32, #tpu.memory_space<vmem>>
      %dma_wait3A_183 = tpu.memref_squeeze %dma_wait3A_182 : memref<1x80x16xf32, #tpu.memory_space<vmem>> -> memref<80x16xf32, #tpu.memory_space<vmem>>
      %dma_wait3A_184 = arith.constant 0 : i32
      %dma_wait3A_185 = arith.constant 0 : i32
      %dma_wait3A_186 = tpu.memref_slice %arg2[%dma_wait3A_184, %dma_wait3A_185] : memref<10000x16xf32, #tpu.memory_space<hbm>> -> memref<80x16xf32, #tpu.memory_space<hbm>>
      tpu.wait_dma2 semaphore(%arg13 : memref<!tpu.dma_semaphore, #tpu.memory_space<semaphore_mem>>) src(%dma_wait3A_186 : memref<80x16xf32, #tpu.memory_space<hbm>>) dst(%dma_wait3A_183 : memref<80x16xf32, #tpu.memory_space<vmem>>)
      %dma_wait3A_187 = arith.constant 1 : i32
      %dma_wait3A_188 = arith.constant 0 : i32
      %dma_wait3A_189 = arith.constant 0 : i32
      %dma_wait3A_190 = tpu.memref_slice %arg9[%dma_wait3A_187, %dma_wait3A_188, %dma_wait3A_189] : memref<2x80x32xf32, #tpu.memory_space<vmem>> -> memref<1x80x32xf32, #tpu.memory_space<vmem>>
      %dma_wait3A_191 = tpu.memref_squeeze %dma_wait3A_190 : memref<1x80x32xf32, #tpu.memory_space<vmem>> -> memref<80x32xf32, #tpu.memory_space<vmem>>
      %dma_wait3A_192 = arith.constant 0 : i32
      %dma_wait3A_193 = arith.constant 0 : i32
      %dma_wait3A_194 = tpu.memref_slice %arg3[%dma_wait3A_192, %dma_wait3A_193] : memref<163840x128xf32, #tpu.memory_space<hbm>> -> memref<80x32xf32, #tpu.memory_space<hbm>>
      %dma_wait3A_195 = arith.constant 0 : i32
      %dma_wait3A_196 = arith.constant 0 : i32
      %dma_wait3A_197 = tpu.memref_slice %arg9[%dma_wait3A_187, %dma_wait3A_195, %dma_wait3A_196] : memref<2x80x32xf32, #tpu.memory_space<vmem>> -> memref<1x80x32xf32, #tpu.memory_space<vmem>>
      %dma_wait3A_198 = tpu.memref_squeeze %dma_wait3A_197 : memref<1x80x32xf32, #tpu.memory_space<vmem>> -> memref<80x32xf32, #tpu.memory_space<vmem>>
      %dma_wait3A_199 = arith.constant 0 : i32
      %dma_wait3A_200 = arith.constant 0 : i32
      %dma_wait3A_201 = tpu.memref_slice %arg3[%dma_wait3A_199, %dma_wait3A_200] : memref<163840x128xf32, #tpu.memory_space<hbm>> -> memref<80x32xf32, #tpu.memory_space<hbm>>
      tpu.wait_dma2 semaphore(%arg14 : memref<!tpu.dma_semaphore, #tpu.memory_space<semaphore_mem>>) src(%dma_wait3A_201 : memref<80x32xf32, #tpu.memory_space<hbm>>) dst(%dma_wait3A_198 : memref<80x32xf32, #tpu.memory_space<vmem>>)
      %scan3A_202 = arith.constant 1 : i32
      %scan3A_203 = arith.constant 1 : i32
      %scan3A_204 = arith.constant 0 : i32
      %scan3A_205 = arith.constant 80 : i32
      %scan3A_206 = arith.addi %scan3A_204, %scan3A_205 : i32
      %scan3A_207 = arith.constant 1 : i32
      scf.for %scan3A_322 = %scan3A_204 to %scan3A_206 step %scan3A_207  : i32 {
        %get3A = arith.constant 0 : i32
        %get3A_323 = arith.constant 0 : i32
        %get3A_324 = tpu.memref_slice %arg9[%scan3A_202, %get3A, %get3A_323] : memref<2x80x32xf32, #tpu.memory_space<vmem>> -> memref<1x80x32xf32, #tpu.memory_space<vmem>>
        %get3A_325 = tpu.memref_squeeze %get3A_324 : memref<1x80x32xf32, #tpu.memory_space<vmem>> -> memref<80x32xf32, #tpu.memory_space<vmem>>
        %get3A_326 = arith.index_cast %scan3A_322 : i32 to index
        %get3A_327 = arith.constant 0 : index
        %get3A_328 = tpu.vector_load %get3A_325[%get3A_326, %get3A_327] {strides = array<i32>} : memref<80x32xf32, #tpu.memory_space<vmem>>, vector<1x16xf32>,
        %get3A_329 = vector.shape_cast %get3A_328 : vector<1x16xf32> to vector<16xf32>
        %get3A_330 = arith.constant 0 : i32
        %get3A_331 = arith.constant 0 : i32
        %get3A_332 = tpu.memref_slice %arg8[%scan3A_203, %get3A_330, %get3A_331] : memref<2x80x16xf32, #tpu.memory_space<vmem>> -> memref<1x80x16xf32, #tpu.memory_space<vmem>>
        %get3A_333 = tpu.memref_squeeze %get3A_332 : memref<1x80x16xf32, #tpu.memory_space<vmem>> -> memref<80x16xf32, #tpu.memory_space<vmem>>
        %get3A_334 = arith.index_cast %scan3A_322 : i32 to index
        %get3A_335 = arith.constant 0 : index
        %get3A_336 = tpu.vector_load %get3A_333[%get3A_334, %get3A_335] {strides = array<i32>} : memref<80x16xf32, #tpu.memory_space<vmem>>, vector<1x16xf32>,
        %get3A_337 = vector.shape_cast %get3A_336 : vector<1x16xf32> to vector<16xf32>
        %mul3A_338 = arith.mulf %get3A_329, %get3A_337 : vector<16xf32>
        %get3A_339 = arith.constant 0 : i32
        %get3A_340 = arith.constant 0 : i32
        %get3A_341 = tpu.memref_slice %arg9[%scan3A_202, %get3A_339, %get3A_340] : memref<2x80x32xf32, #tpu.memory_space<vmem>> -> memref<1x80x32xf32, #tpu.memory_space<vmem>>
        %get3A_342 = tpu.memref_squeeze %get3A_341 : memref<1x80x32xf32, #tpu.memory_space<vmem>> -> memref<80x32xf32, #tpu.memory_space<vmem>>
        %get3A_343 = arith.index_cast %scan3A_322 : i32 to index
        %get3A_344 = arith.constant 16 : index
        %get3A_345 = tpu.vector_load %get3A_342[%get3A_343, %get3A_344] {strides = array<i32>} : memref<80x32xf32, #tpu.memory_space<vmem>>, vector<1x16xf32>,
        %get3A_346 = vector.shape_cast %get3A_345 : vector<1x16xf32> to vector<16xf32>
        %slice3A = vector.extract_strided_slice %get3A_346 {offsets = [0], sizes = [1], strides = [1]} : vector<16xf32> to vector<1xf32>
        %squeeze3A = vector.extract %slice3A[0] : f32 from vector<1xf32>
        %mul3A_347 = vector.broadcast %squeeze3A : f32 to vector<16xf32>
        %mul3A_348 = arith.mulf %mul3A_338, %mul3A_347 : vector<16xf32>
        %swap3A = arith.index_cast %scan3A_322 : i32 to index
        %swap3A_349 = arith.constant 0 : index
        %swap3A_350 = tpu.vector_load %arg10[%swap3A, %swap3A_349] {strides = array<i32>} : memref<80x144xf32, #tpu.memory_space<vmem>>, vector<1x16xf32>,
        %swap3A_351 = vector.shape_cast %swap3A_350 : vector<1x16xf32> to vector<16xf32>
        %swap3A_352 = vector.shape_cast %mul3A_348 : vector<16xf32> to vector<1x16xf32>
        tpu.vector_store %arg10[%swap3A, %swap3A_349], %swap3A_352 {strides = array<i32>} : memref<80x144xf32, #tpu.memory_space<vmem>>, vector<1x16xf32>,
        %slice3A_353 = vector.extract_strided_slice %get3A_346 {offsets = [1], sizes = [1], strides = [1]} : vector<16xf32> to vector<1xf32>
        %squeeze3A_354 = vector.extract %slice3A_353[0] : f32 from vector<1xf32>
        %mul3A_355 = vector.broadcast %squeeze3A_354 : f32 to vector<16xf32>
        %mul3A_356 = arith.mulf %mul3A_338, %mul3A_355 : vector<16xf32>
        %swap3A_357 = arith.index_cast %scan3A_322 : i32 to index
        %swap3A_358 = arith.constant 16 : index
        %swap3A_359 = tpu.vector_load %arg10[%swap3A_357, %swap3A_358] {strides = array<i32>} : memref<80x144xf32, #tpu.memory_space<vmem>>, vector<1x16xf32>,
        %swap3A_360 = vector.shape_cast %swap3A_359 : vector<1x16xf32> to vector<16xf32>
        %swap3A_361 = vector.shape_cast %mul3A_356 : vector<16xf32> to vector<1x16xf32>
        tpu.vector_store %arg10[%swap3A_357, %swap3A_358], %swap3A_361 {strides = array<i32>} : memref<80x144xf32, #tpu.memory_space<vmem>>, vector<1x16xf32>,
        %slice3A_362 = vector.extract_strided_slice %get3A_346 {offsets = [2], sizes = [1], strides = [1]} : vector<16xf32> to vector<1xf32>
        %squeeze3A_363 = vector.extract %slice3A_362[0] : f32 from vector<1xf32>
        %mul3A_364 = vector.broadcast %squeeze3A_363 : f32 to vector<16xf32>
        %mul3A_365 = arith.mulf %mul3A_338, %mul3A_364 : vector<16xf32>
        %swap3A_366 = arith.index_cast %scan3A_322 : i32 to index
        %swap3A_367 = arith.constant 32 : index
        %swap3A_368 = tpu.vector_load %arg10[%swap3A_366, %swap3A_367] {strides = array<i32>} : memref<80x144xf32, #tpu.memory_space<vmem>>, vector<1x16xf32>,
        %swap3A_369 = vector.shape_cast %swap3A_368 : vector<1x16xf32> to vector<16xf32>
        %swap3A_370 = vector.shape_cast %mul3A_365 : vector<16xf32> to vector<1x16xf32>
        tpu.vector_store %arg10[%swap3A_366, %swap3A_367], %swap3A_370 {strides = array<i32>} : memref<80x144xf32, #tpu.memory_space<vmem>>, vector<1x16xf32>,
        %slice3A_371 = vector.extract_strided_slice %get3A_346 {offsets = [3], sizes = [1], strides = [1]} : vector<16xf32> to vector<1xf32>
        %squeeze3A_372 = vector.extract %slice3A_371[0] : f32 from vector<1xf32>
        %mul3A_373 = vector.broadcast %squeeze3A_372 : f32 to vector<16xf32>
        %mul3A_374 = arith.mulf %mul3A_338, %mul3A_373 : vector<16xf32>
        %swap3A_375 = arith.index_cast %scan3A_322 : i32 to index
        %swap3A_376 = arith.constant 48 : index
        %swap3A_377 = tpu.vector_load %arg10[%swap3A_375, %swap3A_376] {strides = array<i32>} : memref<80x144xf32, #tpu.memory_space<vmem>>, vector<1x16xf32>,
        %swap3A_378 = vector.shape_cast %swap3A_377 : vector<1x16xf32> to vector<16xf32>
        %swap3A_379 = vector.shape_cast %mul3A_374 : vector<16xf32> to vector<1x16xf32>
        tpu.vector_store %arg10[%swap3A_375, %swap3A_376], %swap3A_379 {strides = array<i32>} : memref<80x144xf32, #tpu.memory_space<vmem>>, vector<1x16xf32>,
        %slice3A_380 = vector.extract_strided_slice %get3A_346 {offsets = [4], sizes = [1], strides = [1]} : vector<16xf32> to vector<1xf32>
        %squeeze3A_381 = vector.extract %slice3A_380[0] : f32 from vector<1xf32>
        %mul3A_382 = vector.broadcast %squeeze3A_381 : f32 to vector<16xf32>
        %mul3A_383 = arith.mulf %mul3A_338, %mul3A_382 : vector<16xf32>
        %swap3A_384 = arith.index_cast %scan3A_322 : i32 to index
        %swap3A_385 = arith.constant 64 : index
        %swap3A_386 = tpu.vector_load %arg10[%swap3A_384, %swap3A_385] {strides = array<i32>} : memref<80x144xf32, #tpu.memory_space<vmem>>, vector<1x16xf32>,
        %swap3A_387 = vector.shape_cast %swap3A_386 : vector<1x16xf32> to vector<16xf32>
        %swap3A_388 = vector.shape_cast %mul3A_383 : vector<16xf32> to vector<1x16xf32>
        tpu.vector_store %arg10[%swap3A_384, %swap3A_385], %swap3A_388 {strides = array<i32>} : memref<80x144xf32, #tpu.memory_space<vmem>>, vector<1x16xf32>,
        %slice3A_389 = vector.extract_strided_slice %get3A_346 {offsets = [5], sizes = [1], strides = [1]} : vector<16xf32> to vector<1xf32>
        %squeeze3A_390 = vector.extract %slice3A_389[0] : f32 from vector<1xf32>
        %mul3A_391 = vector.broadcast %squeeze3A_390 : f32 to vector<16xf32>
        %mul3A_392 = arith.mulf %mul3A_338, %mul3A_391 : vector<16xf32>
        %swap3A_393 = arith.index_cast %scan3A_322 : i32 to index
        %swap3A_394 = arith.constant 80 : index
        %swap3A_395 = tpu.vector_load %arg10[%swap3A_393, %swap3A_394] {strides = array<i32>} : memref<80x144xf32, #tpu.memory_space<vmem>>, vector<1x16xf32>,
        %swap3A_396 = vector.shape_cast %swap3A_395 : vector<1x16xf32> to vector<16xf32>
        %swap3A_397 = vector.shape_cast %mul3A_392 : vector<16xf32> to vector<1x16xf32>
        tpu.vector_store %arg10[%swap3A_393, %swap3A_394], %swap3A_397 {strides = array<i32>} : memref<80x144xf32, #tpu.memory_space<vmem>>, vector<1x16xf32>,
        %slice3A_398 = vector.extract_strided_slice %get3A_346 {offsets = [6], sizes = [1], strides = [1]} : vector<16xf32> to vector<1xf32>
        %squeeze3A_399 = vector.extract %slice3A_398[0] : f32 from vector<1xf32>
        %mul3A_400 = vector.broadcast %squeeze3A_399 : f32 to vector<16xf32>
        %mul3A_401 = arith.mulf %mul3A_338, %mul3A_400 : vector<16xf32>
        %swap3A_402 = arith.index_cast %scan3A_322 : i32 to index
        %swap3A_403 = arith.constant 96 : index
        %swap3A_404 = tpu.vector_load %arg10[%swap3A_402, %swap3A_403] {strides = array<i32>} : memref<80x144xf32, #tpu.memory_space<vmem>>, vector<1x16xf32>,
        %swap3A_405 = vector.shape_cast %swap3A_404 : vector<1x16xf32> to vector<16xf32>
        %swap3A_406 = vector.shape_cast %mul3A_401 : vector<16xf32> to vector<1x16xf32>
        tpu.vector_store %arg10[%swap3A_402, %swap3A_403], %swap3A_406 {strides = array<i32>} : memref<80x144xf32, #tpu.memory_space<vmem>>, vector<1x16xf32>,
        %slice3A_407 = vector.extract_strided_slice %get3A_346 {offsets = [7], sizes = [1], strides = [1]} : vector<16xf32> to vector<1xf32>
        %squeeze3A_408 = vector.extract %slice3A_407[0] : f32 from vector<1xf32>
        %mul3A_409 = vector.broadcast %squeeze3A_408 : f32 to vector<16xf32>
        %mul3A_410 = arith.mulf %mul3A_338, %mul3A_409 : vector<16xf32>
        %swap3A_411 = arith.index_cast %scan3A_322 : i32 to index
        %swap3A_412 = arith.constant 112 : index
        %swap3A_413 = tpu.vector_load %arg10[%swap3A_411, %swap3A_412] {strides = array<i32>} : memref<80x144xf32, #tpu.memory_space<vmem>>, vector<1x16xf32>,
        %swap3A_414 = vector.shape_cast %swap3A_413 : vector<1x16xf32> to vector<16xf32>
        %swap3A_415 = vector.shape_cast %mul3A_410 : vector<16xf32> to vector<1x16xf32>
        tpu.vector_store %arg10[%swap3A_411, %swap3A_412], %swap3A_415 {strides = array<i32>} : memref<80x144xf32, #tpu.memory_space<vmem>>, vector<1x16xf32>,
        %slice3A_416 = vector.extract_strided_slice %get3A_346 {offsets = [8], sizes = [1], strides = [1]} : vector<16xf32> to vector<1xf32>
        %squeeze3A_417 = vector.extract %slice3A_416[0] : f32 from vector<1xf32>
        %mul3A_418 = vector.broadcast %squeeze3A_417 : f32 to vector<16xf32>
        %mul3A_419 = arith.mulf %mul3A_338, %mul3A_418 : vector<16xf32>
        %swap3A_420 = arith.index_cast %scan3A_322 : i32 to index
        %swap3A_421 = arith.constant 128 : index
        %swap3A_422 = tpu.vector_load %arg10[%swap3A_420, %swap3A_421] {strides = array<i32>} : memref<80x144xf32, #tpu.memory_space<vmem>>, vector<1x16xf32>,
        %swap3A_423 = vector.shape_cast %swap3A_422 : vector<1x16xf32> to vector<16xf32>
        %swap3A_424 = vector.shape_cast %mul3A_419 : vector<16xf32> to vector<1x16xf32>
        tpu.vector_store %arg10[%swap3A_420, %swap3A_421], %swap3A_424 {strides = array<i32>} : memref<80x144xf32, #tpu.memory_space<vmem>>, vector<1x16xf32>,
      }
      %scan3A_208 = arith.constant 80 : i32
      %add3A_209 = arith.constant 2 : i32
      %add3A_210 = arith.addi %add3A_171, %add3A_209 : i32
      %lt3A_211 = arith.constant 64 : i32
      %lt3A_212 = arith.cmpi slt, %add3A_210, %lt3A_211 : i32
      %convert_element_type3A_213 = arith.extui %lt3A_212 : i1 to i32
      %cond3A_214 = arith.constant 0 : i32
      %cond3A_215 = arith.cmpi ne, %convert_element_type3A_213, %cond3A_214 : i32
      scf.if %cond3A_215 {
        %add3A_322 = arith.constant 2 : i32
        %add3A_323 = arith.addi %add3A_171, %add3A_322 : i32
        %dma_start3A_324 = arith.constant 6 : i32
        %dma_start3A_325 = arith.constant 1 : i32
        %dma_start3A_326 = arith.constant 0 : i32
        %dma_start3A_327 = arith.constant 0 : i32
        %dma_start3A_328 = tpu.memref_slice %arg8[%dma_start3A_325, %dma_start3A_326, %dma_start3A_327] : memref<2x80x16xf32, #tpu.memory_space<vmem>> -> memref<1x80x16xf32, #tpu.memory_space<vmem>>
        %dma_start3A_329 = tpu.memref_squeeze %dma_start3A_328 : memref<1x80x16xf32, #tpu.memory_space<vmem>> -> memref<80x16xf32, #tpu.memory_space<vmem>>
        %dma_start3A_330 = arith.constant 0 : i32
        %dma_start3A_331 = tpu.memref_slice %arg7[%select_n3A_99, %dma_start3A_324, %dma_start3A_330] : memref<2x8x80xi32, #tpu.memory_space<vmem>> -> memref<1x1x80xi32, #tpu.memory_space<vmem>>
        %dma_start3A_332 = tpu.memref_squeeze %dma_start3A_331 : memref<1x1x80xi32, #tpu.memory_space<vmem>> -> memref<80xi32, #tpu.memory_space<vmem>>
        %dma_start3A_333 = arith.constant 0 : i32
        %dma_start3A_334 = arith.constant 0 : i32
        %dma_start3A_335 = tpu.memref_slice %arg2[%dma_start3A_333, %dma_start3A_334] : memref<10000x16xf32, #tpu.memory_space<hbm>> -> memref<10000x16xf32, #tpu.memory_space<hbm>>
        tpu.enqueue_indirect_dma source(%dma_start3A_335 : memref<10000x16xf32, #tpu.memory_space<hbm>>) target(%dma_start3A_329 : memref<80x16xf32, #tpu.memory_space<vmem>>) offsets(%dma_start3A_332 : memref<80xi32, #tpu.memory_space<vmem>>) semaphore(%arg13 : memref<!tpu.dma_semaphore, #tpu.memory_space<semaphore_mem>>)
        %mul3A_336 = arith.constant 80 : i32
        %mul3A_337 = arith.muli %add3A_323, %mul3A_336 : i32
        %add3A_338 = arith.addi %mul3A_2, %mul3A_337 : i32
        %dma_start3A_339 = arith.constant 1 : i32
        %dma_start3A_340 = arith.constant 0 : i32
        %dma_start3A_341 = arith.constant 0 : i32
        %dma_start3A_342 = tpu.memref_slice %arg9[%dma_start3A_339, %dma_start3A_340, %dma_start3A_341] : memref<2x80x32xf32, #tpu.memory_space<vmem>> -> memref<1x80x32xf32, #tpu.memory_space<vmem>>
        %dma_start3A_343 = tpu.memref_squeeze %dma_start3A_342 : memref<1x80x32xf32, #tpu.memory_space<vmem>> -> memref<80x32xf32, #tpu.memory_space<vmem>>
        %dma_start3A_344 = arith.constant 0 : i32
        %dma_start3A_345 = tpu.memref_slice %arg3[%add3A_338, %dma_start3A_344] : memref<163840x128xf32, #tpu.memory_space<hbm>> -> memref<80x32xf32, #tpu.memory_space<hbm>>
        %dma_start3A_346 = arith.constant 0 : i32
        %dma_start3A_347 = arith.constant 0 : i32
        %dma_start3A_348 = tpu.memref_slice %arg9[%dma_start3A_339, %dma_start3A_346, %dma_start3A_347] : memref<2x80x32xf32, #tpu.memory_space<vmem>> -> memref<1x80x32xf32, #tpu.memory_space<vmem>>
        %dma_start3A_349 = tpu.memref_squeeze %dma_start3A_348 : memref<1x80x32xf32, #tpu.memory_space<vmem>> -> memref<80x32xf32, #tpu.memory_space<vmem>>
        %dma_start3A_350 = arith.constant 0 : i32
        %dma_start3A_351 = tpu.memref_slice %arg3[%add3A_338, %dma_start3A_350] : memref<163840x128xf32, #tpu.memory_space<hbm>> -> memref<80x32xf32, #tpu.memory_space<hbm>>
        tpu.enqueue_dma source(%dma_start3A_351 : memref<80x32xf32, #tpu.memory_space<hbm>>) target(%dma_start3A_349 : memref<80x32xf32, #tpu.memory_space<vmem>>) target_semaphore(%arg14 : memref<!tpu.dma_semaphore, #tpu.memory_space<semaphore_mem>>)
      } else {
      }
      %run_scoped3A_216 = arith.constant 3 : i32
      "tpu.region"() ({
        %run_scoped3A_322 = tpu.sem_alloc : memref<!tpu.dma_semaphore, #tpu.memory_space<semaphore_mem>>
        %dma_start3A_323 = arith.constant 0 : i32
        %dma_start3A_324 = tpu.memref_slice %arg7[%select_n3A_99, %run_scoped3A_216, %dma_start3A_323] : memref<2x8x80xi32, #tpu.memory_space<vmem>> -> memref<1x1x80xi32, #tpu.memory_space<vmem>>
        %dma_start3A_325 = tpu.memref_squeeze %dma_start3A_324 : memref<1x1x80xi32, #tpu.memory_space<vmem>> -> memref<80xi32, #tpu.memory_space<vmem>>
        %dma_start3A_326 = arith.constant 0 : i32
        %dma_start3A_327 = arith.constant 0 : i32
        %dma_start3A_328 = tpu.memref_slice %arg11[%dma_start3A_326, %dma_start3A_327] : memref<10000x144xf32, #tpu.memory_space<vmem_shared>> -> memref<10000x144xf32, #tpu.memory_space<vmem_shared>>
        tpu.enqueue_indirect_dma source(%arg10 : memref<80x144xf32, #tpu.memory_space<vmem>>) target(%dma_start3A_328 : memref<10000x144xf32, #tpu.memory_space<vmem_shared>>) offsets(%dma_start3A_325 : memref<80xi32, #tpu.memory_space<vmem>>) semaphore(%run_scoped3A_322 : memref<!tpu.dma_semaphore, #tpu.memory_space<semaphore_mem>>) {add = true}
        %dma_wait3A_329 = arith.constant 0 : i32
        %dma_wait3A_330 = tpu.memref_slice %arg7[%select_n3A_99, %run_scoped3A_216, %dma_wait3A_329] : memref<2x8x80xi32, #tpu.memory_space<vmem>> -> memref<1x1x80xi32, #tpu.memory_space<vmem>>
        %dma_wait3A_331 = tpu.memref_squeeze %dma_wait3A_330 : memref<1x1x80xi32, #tpu.memory_space<vmem>> -> memref<80xi32, #tpu.memory_space<vmem>>
        %dma_wait3A_332 = arith.constant 0 : i32
        %dma_wait3A_333 = arith.constant 0 : i32
        %dma_wait3A_334 = tpu.memref_slice %arg11[%dma_wait3A_332, %dma_wait3A_333] : memref<10000x144xf32, #tpu.memory_space<vmem_shared>> -> memref<10000x144xf32, #tpu.memory_space<vmem_shared>>
        tpu.wait_indirect_dma semaphore(%run_scoped3A_322 : memref<!tpu.dma_semaphore, #tpu.memory_space<semaphore_mem>>) src(%arg10 : memref<80x144xf32, #tpu.memory_space<vmem>>) dst(%dma_wait3A_334 : memref<10000x144xf32, #tpu.memory_space<vmem_shared>>)
        tpu.yield
      }) : () -> ()
      %mul3A_217 = arith.constant 4 : i32
      %mul3A_218 = arith.muli %scan3A_90, %mul3A_217 : i32
      %add3A_219 = arith.constant 2 : i32
      %add3A_220 = arith.addi %mul3A_218, %add3A_219 : i32
      %dma_wait3A_221 = arith.constant 0 : i32
      %dma_wait3A_222 = arith.constant 0 : i32
      %dma_wait3A_223 = arith.constant 0 : i32
      %dma_wait3A_224 = tpu.memref_slice %arg8[%dma_wait3A_221, %dma_wait3A_222, %dma_wait3A_223] : memref<2x80x16xf32, #tpu.memory_space<vmem>> -> memref<1x80x16xf32, #tpu.memory_space<vmem>>
      %dma_wait3A_225 = tpu.memref_squeeze %dma_wait3A_224 : memref<1x80x16xf32, #tpu.memory_space<vmem>> -> memref<80x16xf32, #tpu.memory_space<vmem>>
      %dma_wait3A_226 = arith.constant 0 : i32
      %dma_wait3A_227 = arith.constant 0 : i32
      %dma_wait3A_228 = tpu.memref_slice %arg2[%dma_wait3A_226, %dma_wait3A_227] : memref<10000x16xf32, #tpu.memory_space<hbm>> -> memref<80x16xf32, #tpu.memory_space<hbm>>
      %dma_wait3A_229 = arith.constant 0 : i32
      %dma_wait3A_230 = arith.constant 0 : i32
      %dma_wait3A_231 = tpu.memref_slice %arg8[%dma_wait3A_221, %dma_wait3A_229, %dma_wait3A_230] : memref<2x80x16xf32, #tpu.memory_space<vmem>> -> memref<1x80x16xf32, #tpu.memory_space<vmem>>
      %dma_wait3A_232 = tpu.memref_squeeze %dma_wait3A_231 : memref<1x80x16xf32, #tpu.memory_space<vmem>> -> memref<80x16xf32, #tpu.memory_space<vmem>>
      %dma_wait3A_233 = arith.constant 0 : i32
      %dma_wait3A_234 = arith.constant 0 : i32
      %dma_wait3A_235 = tpu.memref_slice %arg2[%dma_wait3A_233, %dma_wait3A_234] : memref<10000x16xf32, #tpu.memory_space<hbm>> -> memref<80x16xf32, #tpu.memory_space<hbm>>
      tpu.wait_dma2 semaphore(%arg13 : memref<!tpu.dma_semaphore, #tpu.memory_space<semaphore_mem>>) src(%dma_wait3A_235 : memref<80x16xf32, #tpu.memory_space<hbm>>) dst(%dma_wait3A_232 : memref<80x16xf32, #tpu.memory_space<vmem>>)
      %dma_wait3A_236 = arith.constant 0 : i32
      %dma_wait3A_237 = arith.constant 0 : i32
      %dma_wait3A_238 = arith.constant 0 : i32
      %dma_wait3A_239 = tpu.memref_slice %arg9[%dma_wait3A_236, %dma_wait3A_237, %dma_wait3A_238] : memref<2x80x32xf32, #tpu.memory_space<vmem>> -> memref<1x80x32xf32, #tpu.memory_space<vmem>>
      %dma_wait3A_240 = tpu.memref_squeeze %dma_wait3A_239 : memref<1x80x32xf32, #tpu.memory_space<vmem>> -> memref<80x32xf32, #tpu.memory_space<vmem>>
      %dma_wait3A_241 = arith.constant 0 : i32
      %dma_wait3A_242 = arith.constant 0 : i32
      %dma_wait3A_243 = tpu.memref_slice %arg3[%dma_wait3A_241, %dma_wait3A_242] : memref<163840x128xf32, #tpu.memory_space<hbm>> -> memref<80x32xf32, #tpu.memory_space<hbm>>
      %dma_wait3A_244 = arith.constant 0 : i32
      %dma_wait3A_245 = arith.constant 0 : i32
      %dma_wait3A_246 = tpu.memref_slice %arg9[%dma_wait3A_236, %dma_wait3A_244, %dma_wait3A_245] : memref<2x80x32xf32, #tpu.memory_space<vmem>> -> memref<1x80x32xf32, #tpu.memory_space<vmem>>
      %dma_wait3A_247 = tpu.memref_squeeze %dma_wait3A_246 : memref<1x80x32xf32, #tpu.memory_space<vmem>> -> memref<80x32xf32, #tpu.memory_space<vmem>>
      %dma_wait3A_248 = arith.constant 0 : i32
      %dma_wait3A_249 = arith.constant 0 : i32
      %dma_wait3A_250 = tpu.memref_slice %arg3[%dma_wait3A_248, %dma_wait3A_249] : memref<163840x128xf32, #tpu.memory_space<hbm>> -> memref<80x32xf32, #tpu.memory_space<hbm>>
      tpu.wait_dma2 semaphore(%arg14 : memref<!tpu.dma_semaphore, #tpu.memory_space<semaphore_mem>>) src(%dma_wait3A_250 : memref<80x32xf32, #tpu.memory_space<hbm>>) dst(%dma_wait3A_247 : memref<80x32xf32, #tpu.memory_space<vmem>>)
      %scan3A_251 = arith.constant 0 : i32
      %scan3A_252 = arith.constant 0 : i32
      %scan3A_253 = arith.constant 0 : i32
      %scan3A_254 = arith.constant 80 : i32
      %scan3A_255 = arith.addi %scan3A_253, %scan3A_254 : i32
      %scan3A_256 = arith.constant 1 : i32
      scf.for %scan3A_322 = %scan3A_253 to %scan3A_255 step %scan3A_256  : i32 {
        %get3A = arith.constant 0 : i32
        %get3A_323 = arith.constant 0 : i32
        %get3A_324 = tpu.memref_slice %arg9[%scan3A_251, %get3A, %get3A_323] : memref<2x80x32xf32, #tpu.memory_space<vmem>> -> memref<1x80x32xf32, #tpu.memory_space<vmem>>
        %get3A_325 = tpu.memref_squeeze %get3A_324 : memref<1x80x32xf32, #tpu.memory_space<vmem>> -> memref<80x32xf32, #tpu.memory_space<vmem>>
        %get3A_326 = arith.index_cast %scan3A_322 : i32 to index
        %get3A_327 = arith.constant 0 : index
        %get3A_328 = tpu.vector_load %get3A_325[%get3A_326, %get3A_327] {strides = array<i32>} : memref<80x32xf32, #tpu.memory_space<vmem>>, vector<1x16xf32>,
        %get3A_329 = vector.shape_cast %get3A_328 : vector<1x16xf32> to vector<16xf32>
        %get3A_330 = arith.constant 0 : i32
        %get3A_331 = arith.constant 0 : i32
        %get3A_332 = tpu.memref_slice %arg8[%scan3A_252, %get3A_330, %get3A_331] : memref<2x80x16xf32, #tpu.memory_space<vmem>> -> memref<1x80x16xf32, #tpu.memory_space<vmem>>
        %get3A_333 = tpu.memref_squeeze %get3A_332 : memref<1x80x16xf32, #tpu.memory_space<vmem>> -> memref<80x16xf32, #tpu.memory_space<vmem>>
        %get3A_334 = arith.index_cast %scan3A_322 : i32 to index
        %get3A_335 = arith.constant 0 : index
        %get3A_336 = tpu.vector_load %get3A_333[%get3A_334, %get3A_335] {strides = array<i32>} : memref<80x16xf32, #tpu.memory_space<vmem>>, vector<1x16xf32>,
        %get3A_337 = vector.shape_cast %get3A_336 : vector<1x16xf32> to vector<16xf32>
        %mul3A_338 = arith.mulf %get3A_329, %get3A_337 : vector<16xf32>
        %get3A_339 = arith.constant 0 : i32
        %get3A_340 = arith.constant 0 : i32
        %get3A_341 = tpu.memref_slice %arg9[%scan3A_251, %get3A_339, %get3A_340] : memref<2x80x32xf32, #tpu.memory_space<vmem>> -> memref<1x80x32xf32, #tpu.memory_space<vmem>>
        %get3A_342 = tpu.memref_squeeze %get3A_341 : memref<1x80x32xf32, #tpu.memory_space<vmem>> -> memref<80x32xf32, #tpu.memory_space<vmem>>
        %get3A_343 = arith.index_cast %scan3A_322 : i32 to index
        %get3A_344 = arith.constant 16 : index
        %get3A_345 = tpu.vector_load %get3A_342[%get3A_343, %get3A_344] {strides = array<i32>} : memref<80x32xf32, #tpu.memory_space<vmem>>, vector<1x16xf32>,
        %get3A_346 = vector.shape_cast %get3A_345 : vector<1x16xf32> to vector<16xf32>
        %slice3A = vector.extract_strided_slice %get3A_346 {offsets = [0], sizes = [1], strides = [1]} : vector<16xf32> to vector<1xf32>
        %squeeze3A = vector.extract %slice3A[0] : f32 from vector<1xf32>
        %mul3A_347 = vector.broadcast %squeeze3A : f32 to vector<16xf32>
        %mul3A_348 = arith.mulf %mul3A_338, %mul3A_347 : vector<16xf32>
        %swap3A = arith.index_cast %scan3A_322 : i32 to index
        %swap3A_349 = arith.constant 0 : index
        %swap3A_350 = tpu.vector_load %arg10[%swap3A, %swap3A_349] {strides = array<i32>} : memref<80x144xf32, #tpu.memory_space<vmem>>, vector<1x16xf32>,
        %swap3A_351 = vector.shape_cast %swap3A_350 : vector<1x16xf32> to vector<16xf32>
        %swap3A_352 = vector.shape_cast %mul3A_348 : vector<16xf32> to vector<1x16xf32>
        tpu.vector_store %arg10[%swap3A, %swap3A_349], %swap3A_352 {strides = array<i32>} : memref<80x144xf32, #tpu.memory_space<vmem>>, vector<1x16xf32>,
        %slice3A_353 = vector.extract_strided_slice %get3A_346 {offsets = [1], sizes = [1], strides = [1]} : vector<16xf32> to vector<1xf32>
        %squeeze3A_354 = vector.extract %slice3A_353[0] : f32 from vector<1xf32>
        %mul3A_355 = vector.broadcast %squeeze3A_354 : f32 to vector<16xf32>
        %mul3A_356 = arith.mulf %mul3A_338, %mul3A_355 : vector<16xf32>
        %swap3A_357 = arith.index_cast %scan3A_322 : i32 to index
        %swap3A_358 = arith.constant 16 : index
        %swap3A_359 = tpu.vector_load %arg10[%swap3A_357, %swap3A_358] {strides = array<i32>} : memref<80x144xf32, #tpu.memory_space<vmem>>, vector<1x16xf32>,
        %swap3A_360 = vector.shape_cast %swap3A_359 : vector<1x16xf32> to vector<16xf32>
        %swap3A_361 = vector.shape_cast %mul3A_356 : vector<16xf32> to vector<1x16xf32>
        tpu.vector_store %arg10[%swap3A_357, %swap3A_358], %swap3A_361 {strides = array<i32>} : memref<80x144xf32, #tpu.memory_space<vmem>>, vector<1x16xf32>,
        %slice3A_362 = vector.extract_strided_slice %get3A_346 {offsets = [2], sizes = [1], strides = [1]} : vector<16xf32> to vector<1xf32>
        %squeeze3A_363 = vector.extract %slice3A_362[0] : f32 from vector<1xf32>
        %mul3A_364 = vector.broadcast %squeeze3A_363 : f32 to vector<16xf32>
        %mul3A_365 = arith.mulf %mul3A_338, %mul3A_364 : vector<16xf32>
        %swap3A_366 = arith.index_cast %scan3A_322 : i32 to index
        %swap3A_367 = arith.constant 32 : index
        %swap3A_368 = tpu.vector_load %arg10[%swap3A_366, %swap3A_367] {strides = array<i32>} : memref<80x144xf32, #tpu.memory_space<vmem>>, vector<1x16xf32>,
        %swap3A_369 = vector.shape_cast %swap3A_368 : vector<1x16xf32> to vector<16xf32>
        %swap3A_370 = vector.shape_cast %mul3A_365 : vector<16xf32> to vector<1x16xf32>
        tpu.vector_store %arg10[%swap3A_366, %swap3A_367], %swap3A_370 {strides = array<i32>} : memref<80x144xf32, #tpu.memory_space<vmem>>, vector<1x16xf32>,
        %slice3A_371 = vector.extract_strided_slice %get3A_346 {offsets = [3], sizes = [1], strides = [1]} : vector<16xf32> to vector<1xf32>
        %squeeze3A_372 = vector.extract %slice3A_371[0] : f32 from vector<1xf32>
        %mul3A_373 = vector.broadcast %squeeze3A_372 : f32 to vector<16xf32>
        %mul3A_374 = arith.mulf %mul3A_338, %mul3A_373 : vector<16xf32>
        %swap3A_375 = arith.index_cast %scan3A_322 : i32 to index
        %swap3A_376 = arith.constant 48 : index
        %swap3A_377 = tpu.vector_load %arg10[%swap3A_375, %swap3A_376] {strides = array<i32>} : memref<80x144xf32, #tpu.memory_space<vmem>>, vector<1x16xf32>,
        %swap3A_378 = vector.shape_cast %swap3A_377 : vector<1x16xf32> to vector<16xf32>
        %swap3A_379 = vector.shape_cast %mul3A_374 : vector<16xf32> to vector<1x16xf32>
        tpu.vector_store %arg10[%swap3A_375, %swap3A_376], %swap3A_379 {strides = array<i32>} : memref<80x144xf32, #tpu.memory_space<vmem>>, vector<1x16xf32>,
        %slice3A_380 = vector.extract_strided_slice %get3A_346 {offsets = [4], sizes = [1], strides = [1]} : vector<16xf32> to vector<1xf32>
        %squeeze3A_381 = vector.extract %slice3A_380[0] : f32 from vector<1xf32>
        %mul3A_382 = vector.broadcast %squeeze3A_381 : f32 to vector<16xf32>
        %mul3A_383 = arith.mulf %mul3A_338, %mul3A_382 : vector<16xf32>
        %swap3A_384 = arith.index_cast %scan3A_322 : i32 to index
        %swap3A_385 = arith.constant 64 : index
        %swap3A_386 = tpu.vector_load %arg10[%swap3A_384, %swap3A_385] {strides = array<i32>} : memref<80x144xf32, #tpu.memory_space<vmem>>, vector<1x16xf32>,
        %swap3A_387 = vector.shape_cast %swap3A_386 : vector<1x16xf32> to vector<16xf32>
        %swap3A_388 = vector.shape_cast %mul3A_383 : vector<16xf32> to vector<1x16xf32>
        tpu.vector_store %arg10[%swap3A_384, %swap3A_385], %swap3A_388 {strides = array<i32>} : memref<80x144xf32, #tpu.memory_space<vmem>>, vector<1x16xf32>,
        %slice3A_389 = vector.extract_strided_slice %get3A_346 {offsets = [5], sizes = [1], strides = [1]} : vector<16xf32> to vector<1xf32>
        %squeeze3A_390 = vector.extract %slice3A_389[0] : f32 from vector<1xf32>
        %mul3A_391 = vector.broadcast %squeeze3A_390 : f32 to vector<16xf32>
        %mul3A_392 = arith.mulf %mul3A_338, %mul3A_391 : vector<16xf32>
        %swap3A_393 = arith.index_cast %scan3A_322 : i32 to index
        %swap3A_394 = arith.constant 80 : index
        %swap3A_395 = tpu.vector_load %arg10[%swap3A_393, %swap3A_394] {strides = array<i32>} : memref<80x144xf32, #tpu.memory_space<vmem>>, vector<1x16xf32>,
        %swap3A_396 = vector.shape_cast %swap3A_395 : vector<1x16xf32> to vector<16xf32>
        %swap3A_397 = vector.shape_cast %mul3A_392 : vector<16xf32> to vector<1x16xf32>
        tpu.vector_store %arg10[%swap3A_393, %swap3A_394], %swap3A_397 {strides = array<i32>} : memref<80x144xf32, #tpu.memory_space<vmem>>, vector<1x16xf32>,
        %slice3A_398 = vector.extract_strided_slice %get3A_346 {offsets = [6], sizes = [1], strides = [1]} : vector<16xf32> to vector<1xf32>
        %squeeze3A_399 = vector.extract %slice3A_398[0] : f32 from vector<1xf32>
        %mul3A_400 = vector.broadcast %squeeze3A_399 : f32 to vector<16xf32>
        %mul3A_401 = arith.mulf %mul3A_338, %mul3A_400 : vector<16xf32>
        %swap3A_402 = arith.index_cast %scan3A_322 : i32 to index
        %swap3A_403 = arith.constant 96 : index
        %swap3A_404 = tpu.vector_load %arg10[%swap3A_402, %swap3A_403] {strides = array<i32>} : memref<80x144xf32, #tpu.memory_space<vmem>>, vector<1x16xf32>,
        %swap3A_405 = vector.shape_cast %swap3A_404 : vector<1x16xf32> to vector<16xf32>
        %swap3A_406 = vector.shape_cast %mul3A_401 : vector<16xf32> to vector<1x16xf32>
        tpu.vector_store %arg10[%swap3A_402, %swap3A_403], %swap3A_406 {strides = array<i32>} : memref<80x144xf32, #tpu.memory_space<vmem>>, vector<1x16xf32>,
        %slice3A_407 = vector.extract_strided_slice %get3A_346 {offsets = [7], sizes = [1], strides = [1]} : vector<16xf32> to vector<1xf32>
        %squeeze3A_408 = vector.extract %slice3A_407[0] : f32 from vector<1xf32>
        %mul3A_409 = vector.broadcast %squeeze3A_408 : f32 to vector<16xf32>
        %mul3A_410 = arith.mulf %mul3A_338, %mul3A_409 : vector<16xf32>
        %swap3A_411 = arith.index_cast %scan3A_322 : i32 to index
        %swap3A_412 = arith.constant 112 : index
        %swap3A_413 = tpu.vector_load %arg10[%swap3A_411, %swap3A_412] {strides = array<i32>} : memref<80x144xf32, #tpu.memory_space<vmem>>, vector<1x16xf32>,
        %swap3A_414 = vector.shape_cast %swap3A_413 : vector<1x16xf32> to vector<16xf32>
        %swap3A_415 = vector.shape_cast %mul3A_410 : vector<16xf32> to vector<1x16xf32>
        tpu.vector_store %arg10[%swap3A_411, %swap3A_412], %swap3A_415 {strides = array<i32>} : memref<80x144xf32, #tpu.memory_space<vmem>>, vector<1x16xf32>,
        %slice3A_416 = vector.extract_strided_slice %get3A_346 {offsets = [8], sizes = [1], strides = [1]} : vector<16xf32> to vector<1xf32>
        %squeeze3A_417 = vector.extract %slice3A_416[0] : f32 from vector<1xf32>
        %mul3A_418 = vector.broadcast %squeeze3A_417 : f32 to vector<16xf32>
        %mul3A_419 = arith.mulf %mul3A_338, %mul3A_418 : vector<16xf32>
        %swap3A_420 = arith.index_cast %scan3A_322 : i32 to index
        %swap3A_421 = arith.constant 128 : index
        %swap3A_422 = tpu.vector_load %arg10[%swap3A_420, %swap3A_421] {strides = array<i32>} : memref<80x144xf32, #tpu.memory_space<vmem>>, vector<1x16xf32>,
        %swap3A_423 = vector.shape_cast %swap3A_422 : vector<1x16xf32> to vector<16xf32>
        %swap3A_424 = vector.shape_cast %mul3A_419 : vector<16xf32> to vector<1x16xf32>
        tpu.vector_store %arg10[%swap3A_420, %swap3A_421], %swap3A_424 {strides = array<i32>} : memref<80x144xf32, #tpu.memory_space<vmem>>, vector<1x16xf32>,
      }
      %scan3A_257 = arith.constant 80 : i32
      %add3A_258 = arith.constant 2 : i32
      %add3A_259 = arith.addi %add3A_220, %add3A_258 : i32
      %lt3A_260 = arith.constant 64 : i32
      %lt3A_261 = arith.cmpi slt, %add3A_259, %lt3A_260 : i32
      %convert_element_type3A_262 = arith.extui %lt3A_261 : i1 to i32
      %cond3A_263 = arith.constant 0 : i32
      %cond3A_264 = arith.cmpi ne, %convert_element_type3A_262, %cond3A_263 : i32
      scf.if %cond3A_264 {
        %add3A_322 = arith.constant 2 : i32
        %add3A_323 = arith.addi %add3A_220, %add3A_322 : i32
        %dma_start3A_324 = arith.constant 0 : i32
        %dma_start3A_325 = arith.constant 0 : i32
        %dma_start3A_326 = arith.constant 0 : i32
        %dma_start3A_327 = arith.constant 0 : i32
        %dma_start3A_328 = tpu.memref_slice %arg8[%dma_start3A_325, %dma_start3A_326, %dma_start3A_327] : memref<2x80x16xf32, #tpu.memory_space<vmem>> -> memref<1x80x16xf32, #tpu.memory_space<vmem>>
        %dma_start3A_329 = tpu.memref_squeeze %dma_start3A_328 : memref<1x80x16xf32, #tpu.memory_space<vmem>> -> memref<80x16xf32, #tpu.memory_space<vmem>>
        %dma_start3A_330 = arith.constant 0 : i32
        %dma_start3A_331 = tpu.memref_slice %arg7[%select_n3A_117, %dma_start3A_324, %dma_start3A_330] : memref<2x8x80xi32, #tpu.memory_space<vmem>> -> memref<1x1x80xi32, #tpu.memory_space<vmem>>
        %dma_start3A_332 = tpu.memref_squeeze %dma_start3A_331 : memref<1x1x80xi32, #tpu.memory_space<vmem>> -> memref<80xi32, #tpu.memory_space<vmem>>
        %dma_start3A_333 = arith.constant 0 : i32
        %dma_start3A_334 = arith.constant 0 : i32
        %dma_start3A_335 = tpu.memref_slice %arg2[%dma_start3A_333, %dma_start3A_334] : memref<10000x16xf32, #tpu.memory_space<hbm>> -> memref<10000x16xf32, #tpu.memory_space<hbm>>
        tpu.enqueue_indirect_dma source(%dma_start3A_335 : memref<10000x16xf32, #tpu.memory_space<hbm>>) target(%dma_start3A_329 : memref<80x16xf32, #tpu.memory_space<vmem>>) offsets(%dma_start3A_332 : memref<80xi32, #tpu.memory_space<vmem>>) semaphore(%arg13 : memref<!tpu.dma_semaphore, #tpu.memory_space<semaphore_mem>>)
        %mul3A_336 = arith.constant 80 : i32
        %mul3A_337 = arith.muli %add3A_323, %mul3A_336 : i32
        %add3A_338 = arith.addi %mul3A_2, %mul3A_337 : i32
        %dma_start3A_339 = arith.constant 0 : i32
        %dma_start3A_340 = arith.constant 0 : i32
        %dma_start3A_341 = arith.constant 0 : i32
        %dma_start3A_342 = tpu.memref_slice %arg9[%dma_start3A_339, %dma_start3A_340, %dma_start3A_341] : memref<2x80x32xf32, #tpu.memory_space<vmem>> -> memref<1x80x32xf32, #tpu.memory_space<vmem>>
        %dma_start3A_343 = tpu.memref_squeeze %dma_start3A_342 : memref<1x80x32xf32, #tpu.memory_space<vmem>> -> memref<80x32xf32, #tpu.memory_space<vmem>>
        %dma_start3A_344 = arith.constant 0 : i32
        %dma_start3A_345 = tpu.memref_slice %arg3[%add3A_338, %dma_start3A_344] : memref<163840x128xf32, #tpu.memory_space<hbm>> -> memref<80x32xf32, #tpu.memory_space<hbm>>
        %dma_start3A_346 = arith.constant 0 : i32
        %dma_start3A_347 = arith.constant 0 : i32
        %dma_start3A_348 = tpu.memref_slice %arg9[%dma_start3A_339, %dma_start3A_346, %dma_start3A_347] : memref<2x80x32xf32, #tpu.memory_space<vmem>> -> memref<1x80x32xf32, #tpu.memory_space<vmem>>
        %dma_start3A_349 = tpu.memref_squeeze %dma_start3A_348 : memref<1x80x32xf32, #tpu.memory_space<vmem>> -> memref<80x32xf32, #tpu.memory_space<vmem>>
        %dma_start3A_350 = arith.constant 0 : i32
        %dma_start3A_351 = tpu.memref_slice %arg3[%add3A_338, %dma_start3A_350] : memref<163840x128xf32, #tpu.memory_space<hbm>> -> memref<80x32xf32, #tpu.memory_space<hbm>>
        tpu.enqueue_dma source(%dma_start3A_351 : memref<80x32xf32, #tpu.memory_space<hbm>>) target(%dma_start3A_349 : memref<80x32xf32, #tpu.memory_space<vmem>>) target_semaphore(%arg14 : memref<!tpu.dma_semaphore, #tpu.memory_space<semaphore_mem>>)
      } else {
      }
      %run_scoped3A_265 = arith.constant 5 : i32
      "tpu.region"() ({
        %run_scoped3A_322 = tpu.sem_alloc : memref<!tpu.dma_semaphore, #tpu.memory_space<semaphore_mem>>
        %dma_start3A_323 = arith.constant 0 : i32
        %dma_start3A_324 = tpu.memref_slice %arg7[%select_n3A_99, %run_scoped3A_265, %dma_start3A_323] : memref<2x8x80xi32, #tpu.memory_space<vmem>> -> memref<1x1x80xi32, #tpu.memory_space<vmem>>
        %dma_start3A_325 = tpu.memref_squeeze %dma_start3A_324 : memref<1x1x80xi32, #tpu.memory_space<vmem>> -> memref<80xi32, #tpu.memory_space<vmem>>
        %dma_start3A_326 = arith.constant 0 : i32
        %dma_start3A_327 = arith.constant 0 : i32
        %dma_start3A_328 = tpu.memref_slice %arg11[%dma_start3A_326, %dma_start3A_327] : memref<10000x144xf32, #tpu.memory_space<vmem_shared>> -> memref<10000x144xf32, #tpu.memory_space<vmem_shared>>
        tpu.enqueue_indirect_dma source(%arg10 : memref<80x144xf32, #tpu.memory_space<vmem>>) target(%dma_start3A_328 : memref<10000x144xf32, #tpu.memory_space<vmem_shared>>) offsets(%dma_start3A_325 : memref<80xi32, #tpu.memory_space<vmem>>) semaphore(%run_scoped3A_322 : memref<!tpu.dma_semaphore, #tpu.memory_space<semaphore_mem>>) {add = true}
        %dma_wait3A_329 = arith.constant 0 : i32
        %dma_wait3A_330 = tpu.memref_slice %arg7[%select_n3A_99, %run_scoped3A_265, %dma_wait3A_329] : memref<2x8x80xi32, #tpu.memory_space<vmem>> -> memref<1x1x80xi32, #tpu.memory_space<vmem>>
        %dma_wait3A_331 = tpu.memref_squeeze %dma_wait3A_330 : memref<1x1x80xi32, #tpu.memory_space<vmem>> -> memref<80xi32, #tpu.memory_space<vmem>>
        %dma_wait3A_332 = arith.constant 0 : i32
        %dma_wait3A_333 = arith.constant 0 : i32
        %dma_wait3A_334 = tpu.memref_slice %arg11[%dma_wait3A_332, %dma_wait3A_333] : memref<10000x144xf32, #tpu.memory_space<vmem_shared>> -> memref<10000x144xf32, #tpu.memory_space<vmem_shared>>
        tpu.wait_indirect_dma semaphore(%run_scoped3A_322 : memref<!tpu.dma_semaphore, #tpu.memory_space<semaphore_mem>>) src(%arg10 : memref<80x144xf32, #tpu.memory_space<vmem>>) dst(%dma_wait3A_334 : memref<10000x144xf32, #tpu.memory_space<vmem_shared>>)
        tpu.yield
      }) : () -> ()
      %mul3A_266 = arith.constant 4 : i32
      %mul3A_267 = arith.muli %scan3A_90, %mul3A_266 : i32
      %add3A_268 = arith.constant 3 : i32
      %add3A_269 = arith.addi %mul3A_267, %add3A_268 : i32
      %dma_wait3A_270 = arith.constant 1 : i32
      %dma_wait3A_271 = arith.constant 0 : i32
      %dma_wait3A_272 = arith.constant 0 : i32
      %dma_wait3A_273 = tpu.memref_slice %arg8[%dma_wait3A_270, %dma_wait3A_271, %dma_wait3A_272] : memref<2x80x16xf32, #tpu.memory_space<vmem>> -> memref<1x80x16xf32, #tpu.memory_space<vmem>>
      %dma_wait3A_274 = tpu.memref_squeeze %dma_wait3A_273 : memref<1x80x16xf32, #tpu.memory_space<vmem>> -> memref<80x16xf32, #tpu.memory_space<vmem>>
      %dma_wait3A_275 = arith.constant 0 : i32
      %dma_wait3A_276 = arith.constant 0 : i32
      %dma_wait3A_277 = tpu.memref_slice %arg2[%dma_wait3A_275, %dma_wait3A_276] : memref<10000x16xf32, #tpu.memory_space<hbm>> -> memref<80x16xf32, #tpu.memory_space<hbm>>
      %dma_wait3A_278 = arith.constant 0 : i32
      %dma_wait3A_279 = arith.constant 0 : i32
      %dma_wait3A_280 = tpu.memref_slice %arg8[%dma_wait3A_270, %dma_wait3A_278, %dma_wait3A_279] : memref<2x80x16xf32, #tpu.memory_space<vmem>> -> memref<1x80x16xf32, #tpu.memory_space<vmem>>
      %dma_wait3A_281 = tpu.memref_squeeze %dma_wait3A_280 : memref<1x80x16xf32, #tpu.memory_space<vmem>> -> memref<80x16xf32, #tpu.memory_space<vmem>>
      %dma_wait3A_282 = arith.constant 0 : i32
      %dma_wait3A_283 = arith.constant 0 : i32
      %dma_wait3A_284 = tpu.memref_slice %arg2[%dma_wait3A_282, %dma_wait3A_283] : memref<10000x16xf32, #tpu.memory_space<hbm>> -> memref<80x16xf32, #tpu.memory_space<hbm>>
      tpu.wait_dma2 semaphore(%arg13 : memref<!tpu.dma_semaphore, #tpu.memory_space<semaphore_mem>>) src(%dma_wait3A_284 : memref<80x16xf32, #tpu.memory_space<hbm>>) dst(%dma_wait3A_281 : memref<80x16xf32, #tpu.memory_space<vmem>>)
      %dma_wait3A_285 = arith.constant 1 : i32
      %dma_wait3A_286 = arith.constant 0 : i32
      %dma_wait3A_287 = arith.constant 0 : i32
      %dma_wait3A_288 = tpu.memref_slice %arg9[%dma_wait3A_285, %dma_wait3A_286, %dma_wait3A_287] : memref<2x80x32xf32, #tpu.memory_space<vmem>> -> memref<1x80x32xf32, #tpu.memory_space<vmem>>
      %dma_wait3A_289 = tpu.memref_squeeze %dma_wait3A_288 : memref<1x80x32xf32, #tpu.memory_space<vmem>> -> memref<80x32xf32, #tpu.memory_space<vmem>>
      %dma_wait3A_290 = arith.constant 0 : i32
      %dma_wait3A_291 = arith.constant 0 : i32
      %dma_wait3A_292 = tpu.memref_slice %arg3[%dma_wait3A_290, %dma_wait3A_291] : memref<163840x128xf32, #tpu.memory_space<hbm>> -> memref<80x32xf32, #tpu.memory_space<hbm>>
      %dma_wait3A_293 = arith.constant 0 : i32
      %dma_wait3A_294 = arith.constant 0 : i32
      %dma_wait3A_295 = tpu.memref_slice %arg9[%dma_wait3A_285, %dma_wait3A_293, %dma_wait3A_294] : memref<2x80x32xf32, #tpu.memory_space<vmem>> -> memref<1x80x32xf32, #tpu.memory_space<vmem>>
      %dma_wait3A_296 = tpu.memref_squeeze %dma_wait3A_295 : memref<1x80x32xf32, #tpu.memory_space<vmem>> -> memref<80x32xf32, #tpu.memory_space<vmem>>
      %dma_wait3A_297 = arith.constant 0 : i32
      %dma_wait3A_298 = arith.constant 0 : i32
      %dma_wait3A_299 = tpu.memref_slice %arg3[%dma_wait3A_297, %dma_wait3A_298] : memref<163840x128xf32, #tpu.memory_space<hbm>> -> memref<80x32xf32, #tpu.memory_space<hbm>>
      tpu.wait_dma2 semaphore(%arg14 : memref<!tpu.dma_semaphore, #tpu.memory_space<semaphore_mem>>) src(%dma_wait3A_299 : memref<80x32xf32, #tpu.memory_space<hbm>>) dst(%dma_wait3A_296 : memref<80x32xf32, #tpu.memory_space<vmem>>)
      %scan3A_300 = arith.constant 1 : i32
      %scan3A_301 = arith.constant 1 : i32
      %scan3A_302 = arith.constant 0 : i32
      %scan3A_303 = arith.constant 80 : i32
      %scan3A_304 = arith.addi %scan3A_302, %scan3A_303 : i32
      %scan3A_305 = arith.constant 1 : i32
      scf.for %scan3A_322 = %scan3A_302 to %scan3A_304 step %scan3A_305  : i32 {
        %get3A = arith.constant 0 : i32
        %get3A_323 = arith.constant 0 : i32
        %get3A_324 = tpu.memref_slice %arg9[%scan3A_300, %get3A, %get3A_323] : memref<2x80x32xf32, #tpu.memory_space<vmem>> -> memref<1x80x32xf32, #tpu.memory_space<vmem>>
        %get3A_325 = tpu.memref_squeeze %get3A_324 : memref<1x80x32xf32, #tpu.memory_space<vmem>> -> memref<80x32xf32, #tpu.memory_space<vmem>>
        %get3A_326 = arith.index_cast %scan3A_322 : i32 to index
        %get3A_327 = arith.constant 0 : index
        %get3A_328 = tpu.vector_load %get3A_325[%get3A_326, %get3A_327] {strides = array<i32>} : memref<80x32xf32, #tpu.memory_space<vmem>>, vector<1x16xf32>,
        %get3A_329 = vector.shape_cast %get3A_328 : vector<1x16xf32> to vector<16xf32>
        %get3A_330 = arith.constant 0 : i32
        %get3A_331 = arith.constant 0 : i32
        %get3A_332 = tpu.memref_slice %arg8[%scan3A_301, %get3A_330, %get3A_331] : memref<2x80x16xf32, #tpu.memory_space<vmem>> -> memref<1x80x16xf32, #tpu.memory_space<vmem>>
        %get3A_333 = tpu.memref_squeeze %get3A_332 : memref<1x80x16xf32, #tpu.memory_space<vmem>> -> memref<80x16xf32, #tpu.memory_space<vmem>>
        %get3A_334 = arith.index_cast %scan3A_322 : i32 to index
        %get3A_335 = arith.constant 0 : index
        %get3A_336 = tpu.vector_load %get3A_333[%get3A_334, %get3A_335] {strides = array<i32>} : memref<80x16xf32, #tpu.memory_space<vmem>>, vector<1x16xf32>,
        %get3A_337 = vector.shape_cast %get3A_336 : vector<1x16xf32> to vector<16xf32>
        %mul3A_338 = arith.mulf %get3A_329, %get3A_337 : vector<16xf32>
        %get3A_339 = arith.constant 0 : i32
        %get3A_340 = arith.constant 0 : i32
        %get3A_341 = tpu.memref_slice %arg9[%scan3A_300, %get3A_339, %get3A_340] : memref<2x80x32xf32, #tpu.memory_space<vmem>> -> memref<1x80x32xf32, #tpu.memory_space<vmem>>
        %get3A_342 = tpu.memref_squeeze %get3A_341 : memref<1x80x32xf32, #tpu.memory_space<vmem>> -> memref<80x32xf32, #tpu.memory_space<vmem>>
        %get3A_343 = arith.index_cast %scan3A_322 : i32 to index
        %get3A_344 = arith.constant 16 : index
        %get3A_345 = tpu.vector_load %get3A_342[%get3A_343, %get3A_344] {strides = array<i32>} : memref<80x32xf32, #tpu.memory_space<vmem>>, vector<1x16xf32>,
        %get3A_346 = vector.shape_cast %get3A_345 : vector<1x16xf32> to vector<16xf32>
        %slice3A = vector.extract_strided_slice %get3A_346 {offsets = [0], sizes = [1], strides = [1]} : vector<16xf32> to vector<1xf32>
        %squeeze3A = vector.extract %slice3A[0] : f32 from vector<1xf32>
        %mul3A_347 = vector.broadcast %squeeze3A : f32 to vector<16xf32>
        %mul3A_348 = arith.mulf %mul3A_338, %mul3A_347 : vector<16xf32>
        %swap3A = arith.index_cast %scan3A_322 : i32 to index
        %swap3A_349 = arith.constant 0 : index
        %swap3A_350 = tpu.vector_load %arg10[%swap3A, %swap3A_349] {strides = array<i32>} : memref<80x144xf32, #tpu.memory_space<vmem>>, vector<1x16xf32>,
        %swap3A_351 = vector.shape_cast %swap3A_350 : vector<1x16xf32> to vector<16xf32>
        %swap3A_352 = vector.shape_cast %mul3A_348 : vector<16xf32> to vector<1x16xf32>
        tpu.vector_store %arg10[%swap3A, %swap3A_349], %swap3A_352 {strides = array<i32>} : memref<80x144xf32, #tpu.memory_space<vmem>>, vector<1x16xf32>,
        %slice3A_353 = vector.extract_strided_slice %get3A_346 {offsets = [1], sizes = [1], strides = [1]} : vector<16xf32> to vector<1xf32>
        %squeeze3A_354 = vector.extract %slice3A_353[0] : f32 from vector<1xf32>
        %mul3A_355 = vector.broadcast %squeeze3A_354 : f32 to vector<16xf32>
        %mul3A_356 = arith.mulf %mul3A_338, %mul3A_355 : vector<16xf32>
        %swap3A_357 = arith.index_cast %scan3A_322 : i32 to index
        %swap3A_358 = arith.constant 16 : index
        %swap3A_359 = tpu.vector_load %arg10[%swap3A_357, %swap3A_358] {strides = array<i32>} : memref<80x144xf32, #tpu.memory_space<vmem>>, vector<1x16xf32>,
        %swap3A_360 = vector.shape_cast %swap3A_359 : vector<1x16xf32> to vector<16xf32>
        %swap3A_361 = vector.shape_cast %mul3A_356 : vector<16xf32> to vector<1x16xf32>
        tpu.vector_store %arg10[%swap3A_357, %swap3A_358], %swap3A_361 {strides = array<i32>} : memref<80x144xf32, #tpu.memory_space<vmem>>, vector<1x16xf32>,
        %slice3A_362 = vector.extract_strided_slice %get3A_346 {offsets = [2], sizes = [1], strides = [1]} : vector<16xf32> to vector<1xf32>
        %squeeze3A_363 = vector.extract %slice3A_362[0] : f32 from vector<1xf32>
        %mul3A_364 = vector.broadcast %squeeze3A_363 : f32 to vector<16xf32>
        %mul3A_365 = arith.mulf %mul3A_338, %mul3A_364 : vector<16xf32>
        %swap3A_366 = arith.index_cast %scan3A_322 : i32 to index
        %swap3A_367 = arith.constant 32 : index
        %swap3A_368 = tpu.vector_load %arg10[%swap3A_366, %swap3A_367] {strides = array<i32>} : memref<80x144xf32, #tpu.memory_space<vmem>>, vector<1x16xf32>,
        %swap3A_369 = vector.shape_cast %swap3A_368 : vector<1x16xf32> to vector<16xf32>
        %swap3A_370 = vector.shape_cast %mul3A_365 : vector<16xf32> to vector<1x16xf32>
        tpu.vector_store %arg10[%swap3A_366, %swap3A_367], %swap3A_370 {strides = array<i32>} : memref<80x144xf32, #tpu.memory_space<vmem>>, vector<1x16xf32>,
        %slice3A_371 = vector.extract_strided_slice %get3A_346 {offsets = [3], sizes = [1], strides = [1]} : vector<16xf32> to vector<1xf32>
        %squeeze3A_372 = vector.extract %slice3A_371[0] : f32 from vector<1xf32>
        %mul3A_373 = vector.broadcast %squeeze3A_372 : f32 to vector<16xf32>
        %mul3A_374 = arith.mulf %mul3A_338, %mul3A_373 : vector<16xf32>
        %swap3A_375 = arith.index_cast %scan3A_322 : i32 to index
        %swap3A_376 = arith.constant 48 : index
        %swap3A_377 = tpu.vector_load %arg10[%swap3A_375, %swap3A_376] {strides = array<i32>} : memref<80x144xf32, #tpu.memory_space<vmem>>, vector<1x16xf32>,
        %swap3A_378 = vector.shape_cast %swap3A_377 : vector<1x16xf32> to vector<16xf32>
        %swap3A_379 = vector.shape_cast %mul3A_374 : vector<16xf32> to vector<1x16xf32>
        tpu.vector_store %arg10[%swap3A_375, %swap3A_376], %swap3A_379 {strides = array<i32>} : memref<80x144xf32, #tpu.memory_space<vmem>>, vector<1x16xf32>,
        %slice3A_380 = vector.extract_strided_slice %get3A_346 {offsets = [4], sizes = [1], strides = [1]} : vector<16xf32> to vector<1xf32>
        %squeeze3A_381 = vector.extract %slice3A_380[0] : f32 from vector<1xf32>
        %mul3A_382 = vector.broadcast %squeeze3A_381 : f32 to vector<16xf32>
        %mul3A_383 = arith.mulf %mul3A_338, %mul3A_382 : vector<16xf32>
        %swap3A_384 = arith.index_cast %scan3A_322 : i32 to index
        %swap3A_385 = arith.constant 64 : index
        %swap3A_386 = tpu.vector_load %arg10[%swap3A_384, %swap3A_385] {strides = array<i32>} : memref<80x144xf32, #tpu.memory_space<vmem>>, vector<1x16xf32>,
        %swap3A_387 = vector.shape_cast %swap3A_386 : vector<1x16xf32> to vector<16xf32>
        %swap3A_388 = vector.shape_cast %mul3A_383 : vector<16xf32> to vector<1x16xf32>
        tpu.vector_store %arg10[%swap3A_384, %swap3A_385], %swap3A_388 {strides = array<i32>} : memref<80x144xf32, #tpu.memory_space<vmem>>, vector<1x16xf32>,
        %slice3A_389 = vector.extract_strided_slice %get3A_346 {offsets = [5], sizes = [1], strides = [1]} : vector<16xf32> to vector<1xf32>
        %squeeze3A_390 = vector.extract %slice3A_389[0] : f32 from vector<1xf32>
        %mul3A_391 = vector.broadcast %squeeze3A_390 : f32 to vector<16xf32>
        %mul3A_392 = arith.mulf %mul3A_338, %mul3A_391 : vector<16xf32>
        %swap3A_393 = arith.index_cast %scan3A_322 : i32 to index
        %swap3A_394 = arith.constant 80 : index
        %swap3A_395 = tpu.vector_load %arg10[%swap3A_393, %swap3A_394] {strides = array<i32>} : memref<80x144xf32, #tpu.memory_space<vmem>>, vector<1x16xf32>,
        %swap3A_396 = vector.shape_cast %swap3A_395 : vector<1x16xf32> to vector<16xf32>
        %swap3A_397 = vector.shape_cast %mul3A_392 : vector<16xf32> to vector<1x16xf32>
        tpu.vector_store %arg10[%swap3A_393, %swap3A_394], %swap3A_397 {strides = array<i32>} : memref<80x144xf32, #tpu.memory_space<vmem>>, vector<1x16xf32>,
        %slice3A_398 = vector.extract_strided_slice %get3A_346 {offsets = [6], sizes = [1], strides = [1]} : vector<16xf32> to vector<1xf32>
        %squeeze3A_399 = vector.extract %slice3A_398[0] : f32 from vector<1xf32>
        %mul3A_400 = vector.broadcast %squeeze3A_399 : f32 to vector<16xf32>
        %mul3A_401 = arith.mulf %mul3A_338, %mul3A_400 : vector<16xf32>
        %swap3A_402 = arith.index_cast %scan3A_322 : i32 to index
        %swap3A_403 = arith.constant 96 : index
        %swap3A_404 = tpu.vector_load %arg10[%swap3A_402, %swap3A_403] {strides = array<i32>} : memref<80x144xf32, #tpu.memory_space<vmem>>, vector<1x16xf32>,
        %swap3A_405 = vector.shape_cast %swap3A_404 : vector<1x16xf32> to vector<16xf32>
        %swap3A_406 = vector.shape_cast %mul3A_401 : vector<16xf32> to vector<1x16xf32>
        tpu.vector_store %arg10[%swap3A_402, %swap3A_403], %swap3A_406 {strides = array<i32>} : memref<80x144xf32, #tpu.memory_space<vmem>>, vector<1x16xf32>,
        %slice3A_407 = vector.extract_strided_slice %get3A_346 {offsets = [7], sizes = [1], strides = [1]} : vector<16xf32> to vector<1xf32>
        %squeeze3A_408 = vector.extract %slice3A_407[0] : f32 from vector<1xf32>
        %mul3A_409 = vector.broadcast %squeeze3A_408 : f32 to vector<16xf32>
        %mul3A_410 = arith.mulf %mul3A_338, %mul3A_409 : vector<16xf32>
        %swap3A_411 = arith.index_cast %scan3A_322 : i32 to index
        %swap3A_412 = arith.constant 112 : index
        %swap3A_413 = tpu.vector_load %arg10[%swap3A_411, %swap3A_412] {strides = array<i32>} : memref<80x144xf32, #tpu.memory_space<vmem>>, vector<1x16xf32>,
        %swap3A_414 = vector.shape_cast %swap3A_413 : vector<1x16xf32> to vector<16xf32>
        %swap3A_415 = vector.shape_cast %mul3A_410 : vector<16xf32> to vector<1x16xf32>
        tpu.vector_store %arg10[%swap3A_411, %swap3A_412], %swap3A_415 {strides = array<i32>} : memref<80x144xf32, #tpu.memory_space<vmem>>, vector<1x16xf32>,
        %slice3A_416 = vector.extract_strided_slice %get3A_346 {offsets = [8], sizes = [1], strides = [1]} : vector<16xf32> to vector<1xf32>
        %squeeze3A_417 = vector.extract %slice3A_416[0] : f32 from vector<1xf32>
        %mul3A_418 = vector.broadcast %squeeze3A_417 : f32 to vector<16xf32>
        %mul3A_419 = arith.mulf %mul3A_338, %mul3A_418 : vector<16xf32>
        %swap3A_420 = arith.index_cast %scan3A_322 : i32 to index
        %swap3A_421 = arith.constant 128 : index
        %swap3A_422 = tpu.vector_load %arg10[%swap3A_420, %swap3A_421] {strides = array<i32>} : memref<80x144xf32, #tpu.memory_space<vmem>>, vector<1x16xf32>,
        %swap3A_423 = vector.shape_cast %swap3A_422 : vector<1x16xf32> to vector<16xf32>
        %swap3A_424 = vector.shape_cast %mul3A_419 : vector<16xf32> to vector<1x16xf32>
        tpu.vector_store %arg10[%swap3A_420, %swap3A_421], %swap3A_424 {strides = array<i32>} : memref<80x144xf32, #tpu.memory_space<vmem>>, vector<1x16xf32>,
      }
      %scan3A_306 = arith.constant 80 : i32
      %add3A_307 = arith.constant 2 : i32
      %add3A_308 = arith.addi %add3A_269, %add3A_307 : i32
      %lt3A_309 = arith.constant 64 : i32
      %lt3A_310 = arith.cmpi slt, %add3A_308, %lt3A_309 : i32
      %convert_element_type3A_311 = arith.extui %lt3A_310 : i1 to i32
      %cond3A_312 = arith.constant 0 : i32
      %cond3A_313 = arith.cmpi ne, %convert_element_type3A_311, %cond3A_312 : i32
      scf.if %cond3A_313 {
        %add3A_322 = arith.constant 2 : i32
        %add3A_323 = arith.addi %add3A_269, %add3A_322 : i32
        %dma_start3A_324 = arith.constant 2 : i32
        %dma_start3A_325 = arith.constant 1 : i32
        %dma_start3A_326 = arith.constant 0 : i32
        %dma_start3A_327 = arith.constant 0 : i32
        %dma_start3A_328 = tpu.memref_slice %arg8[%dma_start3A_325, %dma_start3A_326, %dma_start3A_327] : memref<2x80x16xf32, #tpu.memory_space<vmem>> -> memref<1x80x16xf32, #tpu.memory_space<vmem>>
        %dma_start3A_329 = tpu.memref_squeeze %dma_start3A_328 : memref<1x80x16xf32, #tpu.memory_space<vmem>> -> memref<80x16xf32, #tpu.memory_space<vmem>>
        %dma_start3A_330 = arith.constant 0 : i32
        %dma_start3A_331 = tpu.memref_slice %arg7[%select_n3A_117, %dma_start3A_324, %dma_start3A_330] : memref<2x8x80xi32, #tpu.memory_space<vmem>> -> memref<1x1x80xi32, #tpu.memory_space<vmem>>
        %dma_start3A_332 = tpu.memref_squeeze %dma_start3A_331 : memref<1x1x80xi32, #tpu.memory_space<vmem>> -> memref<80xi32, #tpu.memory_space<vmem>>
        %dma_start3A_333 = arith.constant 0 : i32
        %dma_start3A_334 = arith.constant 0 : i32
        %dma_start3A_335 = tpu.memref_slice %arg2[%dma_start3A_333, %dma_start3A_334] : memref<10000x16xf32, #tpu.memory_space<hbm>> -> memref<10000x16xf32, #tpu.memory_space<hbm>>
        tpu.enqueue_indirect_dma source(%dma_start3A_335 : memref<10000x16xf32, #tpu.memory_space<hbm>>) target(%dma_start3A_329 : memref<80x16xf32, #tpu.memory_space<vmem>>) offsets(%dma_start3A_332 : memref<80xi32, #tpu.memory_space<vmem>>) semaphore(%arg13 : memref<!tpu.dma_semaphore, #tpu.memory_space<semaphore_mem>>)
        %mul3A_336 = arith.constant 80 : i32
        %mul3A_337 = arith.muli %add3A_323, %mul3A_336 : i32
        %add3A_338 = arith.addi %mul3A_2, %mul3A_337 : i32
        %dma_start3A_339 = arith.constant 1 : i32
        %dma_start3A_340 = arith.constant 0 : i32
        %dma_start3A_341 = arith.constant 0 : i32
        %dma_start3A_342 = tpu.memref_slice %arg9[%dma_start3A_339, %dma_start3A_340, %dma_start3A_341] : memref<2x80x32xf32, #tpu.memory_space<vmem>> -> memref<1x80x32xf32, #tpu.memory_space<vmem>>
        %dma_start3A_343 = tpu.memref_squeeze %dma_start3A_342 : memref<1x80x32xf32, #tpu.memory_space<vmem>> -> memref<80x32xf32, #tpu.memory_space<vmem>>
        %dma_start3A_344 = arith.constant 0 : i32
        %dma_start3A_345 = tpu.memref_slice %arg3[%add3A_338, %dma_start3A_344] : memref<163840x128xf32, #tpu.memory_space<hbm>> -> memref<80x32xf32, #tpu.memory_space<hbm>>
        %dma_start3A_346 = arith.constant 0 : i32
        %dma_start3A_347 = arith.constant 0 : i32
        %dma_start3A_348 = tpu.memref_slice %arg9[%dma_start3A_339, %dma_start3A_346, %dma_start3A_347] : memref<2x80x32xf32, #tpu.memory_space<vmem>> -> memref<1x80x32xf32, #tpu.memory_space<vmem>>
        %dma_start3A_349 = tpu.memref_squeeze %dma_start3A_348 : memref<1x80x32xf32, #tpu.memory_space<vmem>> -> memref<80x32xf32, #tpu.memory_space<vmem>>
        %dma_start3A_350 = arith.constant 0 : i32
        %dma_start3A_351 = tpu.memref_slice %arg3[%add3A_338, %dma_start3A_350] : memref<163840x128xf32, #tpu.memory_space<hbm>> -> memref<80x32xf32, #tpu.memory_space<hbm>>
        tpu.enqueue_dma source(%dma_start3A_351 : memref<80x32xf32, #tpu.memory_space<hbm>>) target(%dma_start3A_349 : memref<80x32xf32, #tpu.memory_space<vmem>>) target_semaphore(%arg14 : memref<!tpu.dma_semaphore, #tpu.memory_space<semaphore_mem>>)
      } else {
      }
      %run_scoped3A_314 = arith.constant 7 : i32
      "tpu.region"() ({
        %run_scoped3A_322 = tpu.sem_alloc : memref<!tpu.dma_semaphore, #tpu.memory_space<semaphore_mem>>
        %dma_start3A_323 = arith.constant 0 : i32
        %dma_start3A_324 = tpu.memref_slice %arg7[%select_n3A_99, %run_scoped3A_314, %dma_start3A_323] : memref<2x8x80xi32, #tpu.memory_space<vmem>> -> memref<1x1x80xi32, #tpu.memory_space<vmem>>
        %dma_start3A_325 = tpu.memref_squeeze %dma_start3A_324 : memref<1x1x80xi32, #tpu.memory_space<vmem>> -> memref<80xi32, #tpu.memory_space<vmem>>
        %dma_start3A_326 = arith.constant 0 : i32
        %dma_start3A_327 = arith.constant 0 : i32
        %dma_start3A_328 = tpu.memref_slice %arg11[%dma_start3A_326, %dma_start3A_327] : memref<10000x144xf32, #tpu.memory_space<vmem_shared>> -> memref<10000x144xf32, #tpu.memory_space<vmem_shared>>
        tpu.enqueue_indirect_dma source(%arg10 : memref<80x144xf32, #tpu.memory_space<vmem>>) target(%dma_start3A_328 : memref<10000x144xf32, #tpu.memory_space<vmem_shared>>) offsets(%dma_start3A_325 : memref<80xi32, #tpu.memory_space<vmem>>) semaphore(%run_scoped3A_322 : memref<!tpu.dma_semaphore, #tpu.memory_space<semaphore_mem>>) {add = true}
        %dma_wait3A_329 = arith.constant 0 : i32
        %dma_wait3A_330 = tpu.memref_slice %arg7[%select_n3A_99, %run_scoped3A_314, %dma_wait3A_329] : memref<2x8x80xi32, #tpu.memory_space<vmem>> -> memref<1x1x80xi32, #tpu.memory_space<vmem>>
        %dma_wait3A_331 = tpu.memref_squeeze %dma_wait3A_330 : memref<1x1x80xi32, #tpu.memory_space<vmem>> -> memref<80xi32, #tpu.memory_space<vmem>>
        %dma_wait3A_332 = arith.constant 0 : i32
        %dma_wait3A_333 = arith.constant 0 : i32
        %dma_wait3A_334 = tpu.memref_slice %arg11[%dma_wait3A_332, %dma_wait3A_333] : memref<10000x144xf32, #tpu.memory_space<vmem_shared>> -> memref<10000x144xf32, #tpu.memory_space<vmem_shared>>
        tpu.wait_indirect_dma semaphore(%run_scoped3A_322 : memref<!tpu.dma_semaphore, #tpu.memory_space<semaphore_mem>>) src(%arg10 : memref<80x144xf32, #tpu.memory_space<vmem>>) dst(%dma_wait3A_334 : memref<10000x144xf32, #tpu.memory_space<vmem_shared>>)
        tpu.yield
      }) : () -> ()
      %add3A_315 = arith.constant 2 : i32
      %add3A_316 = arith.addi %scan3A_90, %add3A_315 : i32
      %lt3A_317 = arith.constant 16 : i32
      %lt3A_318 = arith.cmpi slt, %add3A_316, %lt3A_317 : i32
      %convert_element_type3A_319 = arith.extui %lt3A_318 : i1 to i32
      %cond3A_320 = arith.constant 0 : i32
      %cond3A_321 = arith.cmpi ne, %convert_element_type3A_319, %cond3A_320 : i32
      scf.if %cond3A_321 {
        %add3A_322 = arith.constant 2 : i32
        %add3A_323 = arith.addi %scan3A_90, %add3A_322 : i32
        %mul3A_324 = arith.constant 2 : i32
        %mul3A_325 = arith.muli %add3A_323, %mul3A_324 : i32
        %mul3A_326 = arith.constant 4 : i32
        %mul3A_327 = arith.muli %mul3A_325, %mul3A_326 : i32
        %add3A_328 = arith.addi %mul3A_6, %mul3A_327 : i32
        %dma_start3A_329 = arith.constant 0 : i32
        %dma_start3A_330 = arith.constant 0 : i32
        %dma_start3A_331 = tpu.memref_slice %arg7[%select_n3A_99, %dma_start3A_329, %dma_start3A_330] : memref<2x8x80xi32, #tpu.memory_space<vmem>> -> memref<1x8x80xi32, #tpu.memory_space<vmem>>
        %dma_start3A_332 = tpu.memref_squeeze %dma_start3A_331 : memref<1x8x80xi32, #tpu.memory_space<vmem>> -> memref<8x80xi32, #tpu.memory_space<vmem>>
        %dma_start3A_333 = arith.constant 0 : i32
        %dma_start3A_334 = tpu.memref_slice %arg4[%add3A_328, %dma_start3A_333] : memref<4096x80xi32, #tpu.memory_space<hbm>> -> memref<8x80xi32, #tpu.memory_space<hbm>>
        %dma_start3A_335 = arith.constant 0 : i32
        %dma_start3A_336 = arith.constant 0 : i32
        %dma_start3A_337 = tpu.memref_slice %arg7[%select_n3A_99, %dma_start3A_335, %dma_start3A_336] : memref<2x8x80xi32, #tpu.memory_space<vmem>> -> memref<1x8x80xi32, #tpu.memory_space<vmem>>
        %dma_start3A_338 = tpu.memref_squeeze %dma_start3A_337 : memref<1x8x80xi32, #tpu.memory_space<vmem>> -> memref<8x80xi32, #tpu.memory_space<vmem>>
        %dma_start3A_339 = arith.constant 0 : i32
        %dma_start3A_340 = tpu.memref_slice %arg4[%add3A_328, %dma_start3A_339] : memref<4096x80xi32, #tpu.memory_space<hbm>> -> memref<8x80xi32, #tpu.memory_space<hbm>>
        tpu.enqueue_dma source(%dma_start3A_340 : memref<8x80xi32, #tpu.memory_space<hbm>>) target(%dma_start3A_338 : memref<8x80xi32, #tpu.memory_space<vmem>>) target_semaphore(%arg12 : memref<!tpu.dma_semaphore, #tpu.memory_space<semaphore_mem>>)
      } else {
      }
    }
    %scan3A_84 = arith.constant 16 : i32
    %barrier3A_85 = arith.constant 0 : index
    tpu.barrier barrier_id(%barrier3A_85)
    %mul3A_86 = arith.constant 625 : i32
    %mul3A_87 = arith.muli %arg1, %mul3A_86 : i32
    %mul3A_88 = arith.constant 625 : i32
    %mul3A_89 = arith.muli %arg1, %mul3A_88 : i32
    "tpu.region"() ({
      %run_scoped3A_90 = tpu.sem_alloc : memref<!tpu.dma_semaphore, #tpu.memory_space<semaphore_mem>>
      %dma_start3A_91 = arith.constant 0 : i32
      %dma_start3A_92 = tpu.memref_slice %arg6[%arg0, %mul3A_89, %dma_start3A_91] : memref<2x10000x144xf32, #tpu.memory_space<hbm>> -> memref<1x625x144xf32, #tpu.memory_space<hbm>>
      %dma_start3A_93 = tpu.memref_squeeze %dma_start3A_92 : memref<1x625x144xf32, #tpu.memory_space<hbm>> -> memref<625x144xf32, #tpu.memory_space<hbm>>
      %dma_start3A_94 = arith.constant 0 : i32
      %dma_start3A_95 = tpu.memref_slice %arg11[%mul3A_87, %dma_start3A_94] : memref<10000x144xf32, #tpu.memory_space<vmem_shared>> -> memref<625x144xf32, #tpu.memory_space<vmem_shared>>
      tpu.enqueue_dma source(%dma_start3A_95 : memref<625x144xf32, #tpu.memory_space<vmem_shared>>) target(%dma_start3A_93 : memref<625x144xf32, #tpu.memory_space<hbm>>) target_semaphore(%run_scoped3A_90 : memref<!tpu.dma_semaphore, #tpu.memory_space<semaphore_mem>>)
      %dma_wait3A = arith.constant 0 : i32
      %dma_wait3A_96 = tpu.memref_slice %arg6[%arg0, %mul3A_89, %dma_wait3A] : memref<2x10000x144xf32, #tpu.memory_space<hbm>> -> memref<1x625x144xf32, #tpu.memory_space<hbm>>
      %dma_wait3A_97 = tpu.memref_squeeze %dma_wait3A_96 : memref<1x625x144xf32, #tpu.memory_space<hbm>> -> memref<625x144xf32, #tpu.memory_space<hbm>>
      %dma_wait3A_98 = arith.constant 0 : i32
      %dma_wait3A_99 = tpu.memref_slice %arg11[%mul3A_87, %dma_wait3A_98] : memref<10000x144xf32, #tpu.memory_space<vmem_shared>> -> memref<625x144xf32, #tpu.memory_space<vmem_shared>>
      tpu.wait_dma2 semaphore(%run_scoped3A_90 : memref<!tpu.dma_semaphore, #tpu.memory_space<semaphore_mem>>) src(%dma_wait3A_99 : memref<625x144xf32, #tpu.memory_space<vmem_shared>>) dst(%dma_wait3A_97 : memref<625x144xf32, #tpu.memory_space<hbm>>)
      tpu.yield
    }) : () -> ()
    return
  }
}

module attributes {stable_mosaic.version = 14 : i64} {
  func.func @body(%arg0: memref<10000x4xf32, #tpu.memory_space<vmem>>, %arg1: memref<4x16xf32, #tpu.memory_space<vmem>>, %arg2: memref<4x16xf32, #tpu.memory_space<vmem>>, %arg3: memref<4x16xf32, #tpu.memory_space<vmem>>, %arg4: memref<10000x16xf32, #tpu.memory_space<vmem>>, %arg5: memref<10000x16xf32, #tpu.memory_space<vmem>>, %arg6: memref<10000x16xf32, #tpu.memory_space<vmem>>) attributes {dimension_semantics = [], scalar_prefetch = 0 : i64, scratch_operands = 0 : i64, tpu.core_type = #tpu.core_type<tc>} {
    %get3A = arith.constant 0 : index
    %get3A_0 = arith.constant 0 : index
    %get3A_1 = vector.load %arg0[%get3A, %get3A_0] : memref<10000x4xf32, #tpu.memory_space<vmem>>, vector<10000x4xf32>
    %get3A_2 = arith.constant 0 : index
    %get3A_3 = arith.constant 0 : index
    %get3A_4 = vector.load %arg1[%get3A_2, %get3A_3] : memref<4x16xf32, #tpu.memory_space<vmem>>, vector<4x16xf32>
    %convert_element_type3A = arith.truncf %get3A_4 : vector<4x16xf32> to vector<4x16xbf16>
    %convert_element_type3A_5 = arith.extf %convert_element_type3A : vector<4x16xbf16> to vector<4x16xf32>
    %slice3A = vector.extract_strided_slice %get3A_1 {offsets = [0, 0], sizes = [10000, 1], strides = [1, 1]} : vector<10000x4xf32> to vector<10000x1xf32>
    %slice3A_6 = vector.extract_strided_slice %convert_element_type3A_5 {offsets = [0, 0], sizes = [1, 16], strides = [1, 1]} : vector<4x16xf32> to vector<1x16xf32>
    %mul3A = vector.broadcast %slice3A : vector<10000x1xf32> to vector<10000x16xf32>
    %mul3A_7 = vector.broadcast %slice3A_6 : vector<1x16xf32> to vector<10000x16xf32>
    %mul3A_8 = arith.mulf %mul3A, %mul3A_7 : vector<10000x16xf32>
    %slice3A_9 = vector.extract_strided_slice %get3A_1 {offsets = [0, 1], sizes = [10000, 1], strides = [1, 1]} : vector<10000x4xf32> to vector<10000x1xf32>
    %slice3A_10 = vector.extract_strided_slice %convert_element_type3A_5 {offsets = [1, 0], sizes = [1, 16], strides = [1, 1]} : vector<4x16xf32> to vector<1x16xf32>
    %mul3A_11 = vector.broadcast %slice3A_9 : vector<10000x1xf32> to vector<10000x16xf32>
    %mul3A_12 = vector.broadcast %slice3A_10 : vector<1x16xf32> to vector<10000x16xf32>
    %mul3A_13 = arith.mulf %mul3A_11, %mul3A_12 : vector<10000x16xf32>
    %add3A = arith.addf %mul3A_8, %mul3A_13 : vector<10000x16xf32>
    %slice3A_14 = vector.extract_strided_slice %get3A_1 {offsets = [0, 2], sizes = [10000, 1], strides = [1, 1]} : vector<10000x4xf32> to vector<10000x1xf32>
    %slice3A_15 = vector.extract_strided_slice %convert_element_type3A_5 {offsets = [2, 0], sizes = [1, 16], strides = [1, 1]} : vector<4x16xf32> to vector<1x16xf32>
    %mul3A_16 = vector.broadcast %slice3A_14 : vector<10000x1xf32> to vector<10000x16xf32>
    %mul3A_17 = vector.broadcast %slice3A_15 : vector<1x16xf32> to vector<10000x16xf32>
    %mul3A_18 = arith.mulf %mul3A_16, %mul3A_17 : vector<10000x16xf32>
    %add3A_19 = arith.addf %add3A, %mul3A_18 : vector<10000x16xf32>
    %slice3A_20 = vector.extract_strided_slice %get3A_1 {offsets = [0, 3], sizes = [10000, 1], strides = [1, 1]} : vector<10000x4xf32> to vector<10000x1xf32>
    %slice3A_21 = vector.extract_strided_slice %convert_element_type3A_5 {offsets = [3, 0], sizes = [1, 16], strides = [1, 1]} : vector<4x16xf32> to vector<1x16xf32>
    %mul3A_22 = vector.broadcast %slice3A_20 : vector<10000x1xf32> to vector<10000x16xf32>
    %mul3A_23 = vector.broadcast %slice3A_21 : vector<1x16xf32> to vector<10000x16xf32>
    %mul3A_24 = arith.mulf %mul3A_22, %mul3A_23 : vector<10000x16xf32>
    %add3A_25 = arith.addf %add3A_19, %mul3A_24 : vector<10000x16xf32>
    %swap3A = arith.constant 0 : index
    %swap3A_26 = arith.constant 0 : index
    %swap3A_27 = vector.load %arg4[%swap3A, %swap3A_26] : memref<10000x16xf32, #tpu.memory_space<vmem>>, vector<10000x16xf32>
    tpu.vector_store %arg4[%swap3A, %swap3A_26], %add3A_25 {strides = array<i32>} : memref<10000x16xf32, #tpu.memory_space<vmem>>, vector<10000x16xf32>,
    %get3A_28 = arith.constant 0 : index
    %get3A_29 = arith.constant 0 : index
    %get3A_30 = vector.load %arg2[%get3A_28, %get3A_29] : memref<4x16xf32, #tpu.memory_space<vmem>>, vector<4x16xf32>
    %convert_element_type3A_31 = arith.truncf %get3A_30 : vector<4x16xf32> to vector<4x16xbf16>
    %convert_element_type3A_32 = arith.extf %convert_element_type3A_31 : vector<4x16xbf16> to vector<4x16xf32>
    %slice3A_33 = vector.extract_strided_slice %get3A_1 {offsets = [0, 0], sizes = [10000, 1], strides = [1, 1]} : vector<10000x4xf32> to vector<10000x1xf32>
    %slice3A_34 = vector.extract_strided_slice %convert_element_type3A_32 {offsets = [0, 0], sizes = [1, 16], strides = [1, 1]} : vector<4x16xf32> to vector<1x16xf32>
    %mul3A_35 = vector.broadcast %slice3A_33 : vector<10000x1xf32> to vector<10000x16xf32>
    %mul3A_36 = vector.broadcast %slice3A_34 : vector<1x16xf32> to vector<10000x16xf32>
    %mul3A_37 = arith.mulf %mul3A_35, %mul3A_36 : vector<10000x16xf32>
    %slice3A_38 = vector.extract_strided_slice %get3A_1 {offsets = [0, 1], sizes = [10000, 1], strides = [1, 1]} : vector<10000x4xf32> to vector<10000x1xf32>
    %slice3A_39 = vector.extract_strided_slice %convert_element_type3A_32 {offsets = [1, 0], sizes = [1, 16], strides = [1, 1]} : vector<4x16xf32> to vector<1x16xf32>
    %mul3A_40 = vector.broadcast %slice3A_38 : vector<10000x1xf32> to vector<10000x16xf32>
    %mul3A_41 = vector.broadcast %slice3A_39 : vector<1x16xf32> to vector<10000x16xf32>
    %mul3A_42 = arith.mulf %mul3A_40, %mul3A_41 : vector<10000x16xf32>
    %add3A_43 = arith.addf %mul3A_37, %mul3A_42 : vector<10000x16xf32>
    %slice3A_44 = vector.extract_strided_slice %get3A_1 {offsets = [0, 2], sizes = [10000, 1], strides = [1, 1]} : vector<10000x4xf32> to vector<10000x1xf32>
    %slice3A_45 = vector.extract_strided_slice %convert_element_type3A_32 {offsets = [2, 0], sizes = [1, 16], strides = [1, 1]} : vector<4x16xf32> to vector<1x16xf32>
    %mul3A_46 = vector.broadcast %slice3A_44 : vector<10000x1xf32> to vector<10000x16xf32>
    %mul3A_47 = vector.broadcast %slice3A_45 : vector<1x16xf32> to vector<10000x16xf32>
    %mul3A_48 = arith.mulf %mul3A_46, %mul3A_47 : vector<10000x16xf32>
    %add3A_49 = arith.addf %add3A_43, %mul3A_48 : vector<10000x16xf32>
    %slice3A_50 = vector.extract_strided_slice %get3A_1 {offsets = [0, 3], sizes = [10000, 1], strides = [1, 1]} : vector<10000x4xf32> to vector<10000x1xf32>
    %slice3A_51 = vector.extract_strided_slice %convert_element_type3A_32 {offsets = [3, 0], sizes = [1, 16], strides = [1, 1]} : vector<4x16xf32> to vector<1x16xf32>
    %mul3A_52 = vector.broadcast %slice3A_50 : vector<10000x1xf32> to vector<10000x16xf32>
    %mul3A_53 = vector.broadcast %slice3A_51 : vector<1x16xf32> to vector<10000x16xf32>
    %mul3A_54 = arith.mulf %mul3A_52, %mul3A_53 : vector<10000x16xf32>
    %add3A_55 = arith.addf %add3A_49, %mul3A_54 : vector<10000x16xf32>
    %swap3A_56 = arith.constant 0 : index
    %swap3A_57 = arith.constant 0 : index
    %swap3A_58 = vector.load %arg5[%swap3A_56, %swap3A_57] : memref<10000x16xf32, #tpu.memory_space<vmem>>, vector<10000x16xf32>
    tpu.vector_store %arg5[%swap3A_56, %swap3A_57], %add3A_55 {strides = array<i32>} : memref<10000x16xf32, #tpu.memory_space<vmem>>, vector<10000x16xf32>,
    %get3A_59 = arith.constant 0 : index
    %get3A_60 = arith.constant 0 : index
    %get3A_61 = vector.load %arg3[%get3A_59, %get3A_60] : memref<4x16xf32, #tpu.memory_space<vmem>>, vector<4x16xf32>
    %convert_element_type3A_62 = arith.truncf %get3A_61 : vector<4x16xf32> to vector<4x16xbf16>
    %convert_element_type3A_63 = arith.extf %convert_element_type3A_62 : vector<4x16xbf16> to vector<4x16xf32>
    %slice3A_64 = vector.extract_strided_slice %get3A_1 {offsets = [0, 0], sizes = [10000, 1], strides = [1, 1]} : vector<10000x4xf32> to vector<10000x1xf32>
    %slice3A_65 = vector.extract_strided_slice %convert_element_type3A_63 {offsets = [0, 0], sizes = [1, 16], strides = [1, 1]} : vector<4x16xf32> to vector<1x16xf32>
    %mul3A_66 = vector.broadcast %slice3A_64 : vector<10000x1xf32> to vector<10000x16xf32>
    %mul3A_67 = vector.broadcast %slice3A_65 : vector<1x16xf32> to vector<10000x16xf32>
    %mul3A_68 = arith.mulf %mul3A_66, %mul3A_67 : vector<10000x16xf32>
    %slice3A_69 = vector.extract_strided_slice %get3A_1 {offsets = [0, 1], sizes = [10000, 1], strides = [1, 1]} : vector<10000x4xf32> to vector<10000x1xf32>
    %slice3A_70 = vector.extract_strided_slice %convert_element_type3A_63 {offsets = [1, 0], sizes = [1, 16], strides = [1, 1]} : vector<4x16xf32> to vector<1x16xf32>
    %mul3A_71 = vector.broadcast %slice3A_69 : vector<10000x1xf32> to vector<10000x16xf32>
    %mul3A_72 = vector.broadcast %slice3A_70 : vector<1x16xf32> to vector<10000x16xf32>
    %mul3A_73 = arith.mulf %mul3A_71, %mul3A_72 : vector<10000x16xf32>
    %add3A_74 = arith.addf %mul3A_68, %mul3A_73 : vector<10000x16xf32>
    %slice3A_75 = vector.extract_strided_slice %get3A_1 {offsets = [0, 2], sizes = [10000, 1], strides = [1, 1]} : vector<10000x4xf32> to vector<10000x1xf32>
    %slice3A_76 = vector.extract_strided_slice %convert_element_type3A_63 {offsets = [2, 0], sizes = [1, 16], strides = [1, 1]} : vector<4x16xf32> to vector<1x16xf32>
    %mul3A_77 = vector.broadcast %slice3A_75 : vector<10000x1xf32> to vector<10000x16xf32>
    %mul3A_78 = vector.broadcast %slice3A_76 : vector<1x16xf32> to vector<10000x16xf32>
    %mul3A_79 = arith.mulf %mul3A_77, %mul3A_78 : vector<10000x16xf32>
    %add3A_80 = arith.addf %add3A_74, %mul3A_79 : vector<10000x16xf32>
    %slice3A_81 = vector.extract_strided_slice %get3A_1 {offsets = [0, 3], sizes = [10000, 1], strides = [1, 1]} : vector<10000x4xf32> to vector<10000x1xf32>
    %slice3A_82 = vector.extract_strided_slice %convert_element_type3A_63 {offsets = [3, 0], sizes = [1, 16], strides = [1, 1]} : vector<4x16xf32> to vector<1x16xf32>
    %mul3A_83 = vector.broadcast %slice3A_81 : vector<10000x1xf32> to vector<10000x16xf32>
    %mul3A_84 = vector.broadcast %slice3A_82 : vector<1x16xf32> to vector<10000x16xf32>
    %mul3A_85 = arith.mulf %mul3A_83, %mul3A_84 : vector<10000x16xf32>
    %add3A_86 = arith.addf %add3A_80, %mul3A_85 : vector<10000x16xf32>
    %swap3A_87 = arith.constant 0 : index
    %swap3A_88 = arith.constant 0 : index
    %swap3A_89 = vector.load %arg6[%swap3A_87, %swap3A_88] : memref<10000x16xf32, #tpu.memory_space<vmem>>, vector<10000x16xf32>
    tpu.vector_store %arg6[%swap3A_87, %swap3A_88], %add3A_86 {strides = array<i32>} : memref<10000x16xf32, #tpu.memory_space<vmem>>, vector<10000x16xf32>,
    return
  }
}

module attributes {stable_mosaic.version = 14 : i64} {
  func.func @body(%arg0: i32, %arg1: memref<1x1x2048xf32, #tpu.memory_space<vmem>>, %arg2: memref<2048x16xf32, #tpu.memory_space<vmem>>, %arg3: memref<8x16xf32, #tpu.memory_space<vmem>>, %arg4: memref<8x16xf32, #tpu.memory_space<vmem>>, %arg5: memref<2048x128xf32, #tpu.memory_space<vmem>>) attributes {dimension_semantics = [#tpu.dimension_semantics<arbitrary>], iteration_bounds = array<i64: 80>, scalar_prefetch = 0 : i64, scratch_operands = 0 : i64, tpu.core_type = #tpu.core_type<tc>, window_params = [{transform_indices = @transform_0, window_bounds = array<i64: 1, 1, 2048>}, {transform_indices = @transform_1, window_bounds = array<i64: 2048, 16>}, {pipeline_mode = #tpu.pipeline_mode<synchronous>, transform_indices = @transform_2, window_bounds = array<i64: 8, 16>}, {pipeline_mode = #tpu.pipeline_mode<synchronous>, transform_indices = @transform_3, window_bounds = array<i64: 8, 16>}, {transform_indices = @transform_4, window_bounds = array<i64: 2048, 128>}]} {
    %get3A = arith.constant 0 : index
    %get3A_0 = arith.constant 0 : index
    %get3A_1 = arith.constant 0 : index
    %get3A_2 = vector.load %arg1[%get3A, %get3A_0, %get3A_1] : memref<1x1x2048xf32, #tpu.memory_space<vmem>>, vector<1x1x2048xf32>
    %get3A_3 = vector.shape_cast %get3A_2 : vector<1x1x2048xf32> to vector<1x2048xf32>
    %broadcast_in_dim3A = vector.shape_cast %get3A_3 : vector<1x2048xf32> to vector<1x2048xf32>
    %broadcast_in_dim3A_4 = vector.broadcast %broadcast_in_dim3A : vector<1x2048xf32> to vector<8x2048xf32>
    %iota3A = tpu.iota {dimensions = array<i32: 0>} : vector<8x1xi32>
    %convert_element_type3A = arith.sitofp %iota3A : vector<8x1xi32> to vector<8x1xf32>
    %add3A = arith.constant 1.000000e+00 : f32
    %add3A_5 = vector.broadcast %add3A : f32 to vector<8x1xf32>
    %add3A_6 = arith.addf %convert_element_type3A, %add3A_5 : vector<8x1xf32>
    %gt3A = arith.constant 0.000000e+00 : f32
    %gt3A_7 = vector.broadcast %gt3A : f32 to vector<8x2048xf32>
    %gt3A_8 = arith.cmpf ogt, %broadcast_in_dim3A_4, %gt3A_7 : vector<8x2048xf32>
    %jit3A = arith.constant 1.000000e+00 : f32
    %broadcast_in_dim3A_9 = vector.broadcast %jit3A : f32 to vector<8x2048xf32>
    %select_n3A = arith.select %gt3A_8, %broadcast_in_dim3A_4, %broadcast_in_dim3A_9 : vector<8x2048xi1>, vector<8x2048xf32>
    %sqrt3A = arith.constant 4.000000e-01 : f32
    %sqrt3A_10 = math.sqrt %sqrt3A : f32
    %mul3A = arith.constant 0.628318548 : f32
    %mul3A_11 = vector.broadcast %mul3A : f32 to vector<8x1xf32>
    %mul3A_12 = arith.mulf %add3A_6, %mul3A_11 : vector<8x1xf32>
    %mul3A_13 = vector.broadcast %mul3A_12 : vector<8x1xf32> to vector<8x2048xf32>
    %mul3A_14 = arith.mulf %mul3A_13, %select_n3A : vector<8x2048xf32>
    %sin3A = math.sin %mul3A_14 : vector<8x2048xf32>
    %mul3A_15 = vector.broadcast %sqrt3A_10 : f32 to vector<8x2048xf32>
    %mul3A_16 = arith.mulf %mul3A_15, %sin3A : vector<8x2048xf32>
    %div3A = arith.divf %mul3A_16, %select_n3A : vector<8x2048xf32>
    %gt3A_17 = arith.constant 0.000000e+00 : f32
    %gt3A_18 = vector.broadcast %gt3A_17 : f32 to vector<8x2048xf32>
    %gt3A_19 = arith.cmpf ogt, %broadcast_in_dim3A_4, %gt3A_18 : vector<8x2048xf32>
    %jit3A_20 = arith.constant 0.000000e+00 : f32
    %broadcast_in_dim3A_21 = vector.broadcast %jit3A_20 : f32 to vector<8x2048xf32>
    %select_n3A_22 = arith.select %gt3A_19, %div3A, %broadcast_in_dim3A_21 : vector<8x2048xi1>, vector<8x2048xf32>
    %convert_element_type3A_23 = arith.truncf %select_n3A_22 : vector<8x2048xf32> to vector<8x2048xbf16>
    %convert_element_type3A_24 = arith.extf %convert_element_type3A_23 : vector<8x2048xbf16> to vector<8x2048xf32>
    %get3A_25 = arith.constant 0 : index
    %get3A_26 = arith.constant 0 : index
    %get3A_27 = vector.load %arg3[%get3A_25, %get3A_26] : memref<8x16xf32, #tpu.memory_space<vmem>>, vector<8x16xf32>
    %convert_element_type3A_28 = arith.truncf %get3A_27 : vector<8x16xf32> to vector<8x16xbf16>
    %convert_element_type3A_29 = arith.extf %convert_element_type3A_28 : vector<8x16xbf16> to vector<8x16xf32>
    %get3A_30 = arith.constant 0 : index
    %get3A_31 = arith.constant 0 : index
    %get3A_32 = vector.load %arg4[%get3A_30, %get3A_31] : memref<8x16xf32, #tpu.memory_space<vmem>>, vector<8x16xf32>
    %convert_element_type3A_33 = arith.truncf %get3A_32 : vector<8x16xf32> to vector<8x16xbf16>
    %convert_element_type3A_34 = arith.extf %convert_element_type3A_33 : vector<8x16xbf16> to vector<8x16xf32>
    %dot_general3A = arith.constant dense<0.000000e+00> : vector<2048x16xf32>
    %dot_general3A_35 = tpu.matmul %convert_element_type3A_24, %convert_element_type3A_29, %dot_general3A {dimension_numbers = #tpu.dot_dimension_numbers<[0], [0], [1], [1], [0, 1, 1, 1], [], []>, precision = #tpu.contract_precision<fp32>, transpose_lhs_hint = false} : vector<8x2048xf32>, vector<8x16xf32>, vector<2048x16xf32> -> vector<2048x16xf32>
    %dot_general3A_36 = arith.constant dense<0.000000e+00> : vector<2048x16xf32>
    %dot_general3A_37 = tpu.matmul %convert_element_type3A_24, %convert_element_type3A_34, %dot_general3A_36 {dimension_numbers = #tpu.dot_dimension_numbers<[0], [0], [1], [1], [0, 1, 1, 1], [], []>, precision = #tpu.contract_precision<fp32>, transpose_lhs_hint = false} : vector<8x2048xf32>, vector<8x16xf32>, vector<2048x16xf32> -> vector<2048x16xf32>
    %get3A_38 = arith.constant 0 : index
    %get3A_39 = arith.constant 0 : index
    %get3A_40 = vector.load %arg2[%get3A_38, %get3A_39] : memref<2048x16xf32, #tpu.memory_space<vmem>>, vector<2048x16xf32>
    %broadcast_in_dim3A_41 = arith.constant 0.000000e+00 : f32
    %broadcast_in_dim3A_42 = vector.broadcast %broadcast_in_dim3A_41 : f32 to vector<2048x80xf32>
    %concatenate3A = tpu.concatenate %dot_general3A_35, %get3A_40, %dot_general3A_37, %broadcast_in_dim3A_42 in 1 : vector<2048x16xf32>, vector<2048x16xf32>, vector<2048x16xf32>, vector<2048x80xf32> -> vector<2048x128xf32>
    %swap3A = arith.constant 0 : index
    %swap3A_43 = arith.constant 0 : index
    %swap3A_44 = vector.load %arg5[%swap3A, %swap3A_43] : memref<2048x128xf32, #tpu.memory_space<vmem>>, vector<2048x128xf32>
    tpu.vector_store %arg5[%swap3A, %swap3A_43], %concatenate3A {strides = array<i32>} : memref<2048x128xf32, #tpu.memory_space<vmem>>, vector<2048x128xf32>,
    return
  }
  func.func @transform_0(%arg0: i32) -> (i32, i32, i32) {
    %c0_i32 = arith.constant 0 : i32
    %c0_i32_0 = arith.constant 0 : i32
    %c0_i32_1 = arith.constant 0 : i32
    return %arg0, %c0_i32, %c0_i32_0 : i32, i32, i32
  }
  func.func @transform_1(%arg0: i32) -> (i32, i32) {
    %c0_i32 = arith.constant 0 : i32
    %c0_i32_0 = arith.constant 0 : i32
    return %arg0, %c0_i32 : i32, i32
  }
  func.func @transform_2(%arg0: i32) -> (i32, i32) {
    %c0_i32 = arith.constant 0 : i32
    %c0_i32_0 = arith.constant 0 : i32
    %c0_i32_1 = arith.constant 0 : i32
    return %c0_i32, %c0_i32_0 : i32, i32
  }
  func.func @transform_3(%arg0: i32) -> (i32, i32) {
    %c0_i32 = arith.constant 0 : i32
    %c0_i32_0 = arith.constant 0 : i32
    %c0_i32_1 = arith.constant 0 : i32
    return %c0_i32, %c0_i32_0 : i32, i32
  }
  func.func @transform_4(%arg0: i32) -> (i32, i32) {
    %c0_i32 = arith.constant 0 : i32
    %c0_i32_0 = arith.constant 0 : i32
    return %arg0, %c0_i32 : i32, i32
  }
}

module attributes {stable_mosaic.version = 14 : i64} {
  func.func @body(%arg0: i32, %arg1: memref<2x1000x144xf32, #tpu.memory_space<vmem>>, %arg2: memref<1000x16xf32, #tpu.memory_space<vmem>>, %arg3: memref<1000x16xf32, #tpu.memory_space<vmem>>, %arg4: memref<144x144xf32, #tpu.memory_space<vmem>>, %arg5: memref<144x144xf32, #tpu.memory_space<vmem>>, %arg6: memref<16x144xf32, #tpu.memory_space<vmem>>, %arg7: memref<144x8xf32, #tpu.memory_space<vmem>>, %arg8: memref<1x144xf32, #tpu.memory_space<vmem>>, %arg9: memref<1x144xf32, #tpu.memory_space<vmem>>, %arg10: memref<1x144xf32, #tpu.memory_space<vmem>>, %arg11: memref<1000x144xf32, #tpu.memory_space<vmem>>, %arg12: memref<1x8xf32, #tpu.memory_space<vmem>>) attributes {dimension_semantics = [#tpu.dimension_semantics<arbitrary>], iteration_bounds = array<i64: 10>, scalar_prefetch = 0 : i64, scratch_operands = 0 : i64, tpu.core_type = #tpu.core_type<tc>, window_params = [{transform_indices = @transform_0, window_bounds = array<i64: 2, 1000, 144>}, {transform_indices = @transform_1, window_bounds = array<i64: 1000, 16>}, {transform_indices = @transform_2, window_bounds = array<i64: 1000, 16>}, {pipeline_mode = #tpu.pipeline_mode<synchronous>, transform_indices = @transform_3, window_bounds = array<i64: 144, 144>}, {pipeline_mode = #tpu.pipeline_mode<synchronous>, transform_indices = @transform_4, window_bounds = array<i64: 144, 144>}, {pipeline_mode = #tpu.pipeline_mode<synchronous>, transform_indices = @transform_5, window_bounds = array<i64: 16, 144>}, {pipeline_mode = #tpu.pipeline_mode<synchronous>, transform_indices = @transform_6, window_bounds = array<i64: 144, 8>}, {pipeline_mode = #tpu.pipeline_mode<synchronous>, transform_indices = @transform_7, window_bounds = array<i64: 1, 144>}, {pipeline_mode = #tpu.pipeline_mode<synchronous>, transform_indices = @transform_8, window_bounds = array<i64: 1, 144>}, {pipeline_mode = #tpu.pipeline_mode<synchronous>, transform_indices = @transform_9, window_bounds = array<i64: 1, 144>}, {transform_indices = @transform_10, window_bounds = array<i64: 1000, 144>}, {pipeline_mode = #tpu.pipeline_mode<synchronous>, transform_indices = @transform_11, window_bounds = array<i64: 1, 8>}]} {
    %get3A = arith.constant 0 : index
    %get3A_0 = arith.constant 0 : index
    %get3A_1 = arith.constant 0 : index
    %get3A_2 = vector.load %arg1[%get3A, %get3A_0, %get3A_1] : memref<2x1000x144xf32, #tpu.memory_space<vmem>>, vector<1x1000x144xf32>
    %get3A_3 = vector.shape_cast %get3A_2 : vector<1x1000x144xf32> to vector<1000x144xf32>
    %get3A_4 = arith.constant 1 : index
    %get3A_5 = arith.constant 0 : index
    %get3A_6 = arith.constant 0 : index
    %get3A_7 = vector.load %arg1[%get3A_4, %get3A_5, %get3A_6] : memref<2x1000x144xf32, #tpu.memory_space<vmem>>, vector<1x1000x144xf32>
    %get3A_8 = vector.shape_cast %get3A_7 : vector<1x1000x144xf32> to vector<1000x144xf32>
    %add3A = arith.addf %get3A_3, %get3A_8 : vector<1000x144xf32>
    %mul3A = arith.mulf %add3A, %add3A : vector<1000x144xf32>
    %get3A_9 = arith.constant 0 : index
    %get3A_10 = arith.constant 0 : index
    %get3A_11 = vector.load %arg4[%get3A_9, %get3A_10] : memref<144x144xf32, #tpu.memory_space<vmem>>, vector<144x144xf32>
    %dot_general3A = arith.constant dense<0.000000e+00> : vector<1000x144xf32>
    %dot_general3A_12 = tpu.matmul %mul3A, %get3A_11, %dot_general3A {dimension_numbers = #tpu.dot_dimension_numbers<[1], [0], [0], [1], [0, 0, 1, 1], [], []>, precision = #tpu.contract_precision<fp32>, transpose_lhs_hint = false} : vector<1000x144xf32>, vector<144x144xf32>, vector<1000x144xf32> -> vector<1000x144xf32>
    %get3A_13 = arith.constant 0 : index
    %get3A_14 = arith.constant 0 : index
    %get3A_15 = vector.load %arg5[%get3A_13, %get3A_14] : memref<144x144xf32, #tpu.memory_space<vmem>>, vector<144x144xf32>
    %dot_general3A_16 = arith.constant dense<0.000000e+00> : vector<1000x144xf32>
    %dot_general3A_17 = tpu.matmul %add3A, %get3A_15, %dot_general3A_16 {dimension_numbers = #tpu.dot_dimension_numbers<[1], [0], [0], [1], [0, 0, 1, 1], [], []>, precision = #tpu.contract_precision<fp32>, transpose_lhs_hint = false} : vector<1000x144xf32>, vector<144x144xf32>, vector<1000x144xf32> -> vector<1000x144xf32>
    %get3A_18 = arith.constant 0 : index
    %get3A_19 = arith.constant 0 : index
    %get3A_20 = vector.load %arg2[%get3A_18, %get3A_19] : memref<1000x16xf32, #tpu.memory_space<vmem>>, vector<1000x16xf32>
    %get3A_21 = arith.constant 0 : index
    %get3A_22 = arith.constant 0 : index
    %get3A_23 = vector.load %arg3[%get3A_21, %get3A_22] : memref<1000x16xf32, #tpu.memory_space<vmem>>, vector<1000x16xf32>
    %mul3A_24 = arith.mulf %get3A_20, %get3A_23 : vector<1000x16xf32>
    %get3A_25 = arith.constant 0 : index
    %get3A_26 = arith.constant 0 : index
    %get3A_27 = vector.load %arg6[%get3A_25, %get3A_26] : memref<16x144xf32, #tpu.memory_space<vmem>>, vector<16x144xf32>
    %dot_general3A_28 = arith.constant dense<0.000000e+00> : vector<1000x144xf32>
    %dot_general3A_29 = tpu.matmul %mul3A_24, %get3A_27, %dot_general3A_28 {dimension_numbers = #tpu.dot_dimension_numbers<[1], [0], [0], [1], [0, 0, 1, 1], [], []>, precision = #tpu.contract_precision<fp32>, transpose_lhs_hint = false} : vector<1000x16xf32>, vector<16x144xf32>, vector<1000x144xf32> -> vector<1000x144xf32>
    %get3A_30 = arith.constant 0 : index
    %get3A_31 = arith.constant 0 : index
    %get3A_32 = vector.load %arg8[%get3A_30, %get3A_31] : memref<1x144xf32, #tpu.memory_space<vmem>>, vector<1x144xf32>
    %mul3A_33 = vector.broadcast %get3A_32 : vector<1x144xf32> to vector<1000x144xf32>
    %mul3A_34 = arith.mulf %mul3A_33, %add3A : vector<1000x144xf32>
    %get3A_35 = arith.constant 0 : index
    %get3A_36 = arith.constant 0 : index
    %get3A_37 = vector.load %arg9[%get3A_35, %get3A_36] : memref<1x144xf32, #tpu.memory_space<vmem>>, vector<1x144xf32>
    %mul3A_38 = vector.broadcast %get3A_37 : vector<1x144xf32> to vector<1000x144xf32>
    %mul3A_39 = arith.mulf %mul3A_38, %add3A : vector<1000x144xf32>
    %mul3A_40 = arith.mulf %mul3A_39, %dot_general3A_17 : vector<1000x144xf32>
    %add3A_41 = arith.addf %mul3A_34, %mul3A_40 : vector<1000x144xf32>
    %get3A_42 = arith.constant 0 : index
    %get3A_43 = arith.constant 0 : index
    %get3A_44 = vector.load %arg10[%get3A_42, %get3A_43] : memref<1x144xf32, #tpu.memory_space<vmem>>, vector<1x144xf32>
    %mul3A_45 = vector.broadcast %get3A_44 : vector<1x144xf32> to vector<1000x144xf32>
    %mul3A_46 = arith.mulf %mul3A_45, %add3A : vector<1000x144xf32>
    %mul3A_47 = arith.mulf %mul3A_46, %dot_general3A_12 : vector<1000x144xf32>
    %add3A_48 = arith.addf %add3A_41, %mul3A_47 : vector<1000x144xf32>
    %add3A_49 = arith.addf %add3A_48, %dot_general3A_29 : vector<1000x144xf32>
    %convert_element_type3A = arith.truncf %add3A_49 : vector<1000x144xf32> to vector<1000x144xbf16>
    %convert_element_type3A_50 = arith.extf %convert_element_type3A : vector<1000x144xbf16> to vector<1000x144xf32>
    %get3A_51 = arith.constant 0 : index
    %get3A_52 = arith.constant 0 : index
    %get3A_53 = vector.load %arg7[%get3A_51, %get3A_52] : memref<144x8xf32, #tpu.memory_space<vmem>>, vector<144x8xf32>
    %dot_general3A_54 = arith.constant dense<0.000000e+00> : vector<1000x8xf32>
    %dot_general3A_55 = tpu.matmul %convert_element_type3A_50, %get3A_53, %dot_general3A_54 {dimension_numbers = #tpu.dot_dimension_numbers<[1], [0], [0], [1], [0, 0, 1, 1], [], []>, precision = #tpu.contract_precision<fp32>, transpose_lhs_hint = false} : vector<1000x144xf32>, vector<144x8xf32>, vector<1000x8xf32> -> vector<1000x8xf32>
    %reduce_sum3A = arith.constant dense<0.000000e+00> : vector<8xf32>
    %reduce_sum3A_56 = vector.multi_reduction <add>, %dot_general3A_55, %reduce_sum3A [0] : vector<1000x8xf32> to vector<8xf32>
    %broadcast_in_dim3A = vector.shape_cast %reduce_sum3A_56 : vector<8xf32> to vector<1x8xf32>
    %eq3A = arith.constant 0 : i32
    %eq3A_57 = arith.cmpi eq, %arg0, %eq3A : i32
    %convert_element_type3A_58 = arith.extui %eq3A_57 : i1 to i32
    %cond3A = arith.constant 0 : i32
    %cond3A_59 = arith.cmpi ne, %convert_element_type3A_58, %cond3A : i32
    scf.if %cond3A_59 {
      %broadcast_in_dim3A_69 = arith.constant 0.000000e+00 : f32
      %broadcast_in_dim3A_70 = vector.broadcast %broadcast_in_dim3A_69 : f32 to vector<1x8xf32>
      %swap3A_71 = arith.constant 0 : index
      %swap3A_72 = arith.constant 0 : index
      %swap3A_73 = vector.load %arg12[%swap3A_71, %swap3A_72] : memref<1x8xf32, #tpu.memory_space<vmem>>, vector<1x8xf32>
      tpu.vector_store %arg12[%swap3A_71, %swap3A_72], %broadcast_in_dim3A_70 {strides = array<i32>} : memref<1x8xf32, #tpu.memory_space<vmem>>, vector<1x8xf32>,
    } else {
    }
    %get3A_60 = arith.constant 0 : index
    %get3A_61 = arith.constant 0 : index
    %get3A_62 = vector.load %arg12[%get3A_60, %get3A_61] : memref<1x8xf32, #tpu.memory_space<vmem>>, vector<1x8xf32>
    %add3A_63 = arith.addf %get3A_62, %broadcast_in_dim3A : vector<1x8xf32>
    %swap3A = arith.constant 0 : index
    %swap3A_64 = arith.constant 0 : index
    %swap3A_65 = vector.load %arg12[%swap3A, %swap3A_64] : memref<1x8xf32, #tpu.memory_space<vmem>>, vector<1x8xf32>
    tpu.vector_store %arg12[%swap3A, %swap3A_64], %add3A_63 {strides = array<i32>} : memref<1x8xf32, #tpu.memory_space<vmem>>, vector<1x8xf32>,
    %swap3A_66 = arith.constant 0 : index
    %swap3A_67 = arith.constant 0 : index
    %swap3A_68 = vector.load %arg11[%swap3A_66, %swap3A_67] : memref<1000x144xf32, #tpu.memory_space<vmem>>, vector<1000x144xf32>
    tpu.vector_store %arg11[%swap3A_66, %swap3A_67], %add3A_49 {strides = array<i32>} : memref<1000x144xf32, #tpu.memory_space<vmem>>, vector<1000x144xf32>,
    return
  }
  func.func @transform_0(%arg0: i32) -> (i32, i32, i32) {
    %c0_i32 = arith.constant 0 : i32
    %c0_i32_0 = arith.constant 0 : i32
    %c0_i32_1 = arith.constant 0 : i32
    return %c0_i32, %arg0, %c0_i32_0 : i32, i32, i32
  }
  func.func @transform_1(%arg0: i32) -> (i32, i32) {
    %c0_i32 = arith.constant 0 : i32
    %c0_i32_0 = arith.constant 0 : i32
    return %arg0, %c0_i32 : i32, i32
  }
  func.func @transform_2(%arg0: i32) -> (i32, i32) {
    %c0_i32 = arith.constant 0 : i32
    %c0_i32_0 = arith.constant 0 : i32
    return %arg0, %c0_i32 : i32, i32
  }
  func.func @transform_3(%arg0: i32) -> (i32, i32) {
    %c0_i32 = arith.constant 0 : i32
    %c0_i32_0 = arith.constant 0 : i32
    %c0_i32_1 = arith.constant 0 : i32
    return %c0_i32, %c0_i32_0 : i32, i32
  }
  func.func @transform_4(%arg0: i32) -> (i32, i32) {
    %c0_i32 = arith.constant 0 : i32
    %c0_i32_0 = arith.constant 0 : i32
    %c0_i32_1 = arith.constant 0 : i32
    return %c0_i32, %c0_i32_0 : i32, i32
  }
  func.func @transform_5(%arg0: i32) -> (i32, i32) {
    %c0_i32 = arith.constant 0 : i32
    %c0_i32_0 = arith.constant 0 : i32
    %c0_i32_1 = arith.constant 0 : i32
    return %c0_i32, %c0_i32_0 : i32, i32
  }
  func.func @transform_6(%arg0: i32) -> (i32, i32) {
    %c0_i32 = arith.constant 0 : i32
    %c0_i32_0 = arith.constant 0 : i32
    %c0_i32_1 = arith.constant 0 : i32
    return %c0_i32, %c0_i32_0 : i32, i32
  }
  func.func @transform_7(%arg0: i32) -> (i32, i32) {
    %c0_i32 = arith.constant 0 : i32
    %c0_i32_0 = arith.constant 0 : i32
    %c0_i32_1 = arith.constant 0 : i32
    return %c0_i32, %c0_i32_0 : i32, i32
  }
  func.func @transform_8(%arg0: i32) -> (i32, i32) {
    %c0_i32 = arith.constant 0 : i32
    %c0_i32_0 = arith.constant 0 : i32
    %c0_i32_1 = arith.constant 0 : i32
    return %c0_i32, %c0_i32_0 : i32, i32
  }
  func.func @transform_9(%arg0: i32) -> (i32, i32) {
    %c0_i32 = arith.constant 0 : i32
    %c0_i32_0 = arith.constant 0 : i32
    %c0_i32_1 = arith.constant 0 : i32
    return %c0_i32, %c0_i32_0 : i32, i32
  }
  func.func @transform_10(%arg0: i32) -> (i32, i32) {
    %c0_i32 = arith.constant 0 : i32
    %c0_i32_0 = arith.constant 0 : i32
    return %arg0, %c0_i32 : i32, i32
  }
  func.func @transform_11(%arg0: i32) -> (i32, i32) {
    %c0_i32 = arith.constant 0 : i32
    %c0_i32_0 = arith.constant 0 : i32
    %c0_i32_1 = arith.constant 0 : i32
    return %c0_i32, %c0_i32_0 : i32, i32
  }
}

module attributes {stable_mosaic.version = 14 : i64} {
  func.func @body(%arg0: i32, %arg1: memref<2x1000x144xf32, #tpu.memory_space<vmem>>, %arg2: memref<1000x144xf32, #tpu.memory_space<vmem>>, %arg3: memref<1000x16xf32, #tpu.memory_space<vmem>>, %arg4: memref<144x144xf32, #tpu.memory_space<vmem>>, %arg5: memref<144x144xf32, #tpu.memory_space<vmem>>, %arg6: memref<16x144xf32, #tpu.memory_space<vmem>>, %arg7: memref<144x8xf32, #tpu.memory_space<vmem>>, %arg8: memref<1x144xf32, #tpu.memory_space<vmem>>, %arg9: memref<1x144xf32, #tpu.memory_space<vmem>>, %arg10: memref<1x144xf32, #tpu.memory_space<vmem>>, %arg11: memref<1x8xf32, #tpu.memory_space<vmem>>) attributes {dimension_semantics = [#tpu.dimension_semantics<arbitrary>], iteration_bounds = array<i64: 10>, scalar_prefetch = 0 : i64, scratch_operands = 0 : i64, tpu.core_type = #tpu.core_type<tc>, window_params = [{transform_indices = @transform_0, window_bounds = array<i64: 2, 1000, 144>}, {transform_indices = @transform_1, window_bounds = array<i64: 1000, 144>}, {transform_indices = @transform_2, window_bounds = array<i64: 1000, 16>}, {pipeline_mode = #tpu.pipeline_mode<synchronous>, transform_indices = @transform_3, window_bounds = array<i64: 144, 144>}, {pipeline_mode = #tpu.pipeline_mode<synchronous>, transform_indices = @transform_4, window_bounds = array<i64: 144, 144>}, {pipeline_mode = #tpu.pipeline_mode<synchronous>, transform_indices = @transform_5, window_bounds = array<i64: 16, 144>}, {pipeline_mode = #tpu.pipeline_mode<synchronous>, transform_indices = @transform_6, window_bounds = array<i64: 144, 8>}, {pipeline_mode = #tpu.pipeline_mode<synchronous>, transform_indices = @transform_7, window_bounds = array<i64: 1, 144>}, {pipeline_mode = #tpu.pipeline_mode<synchronous>, transform_indices = @transform_8, window_bounds = array<i64: 1, 144>}, {pipeline_mode = #tpu.pipeline_mode<synchronous>, transform_indices = @transform_9, window_bounds = array<i64: 1, 144>}, {pipeline_mode = #tpu.pipeline_mode<synchronous>, transform_indices = @transform_10, window_bounds = array<i64: 1, 8>}]} {
    %get3A = arith.constant 0 : index
    %get3A_0 = arith.constant 0 : index
    %get3A_1 = arith.constant 0 : index
    %get3A_2 = vector.load %arg1[%get3A, %get3A_0, %get3A_1] : memref<2x1000x144xf32, #tpu.memory_space<vmem>>, vector<1x1000x144xf32>
    %get3A_3 = vector.shape_cast %get3A_2 : vector<1x1000x144xf32> to vector<1000x144xf32>
    %get3A_4 = arith.constant 1 : index
    %get3A_5 = arith.constant 0 : index
    %get3A_6 = arith.constant 0 : index
    %get3A_7 = vector.load %arg1[%get3A_4, %get3A_5, %get3A_6] : memref<2x1000x144xf32, #tpu.memory_space<vmem>>, vector<1x1000x144xf32>
    %get3A_8 = vector.shape_cast %get3A_7 : vector<1x1000x144xf32> to vector<1000x144xf32>
    %add3A = arith.addf %get3A_3, %get3A_8 : vector<1000x144xf32>
    %mul3A = arith.mulf %add3A, %add3A : vector<1000x144xf32>
    %get3A_9 = arith.constant 0 : index
    %get3A_10 = arith.constant 0 : index
    %get3A_11 = vector.load %arg4[%get3A_9, %get3A_10] : memref<144x144xf32, #tpu.memory_space<vmem>>, vector<144x144xf32>
    %dot_general3A = arith.constant dense<0.000000e+00> : vector<1000x144xf32>
    %dot_general3A_12 = tpu.matmul %mul3A, %get3A_11, %dot_general3A {dimension_numbers = #tpu.dot_dimension_numbers<[1], [0], [0], [1], [0, 0, 1, 1], [], []>, precision = #tpu.contract_precision<fp32>, transpose_lhs_hint = false} : vector<1000x144xf32>, vector<144x144xf32>, vector<1000x144xf32> -> vector<1000x144xf32>
    %get3A_13 = arith.constant 0 : index
    %get3A_14 = arith.constant 0 : index
    %get3A_15 = vector.load %arg5[%get3A_13, %get3A_14] : memref<144x144xf32, #tpu.memory_space<vmem>>, vector<144x144xf32>
    %dot_general3A_16 = arith.constant dense<0.000000e+00> : vector<1000x144xf32>
    %dot_general3A_17 = tpu.matmul %add3A, %get3A_15, %dot_general3A_16 {dimension_numbers = #tpu.dot_dimension_numbers<[1], [0], [0], [1], [0, 0, 1, 1], [], []>, precision = #tpu.contract_precision<fp32>, transpose_lhs_hint = false} : vector<1000x144xf32>, vector<144x144xf32>, vector<1000x144xf32> -> vector<1000x144xf32>
    %get3A_18 = arith.constant 0 : index
    %get3A_19 = arith.constant 0 : index
    %get3A_20 = vector.load %arg2[%get3A_18, %get3A_19] : memref<1000x144xf32, #tpu.memory_space<vmem>>, vector<1000x144xf32>
    %slice3A = vector.extract_strided_slice %get3A_20 {offsets = [0, 0], sizes = [1000, 16], strides = [1, 1]} : vector<1000x144xf32> to vector<1000x16xf32>
    %get3A_21 = arith.constant 0 : index
    %get3A_22 = arith.constant 0 : index
    %get3A_23 = vector.load %arg3[%get3A_21, %get3A_22] : memref<1000x16xf32, #tpu.memory_space<vmem>>, vector<1000x16xf32>
    %mul3A_24 = arith.mulf %slice3A, %get3A_23 : vector<1000x16xf32>
    %get3A_25 = arith.constant 0 : index
    %get3A_26 = arith.constant 0 : index
    %get3A_27 = vector.load %arg6[%get3A_25, %get3A_26] : memref<16x144xf32, #tpu.memory_space<vmem>>, vector<16x144xf32>
    %dot_general3A_28 = arith.constant dense<0.000000e+00> : vector<1000x144xf32>
    %dot_general3A_29 = tpu.matmul %mul3A_24, %get3A_27, %dot_general3A_28 {dimension_numbers = #tpu.dot_dimension_numbers<[1], [0], [0], [1], [0, 0, 1, 1], [], []>, precision = #tpu.contract_precision<fp32>, transpose_lhs_hint = false} : vector<1000x16xf32>, vector<16x144xf32>, vector<1000x144xf32> -> vector<1000x144xf32>
    %get3A_30 = arith.constant 0 : index
    %get3A_31 = arith.constant 0 : index
    %get3A_32 = vector.load %arg8[%get3A_30, %get3A_31] : memref<1x144xf32, #tpu.memory_space<vmem>>, vector<1x144xf32>
    %mul3A_33 = vector.broadcast %get3A_32 : vector<1x144xf32> to vector<1000x144xf32>
    %mul3A_34 = arith.mulf %mul3A_33, %add3A : vector<1000x144xf32>
    %get3A_35 = arith.constant 0 : index
    %get3A_36 = arith.constant 0 : index
    %get3A_37 = vector.load %arg9[%get3A_35, %get3A_36] : memref<1x144xf32, #tpu.memory_space<vmem>>, vector<1x144xf32>
    %mul3A_38 = vector.broadcast %get3A_37 : vector<1x144xf32> to vector<1000x144xf32>
    %mul3A_39 = arith.mulf %mul3A_38, %add3A : vector<1000x144xf32>
    %mul3A_40 = arith.mulf %mul3A_39, %dot_general3A_17 : vector<1000x144xf32>
    %add3A_41 = arith.addf %mul3A_34, %mul3A_40 : vector<1000x144xf32>
    %get3A_42 = arith.constant 0 : index
    %get3A_43 = arith.constant 0 : index
    %get3A_44 = vector.load %arg10[%get3A_42, %get3A_43] : memref<1x144xf32, #tpu.memory_space<vmem>>, vector<1x144xf32>
    %mul3A_45 = vector.broadcast %get3A_44 : vector<1x144xf32> to vector<1000x144xf32>
    %mul3A_46 = arith.mulf %mul3A_45, %add3A : vector<1000x144xf32>
    %mul3A_47 = arith.mulf %mul3A_46, %dot_general3A_12 : vector<1000x144xf32>
    %add3A_48 = arith.addf %add3A_41, %mul3A_47 : vector<1000x144xf32>
    %add3A_49 = arith.addf %add3A_48, %dot_general3A_29 : vector<1000x144xf32>
    %convert_element_type3A = arith.truncf %add3A_49 : vector<1000x144xf32> to vector<1000x144xbf16>
    %convert_element_type3A_50 = arith.extf %convert_element_type3A : vector<1000x144xbf16> to vector<1000x144xf32>
    %get3A_51 = arith.constant 0 : index
    %get3A_52 = arith.constant 0 : index
    %get3A_53 = vector.load %arg7[%get3A_51, %get3A_52] : memref<144x8xf32, #tpu.memory_space<vmem>>, vector<144x8xf32>
    %dot_general3A_54 = arith.constant dense<0.000000e+00> : vector<1000x8xf32>
    %dot_general3A_55 = tpu.matmul %convert_element_type3A_50, %get3A_53, %dot_general3A_54 {dimension_numbers = #tpu.dot_dimension_numbers<[1], [0], [0], [1], [0, 0, 1, 1], [], []>, precision = #tpu.contract_precision<fp32>, transpose_lhs_hint = false} : vector<1000x144xf32>, vector<144x8xf32>, vector<1000x8xf32> -> vector<1000x8xf32>
    %reduce_sum3A = arith.constant dense<0.000000e+00> : vector<8xf32>
    %reduce_sum3A_56 = vector.multi_reduction <add>, %dot_general3A_55, %reduce_sum3A [0] : vector<1000x8xf32> to vector<8xf32>
    %broadcast_in_dim3A = vector.shape_cast %reduce_sum3A_56 : vector<8xf32> to vector<1x8xf32>
    %eq3A = arith.constant 0 : i32
    %eq3A_57 = arith.cmpi eq, %arg0, %eq3A : i32
    %convert_element_type3A_58 = arith.extui %eq3A_57 : i1 to i32
    %cond3A = arith.constant 0 : i32
    %cond3A_59 = arith.cmpi ne, %convert_element_type3A_58, %cond3A : i32
    scf.if %cond3A_59 {
      %broadcast_in_dim3A_66 = arith.constant 0.000000e+00 : f32
      %broadcast_in_dim3A_67 = vector.broadcast %broadcast_in_dim3A_66 : f32 to vector<1x8xf32>
      %swap3A_68 = arith.constant 0 : index
      %swap3A_69 = arith.constant 0 : index
      %swap3A_70 = vector.load %arg11[%swap3A_68, %swap3A_69] : memref<1x8xf32, #tpu.memory_space<vmem>>, vector<1x8xf32>
      tpu.vector_store %arg11[%swap3A_68, %swap3A_69], %broadcast_in_dim3A_67 {strides = array<i32>} : memref<1x8xf32, #tpu.memory_space<vmem>>, vector<1x8xf32>,
    } else {
    }
    %get3A_60 = arith.constant 0 : index
    %get3A_61 = arith.constant 0 : index
    %get3A_62 = vector.load %arg11[%get3A_60, %get3A_61] : memref<1x8xf32, #tpu.memory_space<vmem>>, vector<1x8xf32>
    %add3A_63 = arith.addf %get3A_62, %broadcast_in_dim3A : vector<1x8xf32>
    %swap3A = arith.constant 0 : index
    %swap3A_64 = arith.constant 0 : index
    %swap3A_65 = vector.load %arg11[%swap3A, %swap3A_64] : memref<1x8xf32, #tpu.memory_space<vmem>>, vector<1x8xf32>
    tpu.vector_store %arg11[%swap3A, %swap3A_64], %add3A_63 {strides = array<i32>} : memref<1x8xf32, #tpu.memory_space<vmem>>, vector<1x8xf32>,
    return
  }
  func.func @transform_0(%arg0: i32) -> (i32, i32, i32) {
    %c0_i32 = arith.constant 0 : i32
    %c0_i32_0 = arith.constant 0 : i32
    %c0_i32_1 = arith.constant 0 : i32
    return %c0_i32, %arg0, %c0_i32_0 : i32, i32, i32
  }
  func.func @transform_1(%arg0: i32) -> (i32, i32) {
    %c0_i32 = arith.constant 0 : i32
    %c0_i32_0 = arith.constant 0 : i32
    return %arg0, %c0_i32 : i32, i32
  }
  func.func @transform_2(%arg0: i32) -> (i32, i32) {
    %c0_i32 = arith.constant 0 : i32
    %c0_i32_0 = arith.constant 0 : i32
    return %arg0, %c0_i32 : i32, i32
  }
  func.func @transform_3(%arg0: i32) -> (i32, i32) {
    %c0_i32 = arith.constant 0 : i32
    %c0_i32_0 = arith.constant 0 : i32
    %c0_i32_1 = arith.constant 0 : i32
    return %c0_i32, %c0_i32_0 : i32, i32
  }
  func.func @transform_4(%arg0: i32) -> (i32, i32) {
    %c0_i32 = arith.constant 0 : i32
    %c0_i32_0 = arith.constant 0 : i32
    %c0_i32_1 = arith.constant 0 : i32
    return %c0_i32, %c0_i32_0 : i32, i32
  }
  func.func @transform_5(%arg0: i32) -> (i32, i32) {
    %c0_i32 = arith.constant 0 : i32
    %c0_i32_0 = arith.constant 0 : i32
    %c0_i32_1 = arith.constant 0 : i32
    return %c0_i32, %c0_i32_0 : i32, i32
  }
  func.func @transform_6(%arg0: i32) -> (i32, i32) {
    %c0_i32 = arith.constant 0 : i32
    %c0_i32_0 = arith.constant 0 : i32
    %c0_i32_1 = arith.constant 0 : i32
    return %c0_i32, %c0_i32_0 : i32, i32
  }
  func.func @transform_7(%arg0: i32) -> (i32, i32) {
    %c0_i32 = arith.constant 0 : i32
    %c0_i32_0 = arith.constant 0 : i32
    %c0_i32_1 = arith.constant 0 : i32
    return %c0_i32, %c0_i32_0 : i32, i32
  }
  func.func @transform_8(%arg0: i32) -> (i32, i32) {
    %c0_i32 = arith.constant 0 : i32
    %c0_i32_0 = arith.constant 0 : i32
    %c0_i32_1 = arith.constant 0 : i32
    return %c0_i32, %c0_i32_0 : i32, i32
  }
  func.func @transform_9(%arg0: i32) -> (i32, i32) {
    %c0_i32 = arith.constant 0 : i32
    %c0_i32_0 = arith.constant 0 : i32
    %c0_i32_1 = arith.constant 0 : i32
    return %c0_i32, %c0_i32_0 : i32, i32
  }
  func.func @transform_10(%arg0: i32) -> (i32, i32) {
    %c0_i32 = arith.constant 0 : i32
    %c0_i32_0 = arith.constant 0 : i32
    %c0_i32_1 = arith.constant 0 : i32
    return %c0_i32, %c0_i32_0 : i32, i32
  }
}

</mosaic_0001>

<sc_bundles>
// kernel: sc_layer0.3.cloned.1.call-start
scs
__scs_entry_jumppad:
0x0: {  	(pc) =	sbr.rel $0x88, $3  }
0x1: {  	(tag) =	ssettag $0x0;
	lr =	simm.s32 $0x1  }
0x2: {  	[smem:$0x3F97] =	sst lr;
	_ =	strace $0xD0000000  }
0x3: {  	_ = 	snop  }
0x4: {  	_ = 	snop  }
0x5: {  	_ = 	snop  }
0x6: {  	_ = 	snop  }
0x7: {  	_ = 	snop  }
__scs_overlays_trampoline_lowered:
0x8: {  	[smem:$0x3FA6] =	sst s0  }
0x9: {  	[smem:$0x3FA7] =	sst s1  }
0xa: {  	[smem:$0x3FA8] =	sst s2  }
0xb: {  	[smem:$0x3FA9] =	sst s3  }
0xc: {  	[smem:$0x3FAA] =	sst s4  }
0xd: {  	[smem:$0x3FAB] =	sst s5  }
0xe: {  	[smem:$0x3FAC] =	sst s6  }
0xf: {  	[smem:$0x3FAD] =	sst s7  }
0x10: {  	[smem:$0x3FAE] =	sst s8  }
0x11: {  	[smem:$0x3FAF] =	sst s9;
	s0 =	simm.s32 @!p0 $0x0  }
0x12: {  	s1 =	sld [smem:$0x3F95];
	s0 =	simm.s32 @p0 $0x1  }
0x13: {  	[smem:$0x3FB0] =	sst s0;
	s0 =	simm.s32 @!p1 $0x0  }
0x14: {  	s2 =	sld [smem:$0x3F94];
	s0 =	simm.s32 @p1 $0x1  }
0x15: {  	[smem:$0x3FB1] =	sst s0;
	s0 =	simm.s32 @!p2 $0x0  }
0x16: {  	s3 =	sld [smem:$0x3FDB];
	s0 =	simm.s32 @p2 $0x1  }
0x17: {  	s4 =	simm.s32 $0x1BF5;
	[smem:$0x3FB3] =	sst s0  }
0x18: {  	s0 =	sld [smem:$0x3F96];
	_ =	swait.ge [sflag:s4], $0x0  }
0x19: {  	s7 =	sld [smem:$0x3F97]  }
0x1a: {  	s8 =	sadd.s32 $0xFFFFE003, lr  }
0x1b: {  	s9 =	sadd.s32 $0xFFFFFEF7, lr;
	s5 =	simm.s32 $0xFFFFFFFF;
	p2 =	slt.u32 s8, $0xFFFFF086  }
0x1c: {  	p1 =	slt.u32 s9, $0xF7A;
	s5 =	simm.s32 @!p2 $0x0  }
0x1d: {  	s5 =	simm.s32 @p1 $0x1;
	p0 =	seq.s32 s7, s2  }
0x1e: {  	s7 =	smul.u32 @!p0 $0xF7A, s2;
	p2 =	seq.s32 @!p0 s5, $0x0  }
0x1f: {  	s9 =	smul.u32 $0xF7A, s1;
	s8 =	simm.s32 @!p0 $0x1BF5;
	p2 =	por !p2, p0  }
0x20: {  	[sflag:s8] =	ssyncset.s32 @!p0 $0xFFFFF086;
	s6 =	sadd.s32 @!p0 s3, s7;
	s7 =	simm.s32 @!p0 $0x108  }
0x21: {  	s3 =	sadd.s32 s3, s9;
	s6 =	sadd.s32 @!p0 $0x88, s6;
	s7 =	simm.s32 @p2 $0x1082  }
0x22: {  	[simem:s7], [sflag:s8] =	dma.local @!p0 [hbm:s6], $0xF7A  }
0x23: {  	s9 =	sor.u32 $0xD0000000, s2;
	s6 =	simm.s32 $0x108;
	_ =	swait.ge @!p0 [sflag:s8], $0x0  }
0x24: {  	s3 =	sadd.s32 $0x88, s3;
	s6 =	simm.s32 @!p1 $0x1082;
	[sflag:s4] =	ssyncset.s32 $0xFFFFF086  }
0x25: {  	[simem:s6], [sflag:s4] =	dma.local [hbm:s3], $0xF7A  }
0x26: {  	[smem:$0x3F97] =	sst s1;
	(tag) =	ssettag s2;
	_ =	strace s9  }
0x27: {  	s1 =	sld [smem:$0x3FA7]  }
0x28: {  	s2 =	sld [smem:$0x3FA8]  }
0x29: {  	s4 =	sld [smem:$0x3FAA]  }
0x2a: {  	p0 =	seq.s32 s5, $0x0;
	s5 =	sld [smem:$0x3FAB]  }
0x2b: {  	s6 =	sld [smem:$0x3FAC]  }
0x2c: {  	s7 =	sld [smem:$0x3FAD]  }
0x2d: {  	s3 =	simm.s32 $0x108;
	s8 =	sld [smem:$0x3FAE]  }
0x2e: {  	s3 =	simm.s32 @!p0 $0x1082;
	s9 =	sld [smem:$0x3FAF]  }
0x2f: {  	lr =	sadd.s32 s0, s3;
	s0 =	sld [smem:$0x3FA6]  }
0x30: {  	s3 =	sld [smem:$0x3FA9]  }
0x31: {  	[smem:$0x3FB2] =	sst s10  }
0x32: {  	s10 =	sld [smem:$0x3FB0];
	_ =	sdelay $0x3  }
0x33: {  	p0 =	seq.s32 s10, $0x1;
	s10 =	sld [smem:$0x3FB2];
	_ =	sdelay $0x3  }
0x34: {  	[smem:$0x3FB2] =	sst s10  }
0x35: {  	s10 =	sld [smem:$0x3FB1];
	_ =	sdelay $0x3  }
0x36: {  	p1 =	seq.s32 s10, $0x1;
	s10 =	sld [smem:$0x3FB2];
	_ =	sdelay $0x3  }
0x37: {  	[smem:$0x3FB2] =	sst s10  }
0x38: {  	s10 =	sld [smem:$0x3FB3]  }
0x39: {  	_ = 	snop;
	(pc) =	sbr.ind lr, $3  }
0x3a: {  	_ = 	snop  }
0x3b: {  	_ = 	snop  }
0x3c: {  	p2 =	seq.s32 s10, $0x1;
	s10 =	sld [smem:$0x3FB2]  }
0x3d: {  	_ =	shalt  }
0x3e: {  	_ =	shalt  }
0x3f: {  	_ =	shalt  }
0x40: {  	_ =	shalt  }
0x41: {  	_ =	shalt  }
0x42: {  	_ =	shalt  }
0x43: {  	_ =	shalt  }
0x44: {  	_ =	shalt  }
0x45: {  	_ =	shalt  }
0x46: {  	_ =	shalt  }
0x47: {  	_ =	shalt  }
0x48: {  	_ =	shalt  }
0x49: {  	_ =	shalt  }
0x4a: {  	_ =	shalt  }
0x4b: {  	_ =	shalt  }
0x4c: {  	_ =	shalt  }
0x4d: {  	_ =	shalt  }
0x4e: {  	_ =	shalt  }
0x4f: {  	_ =	shalt  }
0x50: {  	_ =	shalt  }
0x51: {  	_ =	shalt  }
0x52: {  	_ =	shalt  }
0x53: {  	_ =	shalt  }
0x54: {  	_ =	shalt  }
0x55: {  	_ =	shalt  }
0x56: {  	_ =	shalt  }
0x57: {  	_ =	shalt  }
0x58: {  	_ =	shalt  }
0x59: {  	_ =	shalt  }
0x5a: {  	_ =	shalt  }
0x5b: {  	_ =	shalt  }
0x5c: {  	_ =	shalt  }
0x5d: {  	_ =	shalt  }
0x5e: {  	_ =	shalt  }
0x5f: {  	_ =	shalt  }
0x60: {  	_ =	shalt  }
0x61: {  	_ =	shalt  }
0x62: {  	_ =	shalt  }
0x63: {  	_ =	shalt  }
0x64: {  	_ =	shalt  }
0x65: {  	_ =	shalt  }
0x66: {  	_ =	shalt  }
0x67: {  	_ =	shalt  }
0x68: {  	_ =	shalt  }
0x69: {  	_ =	shalt  }
0x6a: {  	_ =	shalt  }
0x6b: {  	_ =	shalt  }
0x6c: {  	_ =	shalt  }
0x6d: {  	_ =	shalt  }
0x6e: {  	_ =	shalt  }
0x6f: {  	_ =	shalt  }
0x70: {  	_ =	shalt  }
0x71: {  	_ =	shalt  }
0x72: {  	_ =	shalt  }
0x73: {  	_ =	shalt  }
0x74: {  	_ =	shalt  }
0x75: {  	_ =	shalt  }
0x76: {  	_ =	shalt  }
0x77: {  	_ =	shalt  }
0x78: {  	_ =	shalt  }
0x79: {  	_ =	shalt  }
0x7a: {  	_ =	shalt  }
0x7b: {  	_ =	shalt  }
0x7c: {  	_ =	shalt  }
0x7d: {  	_ =	shalt  }
0x7e: {  	_ =	shalt  }
0x7f: {  	_ =	shalt  }
0x80: {  	_ =	shalt  }
0x81: {  	_ =	shalt  }
0x82: {  	_ =	shalt  }
0x83: {  	_ =	shalt  }
0x84: {  	_ =	shalt  }
0x85: {  	_ =	shalt  }
0x86: {  	_ =	shalt  }
0x87: {  	_ =	shalt  }
.Lfunc_end0:
.L_simem_size_0:
called_computation_lowered:
.L_overlay_start_0:
0x88: {  	s2 =	sld [smem:$0x3FD9]  }
0x89: {  	s3 =	sld [smem:$0x3FFE];
	_ =	sdelay $0x1  }
0x8a: {  	s1 =	srdreg.scid  }
0x8b: {  	s0 =	sand.u32 $0x1, s1  }
0x8c: {  	s16 =	sshll.u32 s0, $0xA;
	s2 =	sadd.s32 s3, s2  }
0x8d: {  	s2 =	sadd.s32 s2, s16  }
0x8e: {  	[smem:$0x3FBE] =	sst s2  }
0x8f: {  	_ = 	snop  }
0x90: {  	(tm) =	ssettm $0x1  }
0x91: {  	s17 =	sld [smem:$0x3FFB];
	_ =	sdelay $0x3  }
0x92: {  	_ =	strace s17  }
0x93: {  	s2 =	sld [smem:$0x3FFC];
	_ =	sdelay $0x3  }
0x94: {  	_ =	strace s2  }
0x95: {  	s2 =	sld [smem:$0x3FFD];
	_ =	sdelay $0x3  }
0x96: {  	_ =	strace s2  }
0x97: {  	_ =	strace $0x8FFFFFFF  }
0x98: {  	s18 =	sld [smem:$0x3FDB];
	_ =	sdelay $0x1  }
0x99: {  	s19 =	simm.s32 $_scs_section_size  }
0x9a: {  	s4 =	simm.s32 $_size__tile_overlayer_lowered;
	s5 =	simm.s32 $_tile_overlayer_lowered  }
0x9b: {  	s22 =	simm.s32 $0x1BFF;
	s21 =	sshll.u32 s5, $0x1;
	s2 =	sadd.s32 s19, s18  }
0x9c: {  	s6 =	simm.s32 $0x0;
	s20 =	sshll.u32 s4, $0x1;
	s4 =	sadd.s32 s21, s2  }
0x9d: {  	[timem:s6], [sflag:s22] =	dma.local [hbm:s4], s20  }
0x9e: {  	_ =	swait.ge [sflag:s22], s20  }
0x9f: {  	s3 =	ssub.s32 $0x0, s20;
	[sflag:s22] =	ssyncset.done $0x0  }
0xa0: {  	[sflag:s22] =	ssyncadd.s32 s3;
	_ =	sdelay $0x1  }
0xa1: {  	s23 =	simm.s32 $0x1B8B  }
0xa2: {  	_ =	swait.ge [sflag:s23], $0x1  }
0xa3: {  	[sflag:s23] =	ssyncset.done $0x0  }
0xa4: {  	s25 =	simm.s32 $0x1B8E;
	s24 =	sld [smem:$0x3FFE];
	[sflag:s23] =	ssyncadd.s32 $0xFFFFFFFF  }
0xa5: {  	s26 =	simm.s32 $execute0_lowered;
	[smem:$0x3FD2] =	sst s25  }
0xa6: {  	s4 =	sshll.u32 s26, $0x1;
	_ =	strace $0x80000046;
	[dreg:$0x1] =	wrdreg $0xFFFFFFFF  }
0xa7: {  	s28 =	simm.s32 $_size_execute0_lowered;
	s2 =	sadd.s32 s2, s4;
	[dreg:$0x0] =	wrdreg $0x0  }
0xa8: {  	s4 =	sshll.u32 s28, $0x1;
	[dreg:$0x2] =	wrdreg s2  }
0xa9: {  	[dreg:$0x3] =	wrdreg s4  }
0xaa: {  	[dreg:$0x4] =	wrdreg $0xC0  }
0xab: {  	_ =	task [dreg:s6], $0x5FFFF  }
0xac: {  	[dreg:$0x1] =	wrdreg $0xFFFFFFFF  }
0xad: {  	[dreg:$0x0] =	wrdreg $0x60  }
0xae: {  	[dreg:$0x2] =	wrdreg s24  }
0xaf: {  	[dreg:$0x3] =	wrdreg $0x50000  }
0xb0: {  	[dreg:$0x4] =	wrdreg $0x9  }
0xb1: {  	_ =	task.clear_ibuf [dreg:s6], $0x5FFFF;
	_ =	strace $0x90000046  }
0xb2: {  	s29 =	simm.s32 $0x9;
	_ =	strace $0x80000048  }
0xb3: {  	_ =	swait.ge [sflag:s29], $0x1  }
0xb4: {  	[sflag:s29] =	ssyncadd.s32 $0xFFFFFFFF  }
0xb5: {  	_ =	strace $0x90000048  }
0xb6: {  	_ =	sfence  }
0xb7: {  	s30 =	sld [smem:$0x0];
	_ =	sdelay $0x2  }
0xb8: {  	s31 =	sshll.u32 s1, $0xD;
	s1 =	sshrl.u32 s1, $0x2  }
0xb9: {  	s3 =	sand.u32 $0x4000, s31;
	s1 =	sadd.s32 s1, s30  }
0xba: {  	s0 =	sor.u32 s3, s0;
	s1 =	sshll.u32 s1, $0x11  }
0xbb: {  	s0 =	sor.u32 s1, s0  }
0xbc: {  	s0 =	sadd.s32 $0x8F2B, s0  }
0xbd: {  	[sflag:s0] =	ssyncadd.remote.s32 $0x1  }
0xbe: {  	_ =	sfence.sel $0xFFFF  }
0xbf: {  	[dreg:$0x0] =	wrdreg $0xFFFFFFFF;
	(pc) =	sbr.abs _section_cstart, $3  }
0xc0: {  	[dreg:$0x1] =	wrdreg $0xFFFFFFFF  }
0xc1: {  	_ =	task.clear_ibuf [dreg:s6], $0x2FFFF;
	_ =	strace $0x9FFFFFFF  }
0xc2: {  	(tm) =	ssettm $0x7FFFFFFF  }
0xc3: {  	_ =	shalt  }
tec
execute0_lowered:
.L_overlay_start_1:
0x0: {  	(tag) =	ssettag $0x1  }
0x1: {  	s0 =	rddreg [dreg:$0x0]  }
0x2: {  	s1 =	rddreg [dreg:$0x1];
	s2 =	simm.s32 $0x0;
	s12 =	stileid.u32  }
0x3: {  	s22 =	srdreg.scid;
	s21 =	simm.s32 $0x4;
	s28 =	simm.s32 $0xF00  }
0x4: {  	s30 =	simm.s32 $0xA00;
	s31 =	simm.s32 $0x1900;
	s29 =	simm.s32 $0x0  }
0x5: {  	[smem:$0x7FF] =	sst s2;
	s4 =	sadd.s32 $0x79C00, s0;
	s3 =	smul.u32 $0x15F90, s12  }
0x6: {  	s2 =	sand.u32 $0x1, s22;
	s5 =	sadd.s32 $0x56FC00, s0;
	s6 =	sadd.s32 $0x7EC00, s0  }
0x7: {  	s9 =	sshll.u32 s12, $0x1;
	s25 =	sshll.u32 s12, $0x6;
	s22 =	simm.s32 $0x2300  }
0x8: {  	_ =	strace $0x80000047;
	s7 =	smul.u32 $0x15F900, s2;
	s9 =	sor.u32 s2, s9  }
0x9: {  	s2 =	ssub.s32 $0x2, s2;
	s8 =	sshrl.u32 s3, $0x3;
	s10 =	smul.u32 $0x1400, s9  }
0xa: {  	s23 =	sshrl.u32 s2, $0x1;
	s11 =	smul.u32 $0x500, s9;
	s24 =	sshll.u32 s9, $0x7  }
0xb: {  	s9 =	smul.u32 $0x14000, s9;
	s8 =	sadd.s32 s8, s0;
	s7 =	sadd.s32 s3, s7  }
0xc: {  	s2 =	ssub.s32 s2, s23;
	s3 =	sadd.s32 s3, s1;
	s17 =	sor.u32 $0x10, s24  }
0xd: {  	s23 =	simm.s32 $0x50;
	s24 =	simm.s32 $0x500;
	s8 =	sadd.s32 $0x88C00, s8  }
0xe: {  	s7 =	sshrl.u32 s7, $0x3;
	s11 =	sadd.s32 s6, s11;
	[dreg:$0x3] =	wrdreg s8  }
0xf: {  	s9 =	sadd.s32 s5, s9;
	s13 =	sor.u32 $0xA0, s10;
	[dreg:$0x5] =	wrdreg s11  }
0x10: {  	s14 =	sor.u32 $0xF0, s10;
	s26 =	smax.u32 s2, $0x1;
	[dreg:$0x6] =	wrdreg s9  }
0x11: {  	s15 =	sor.u32 $0x140, s10;
	s11 =	sadd.s32 $0x50, s11;
	[dreg:$0xa] =	wrdreg s26  }
0x12: {  	s16 =	sor.u32 $0x190, s10;
	s9 =	sadd.s32 $0x500, s9;
	[dreg:$0x7] =	wrdreg s11  }
0x13: {  	s2 =	simm.s32 $0x3;
	s8 =	sor.u32 $0x1C04, s25;
	[dreg:$0x8] =	wrdreg s9  }
0x14: {  	s0 =	sadd.s32 s7, s0;
	s7 =	sshrl.u32 s3, $0x3;
	[dreg:$0x4] =	wrdreg s8  }
0x15: {  	s25 =	simm.s32 $0x20;
	s0 =	sadd.s32 $0xB4C00, s0;
	[dreg:$0xb] =	wrdreg s7  }
0x16: {  	s26 =	simm.s32 $0x80;
	[dreg:$0x9] =	wrdreg s0;
	s0 =	simm.s32 $0x2  }
.LBB2_1:
0x17: {  	s3 =	rddreg [dreg:$0x3]  }
0x18: {  	[spmem:s7], [sflag:s8] =	dma.local [hbm:s3], $0x2BF2  }
0x19: {  	_ =	swait.ge [sflag:s21], $0x2BF2  }
0x1a: {  	[sflag:s21] =	ssyncset.done $0x0  }
0x1b: {  	[sflag:s21] =	ssyncadd.s32 $0xFFFFD40E  }
0x1c: {  	[bflag:$0x0] =	sbarrier.arrive $0xFFFF  }
0x1d: {  	s9 =	simm.s32 $0x0;
	s10 =	rddreg [dreg:$0x5]  }
0x1e: {  	[tilespmem:s9], [sflag:$0x4] =	stream.linear.gather [hbm4b:s10+s9], $0x280, $0x38;
	[tilespmem:$0x1AF90] =	vst v63  }
0x1f: {  	_ =	swait.ge [sflag:s21], $0x280  }
0x20: {  	[sflag:s21] =	ssyncset.done $0x0  }
0x21: {  	s12 =	simm.s32 $0x280;
	s11 =	rddreg [dreg:$0x7];
	[sflag:s21] =	ssyncadd.s32 $0xFFFFFD80  }
0x22: {  	[tilespmem:s12], [sflag:$0x1] =	stream.linear.gather [hbm4b:s11+s9], $0x280, $0x38;
	[tilespmem:$0x1AF90] =	vst v63  }
0x23: {  	_ = 	snop  }
0x24: {  	[tilespmem:s24], [sflag:$0x2] =	stream.indirect.gather [hbm4b:s4+s23], $0x10, s9, s23, $0xb8;
	[tilespmem:$0x1AF90] =	vst v63  }
0x25: {  	s18 =	rddreg [dreg:$0x6]  }
0x26: {  	[tilespmem:s28], [sflag:$0x3] =	stream.strided.gather [hbm4b:s18+s25], $0xA00, s26, s25, $0x38;
	[tilespmem:$0x1AF90] =	vst v63  }
0x27: {  	s19 =	simm.s32 $0xA0  }
0x28: {  	[tilespmem:s30], [sflag:$0x2] =	stream.indirect.gather [hbm4b:s4+s23], $0x10, s19, s23, $0xb8;
	[tilespmem:$0x1AF90] =	vst v63  }
0x29: {  	s7 =	simm.s32 $0x0;
	s20 =	rddreg [dreg:$0x8]  }
0x2a: {  	[tilespmem:s31], [sflag:$0x3] =	stream.strided.gather [hbm4b:s20+s25], $0xA00, s26, s25, $0x38;
	[tilespmem:$0x1AF90] =	vst v63  }
.LBB2_2:
0x2b: {  	p0 =	seq.s32 s7, $0x0  }
0x2c: {  	s3 =	simm.s32 @!p0 $0x1  }
0x2d: {  	_ =	swait.ge @!p0 [sflag:s3], $0x280  }
0x2e: {  	[sflag:s3] =	ssyncset.done @!p0 $0x0  }
0x2f: {  	[sflag:s3] =	ssyncadd.s32 @!p0 $0xFFFFFD80  }
0x30: {  	_ =	swait.ge [sflag:s0], $0x500  }
0x31: {  	[sflag:s0] =	ssyncset.done $0x0  }
0x32: {  	[sflag:s0] =	ssyncadd.s32 $0xFFFFFB00  }
0x33: {  	_ =	swait.ge [sflag:s2], $0xA00  }
0x34: {  	[sflag:s2] =	ssyncset.done $0x0  }
0x35: {  	s9 =	simm.s32 $0xF10;
	[sflag:s2] =	ssyncadd.s32 $0xFFFFF600  }
0x36: {  	v0 =	vld [tilespmem:s9+$0x0]  }
0x37: {  	s20 =	simm.s32 $0x0;
	v2 =	vld [tilespmem:s9+$0xFFFFFFF0]  }
0x38: {  	v6 =	vld [tilespmem:s20+$0x500];
	_ =	sdelay $0x2  }
0x39: {  	v4 =	vbroadcast v0, $0x5;
	v3 =	vbroadcast v0, $0x6  }
0x3a: {  	s11 =	sadd.s32 $0x1, s7;
	s10 =	simm.s32 $0x2340;
	v5 =	vbroadcast v0, $0x3;
	v1 =	vbroadcast v0, $0x7  }
0x3b: {  	s18 =	simm.s32 $0x2340;
	s19 =	sand.u32 $0x1, s11;
	s3 =	simm.s32 $0x40;
	v2 =	vmul.f32 v6, v2;
	v6 =	vbroadcast v0, $0x0  }
.LBB2_3:
0x3c: {  	p0 =	sne.s32 s3, $0x13C0;
	v7 =	vbroadcast v0, $0x4;
	v8 =	vbroadcast v0, $0x8;
	s10 =	sadd.s32 $0x90, s10;
	s9 =	sadd.s32 $0x20, s9  }
0x3d: {  	s8 =	smov.u32 s3;
	s3 =	sadd.s32 $0x40, s3;
	v6 =	vmul.f32 v6, v2;
	v5 =	vmul.f32 v5, v2  }
0x3e: {  	v9 =	vbroadcast v0, $0x2;
	v7 =	vmul.f32 v7, v2  }
0x3f: {  	v4 =	vmul.f32 v4, v2;
	v3 =	vmul.f32 v3, v2;
	[tilespmem:s18+$0xFFFFFFC0] =	vst v6  }
0x40: {  	v6 =	vmul.f32 v9, v2;
	[tilespmem:s18+$0x0] =	vst v7;
	v7 =	vmul.f32 v8, v2  }
0x41: {  	v0 =	vbroadcast v0, $0x1;
	[tilespmem:s18+$0xFFFFFFF0] =	vst v5  }
0x42: {  	[tilespmem:s18+$0xFFFFFFE0] =	vst v6  }
0x43: {  	v1 =	vmul.f32 v1, v2;
	v0 =	vmul.f32 v0, v2;
	[tilespmem:s18+$0x40] =	vst v7  }
0x44: {  	[tilespmem:s18+$0x10] =	vst v4  }
0x45: {  	[tilespmem:s18+$0x20] =	vst v3  }
0x46: {  	s8 =	sshra.s32 s8, $0x2;
	[tilespmem:s18+$0xFFFFFFD0] =	vst v0  }
0x47: {  	[tilespmem:s18+$0x30] =	vst v1;
	s18 =	smov.u32 s10  }
0x48: {  	v0 =	vld [tilespmem:s9+$0x0]  }
0x49: {  	v2 =	vld [tilespmem:s9+$0xFFFFFFF0]  }
0x4a: {  	v6 =	vld [tilespmem:s8+$0x500]  }
.Ltmp0:
0x4b: {  	(pc) =	sbr.rel @p0 .LBB2_3-.Ltmp0, $4  }
0x4c: {  	_ = 	snop  }
0x4d: {  	v4 =	vbroadcast v0, $0x5;
	v3 =	vbroadcast v0, $0x6  }
0x4e: {  	v5 =	vbroadcast v0, $0x3;
	v1 =	vbroadcast v0, $0x7  }
0x4f: {  	v2 =	vmul.f32 v6, v2;
	v6 =	vbroadcast v0, $0x0  }
0x50: {  	_ = 	snop  }
0x51: {  	v6 =	vmul.f32 v6, v2  }
0x52: {  	v7 =	vbroadcast v0, $0x4;
	v5 =	vmul.f32 v5, v2  }
0x53: {  	v8 =	vbroadcast v0, $0x2;
	v4 =	vmul.f32 v4, v2;
	[tilespmem:s18+$0xFFFFFFC0] =	vst v6  }
0x54: {  	v9 =	vbroadcast v0, $0x8;
	v3 =	vmul.f32 v3, v2;
	[tilespmem:s18+$0xFFFFFFF0] =	vst v5  }
0x55: {  	v0 =	vbroadcast v0, $0x1;
	v1 =	vmul.f32 v1, v2;
	[tilespmem:s18+$0x10] =	vst v4  }
0x56: {  	v7 =	vmul.f32 v7, v2;
	[tilespmem:s18+$0x20] =	vst v3  }
0x57: {  	v0 =	vmul.f32 v0, v2;
	[tilespmem:s18+$0x30] =	vst v1  }
0x58: {  	s3 =	sand.u32 $0x1, s7;
	v6 =	vmul.f32 v8, v2;
	[tilespmem:s18+$0x0] =	vst v7  }
0x59: {  	s12 =	simm.s32 $0x280;
	p0 =	seq.s32 s3, $0x1;
	v7 =	vmul.f32 v9, v2;
	[tilespmem:s18+$0xFFFFFFD0] =	vst v0  }
0x5a: {  	s12 =	simm.s32 @!p0 $0x0;
	[tilespmem:s18+$0xFFFFFFE0] =	vst v6  }
0x5b: {  	s8 =	sor.u32 $0x140, s12;
	[tilespmem:s18+$0x40] =	vst v7;
	s18 =	smul.u32 $0x140, s7  }
0x5c: {  	[tilespmem:s24], [sflag:$0x2] =	stream.indirect.gather [hbm4b:s4+s23], $0x10, s8, s23, $0xb8;
	[tilespmem:$0x1AF90] =	vst v63  }
0x5d: {  	s9 =	sadd.s32 s18, s13  }
0x5e: {  	s3 =	sshll.u32 s9, $0x4  }
0x5f: {  	s3 =	sand.u32 $0x1FFFFE00, s3  }
0x60: {  	s3 =	sadd.s32 s5, s3  }
0x61: {  	[tilespmem:s28], [sflag:$0x3] =	stream.strided.gather [hbm4b:s3+s25], $0xA00, s26, s25, $0x38;
	[tilespmem:$0x1AF90] =	vst v63  }
0x62: {  	s10 =	sor.u32 $0x50, s12  }
0x63: {  	[spmem:s1] =	stream.indirect.scatter.add.f32 [tilespmem:s22], [sflag:$0x4], $0x90, s10, s23, $0xb8;
	[tilespmem:$0x1AF90] =	vst v63  }
0x64: {  	_ =	swait.ge [sflag:s21], $0x2D00  }
0x65: {  	[sflag:s21] =	ssyncset.done $0x0  }
0x66: {  	[sflag:s21] =	ssyncadd.s32 $0xFFFFD300  }
0x67: {  	_ =	swait.ge [sflag:s0], $0x500  }
0x68: {  	[sflag:s0] =	ssyncset.done $0x0  }
0x69: {  	[sflag:s0] =	ssyncadd.s32 $0xFFFFFB00  }
0x6a: {  	_ =	swait.ge [sflag:s2], $0xA00  }
0x6b: {  	[sflag:s2] =	ssyncset.done $0x0  }
0x6c: {  	s10 =	simm.s32 $0x1910;
	[sflag:s2] =	ssyncadd.s32 $0xFFFFF600  }
0x6d: {  	v0 =	vld [tilespmem:s10+$0x0]  }
0x6e: {  	s20 =	simm.s32 $0x0;
	v2 =	vld [tilespmem:s10+$0xFFFFFFF0]  }
0x6f: {  	v6 =	vld [tilespmem:s20+$0xA00];
	_ =	sdelay $0x2  }
0x70: {  	v4 =	vbroadcast v0, $0x5;
	v3 =	vbroadcast v0, $0x6  }
0x71: {  	v5 =	vbroadcast v0, $0x3;
	v1 =	vbroadcast v0, $0x7  }
0x72: {  	s8 =	simm.s32 $0x40;
	s9 =	simm.s32 $0x2340;
	s3 =	simm.s32 $0x2340;
	v2 =	vmul.f32 v6, v2;
	v6 =	vbroadcast v0, $0x0  }
.LBB2_5:
0x73: {  	p0 =	sne.s32 s8, $0x13C0;
	v7 =	vbroadcast v0, $0x4;
	v8 =	vbroadcast v0, $0x8;
	s3 =	sadd.s32 $0x90, s3;
	s10 =	sadd.s32 $0x20, s10  }
0x74: {  	s20 =	smov.u32 s8;
	s8 =	sadd.s32 $0x40, s8;
	v6 =	vmul.f32 v6, v2;
	v5 =	vmul.f32 v5, v2  }
0x75: {  	v9 =	vbroadcast v0, $0x2;
	v7 =	vmul.f32 v7, v2  }
0x76: {  	v4 =	vmul.f32 v4, v2;
	v3 =	vmul.f32 v3, v2;
	[tilespmem:s9+$0xFFFFFFC0] =	vst v6  }
0x77: {  	v6 =	vmul.f32 v9, v2;
	[tilespmem:s9+$0x0] =	vst v7;
	v7 =	vmul.f32 v8, v2  }
0x78: {  	v0 =	vbroadcast v0, $0x1;
	[tilespmem:s9+$0xFFFFFFF0] =	vst v5  }
0x79: {  	[tilespmem:s9+$0xFFFFFFE0] =	vst v6  }
0x7a: {  	v1 =	vmul.f32 v1, v2;
	v0 =	vmul.f32 v0, v2;
	[tilespmem:s9+$0x40] =	vst v7  }
0x7b: {  	[tilespmem:s9+$0x10] =	vst v4  }
0x7c: {  	[tilespmem:s9+$0x20] =	vst v3  }
0x7d: {  	s20 =	sshra.s32 s20, $0x2;
	[tilespmem:s9+$0xFFFFFFD0] =	vst v0  }
0x7e: {  	[tilespmem:s9+$0x30] =	vst v1;
	s9 =	smov.u32 s3  }
0x7f: {  	v0 =	vld [tilespmem:s10+$0x0]  }
0x80: {  	v2 =	vld [tilespmem:s10+$0xFFFFFFF0]  }
0x81: {  	v6 =	vld [tilespmem:s20+$0xA00]  }
.Ltmp1:
0x82: {  	(pc) =	sbr.rel @p0 .LBB2_5-.Ltmp1, $4  }
0x83: {  	_ = 	snop  }
0x84: {  	v4 =	vbroadcast v0, $0x5;
	v3 =	vbroadcast v0, $0x6  }
0x85: {  	v5 =	vbroadcast v0, $0x3;
	v1 =	vbroadcast v0, $0x7  }
0x86: {  	v2 =	vmul.f32 v6, v2;
	v6 =	vbroadcast v0, $0x0  }
0x87: {  	_ = 	snop  }
0x88: {  	v6 =	vmul.f32 v6, v2  }
0x89: {  	v7 =	vbroadcast v0, $0x4;
	v5 =	vmul.f32 v5, v2  }
0x8a: {  	v8 =	vbroadcast v0, $0x2;
	v4 =	vmul.f32 v4, v2;
	[tilespmem:s9+$0xFFFFFFC0] =	vst v6  }
0x8b: {  	v9 =	vbroadcast v0, $0x8;
	v3 =	vmul.f32 v3, v2;
	[tilespmem:s9+$0xFFFFFFF0] =	vst v5  }
0x8c: {  	v0 =	vbroadcast v0, $0x1;
	v1 =	vmul.f32 v1, v2;
	[tilespmem:s9+$0x10] =	vst v4  }
0x8d: {  	v7 =	vmul.f32 v7, v2;
	[tilespmem:s9+$0x20] =	vst v3  }
0x8e: {  	v0 =	vmul.f32 v0, v2;
	[tilespmem:s9+$0x30] =	vst v1  }
0x8f: {  	v6 =	vmul.f32 v8, v2;
	[tilespmem:s9+$0x0] =	vst v7  }
0x90: {  	v7 =	vmul.f32 v9, v2;
	[tilespmem:s9+$0xFFFFFFD0] =	vst v0  }
0x91: {  	[tilespmem:s9+$0xFFFFFFE0] =	vst v6  }
0x92: {  	s3 =	sadd.s32 $0x1E0, s12;
	[tilespmem:s9+$0x40] =	vst v7;
	s9 =	sadd.s32 s18, s14  }
0x93: {  	[tilespmem:s30], [sflag:$0x2] =	stream.indirect.gather [hbm4b:s4+s23], $0x10, s3, s23, $0xb8;
	[tilespmem:$0x1AF90] =	vst v63  }
0x94: {  	s3 =	sshll.u32 s9, $0x4  }
0x95: {  	s3 =	sand.u32 $0x1FFFFF00, s3  }
0x96: {  	s3 =	sadd.s32 s5, s3  }
0x97: {  	[tilespmem:s31], [sflag:$0x3] =	stream.strided.gather [hbm4b:s3+s25], $0xA00, s26, s25, $0x38;
	[tilespmem:$0x1AF90] =	vst v63  }
0x98: {  	s10 =	sadd.s32 $0xF0, s12  }
0x99: {  	[spmem:s1] =	stream.indirect.scatter.add.f32 [tilespmem:s22], [sflag:$0x4], $0x90, s10, s23, $0xb8;
	[tilespmem:$0x1AF90] =	vst v63  }
0x9a: {  	_ =	swait.ge [sflag:s21], $0x2D00  }
0x9b: {  	[sflag:s21] =	ssyncset.done $0x0  }
0x9c: {  	[sflag:s21] =	ssyncadd.s32 $0xFFFFD300  }
0x9d: {  	_ =	swait.ge [sflag:s0], $0x500  }
0x9e: {  	[sflag:s0] =	ssyncset.done $0x0  }
0x9f: {  	[sflag:s0] =	ssyncadd.s32 $0xFFFFFB00  }
0xa0: {  	_ =	swait.ge [sflag:s2], $0xA00  }
0xa1: {  	[sflag:s2] =	ssyncset.done $0x0  }
0xa2: {  	s10 =	simm.s32 $0xF10;
	[sflag:s2] =	ssyncadd.s32 $0xFFFFF600  }
0xa3: {  	v0 =	vld [tilespmem:s10+$0x0]  }
0xa4: {  	s20 =	simm.s32 $0x0;
	v2 =	vld [tilespmem:s10+$0xFFFFFFF0]  }
0xa5: {  	v6 =	vld [tilespmem:s20+$0x500];
	_ =	sdelay $0x2  }
0xa6: {  	v4 =	vbroadcast v0, $0x5;
	v3 =	vbroadcast v0, $0x6  }
0xa7: {  	v5 =	vbroadcast v0, $0x3;
	v1 =	vbroadcast v0, $0x7  }
0xa8: {  	s8 =	simm.s32 $0x40;
	s9 =	simm.s32 $0x2340;
	s3 =	simm.s32 $0x2340;
	v2 =	vmul.f32 v6, v2;
	v6 =	vbroadcast v0, $0x0  }
.LBB2_7:
0xa9: {  	p0 =	sne.s32 s8, $0x13C0;
	v7 =	vbroadcast v0, $0x4;
	v8 =	vbroadcast v0, $0x8;
	s3 =	sadd.s32 $0x90, s3;
	s10 =	sadd.s32 $0x20, s10  }
0xaa: {  	s20 =	smov.u32 s8;
	s8 =	sadd.s32 $0x40, s8;
	v6 =	vmul.f32 v6, v2;
	v5 =	vmul.f32 v5, v2  }
0xab: {  	v9 =	vbroadcast v0, $0x2;
	v7 =	vmul.f32 v7, v2  }
0xac: {  	v4 =	vmul.f32 v4, v2;
	v3 =	vmul.f32 v3, v2;
	[tilespmem:s9+$0xFFFFFFC0] =	vst v6  }
0xad: {  	v6 =	vmul.f32 v9, v2;
	[tilespmem:s9+$0x0] =	vst v7;
	v7 =	vmul.f32 v8, v2  }
0xae: {  	v0 =	vbroadcast v0, $0x1;
	[tilespmem:s9+$0xFFFFFFF0] =	vst v5  }
0xaf: {  	[tilespmem:s9+$0xFFFFFFE0] =	vst v6  }
0xb0: {  	v1 =	vmul.f32 v1, v2;
	v0 =	vmul.f32 v0, v2;
	[tilespmem:s9+$0x40] =	vst v7  }
0xb1: {  	[tilespmem:s9+$0x10] =	vst v4  }
0xb2: {  	[tilespmem:s9+$0x20] =	vst v3  }
0xb3: {  	s20 =	sshra.s32 s20, $0x2;
	[tilespmem:s9+$0xFFFFFFD0] =	vst v0  }
0xb4: {  	[tilespmem:s9+$0x30] =	vst v1;
	s9 =	smov.u32 s3  }
0xb5: {  	v0 =	vld [tilespmem:s10+$0x0]  }
0xb6: {  	v2 =	vld [tilespmem:s10+$0xFFFFFFF0]  }
0xb7: {  	v6 =	vld [tilespmem:s20+$0x500]  }
.Ltmp2:
0xb8: {  	(pc) =	sbr.rel @p0 .LBB2_7-.Ltmp2, $4  }
0xb9: {  	_ = 	snop  }
0xba: {  	v4 =	vbroadcast v0, $0x5;
	v3 =	vbroadcast v0, $0x6  }
0xbb: {  	v5 =	vbroadcast v0, $0x3;
	v1 =	vbroadcast v0, $0x7  }
0xbc: {  	v2 =	vmul.f32 v6, v2;
	v6 =	vbroadcast v0, $0x0  }
0xbd: {  	_ = 	snop  }
0xbe: {  	v6 =	vmul.f32 v6, v2  }
0xbf: {  	v7 =	vbroadcast v0, $0x4;
	v5 =	vmul.f32 v5, v2  }
0xc0: {  	v8 =	vbroadcast v0, $0x2;
	v4 =	vmul.f32 v4, v2;
	[tilespmem:s9+$0xFFFFFFC0] =	vst v6  }
0xc1: {  	v9 =	vbroadcast v0, $0x8;
	v3 =	vmul.f32 v3, v2;
	[tilespmem:s9+$0xFFFFFFF0] =	vst v5  }
0xc2: {  	v0 =	vbroadcast v0, $0x1;
	v1 =	vmul.f32 v1, v2;
	[tilespmem:s9+$0x10] =	vst v4  }
0xc3: {  	v7 =	vmul.f32 v7, v2;
	[tilespmem:s9+$0x20] =	vst v3  }
0xc4: {  	v0 =	vmul.f32 v0, v2;
	[tilespmem:s9+$0x30] =	vst v1  }
0xc5: {  	p0 =	seq.s32 s7, $0xF;
	v6 =	vmul.f32 v8, v2;
	[tilespmem:s9+$0x0] =	vst v7  }
0xc6: {  	s3 =	smul.u32 @!p0 $0xA00, s19;
	v7 =	vmul.f32 v9, v2;
	[tilespmem:s9+$0xFFFFFFD0] =	vst v0  }
0xc7: {  	[tilespmem:s9+$0xFFFFFFE0] =	vst v6  }
0xc8: {  	s8 =	simm.s32 @!p0 $0x500;
	s19 =	sshrl.u32 @!p0 s3, $0x2;
	s3 =	simm.s32 @!p0 $0x50;
	[tilespmem:s9+$0x40] =	vst v7  }
0xc9: {  	[tilespmem:s8], [sflag:$0x2] =	stream.indirect.gather @!p0 [hbm4b:s4+s3], $0x10, s19, s3, $0xb8;
	[tilespmem:$0x1AF90] =	vst v63  }
0xca: {  	s3 =	sadd.s32 @!p0 s18, s15  }
0xcb: {  	s3 =	sshll.u32 @!p0 s3, $0x4  }
0xcc: {  	s10 =	simm.s32 @!p0 $0xF00;
	s3 =	sand.u32 @!p0 $0x1FFFFC00, s3  }
0xcd: {  	s9 =	simm.s32 @!p0 $0x80;
	s8 =	simm.s32 @!p0 $0x20;
	s3 =	sadd.s32 @!p0 s5, s3  }
0xce: {  	[tilespmem:s10], [sflag:$0x3] =	stream.strided.gather @!p0 [hbm4b:s3+s8], $0xA00, s9, s8, $0x38;
	[tilespmem:$0x1AF90] =	vst v63  }
0xcf: {  	s10 =	sadd.s32 $0x190, s12  }
0xd0: {  	[spmem:s1] =	stream.indirect.scatter.add.f32 [tilespmem:s22], [sflag:$0x4], $0x90, s10, s23, $0xb8;
	[tilespmem:$0x1AF90] =	vst v63  }
0xd1: {  	_ =	swait.ge [sflag:s21], $0x2D00  }
0xd2: {  	[sflag:s21] =	ssyncset.done $0x0  }
0xd3: {  	[sflag:s21] =	ssyncadd.s32 $0xFFFFD300  }
0xd4: {  	_ =	swait.ge [sflag:s0], $0x500  }
0xd5: {  	[sflag:s0] =	ssyncset.done $0x0  }
0xd6: {  	[sflag:s0] =	ssyncadd.s32 $0xFFFFFB00  }
0xd7: {  	_ =	swait.ge [sflag:s2], $0xA00  }
0xd8: {  	[sflag:s2] =	ssyncset.done $0x0  }
0xd9: {  	s10 =	simm.s32 $0x1910;
	[sflag:s2] =	ssyncadd.s32 $0xFFFFF600  }
0xda: {  	v0 =	vld [tilespmem:s10+$0x0]  }
0xdb: {  	s20 =	simm.s32 $0x0;
	v2 =	vld [tilespmem:s10+$0xFFFFFFF0]  }
0xdc: {  	v6 =	vld [tilespmem:s20+$0xA00];
	_ =	sdelay $0x2  }
0xdd: {  	v4 =	vbroadcast v0, $0x5;
	v3 =	vbroadcast v0, $0x6  }
0xde: {  	v5 =	vbroadcast v0, $0x3;
	v1 =	vbroadcast v0, $0x7  }
0xdf: {  	s3 =	simm.s32 $0x2340;
	s8 =	simm.s32 $0x40;
	s9 =	simm.s32 $0x2340;
	v2 =	vmul.f32 v6, v2;
	v6 =	vbroadcast v0, $0x0  }
.LBB2_9:
0xe0: {  	p1 =	sne.s32 s8, $0x13C0;
	v7 =	vbroadcast v0, $0x4;
	v8 =	vbroadcast v0, $0x8;
	s3 =	sadd.s32 $0x90, s3;
	s10 =	sadd.s32 $0x20, s10  }
0xe1: {  	s20 =	smov.u32 s8;
	s8 =	sadd.s32 $0x40, s8;
	v6 =	vmul.f32 v6, v2;
	v5 =	vmul.f32 v5, v2  }
0xe2: {  	v9 =	vbroadcast v0, $0x2;
	v7 =	vmul.f32 v7, v2  }
0xe3: {  	v4 =	vmul.f32 v4, v2;
	v3 =	vmul.f32 v3, v2;
	[tilespmem:s9+$0xFFFFFFC0] =	vst v6  }
0xe4: {  	v6 =	vmul.f32 v9, v2;
	[tilespmem:s9+$0x0] =	vst v7;
	v7 =	vmul.f32 v8, v2  }
0xe5: {  	v0 =	vbroadcast v0, $0x1;
	[tilespmem:s9+$0xFFFFFFF0] =	vst v5  }
0xe6: {  	[tilespmem:s9+$0xFFFFFFE0] =	vst v6  }
0xe7: {  	v1 =	vmul.f32 v1, v2;
	v0 =	vmul.f32 v0, v2;
	[tilespmem:s9+$0x40] =	vst v7  }
0xe8: {  	[tilespmem:s9+$0x10] =	vst v4  }
0xe9: {  	[tilespmem:s9+$0x20] =	vst v3  }
0xea: {  	s20 =	sshra.s32 s20, $0x2;
	[tilespmem:s9+$0xFFFFFFD0] =	vst v0  }
0xeb: {  	[tilespmem:s9+$0x30] =	vst v1;
	s9 =	smov.u32 s3  }
0xec: {  	v0 =	vld [tilespmem:s10+$0x0]  }
0xed: {  	v2 =	vld [tilespmem:s10+$0xFFFFFFF0]  }
0xee: {  	v6 =	vld [tilespmem:s20+$0xA00]  }
.Ltmp3:
0xef: {  	(pc) =	sbr.rel @p1 .LBB2_9-.Ltmp3, $4  }
0xf0: {  	_ = 	snop  }
0xf1: {  	v4 =	vbroadcast v0, $0x5;
	v3 =	vbroadcast v0, $0x6  }
0xf2: {  	v5 =	vbroadcast v0, $0x3;
	v1 =	vbroadcast v0, $0x7  }
0xf3: {  	v2 =	vmul.f32 v6, v2;
	v6 =	vbroadcast v0, $0x0  }
0xf4: {  	_ = 	snop  }
0xf5: {  	v6 =	vmul.f32 v6, v2  }
0xf6: {  	v5 =	vmul.f32 v5, v2  }
0xf7: {  	v4 =	vmul.f32 v4, v2;
	[tilespmem:s9+$0xFFFFFFC0] =	vst v6  }
0xf8: {  	v7 =	vbroadcast v0, $0x4;
	v3 =	vmul.f32 v3, v2;
	[tilespmem:s9+$0xFFFFFFF0] =	vst v5  }
0xf9: {  	v8 =	vbroadcast v0, $0x2;
	v1 =	vmul.f32 v1, v2;
	[tilespmem:s9+$0x10] =	vst v4  }
0xfa: {  	v9 =	vbroadcast v0, $0x8;
	v7 =	vmul.f32 v7, v2;
	[tilespmem:s9+$0x20] =	vst v3  }
0xfb: {  	v63 =	vbroadcast v0, $0x1;
	v61 =	vmul.f32 v8, v2;
	[tilespmem:s9+$0x30] =	vst v1  }
0xfc: {  	v62 =	vmul.f32 v9, v2;
	[tilespmem:s9+$0x0] =	vst v7  }
0xfd: {  	v0 =	vmul.f32 v63, v2;
	[tilespmem:s9+$0xFFFFFFE0] =	vst v61  }
0xfe: {  	[tilespmem:s9+$0x40] =	vst v62  }
0xff: {  	s3 =	sadd.s32 @!p0 $0xA0, s19;
	s8 =	simm.s32 @!p0 $0x50;
	[tilespmem:s9+$0xFFFFFFD0] =	vst v0;
	s9 =	simm.s32 @!p0 $0xA00  }
0x100: {  	[tilespmem:s9], [sflag:$0x2] =	stream.indirect.gather @!p0 [hbm4b:s4+s8], $0x10, s3, s8, $0xb8;
	[tilespmem:$0x1AF90] =	vst v63  }
0x101: {  	s3 =	sadd.s32 @!p0 s18, s16  }
0x102: {  	s3 =	sshll.u32 @!p0 s3, $0x4  }
0x103: {  	s10 =	simm.s32 @!p0 $0x1900;
	s3 =	sand.u32 @!p0 $0x1FFFFD00, s3  }
0x104: {  	s8 =	simm.s32 @!p0 $0x20;
	s9 =	simm.s32 @!p0 $0x80;
	s3 =	sadd.s32 @!p0 s5, s3  }
0x105: {  	[tilespmem:s10], [sflag:$0x3] =	stream.strided.gather @!p0 [hbm4b:s3+s8], $0xA00, s9, s8, $0x38;
	[tilespmem:$0x1AF90] =	vst v63  }
0x106: {  	p0 =	sgt.u32 s7, $0xD  }
0x107: {  	s20 =	sadd.s32 $0x230, s12;
	s3 =	sshll.u32 @!p0 s7, $0x3  }
0x108: {  	[spmem:s1] =	stream.indirect.scatter.add.f32 [tilespmem:s22], [sflag:$0x4], $0x90, s20, s23, $0xb8;
	[tilespmem:$0x1AF90] =	vst v63  }
0x109: {  	s3 =	sadd.s32 @!p0 s3, s17  }
0x10a: {  	_ =	swait.ge [sflag:s21], $0x2D00;
	s3 =	smul.u32 @!p0 $0xA, s3  }
0x10b: {  	[sflag:s21] =	ssyncset.done $0x0  }
0x10c: {  	s7 =	simm.s32 @!p0 $0x0;
	[sflag:s21] =	ssyncadd.s32 $0xFFFFD300;
	s3 =	sadd.s32 @!p0 s6, s3  }
0x10d: {  	[tilespmem:s12], [sflag:$0x1] =	stream.linear.gather @!p0 [hbm4b:s3+s7], $0x280, $0x38;
	[tilespmem:$0x1AF90] =	vst v63  }
0x10e: {  	p0 =	sne.s32 s11, $0x10  }
.Ltmp4:
0x10f: {  	_ = 	snop;
	(pc) =	sbr.rel @p0 .LBB2_2-.Ltmp4, $2  }
0x110: {  	_ =	sdelay $0x2  }
0x111: {  	s7 =	smov.u32 s11  }
0x112: {  	[bflag:$0x0] =	sbarrier.arrive $0xFFFF  }
0x113: {  	s8 =	rddreg [dreg:$0x4]  }
0x114: {  	s3 =	rddreg [dreg:$0x9]  }
0x115: {  	s7 =	rddreg [dreg:$0xb]  }
0x116: {  	[hbm:s3], [sflag:s8] =	dma.local [spmem:s7], $0x2BF2  }
0x117: {  	_ =	swait.ge [sflag:s21], $0x2BF2  }
0x118: {  	s29 =	sadd.s32 $0x1, s29;
	s20 =	rddreg [dreg:$0xa]  }
0x119: {  	p0 =	sne.s32 s29, s20  }
.Ltmp5:
0x11a: {  	_ = 	snop;
	(pc) =	sbr.rel @p0 .LBB2_1-.Ltmp5, $3  }
0x11b: {  	_ =	sdelay $0x1  }
0x11c: {  	[sflag:s21] =	ssyncset.done $0x0  }
0x11d: {  	[sflag:s21] =	ssyncadd.s32 $0xFFFFD40E  }
0x11e: {  	_ =	sfence.sel $0x180000  }
0x11f: {  	[bflag:$0x0] =	sbarrier.arrive $0xFFFF  }
0x120: {  	_ =	strace $0x90000047  }
0x121: {  	s0 =	stileid.u32;
	[bflag:$0x2] =	sbarrier.arrive $0xFFFF  }
0x122: {  	p0 =	sne.s32 s0, $0x0;
	s0 =	rddreg [dreg:$0x2]  }
0x123: {  	s0 =	sadd.s32 @!p0 $0x100000, s0  }
0x124: {  	[sflag:s0] =	ssyncadd.tile.s32 @!p0 $0x1;
	_ =	shalt  }
.Lfunc_end2:
_tile_overlayer_lowered:
.L_overlay_start_2:
0x125: {  	(tag) =	ssettag $0x2  }
0x126: {  	s0 =	rddreg [dreg:$0x0];
	s2 =	stileid.u32  }
0x127: {  	s1 =	rddreg [dreg:$0x1];
	p0 =	sne.s32 s2, $0x0  }
0x128: {  	s3 =	rddreg [dreg:$0x2];
	[bflag:$0x3] =	sbarrier.arrive $0xFFFF;
	s2 =	simm.s32 @!p0 $0x1C04  }
0x129: {  	[timem:s3], [sflag:s2] =	dma.local @!p0 [hbm:s0], s1  }
0x12a: {  	s0 =	simm.s32 @!p0 $0x4  }
0x12b: {  	_ =	swait.ge @!p0 [sflag:s0], s1  }
0x12c: {  	s1 =	ssub.s32 @!p0 $0x0, s1;
	[sflag:s0] =	ssyncset.done @!p0 $0x0  }
0x12d: {  	[sflag:s0] =	ssyncadd.s32 @!p0 s1  }
0x12e: {  	[bflag:$0x3] =	sbarrier.arrive $0xFFFF  }
0x12f: {  	_ =	shalt  }

// kernel: sc_layer1.3.cloned.1.call-start
scs
__scs_entry_jumppad:
0x0: {  	(pc) =	sbr.rel $0x88, $3  }
0x1: {  	(tag) =	ssettag $0x0;
	lr =	simm.s32 $0x1  }
0x2: {  	[smem:$0x3F97] =	sst lr;
	_ =	strace $0xD0000000  }
0x3: {  	_ = 	snop  }
0x4: {  	_ = 	snop  }
0x5: {  	_ = 	snop  }
0x6: {  	_ = 	snop  }
0x7: {  	_ = 	snop  }
__scs_overlays_trampoline_lowered:
0x8: {  	[smem:$0x3FA6] =	sst s0  }
0x9: {  	[smem:$0x3FA7] =	sst s1  }
0xa: {  	[smem:$0x3FA8] =	sst s2  }
0xb: {  	[smem:$0x3FA9] =	sst s3  }
0xc: {  	[smem:$0x3FAA] =	sst s4  }
0xd: {  	[smem:$0x3FAB] =	sst s5  }
0xe: {  	[smem:$0x3FAC] =	sst s6  }
0xf: {  	[smem:$0x3FAD] =	sst s7  }
0x10: {  	[smem:$0x3FAE] =	sst s8  }
0x11: {  	[smem:$0x3FAF] =	sst s9;
	s0 =	simm.s32 @!p0 $0x0  }
0x12: {  	s1 =	sld [smem:$0x3F95];
	s0 =	simm.s32 @p0 $0x1  }
0x13: {  	[smem:$0x3FB0] =	sst s0;
	s0 =	simm.s32 @!p1 $0x0  }
0x14: {  	s2 =	sld [smem:$0x3F94];
	s0 =	simm.s32 @p1 $0x1  }
0x15: {  	[smem:$0x3FB1] =	sst s0;
	s0 =	simm.s32 @!p2 $0x0  }
0x16: {  	s3 =	sld [smem:$0x3FDB];
	s0 =	simm.s32 @p2 $0x1  }
0x17: {  	s4 =	simm.s32 $0x1BF5;
	[smem:$0x3FB3] =	sst s0  }
0x18: {  	s0 =	sld [smem:$0x3F96];
	_ =	swait.ge [sflag:s4], $0x0  }
0x19: {  	s7 =	sld [smem:$0x3F97]  }
0x1a: {  	s8 =	sadd.s32 $0xFFFFE003, lr  }
0x1b: {  	s9 =	sadd.s32 $0xFFFFFEF7, lr;
	s5 =	simm.s32 $0xFFFFFFFF;
	p2 =	slt.u32 s8, $0xFFFFF086  }
0x1c: {  	p1 =	slt.u32 s9, $0xF7A;
	s5 =	simm.s32 @!p2 $0x0  }
0x1d: {  	s5 =	simm.s32 @p1 $0x1;
	p0 =	seq.s32 s7, s2  }
0x1e: {  	s7 =	smul.u32 @!p0 $0xF7A, s2;
	p2 =	seq.s32 @!p0 s5, $0x0  }
0x1f: {  	s9 =	smul.u32 $0xF7A, s1;
	s8 =	simm.s32 @!p0 $0x1BF5;
	p2 =	por !p2, p0  }
0x20: {  	[sflag:s8] =	ssyncset.s32 @!p0 $0xFFFFF086;
	s6 =	sadd.s32 @!p0 s3, s7;
	s7 =	simm.s32 @!p0 $0x108  }
0x21: {  	s3 =	sadd.s32 s3, s9;
	s6 =	sadd.s32 @!p0 $0x88, s6;
	s7 =	simm.s32 @p2 $0x1082  }
0x22: {  	[simem:s7], [sflag:s8] =	dma.local @!p0 [hbm:s6], $0xF7A  }
0x23: {  	s9 =	sor.u32 $0xD0000000, s2;
	s6 =	simm.s32 $0x108;
	_ =	swait.ge @!p0 [sflag:s8], $0x0  }
0x24: {  	s3 =	sadd.s32 $0x88, s3;
	s6 =	simm.s32 @!p1 $0x1082;
	[sflag:s4] =	ssyncset.s32 $0xFFFFF086  }
0x25: {  	[simem:s6], [sflag:s4] =	dma.local [hbm:s3], $0xF7A  }
0x26: {  	[smem:$0x3F97] =	sst s1;
	(tag) =	ssettag s2;
	_ =	strace s9  }
0x27: {  	s1 =	sld [smem:$0x3FA7]  }
0x28: {  	s2 =	sld [smem:$0x3FA8]  }
0x29: {  	s4 =	sld [smem:$0x3FAA]  }
0x2a: {  	p0 =	seq.s32 s5, $0x0;
	s5 =	sld [smem:$0x3FAB]  }
0x2b: {  	s6 =	sld [smem:$0x3FAC]  }
0x2c: {  	s7 =	sld [smem:$0x3FAD]  }
0x2d: {  	s3 =	simm.s32 $0x108;
	s8 =	sld [smem:$0x3FAE]  }
0x2e: {  	s3 =	simm.s32 @!p0 $0x1082;
	s9 =	sld [smem:$0x3FAF]  }
0x2f: {  	lr =	sadd.s32 s0, s3;
	s0 =	sld [smem:$0x3FA6]  }
0x30: {  	s3 =	sld [smem:$0x3FA9]  }
0x31: {  	[smem:$0x3FB2] =	sst s10  }
0x32: {  	s10 =	sld [smem:$0x3FB0];
	_ =	sdelay $0x3  }
0x33: {  	p0 =	seq.s32 s10, $0x1;
	s10 =	sld [smem:$0x3FB2];
	_ =	sdelay $0x3  }
0x34: {  	[smem:$0x3FB2] =	sst s10  }
0x35: {  	s10 =	sld [smem:$0x3FB1];
	_ =	sdelay $0x3  }
0x36: {  	p1 =	seq.s32 s10, $0x1;
	s10 =	sld [smem:$0x3FB2];
	_ =	sdelay $0x3  }
0x37: {  	[smem:$0x3FB2] =	sst s10  }
0x38: {  	s10 =	sld [smem:$0x3FB3]  }
0x39: {  	_ = 	snop;
	(pc) =	sbr.ind lr, $3  }
0x3a: {  	_ = 	snop  }
0x3b: {  	_ = 	snop  }
0x3c: {  	p2 =	seq.s32 s10, $0x1;
	s10 =	sld [smem:$0x3FB2]  }
0x3d: {  	_ =	shalt  }
0x3e: {  	_ =	shalt  }
0x3f: {  	_ =	shalt  }
0x40: {  	_ =	shalt  }
0x41: {  	_ =	shalt  }
0x42: {  	_ =	shalt  }
0x43: {  	_ =	shalt  }
0x44: {  	_ =	shalt  }
0x45: {  	_ =	shalt  }
0x46: {  	_ =	shalt  }
0x47: {  	_ =	shalt  }
0x48: {  	_ =	shalt  }
0x49: {  	_ =	shalt  }
0x4a: {  	_ =	shalt  }
0x4b: {  	_ =	shalt  }
0x4c: {  	_ =	shalt  }
0x4d: {  	_ =	shalt  }
0x4e: {  	_ =	shalt  }
0x4f: {  	_ =	shalt  }
0x50: {  	_ =	shalt  }
0x51: {  	_ =	shalt  }
0x52: {  	_ =	shalt  }
0x53: {  	_ =	shalt  }
0x54: {  	_ =	shalt  }
0x55: {  	_ =	shalt  }
0x56: {  	_ =	shalt  }
0x57: {  	_ =	shalt  }
0x58: {  	_ =	shalt  }
0x59: {  	_ =	shalt  }
0x5a: {  	_ =	shalt  }
0x5b: {  	_ =	shalt  }
0x5c: {  	_ =	shalt  }
0x5d: {  	_ =	shalt  }
0x5e: {  	_ =	shalt  }
0x5f: {  	_ =	shalt  }
0x60: {  	_ =	shalt  }
0x61: {  	_ =	shalt  }
0x62: {  	_ =	shalt  }
0x63: {  	_ =	shalt  }
0x64: {  	_ =	shalt  }
0x65: {  	_ =	shalt  }
0x66: {  	_ =	shalt  }
0x67: {  	_ =	shalt  }
0x68: {  	_ =	shalt  }
0x69: {  	_ =	shalt  }
0x6a: {  	_ =	shalt  }
0x6b: {  	_ =	shalt  }
0x6c: {  	_ =	shalt  }
0x6d: {  	_ =	shalt  }
0x6e: {  	_ =	shalt  }
0x6f: {  	_ =	shalt  }
0x70: {  	_ =	shalt  }
0x71: {  	_ =	shalt  }
0x72: {  	_ =	shalt  }
0x73: {  	_ =	shalt  }
0x74: {  	_ =	shalt  }
0x75: {  	_ =	shalt  }
0x76: {  	_ =	shalt  }
0x77: {  	_ =	shalt  }
0x78: {  	_ =	shalt  }
0x79: {  	_ =	shalt  }
0x7a: {  	_ =	shalt  }
0x7b: {  	_ =	shalt  }
0x7c: {  	_ =	shalt  }
0x7d: {  	_ =	shalt  }
0x7e: {  	_ =	shalt  }
0x7f: {  	_ =	shalt  }
0x80: {  	_ =	shalt  }
0x81: {  	_ =	shalt  }
0x82: {  	_ =	shalt  }
0x83: {  	_ =	shalt  }
0x84: {  	_ =	shalt  }
0x85: {  	_ =	shalt  }
0x86: {  	_ =	shalt  }
0x87: {  	_ =	shalt  }
.Lfunc_end0:
.L_simem_size_0:
called_computation.1_lowered:
.L_overlay_start_0:
0x88: {  	s2 =	sld [smem:$0x3FD9]  }
0x89: {  	s3 =	sld [smem:$0x3FFE];
	_ =	sdelay $0x1  }
0x8a: {  	s1 =	srdreg.scid  }
0x8b: {  	s0 =	sand.u32 $0x1, s1  }
0x8c: {  	s16 =	sshll.u32 s0, $0xA;
	s2 =	sadd.s32 s3, s2  }
0x8d: {  	s2 =	sadd.s32 s2, s16  }
0x8e: {  	[smem:$0x3FBE] =	sst s2  }
0x8f: {  	_ = 	snop  }
0x90: {  	(tm) =	ssettm $0x1  }
0x91: {  	s17 =	sld [smem:$0x3FFB];
	_ =	sdelay $0x3  }
0x92: {  	_ =	strace s17  }
0x93: {  	s2 =	sld [smem:$0x3FFC];
	_ =	sdelay $0x3  }
0x94: {  	_ =	strace s2  }
0x95: {  	s2 =	sld [smem:$0x3FFD];
	_ =	sdelay $0x3  }
0x96: {  	_ =	strace s2  }
0x97: {  	_ =	strace $0x8FFFFFFF  }
0x98: {  	s18 =	sld [smem:$0x3FDB];
	_ =	sdelay $0x1  }
0x99: {  	s19 =	simm.s32 $_scs_section_size  }
0x9a: {  	s4 =	simm.s32 $_size__tile_overlayer_lowered;
	s5 =	simm.s32 $_tile_overlayer_lowered  }
0x9b: {  	s22 =	simm.s32 $0x1BFF;
	s21 =	sshll.u32 s5, $0x1;
	s2 =	sadd.s32 s19, s18  }
0x9c: {  	s6 =	simm.s32 $0x0;
	s20 =	sshll.u32 s4, $0x1;
	s4 =	sadd.s32 s21, s2  }
0x9d: {  	[timem:s6], [sflag:s22] =	dma.local [hbm:s4], s20  }
0x9e: {  	_ =	swait.ge [sflag:s22], s20  }
0x9f: {  	s3 =	ssub.s32 $0x0, s20;
	[sflag:s22] =	ssyncset.done $0x0  }
0xa0: {  	[sflag:s22] =	ssyncadd.s32 s3;
	_ =	sdelay $0x1  }
0xa1: {  	s23 =	simm.s32 $0x1B8B  }
0xa2: {  	_ =	swait.ge [sflag:s23], $0x1  }
0xa3: {  	[sflag:s23] =	ssyncset.done $0x0  }
0xa4: {  	s25 =	simm.s32 $0x1B8E;
	s24 =	sld [smem:$0x3FFE];
	[sflag:s23] =	ssyncadd.s32 $0xFFFFFFFF  }
0xa5: {  	s26 =	simm.s32 $execute0_lowered;
	[smem:$0x3FD2] =	sst s25  }
0xa6: {  	s4 =	sshll.u32 s26, $0x1;
	_ =	strace $0x80000049;
	[dreg:$0x1] =	wrdreg $0xFFFFFFFF  }
0xa7: {  	s28 =	simm.s32 $_size_execute0_lowered;
	s2 =	sadd.s32 s2, s4;
	[dreg:$0x0] =	wrdreg $0x0  }
0xa8: {  	s4 =	sshll.u32 s28, $0x1;
	[dreg:$0x2] =	wrdreg s2  }
0xa9: {  	[dreg:$0x3] =	wrdreg s4  }
0xaa: {  	[dreg:$0x4] =	wrdreg $0xC0  }
0xab: {  	_ =	task [dreg:s6], $0x5FFFF  }
0xac: {  	[dreg:$0x1] =	wrdreg $0xFFFFFFFF  }
0xad: {  	[dreg:$0x0] =	wrdreg $0x60  }
0xae: {  	[dreg:$0x2] =	wrdreg s24  }
0xaf: {  	[dreg:$0x3] =	wrdreg $0xA0000  }
0xb0: {  	[dreg:$0x4] =	wrdreg $0x9  }
0xb1: {  	_ =	task.clear_ibuf [dreg:s6], $0x5FFFF;
	_ =	strace $0x90000049  }
0xb2: {  	s29 =	simm.s32 $0x9;
	_ =	strace $0x8000004B  }
0xb3: {  	_ =	swait.ge [sflag:s29], $0x1  }
0xb4: {  	[sflag:s29] =	ssyncadd.s32 $0xFFFFFFFF  }
0xb5: {  	_ =	strace $0x9000004B  }
0xb6: {  	_ =	sfence  }
0xb7: {  	s30 =	sld [smem:$0x0];
	_ =	sdelay $0x2  }
0xb8: {  	s31 =	sshll.u32 s1, $0xD;
	s1 =	sshrl.u32 s1, $0x2  }
0xb9: {  	s3 =	sand.u32 $0x4000, s31;
	s1 =	sadd.s32 s1, s30  }
0xba: {  	s0 =	sor.u32 s3, s0;
	s1 =	sshll.u32 s1, $0x11  }
0xbb: {  	s0 =	sor.u32 s1, s0  }
0xbc: {  	s0 =	sadd.s32 $0x8F2B, s0  }
0xbd: {  	[sflag:s0] =	ssyncadd.remote.s32 $0x1  }
0xbe: {  	_ =	sfence.sel $0xFFFF  }
0xbf: {  	[dreg:$0x0] =	wrdreg $0xFFFFFFFF;
	(pc) =	sbr.abs _section_cstart, $3  }
0xc0: {  	[dreg:$0x1] =	wrdreg $0xFFFFFFFF  }
0xc1: {  	_ =	task.clear_ibuf [dreg:s6], $0x2FFFF;
	_ =	strace $0x9FFFFFFF  }
0xc2: {  	(tm) =	ssettm $0x7FFFFFFF  }
0xc3: {  	_ =	shalt  }
tec
execute0_lowered:
.L_overlay_start_1:
0x0: {  	(tag) =	ssettag $0x1  }
0x1: {  	s0 =	srdreg.scid;
	s1 =	rddreg [dreg:$0x0]  }
0x2: {  	s13 =	stileid.u32;
	s2 =	rddreg [dreg:$0x1]  }
0x3: {  	s4 =	simm.s32 $0x0;
	s21 =	simm.s32 $0x4;
	s28 =	simm.s32 $0x5F00  }
0x4: {  	s30 =	simm.s32 $0x3200;
	s31 =	simm.s32 $0x6900;
	s29 =	simm.s32 $0x0  }
0x5: {  	s0 =	sand.u32 $0x1, s0;
	s3 =	sshll.u32 s13, $0x1;
	[smem:$0x7FF] =	sst s4  }
0x6: {  	s7 =	smul.u32 $0x15F90, s13;
	s4 =	sadd.s32 $0x52A00, s1;
	s5 =	sadd.s32 $0x7EC00, s1  }
0x7: {  	s24 =	sshll.u32 s13, $0x6;
	s3 =	sor.u32 s0, s3;
	s8 =	smul.u32 $0x15F900, s0  }
0x8: {  	_ =	strace $0x8000004A;
	s0 =	ssub.s32 $0x2, s0;
	s6 =	smul.u32 $0x14000, s3  }
0x9: {  	s18 =	sor.u32 $0x1C04, s24;
	s24 =	simm.s32 $0x500;
	s22 =	smul.u32 $0x500, s3  }
0xa: {  	s10 =	sshrl.u32 s7, $0x3;
	s11 =	sshrl.u32 s0, $0x1;
	s23 =	smul.u32 $0x1400, s3  }
0xb: {  	s3 =	sshll.u32 s3, $0x7;
	s8 =	sadd.s32 s7, s8;
	s10 =	sadd.s32 s10, s1  }
0xc: {  	s0 =	ssub.s32 s0, s11;
	s7 =	sadd.s32 s7, s2;
	s17 =	sor.u32 $0x10, s3  }
0xd: {  	s9 =	sadd.s32 s6, s1;
	s8 =	sshrl.u32 s8, $0x3;
	s10 =	sadd.s32 $0x88C00, s10  }
0xe: {  	s13 =	sor.u32 $0xA0, s23;
	s14 =	sor.u32 $0xF0, s23;
	s15 =	sor.u32 $0x140, s23  }
0xf: {  	s16 =	sor.u32 $0x190, s23;
	s0 =	smax.u32 s0, $0x1;
	[dreg:$0x3] =	wrdreg s10  }
0x10: {  	s12 =	sadd.s32 s8, s1;
	s8 =	sadd.s32 s5, s22;
	[dreg:$0x9] =	wrdreg s0  }
0x11: {  	s23 =	simm.s32 $0x50;
	s25 =	sadd.s32 $0x570102, s9;
	[dreg:$0x4] =	wrdreg s8  }
0x12: {  	s10 =	sadd.s32 $0x56FC02, s1;
	s8 =	sadd.s32 $0x50, s8;
	[dreg:$0x7] =	wrdreg s25  }
0x13: {  	s0 =	simm.s32 $0x3;
	s1 =	sadd.s32 s6, s10;
	[dreg:$0x5] =	wrdreg s8  }
0x14: {  	s22 =	simm.s32 $0x7300;
	s26 =	sadd.s32 $0xB4C00, s12;
	[dreg:$0x6] =	wrdreg s1  }
0x15: {  	s6 =	sshrl.u32 s7, $0x3;
	s25 =	simm.s32 $0x20;
	[dreg:$0x8] =	wrdreg s26  }
0x16: {  	s26 =	simm.s32 $0x80;
	s1 =	simm.s32 $0x2;
	[dreg:$0xa] =	wrdreg s6  }
.LBB2_1:
0x17: {  	s3 =	rddreg [dreg:$0x3]  }
0x18: {  	[spmem:s6], [sflag:s18] =	dma.local [hbm:s3], $0x2BF2  }
0x19: {  	_ =	swait.ge [sflag:s21], $0x2BF2  }
0x1a: {  	[sflag:s21] =	ssyncset.done $0x0  }
0x1b: {  	[sflag:s21] =	ssyncadd.s32 $0xFFFFD40E  }
0x1c: {  	[bflag:$0x0] =	sbarrier.arrive $0xFFFF  }
0x1d: {  	s8 =	simm.s32 $0x0;
	s9 =	rddreg [dreg:$0x4]  }
0x1e: {  	[tilespmem:s8], [sflag:$0x4] =	stream.linear.gather [hbm4b:s9+s8], $0x280, $0x38;
	[tilespmem:$0x1FF90] =	vst v63  }
0x1f: {  	_ =	swait.ge [sflag:s21], $0x280  }
0x20: {  	[sflag:s21] =	ssyncset.done $0x0  }
0x21: {  	s7 =	simm.s32 $0x280;
	s11 =	rddreg [dreg:$0x5];
	[sflag:s21] =	ssyncadd.s32 $0xFFFFFD80  }
0x22: {  	[tilespmem:s7], [sflag:$0x1] =	stream.linear.gather [hbm4b:s11+s8], $0x280, $0x38;
	[tilespmem:$0x1FF90] =	vst v63  }
0x23: {  	_ = 	snop  }
0x24: {  	[tilespmem:s24], [sflag:$0x2] =	stream.indirect.gather [hbm4b:s4+s23], $0x90, s8, s23, $0xb8;
	[tilespmem:$0x1FF90] =	vst v63  }
0x25: {  	s12 =	rddreg [dreg:$0x6]  }
0x26: {  	[tilespmem:s28], [sflag:$0x3] =	stream.strided.gather [hbm4b:s12+s25], $0xA00, s26, s25, $0x38;
	[tilespmem:$0x1FF90] =	vst v63  }
0x27: {  	s20 =	smov.u32 s18;
	s18 =	simm.s32 $0xA0  }
0x28: {  	[tilespmem:s30], [sflag:$0x2] =	stream.indirect.gather [hbm4b:s4+s23], $0x90, s18, s23, $0xb8;
	[tilespmem:$0x1FF90] =	vst v63  }
0x29: {  	s6 =	simm.s32 $0x0;
	s19 =	rddreg [dreg:$0x7]  }
0x2a: {  	[tilespmem:s31], [sflag:$0x3] =	stream.strided.gather [hbm4b:s19+s25], $0xA00, s26, s25, $0x38;
	[tilespmem:$0x1FF90] =	vst v63  }
.LBB2_2:
0x2b: {  	p0 =	seq.s32 s6, $0x0  }
0x2c: {  	s3 =	simm.s32 @!p0 $0x1  }
0x2d: {  	_ =	swait.ge @!p0 [sflag:s3], $0x280  }
0x2e: {  	[sflag:s3] =	ssyncset.done @!p0 $0x0  }
0x2f: {  	[sflag:s3] =	ssyncadd.s32 @!p0 $0xFFFFFD80  }
0x30: {  	_ =	swait.ge [sflag:s1], $0x2D00  }
0x31: {  	[sflag:s1] =	ssyncset.done $0x0  }
0x32: {  	[sflag:s1] =	ssyncadd.s32 $0xFFFFD300  }
0x33: {  	_ =	swait.ge [sflag:s0], $0xA00  }
0x34: {  	[sflag:s0] =	ssyncset.done $0x0  }
0x35: {  	s12 =	simm.s32 $0x0;
	[sflag:s0] =	ssyncadd.s32 $0xFFFFF600  }
0x36: {  	s9 =	sadd.s32 $0x1, s6;
	s11 =	simm.s32 $0x5F10;
	v1 =	vld [tilespmem:s12+$0x500]  }
0x37: {  	s7 =	simm.s32 $0x240;
	s18 =	sand.u32 $0x1, s9;
	v0 =	vld [tilespmem:s11+$0xFFFFFFF0]  }
.LBB2_3:
0x38: {  	p0 =	sne.s32 s7, $0xB1C0;
	v2 =	vld [tilespmem:s11+$0x0]  }
0x39: {  	v3 =	vld [tilespmem:s12+$0x510];
	_ =	sdelay $0x1  }
0x3a: {  	v4 =	vld [tilespmem:s12+$0x520]  }
0x3b: {  	v5 =	vbroadcast v0, $0x0;
	v6 =	vbroadcast v0, $0x1  }
0x3c: {  	v7 =	vbroadcast v0, $0x2;
	v8 =	vld [tilespmem:s12+$0x530]  }
0x3d: {  	v1 =	vmul.f32 v5, v1;
	v3 =	vmul.f32 v3, v6  }
0x3e: {  	v9 =	vld [tilespmem:s12+$0x540]  }
0x3f: {  	v1 =	vadd.f32 v3, v1;
	v3 =	vmul.f32 v4, v7;
	v4 =	vbroadcast v0, $0x3  }
0x40: {  	v10 =	vld [tilespmem:s12+$0x550]  }
0x41: {  	v1 =	vadd.f32 v3, v1;
	v3 =	vmul.f32 v8, v4;
	v8 =	vbroadcast v0, $0x4  }
0x42: {  	v11 =	vld [tilespmem:s12+$0x560]  }
0x43: {  	v1 =	vadd.f32 v3, v1;
	v3 =	vmul.f32 v9, v8;
	v9 =	vbroadcast v0, $0x5  }
0x44: {  	v12 =	vld [tilespmem:s12+$0x570]  }
0x45: {  	v1 =	vadd.f32 v3, v1;
	v3 =	vmul.f32 v10, v9;
	v10 =	vbroadcast v0, $0x6  }
0x46: {  	v13 =	vld [tilespmem:s12+$0x580]  }
0x47: {  	v1 =	vadd.f32 v3, v1;
	v3 =	vmul.f32 v11, v10;
	v11 =	vbroadcast v0, $0x7;
	_ =	sdelay $0x1  }
0x48: {  	v0 =	vbroadcast v0, $0x8;
	v1 =	vadd.f32 v3, v1;
	v3 =	vmul.f32 v12, v11;
	_ =	sdelay $0x1  }
0x49: {  	v1 =	vadd.f32 v3, v1;
	v3 =	vmul.f32 v13, v0;
	_ =	sdelay $0x1  }
0x4a: {  	v1 =	vadd.f32 v3, v1;
	_ =	sdelay $0x1  }
0x4b: {  	v1 =	vmul.f32 v1, v2;
	_ =	sdelay $0x1  }
0x4c: {  	v2 =	vmul.f32 v1, v11;
	v0 =	vmul.f32 v1, v0  }
0x4d: {  	v3 =	vmul.f32 v1, v9;
	v9 =	vmul.f32 v1, v10  }
0x4e: {  	v4 =	vmul.f32 v1, v4;
	v8 =	vmul.f32 v1, v8;
	[tilespmem:s12+$0x7380] =	vst v0  }
0x4f: {  	v0 =	vmul.f32 v1, v6;
	v6 =	vmul.f32 v1, v7;
	[tilespmem:s12+$0x7370] =	vst v2  }
0x50: {  	v2 =	vmul.f32 v1, v5;
	[tilespmem:s12+$0x7360] =	vst v9  }
0x51: {  	[tilespmem:s12+$0x7350] =	vst v3  }
0x52: {  	[tilespmem:s12+$0x7340] =	vst v8  }
.Ltmp0:
0x53: {  	[tilespmem:s12+$0x7330] =	vst v4;
	(pc) =	sbr.rel @p0 .LBB2_3-.Ltmp0, $4  }
0x54: {  	[tilespmem:s12+$0x7320] =	vst v6  }
0x55: {  	s3 =	sshra.s32 s7, $0x2;
	[tilespmem:s12+$0x7310] =	vst v0  }
0x56: {  	s11 =	sadd.s32 $0x20, s11;
	v1 =	vld [tilespmem:s3+$0x500];
	[tilespmem:s12+$0x7300] =	vst v2;
	s12 =	smov.u32 s3  }
0x57: {  	s7 =	sadd.s32 $0x240, s7;
	v0 =	vld [tilespmem:s11+$0xFFFFFFF0]  }
0x58: {  	_ = 	snop  }
0x59: {  	v2 =	vld [tilespmem:s12+$0x510];
	_ =	sdelay $0x1  }
0x5a: {  	v3 =	vld [tilespmem:s12+$0x520]  }
0x5b: {  	v4 =	vbroadcast v0, $0x0;
	v5 =	vbroadcast v0, $0x1  }
0x5c: {  	v7 =	vld [tilespmem:s12+$0x530];
	v6 =	vbroadcast v0, $0x2  }
0x5d: {  	v1 =	vmul.f32 v4, v1;
	v2 =	vmul.f32 v2, v5  }
0x5e: {  	v8 =	vld [tilespmem:s12+$0x540]  }
0x5f: {  	v1 =	vadd.f32 v2, v1;
	v2 =	vmul.f32 v3, v6;
	v3 =	vbroadcast v0, $0x3  }
0x60: {  	v9 =	vld [tilespmem:s12+$0x550]  }
0x61: {  	v59 =	vbroadcast v0, $0x4;
	v1 =	vadd.f32 v2, v1;
	v2 =	vmul.f32 v7, v3  }
0x62: {  	v10 =	vld [tilespmem:s12+$0x560]  }
0x63: {  	v60 =	vbroadcast v0, $0x5;
	v1 =	vadd.f32 v2, v1;
	v2 =	vmul.f32 v8, v59  }
0x64: {  	v11 =	vld [tilespmem:s12+$0x570]  }
0x65: {  	v61 =	vbroadcast v0, $0x6;
	v1 =	vadd.f32 v2, v1;
	v2 =	vmul.f32 v9, v60  }
0x66: {  	v12 =	vld [tilespmem:s12+$0x580]  }
0x67: {  	v62 =	vbroadcast v0, $0x7;
	v1 =	vadd.f32 v2, v1;
	v2 =	vmul.f32 v10, v61;
	_ =	sdelay $0x1  }
0x68: {  	v0 =	vbroadcast v0, $0x8;
	v1 =	vadd.f32 v2, v1;
	v2 =	vmul.f32 v11, v62  }
0x69: {  	v63 =	vld [tilespmem:s11+$0x0]  }
0x6a: {  	v1 =	vadd.f32 v2, v1;
	v2 =	vmul.f32 v12, v0;
	_ =	sdelay $0x1  }
0x6b: {  	v1 =	vadd.f32 v2, v1;
	_ =	sdelay $0x1  }
0x6c: {  	v1 =	vmul.f32 v1, v63;
	_ =	sdelay $0x1  }
0x6d: {  	v0 =	vmul.f32 v1, v0  }
0x6e: {  	v2 =	vmul.f32 v1, v62  }
0x6f: {  	v9 =	vmul.f32 v1, v61;
	[tilespmem:s12+$0x7380] =	vst v0  }
0x70: {  	v3 =	vmul.f32 v1, v3;
	[tilespmem:s12+$0x7370] =	vst v2  }
0x71: {  	v0 =	vmul.f32 v1, v60;
	[tilespmem:s12+$0x7360] =	vst v9  }
0x72: {  	v2 =	vmul.f32 v1, v59;
	[tilespmem:s12+$0x7330] =	vst v3  }
0x73: {  	[tilespmem:s12+$0x7350] =	vst v0;
	v0 =	vmul.f32 v1, v6  }
0x74: {  	s3 =	sand.u32 $0x1, s6;
	[tilespmem:s12+$0x7340] =	vst v2;
	v2 =	vmul.f32 v1, v5  }
0x75: {  	s11 =	simm.s32 $0x280;
	p0 =	seq.s32 s3, $0x1;
	v1 =	vmul.f32 v1, v4;
	[tilespmem:s12+$0x7320] =	vst v0  }
0x76: {  	s11 =	simm.s32 @!p0 $0x0;
	[tilespmem:s12+$0x7310] =	vst v2  }
0x77: {  	s7 =	sor.u32 $0x140, s11;
	[tilespmem:s12+$0x7300] =	vst v1;
	s12 =	smul.u32 $0x140, s6  }
0x78: {  	[tilespmem:s24], [sflag:$0x2] =	stream.indirect.gather [hbm4b:s4+s23], $0x90, s7, s23, $0xb8;
	[tilespmem:$0x1FF90] =	vst v63  }
0x79: {  	s8 =	sadd.s32 s12, s13  }
0x7a: {  	s3 =	sshll.u32 s8, $0x4  }
0x7b: {  	s3 =	sand.u32 $0x1FFFFE00, s3  }
0x7c: {  	s3 =	sadd.s32 s3, s10  }
0x7d: {  	[tilespmem:s28], [sflag:$0x3] =	stream.strided.gather [hbm4b:s3+s25], $0xA00, s26, s25, $0x38;
	[tilespmem:$0x1FF90] =	vst v63  }
0x7e: {  	s19 =	sor.u32 $0x50, s11  }
0x7f: {  	[spmem:s2] =	stream.indirect.scatter.add.f32 [tilespmem:s22], [sflag:$0x4], $0x90, s19, s23, $0xb8;
	[tilespmem:$0x1FF90] =	vst v63  }
0x80: {  	_ =	swait.ge [sflag:s21], $0x2D00  }
0x81: {  	[sflag:s21] =	ssyncset.done $0x0  }
0x82: {  	[sflag:s21] =	ssyncadd.s32 $0xFFFFD300  }
0x83: {  	_ =	swait.ge [sflag:s1], $0x2D00  }
0x84: {  	[sflag:s1] =	ssyncset.done $0x0  }
0x85: {  	[sflag:s1] =	ssyncadd.s32 $0xFFFFD300  }
0x86: {  	_ =	swait.ge [sflag:s0], $0xA00  }
0x87: {  	[sflag:s0] =	ssyncset.done $0x0  }
0x88: {  	s19 =	simm.s32 $0x0;
	[sflag:s0] =	ssyncadd.s32 $0xFFFFF600  }
0x89: {  	s7 =	simm.s32 $0x6910;
	v1 =	vld [tilespmem:s19+$0x3200]  }
0x8a: {  	s3 =	simm.s32 $0x240;
	v0 =	vld [tilespmem:s7+$0xFFFFFFF0]  }
.LBB2_5:
0x8b: {  	p0 =	sne.s32 s3, $0xB1C0;
	v2 =	vld [tilespmem:s7+$0x0]  }
0x8c: {  	v3 =	vld [tilespmem:s19+$0x3210];
	_ =	sdelay $0x1  }
0x8d: {  	v4 =	vld [tilespmem:s19+$0x3220]  }
0x8e: {  	v5 =	vbroadcast v0, $0x0;
	v6 =	vbroadcast v0, $0x1  }
0x8f: {  	v7 =	vbroadcast v0, $0x2;
	v8 =	vld [tilespmem:s19+$0x3230]  }
0x90: {  	v1 =	vmul.f32 v5, v1;
	v3 =	vmul.f32 v3, v6  }
0x91: {  	v9 =	vld [tilespmem:s19+$0x3240]  }
0x92: {  	v1 =	vadd.f32 v3, v1;
	v3 =	vmul.f32 v4, v7;
	v4 =	vbroadcast v0, $0x3  }
0x93: {  	v10 =	vld [tilespmem:s19+$0x3250]  }
0x94: {  	v1 =	vadd.f32 v3, v1;
	v3 =	vmul.f32 v8, v4;
	v8 =	vbroadcast v0, $0x4  }
0x95: {  	v11 =	vld [tilespmem:s19+$0x3260]  }
0x96: {  	v1 =	vadd.f32 v3, v1;
	v3 =	vmul.f32 v9, v8;
	v9 =	vbroadcast v0, $0x5  }
0x97: {  	v12 =	vld [tilespmem:s19+$0x3270]  }
0x98: {  	v1 =	vadd.f32 v3, v1;
	v3 =	vmul.f32 v10, v9;
	v10 =	vbroadcast v0, $0x6  }
0x99: {  	v13 =	vld [tilespmem:s19+$0x3280]  }
0x9a: {  	v1 =	vadd.f32 v3, v1;
	v3 =	vmul.f32 v11, v10;
	v11 =	vbroadcast v0, $0x7;
	_ =	sdelay $0x1  }
0x9b: {  	v0 =	vbroadcast v0, $0x8;
	v1 =	vadd.f32 v3, v1;
	v3 =	vmul.f32 v12, v11;
	_ =	sdelay $0x1  }
0x9c: {  	v1 =	vadd.f32 v3, v1;
	v3 =	vmul.f32 v13, v0;
	_ =	sdelay $0x1  }
0x9d: {  	v1 =	vadd.f32 v3, v1;
	_ =	sdelay $0x1  }
0x9e: {  	v1 =	vmul.f32 v1, v2;
	_ =	sdelay $0x1  }
0x9f: {  	v2 =	vmul.f32 v1, v11;
	v0 =	vmul.f32 v1, v0  }
0xa0: {  	v3 =	vmul.f32 v1, v9;
	v9 =	vmul.f32 v1, v10  }
0xa1: {  	v4 =	vmul.f32 v1, v4;
	v8 =	vmul.f32 v1, v8;
	[tilespmem:s19+$0x7380] =	vst v0  }
0xa2: {  	v0 =	vmul.f32 v1, v6;
	v6 =	vmul.f32 v1, v7;
	[tilespmem:s19+$0x7370] =	vst v2  }
0xa3: {  	v2 =	vmul.f32 v1, v5;
	[tilespmem:s19+$0x7360] =	vst v9  }
0xa4: {  	[tilespmem:s19+$0x7350] =	vst v3  }
0xa5: {  	[tilespmem:s19+$0x7340] =	vst v8  }
.Ltmp1:
0xa6: {  	[tilespmem:s19+$0x7330] =	vst v4;
	(pc) =	sbr.rel @p0 .LBB2_5-.Ltmp1, $4  }
0xa7: {  	[tilespmem:s19+$0x7320] =	vst v6  }
0xa8: {  	s8 =	sshra.s32 s3, $0x2;
	[tilespmem:s19+$0x7310] =	vst v0  }
0xa9: {  	s7 =	sadd.s32 $0x20, s7;
	v1 =	vld [tilespmem:s8+$0x3200];
	[tilespmem:s19+$0x7300] =	vst v2;
	s19 =	smov.u32 s8  }
0xaa: {  	s3 =	sadd.s32 $0x240, s3;
	v0 =	vld [tilespmem:s7+$0xFFFFFFF0]  }
0xab: {  	_ = 	snop  }
0xac: {  	v2 =	vld [tilespmem:s19+$0x3210];
	_ =	sdelay $0x1  }
0xad: {  	v3 =	vld [tilespmem:s19+$0x3220]  }
0xae: {  	v4 =	vbroadcast v0, $0x0;
	v5 =	vbroadcast v0, $0x1  }
0xaf: {  	v7 =	vld [tilespmem:s19+$0x3230];
	v6 =	vbroadcast v0, $0x2  }
0xb0: {  	v1 =	vmul.f32 v4, v1;
	v2 =	vmul.f32 v2, v5  }
0xb1: {  	v8 =	vld [tilespmem:s19+$0x3240]  }
0xb2: {  	v1 =	vadd.f32 v2, v1;
	v2 =	vmul.f32 v3, v6;
	v3 =	vbroadcast v0, $0x3  }
0xb3: {  	v9 =	vld [tilespmem:s19+$0x3250]  }
0xb4: {  	v59 =	vbroadcast v0, $0x4;
	v1 =	vadd.f32 v2, v1;
	v2 =	vmul.f32 v7, v3  }
0xb5: {  	v10 =	vld [tilespmem:s19+$0x3260]  }
0xb6: {  	v60 =	vbroadcast v0, $0x5;
	v1 =	vadd.f32 v2, v1;
	v2 =	vmul.f32 v8, v59  }
0xb7: {  	v11 =	vld [tilespmem:s19+$0x3270]  }
0xb8: {  	v61 =	vbroadcast v0, $0x6;
	v1 =	vadd.f32 v2, v1;
	v2 =	vmul.f32 v9, v60  }
0xb9: {  	v12 =	vld [tilespmem:s19+$0x3280]  }
0xba: {  	v62 =	vbroadcast v0, $0x7;
	v1 =	vadd.f32 v2, v1;
	v2 =	vmul.f32 v10, v61;
	_ =	sdelay $0x1  }
0xbb: {  	v0 =	vbroadcast v0, $0x8;
	v1 =	vadd.f32 v2, v1;
	v2 =	vmul.f32 v11, v62  }
0xbc: {  	v63 =	vld [tilespmem:s7+$0x0]  }
0xbd: {  	v1 =	vadd.f32 v2, v1;
	v2 =	vmul.f32 v12, v0;
	_ =	sdelay $0x1  }
0xbe: {  	v1 =	vadd.f32 v2, v1;
	_ =	sdelay $0x1  }
0xbf: {  	v1 =	vmul.f32 v1, v63;
	_ =	sdelay $0x1  }
0xc0: {  	v0 =	vmul.f32 v1, v0  }
0xc1: {  	v2 =	vmul.f32 v1, v62  }
0xc2: {  	v9 =	vmul.f32 v1, v61;
	[tilespmem:s19+$0x7380] =	vst v0  }
0xc3: {  	v3 =	vmul.f32 v1, v3;
	[tilespmem:s19+$0x7370] =	vst v2  }
0xc4: {  	v0 =	vmul.f32 v1, v60;
	[tilespmem:s19+$0x7360] =	vst v9  }
0xc5: {  	v2 =	vmul.f32 v1, v59;
	[tilespmem:s19+$0x7330] =	vst v3  }
0xc6: {  	[tilespmem:s19+$0x7350] =	vst v0;
	v0 =	vmul.f32 v1, v6  }
0xc7: {  	[tilespmem:s19+$0x7340] =	vst v2;
	v2 =	vmul.f32 v1, v5  }
0xc8: {  	v1 =	vmul.f32 v1, v4;
	[tilespmem:s19+$0x7320] =	vst v0  }
0xc9: {  	[tilespmem:s19+$0x7310] =	vst v2  }
0xca: {  	s3 =	sadd.s32 $0x1E0, s11;
	s8 =	sadd.s32 s12, s14;
	[tilespmem:s19+$0x7300] =	vst v1  }
0xcb: {  	[tilespmem:s30], [sflag:$0x2] =	stream.indirect.gather [hbm4b:s4+s23], $0x90, s3, s23, $0xb8;
	[tilespmem:$0x1FF90] =	vst v63  }
0xcc: {  	s3 =	sshll.u32 s8, $0x4  }
0xcd: {  	s3 =	sand.u32 $0x1FFFFF00, s3  }
0xce: {  	s3 =	sadd.s32 s3, s10  }
0xcf: {  	[tilespmem:s31], [sflag:$0x3] =	stream.strided.gather [hbm4b:s3+s25], $0xA00, s26, s25, $0x38;
	[tilespmem:$0x1FF90] =	vst v63  }
0xd0: {  	s19 =	sadd.s32 $0xF0, s11  }
0xd1: {  	[spmem:s2] =	stream.indirect.scatter.add.f32 [tilespmem:s22], [sflag:$0x4], $0x90, s19, s23, $0xb8;
	[tilespmem:$0x1FF90] =	vst v63  }
0xd2: {  	_ =	swait.ge [sflag:s21], $0x2D00  }
0xd3: {  	[sflag:s21] =	ssyncset.done $0x0  }
0xd4: {  	[sflag:s21] =	ssyncadd.s32 $0xFFFFD300  }
0xd5: {  	_ =	swait.ge [sflag:s1], $0x2D00  }
0xd6: {  	[sflag:s1] =	ssyncset.done $0x0  }
0xd7: {  	[sflag:s1] =	ssyncadd.s32 $0xFFFFD300  }
0xd8: {  	_ =	swait.ge [sflag:s0], $0xA00  }
0xd9: {  	[sflag:s0] =	ssyncset.done $0x0  }
0xda: {  	s19 =	simm.s32 $0x0;
	[sflag:s0] =	ssyncadd.s32 $0xFFFFF600  }
0xdb: {  	s7 =	simm.s32 $0x5F10;
	v1 =	vld [tilespmem:s19+$0x500]  }
0xdc: {  	s3 =	simm.s32 $0x240;
	v0 =	vld [tilespmem:s7+$0xFFFFFFF0]  }
.LBB2_7:
0xdd: {  	p0 =	sne.s32 s3, $0xB1C0;
	v2 =	vld [tilespmem:s7+$0x0]  }
0xde: {  	v3 =	vld [tilespmem:s19+$0x510];
	_ =	sdelay $0x1  }
0xdf: {  	v4 =	vld [tilespmem:s19+$0x520]  }
0xe0: {  	v5 =	vbroadcast v0, $0x0;
	v6 =	vbroadcast v0, $0x1  }
0xe1: {  	v7 =	vbroadcast v0, $0x2;
	v8 =	vld [tilespmem:s19+$0x530]  }
0xe2: {  	v1 =	vmul.f32 v5, v1;
	v3 =	vmul.f32 v3, v6  }
0xe3: {  	v9 =	vld [tilespmem:s19+$0x540]  }
0xe4: {  	v1 =	vadd.f32 v3, v1;
	v3 =	vmul.f32 v4, v7;
	v4 =	vbroadcast v0, $0x3  }
0xe5: {  	v10 =	vld [tilespmem:s19+$0x550]  }
0xe6: {  	v1 =	vadd.f32 v3, v1;
	v3 =	vmul.f32 v8, v4;
	v8 =	vbroadcast v0, $0x4  }
0xe7: {  	v11 =	vld [tilespmem:s19+$0x560]  }
0xe8: {  	v1 =	vadd.f32 v3, v1;
	v3 =	vmul.f32 v9, v8;
	v9 =	vbroadcast v0, $0x5  }
0xe9: {  	v12 =	vld [tilespmem:s19+$0x570]  }
0xea: {  	v1 =	vadd.f32 v3, v1;
	v3 =	vmul.f32 v10, v9;
	v10 =	vbroadcast v0, $0x6  }
0xeb: {  	v13 =	vld [tilespmem:s19+$0x580]  }
0xec: {  	v1 =	vadd.f32 v3, v1;
	v3 =	vmul.f32 v11, v10;
	v11 =	vbroadcast v0, $0x7;
	_ =	sdelay $0x1  }
0xed: {  	v0 =	vbroadcast v0, $0x8;
	v1 =	vadd.f32 v3, v1;
	v3 =	vmul.f32 v12, v11;
	_ =	sdelay $0x1  }
0xee: {  	v1 =	vadd.f32 v3, v1;
	v3 =	vmul.f32 v13, v0;
	_ =	sdelay $0x1  }
0xef: {  	v1 =	vadd.f32 v3, v1;
	_ =	sdelay $0x1  }
0xf0: {  	v1 =	vmul.f32 v1, v2;
	_ =	sdelay $0x1  }
0xf1: {  	v2 =	vmul.f32 v1, v11;
	v0 =	vmul.f32 v1, v0  }
0xf2: {  	v3 =	vmul.f32 v1, v9;
	v9 =	vmul.f32 v1, v10  }
0xf3: {  	v4 =	vmul.f32 v1, v4;
	v8 =	vmul.f32 v1, v8;
	[tilespmem:s19+$0x7380] =	vst v0  }
0xf4: {  	v0 =	vmul.f32 v1, v6;
	v6 =	vmul.f32 v1, v7;
	[tilespmem:s19+$0x7370] =	vst v2  }
0xf5: {  	v2 =	vmul.f32 v1, v5;
	[tilespmem:s19+$0x7360] =	vst v9  }
0xf6: {  	[tilespmem:s19+$0x7350] =	vst v3  }
0xf7: {  	[tilespmem:s19+$0x7340] =	vst v8  }
.Ltmp2:
0xf8: {  	[tilespmem:s19+$0x7330] =	vst v4;
	(pc) =	sbr.rel @p0 .LBB2_7-.Ltmp2, $4  }
0xf9: {  	[tilespmem:s19+$0x7320] =	vst v6  }
0xfa: {  	s8 =	sshra.s32 s3, $0x2;
	[tilespmem:s19+$0x7310] =	vst v0  }
0xfb: {  	s7 =	sadd.s32 $0x20, s7;
	v1 =	vld [tilespmem:s8+$0x500];
	[tilespmem:s19+$0x7300] =	vst v2;
	s19 =	smov.u32 s8  }
0xfc: {  	s3 =	sadd.s32 $0x240, s3;
	v0 =	vld [tilespmem:s7+$0xFFFFFFF0]  }
0xfd: {  	_ = 	snop  }
0xfe: {  	v2 =	vld [tilespmem:s19+$0x510];
	_ =	sdelay $0x1  }
0xff: {  	v3 =	vld [tilespmem:s19+$0x520]  }
0x100: {  	v4 =	vbroadcast v0, $0x0;
	v5 =	vbroadcast v0, $0x1  }
0x101: {  	v7 =	vld [tilespmem:s19+$0x530];
	v6 =	vbroadcast v0, $0x2  }
0x102: {  	v1 =	vmul.f32 v4, v1;
	v2 =	vmul.f32 v2, v5  }
0x103: {  	v8 =	vld [tilespmem:s19+$0x540]  }
0x104: {  	v1 =	vadd.f32 v2, v1;
	v2 =	vmul.f32 v3, v6;
	v3 =	vbroadcast v0, $0x3  }
0x105: {  	v9 =	vld [tilespmem:s19+$0x550]  }
0x106: {  	v59 =	vbroadcast v0, $0x4;
	v1 =	vadd.f32 v2, v1;
	v2 =	vmul.f32 v7, v3  }
0x107: {  	v10 =	vld [tilespmem:s19+$0x560]  }
0x108: {  	v60 =	vbroadcast v0, $0x5;
	v1 =	vadd.f32 v2, v1;
	v2 =	vmul.f32 v8, v59  }
0x109: {  	v11 =	vld [tilespmem:s19+$0x570]  }
0x10a: {  	v61 =	vbroadcast v0, $0x6;
	v1 =	vadd.f32 v2, v1;
	v2 =	vmul.f32 v9, v60  }
0x10b: {  	v12 =	vld [tilespmem:s19+$0x580]  }
0x10c: {  	v62 =	vbroadcast v0, $0x7;
	v1 =	vadd.f32 v2, v1;
	v2 =	vmul.f32 v10, v61;
	_ =	sdelay $0x1  }
0x10d: {  	v0 =	vbroadcast v0, $0x8;
	v1 =	vadd.f32 v2, v1;
	v2 =	vmul.f32 v11, v62  }
0x10e: {  	v63 =	vld [tilespmem:s7+$0x0]  }
0x10f: {  	v1 =	vadd.f32 v2, v1;
	v2 =	vmul.f32 v12, v0;
	_ =	sdelay $0x1  }
0x110: {  	v1 =	vadd.f32 v2, v1;
	_ =	sdelay $0x1  }
0x111: {  	v1 =	vmul.f32 v1, v63;
	_ =	sdelay $0x1  }
0x112: {  	v0 =	vmul.f32 v1, v0  }
0x113: {  	v2 =	vmul.f32 v1, v62  }
0x114: {  	v9 =	vmul.f32 v1, v61;
	[tilespmem:s19+$0x7380] =	vst v0  }
0x115: {  	v3 =	vmul.f32 v1, v3;
	[tilespmem:s19+$0x7370] =	vst v2  }
0x116: {  	v0 =	vmul.f32 v1, v60;
	[tilespmem:s19+$0x7360] =	vst v9  }
0x117: {  	v2 =	vmul.f32 v1, v59;
	[tilespmem:s19+$0x7330] =	vst v3  }
0x118: {  	[tilespmem:s19+$0x7350] =	vst v0;
	v0 =	vmul.f32 v1, v6  }
0x119: {  	p0 =	seq.s32 s6, $0xF;
	[tilespmem:s19+$0x7340] =	vst v2;
	v2 =	vmul.f32 v1, v5  }
0x11a: {  	s3 =	smul.u32 @!p0 $0xA00, s18;
	v1 =	vmul.f32 v1, v4;
	[tilespmem:s19+$0x7320] =	vst v0  }
0x11b: {  	[tilespmem:s19+$0x7310] =	vst v2  }
0x11c: {  	s7 =	simm.s32 @!p0 $0x500;
	s18 =	sshrl.u32 @!p0 s3, $0x2;
	s3 =	simm.s32 @!p0 $0x50;
	[tilespmem:s19+$0x7300] =	vst v1  }
0x11d: {  	[tilespmem:s7], [sflag:$0x2] =	stream.indirect.gather @!p0 [hbm4b:s4+s3], $0x90, s18, s3, $0xb8;
	[tilespmem:$0x1FF90] =	vst v63  }
0x11e: {  	s3 =	sadd.s32 @!p0 s12, s15  }
0x11f: {  	s3 =	sshll.u32 @!p0 s3, $0x4  }
0x120: {  	s8 =	simm.s32 @!p0 $0x80;
	s3 =	sand.u32 @!p0 $0x1FFFFC00, s3  }
0x121: {  	s19 =	simm.s32 @!p0 $0x5F00;
	s7 =	simm.s32 @!p0 $0x20;
	s3 =	sadd.s32 @!p0 s3, s10  }
0x122: {  	[tilespmem:s19], [sflag:$0x3] =	stream.strided.gather @!p0 [hbm4b:s3+s7], $0xA00, s8, s7, $0x38;
	[tilespmem:$0x1FF90] =	vst v63  }
0x123: {  	s19 =	sadd.s32 $0x190, s11  }
0x124: {  	[spmem:s2] =	stream.indirect.scatter.add.f32 [tilespmem:s22], [sflag:$0x4], $0x90, s19, s23, $0xb8;
	[tilespmem:$0x1FF90] =	vst v63  }
0x125: {  	_ =	swait.ge [sflag:s21], $0x2D00  }
0x126: {  	[sflag:s21] =	ssyncset.done $0x0  }
0x127: {  	[sflag:s21] =	ssyncadd.s32 $0xFFFFD300  }
0x128: {  	_ =	swait.ge [sflag:s1], $0x2D00  }
0x129: {  	[sflag:s1] =	ssyncset.done $0x0  }
0x12a: {  	[sflag:s1] =	ssyncadd.s32 $0xFFFFD300  }
0x12b: {  	_ =	swait.ge [sflag:s0], $0xA00  }
0x12c: {  	[sflag:s0] =	ssyncset.done $0x0  }
0x12d: {  	s19 =	simm.s32 $0x0;
	[sflag:s0] =	ssyncadd.s32 $0xFFFFF600  }
0x12e: {  	s7 =	simm.s32 $0x6910;
	v1 =	vld [tilespmem:s19+$0x3200]  }
0x12f: {  	s3 =	simm.s32 $0x240;
	v0 =	vld [tilespmem:s7+$0xFFFFFFF0]  }
.LBB2_9:
0x130: {  	p1 =	sne.s32 s3, $0xB1C0;
	v2 =	vld [tilespmem:s7+$0x0]  }
0x131: {  	v3 =	vld [tilespmem:s19+$0x3210];
	_ =	sdelay $0x1  }
0x132: {  	v4 =	vld [tilespmem:s19+$0x3220]  }
0x133: {  	v5 =	vbroadcast v0, $0x0;
	v6 =	vbroadcast v0, $0x1  }
0x134: {  	v7 =	vbroadcast v0, $0x2;
	v8 =	vld [tilespmem:s19+$0x3230]  }
0x135: {  	v1 =	vmul.f32 v5, v1;
	v3 =	vmul.f32 v3, v6  }
0x136: {  	v9 =	vld [tilespmem:s19+$0x3240]  }
0x137: {  	v1 =	vadd.f32 v3, v1;
	v3 =	vmul.f32 v4, v7;
	v4 =	vbroadcast v0, $0x3  }
0x138: {  	v10 =	vld [tilespmem:s19+$0x3250]  }
0x139: {  	v1 =	vadd.f32 v3, v1;
	v3 =	vmul.f32 v8, v4;
	v8 =	vbroadcast v0, $0x4  }
0x13a: {  	v11 =	vld [tilespmem:s19+$0x3260]  }
0x13b: {  	v1 =	vadd.f32 v3, v1;
	v3 =	vmul.f32 v9, v8;
	v9 =	vbroadcast v0, $0x5  }
0x13c: {  	v12 =	vld [tilespmem:s19+$0x3270]  }
0x13d: {  	v1 =	vadd.f32 v3, v1;
	v3 =	vmul.f32 v10, v9;
	v10 =	vbroadcast v0, $0x6  }
0x13e: {  	v13 =	vld [tilespmem:s19+$0x3280]  }
0x13f: {  	v1 =	vadd.f32 v3, v1;
	v3 =	vmul.f32 v11, v10;
	v11 =	vbroadcast v0, $0x7;
	_ =	sdelay $0x1  }
0x140: {  	v0 =	vbroadcast v0, $0x8;
	v1 =	vadd.f32 v3, v1;
	v3 =	vmul.f32 v12, v11;
	_ =	sdelay $0x1  }
0x141: {  	v1 =	vadd.f32 v3, v1;
	v3 =	vmul.f32 v13, v0;
	_ =	sdelay $0x1  }
0x142: {  	v1 =	vadd.f32 v3, v1;
	_ =	sdelay $0x1  }
0x143: {  	v1 =	vmul.f32 v1, v2;
	_ =	sdelay $0x1  }
0x144: {  	v2 =	vmul.f32 v1, v11;
	v0 =	vmul.f32 v1, v0  }
0x145: {  	v3 =	vmul.f32 v1, v9;
	v9 =	vmul.f32 v1, v10  }
0x146: {  	v4 =	vmul.f32 v1, v4;
	v8 =	vmul.f32 v1, v8;
	[tilespmem:s19+$0x7380] =	vst v0  }
0x147: {  	v0 =	vmul.f32 v1, v6;
	v6 =	vmul.f32 v1, v7;
	[tilespmem:s19+$0x7370] =	vst v2  }
0x148: {  	v2 =	vmul.f32 v1, v5;
	[tilespmem:s19+$0x7360] =	vst v9  }
0x149: {  	[tilespmem:s19+$0x7350] =	vst v3  }
0x14a: {  	[tilespmem:s19+$0x7340] =	vst v8  }
.Ltmp3:
0x14b: {  	[tilespmem:s19+$0x7330] =	vst v4;
	(pc) =	sbr.rel @p1 .LBB2_9-.Ltmp3, $4  }
0x14c: {  	[tilespmem:s19+$0x7320] =	vst v6  }
0x14d: {  	s8 =	sshra.s32 s3, $0x2;
	[tilespmem:s19+$0x7310] =	vst v0  }
0x14e: {  	s7 =	sadd.s32 $0x20, s7;
	v1 =	vld [tilespmem:s8+$0x3200];
	[tilespmem:s19+$0x7300] =	vst v2;
	s19 =	smov.u32 s8  }
0x14f: {  	s3 =	sadd.s32 $0x240, s3;
	v0 =	vld [tilespmem:s7+$0xFFFFFFF0]  }
0x150: {  	_ = 	snop  }
0x151: {  	v2 =	vld [tilespmem:s19+$0x3210];
	_ =	sdelay $0x1  }
0x152: {  	v3 =	vld [tilespmem:s19+$0x3220]  }
0x153: {  	v4 =	vbroadcast v0, $0x0;
	v5 =	vbroadcast v0, $0x1  }
0x154: {  	v7 =	vld [tilespmem:s19+$0x3230];
	v6 =	vbroadcast v0, $0x2  }
0x155: {  	v1 =	vmul.f32 v4, v1;
	v2 =	vmul.f32 v2, v5  }
0x156: {  	v8 =	vld [tilespmem:s19+$0x3240]  }
0x157: {  	v46 =	vbroadcast v0, $0x3;
	v45 =	vmul.f32 v3, v6;
	v1 =	vadd.f32 v2, v1  }
0x158: {  	v9 =	vld [tilespmem:s19+$0x3250]  }
0x159: {  	v48 =	vbroadcast v0, $0x4;
	v47 =	vmul.f32 v7, v46;
	v1 =	vadd.f32 v45, v1  }
0x15a: {  	v10 =	vld [tilespmem:s19+$0x3260]  }
0x15b: {  	v50 =	vbroadcast v0, $0x5;
	v49 =	vmul.f32 v8, v48;
	v1 =	vadd.f32 v47, v1  }
0x15c: {  	v11 =	vld [tilespmem:s19+$0x3270]  }
0x15d: {  	v52 =	vbroadcast v0, $0x6;
	v51 =	vmul.f32 v9, v50;
	v1 =	vadd.f32 v49, v1  }
0x15e: {  	v12 =	vld [tilespmem:s19+$0x3280]  }
0x15f: {  	v54 =	vbroadcast v0, $0x7;
	v53 =	vmul.f32 v10, v52;
	v1 =	vadd.f32 v51, v1;
	_ =	sdelay $0x1  }
0x160: {  	v56 =	vbroadcast v0, $0x8;
	v55 =	vmul.f32 v11, v54;
	v1 =	vadd.f32 v53, v1  }
0x161: {  	v57 =	vld [tilespmem:s7+$0x0]  }
0x162: {  	v58 =	vmul.f32 v12, v56;
	v1 =	vadd.f32 v55, v1;
	_ =	sdelay $0x1  }
0x163: {  	v1 =	vadd.f32 v58, v1;
	_ =	sdelay $0x1  }
0x164: {  	v1 =	vmul.f32 v1, v57;
	_ =	sdelay $0x1  }
0x165: {  	v0 =	vmul.f32 v1, v56  }
0x166: {  	v59 =	vmul.f32 v1, v54  }
0x167: {  	v9 =	vmul.f32 v1, v52;
	[tilespmem:s19+$0x7380] =	vst v0  }
0x168: {  	v60 =	vmul.f32 v1, v50;
	[tilespmem:s19+$0x7370] =	vst v59  }
0x169: {  	v61 =	vmul.f32 v1, v48;
	[tilespmem:s19+$0x7360] =	vst v9  }
0x16a: {  	v3 =	vmul.f32 v1, v46;
	[tilespmem:s19+$0x7350] =	vst v60  }
0x16b: {  	v62 =	vmul.f32 v1, v6;
	[tilespmem:s19+$0x7340] =	vst v61  }
0x16c: {  	v63 =	vmul.f32 v1, v5;
	[tilespmem:s19+$0x7330] =	vst v3  }
0x16d: {  	v1 =	vmul.f32 v1, v4;
	[tilespmem:s19+$0x7320] =	vst v62  }
0x16e: {  	[tilespmem:s19+$0x7310] =	vst v63  }
0x16f: {  	s3 =	sadd.s32 @!p0 $0xA0, s18;
	s7 =	simm.s32 @!p0 $0x50;
	s8 =	simm.s32 @!p0 $0x3200;
	[tilespmem:s19+$0x7300] =	vst v1  }
0x170: {  	[tilespmem:s8], [sflag:$0x2] =	stream.indirect.gather @!p0 [hbm4b:s4+s7], $0x90, s3, s7, $0xb8;
	[tilespmem:$0x1FF90] =	vst v63  }
0x171: {  	s3 =	sadd.s32 @!p0 s12, s16  }
0x172: {  	s3 =	sshll.u32 @!p0 s3, $0x4  }
0x173: {  	s7 =	simm.s32 @!p0 $0x20;
	s3 =	sand.u32 @!p0 $0x1FFFFD00, s3  }
0x174: {  	s8 =	simm.s32 @!p0 $0x80;
	s12 =	simm.s32 @!p0 $0x6900;
	s3 =	sadd.s32 @!p0 s3, s10  }
0x175: {  	[tilespmem:s12], [sflag:$0x3] =	stream.strided.gather @!p0 [hbm4b:s3+s7], $0xA00, s8, s7, $0x38;
	[tilespmem:$0x1FF90] =	vst v63  }
0x176: {  	p0 =	sgt.u32 s6, $0xD  }
0x177: {  	s19 =	sadd.s32 $0x230, s11;
	s3 =	sshll.u32 @!p0 s6, $0x3  }
0x178: {  	[spmem:s2] =	stream.indirect.scatter.add.f32 [tilespmem:s22], [sflag:$0x4], $0x90, s19, s23, $0xb8;
	[tilespmem:$0x1FF90] =	vst v63  }
0x179: {  	s3 =	sadd.s32 @!p0 s3, s17  }
0x17a: {  	_ =	swait.ge [sflag:s21], $0x2D00;
	s3 =	smul.u32 @!p0 $0xA, s3  }
0x17b: {  	[sflag:s21] =	ssyncset.done $0x0  }
0x17c: {  	s6 =	simm.s32 @!p0 $0x0;
	[sflag:s21] =	ssyncadd.s32 $0xFFFFD300;
	s3 =	sadd.s32 @!p0 s5, s3  }
0x17d: {  	[tilespmem:s11], [sflag:$0x1] =	stream.linear.gather @!p0 [hbm4b:s3+s6], $0x280, $0x38;
	[tilespmem:$0x1FF90] =	vst v63  }
0x17e: {  	p0 =	sne.s32 s9, $0x10  }
.Ltmp4:
0x17f: {  	_ = 	snop;
	(pc) =	sbr.rel @p0 .LBB2_2-.Ltmp4, $2  }
0x180: {  	_ =	sdelay $0x2  }
0x181: {  	s6 =	smov.u32 s9  }
0x182: {  	[bflag:$0x0] =	sbarrier.arrive $0xFFFF  }
0x183: {  	s3 =	rddreg [dreg:$0x8]  }
0x184: {  	s6 =	rddreg [dreg:$0xa]  }
0x185: {  	[hbm:s3], [sflag:s20] =	dma.local [spmem:s6], $0x2BF2  }
0x186: {  	_ =	swait.ge [sflag:s21], $0x2BF2  }
0x187: {  	s18 =	smov.u32 s20;
	s29 =	sadd.s32 $0x1, s29;
	s20 =	rddreg [dreg:$0x9]  }
0x188: {  	p0 =	sne.s32 s29, s20  }
.Ltmp5:
0x189: {  	_ = 	snop;
	(pc) =	sbr.rel @p0 .LBB2_1-.Ltmp5, $3  }
0x18a: {  	_ =	sdelay $0x1  }
0x18b: {  	[sflag:s21] =	ssyncset.done $0x0  }
0x18c: {  	[sflag:s21] =	ssyncadd.s32 $0xFFFFD40E  }
0x18d: {  	_ =	sfence.sel $0x180000  }
0x18e: {  	[bflag:$0x0] =	sbarrier.arrive $0xFFFF  }
0x18f: {  	_ =	strace $0x9000004A  }
0x190: {  	s0 =	stileid.u32;
	[bflag:$0x2] =	sbarrier.arrive $0xFFFF  }
0x191: {  	p0 =	sne.s32 s0, $0x0;
	s0 =	rddreg [dreg:$0x2]  }
0x192: {  	s0 =	sadd.s32 @!p0 $0x100000, s0  }
0x193: {  	[sflag:s0] =	ssyncadd.tile.s32 @!p0 $0x1;
	_ =	shalt  }
.Lfunc_end2:
_tile_overlayer_lowered:
.L_overlay_start_2:
0x194: {  	(tag) =	ssettag $0x2  }
0x195: {  	s0 =	rddreg [dreg:$0x0];
	s2 =	stileid.u32  }
0x196: {  	s1 =	rddreg [dreg:$0x1];
	p0 =	sne.s32 s2, $0x0  }
0x197: {  	s3 =	rddreg [dreg:$0x2];
	[bflag:$0x3] =	sbarrier.arrive $0xFFFF;
	s2 =	simm.s32 @!p0 $0x1C04  }
0x198: {  	[timem:s3], [sflag:s2] =	dma.local @!p0 [hbm:s0], s1  }
0x199: {  	s0 =	simm.s32 @!p0 $0x4  }
0x19a: {  	_ =	swait.ge @!p0 [sflag:s0], s1  }
0x19b: {  	s1 =	ssub.s32 @!p0 $0x0, s1;
	[sflag:s0] =	ssyncset.done @!p0 $0x0  }
0x19c: {  	[sflag:s0] =	ssyncadd.s32 @!p0 s1  }
0x19d: {  	[bflag:$0x3] =	sbarrier.arrive $0xFFFF  }
0x19e: {  	_ =	shalt  }

</sc_bundles>
